<compile_context>
chip_gen: v7x
topology: tpu7x:2x2x1
jax: 0.10.2.dev20260603
libtpu: 0.0.44.dev20260713+nightly
codegen_flags: <defaults>
</compile_context>

<pallas_src>
import functools

import jax
import jax.numpy as jnp
from jax import lax
from jax.experimental import pallas as pl
from jax.experimental.pallas import tpu as pltpu
from jax.experimental.pallas import tpu_sc as plsc

N = 10000
E = 320000
D_IN = 128
D_EDGE = 16
D_OUT = 16
D_HID = 32
N_STEPS = 2

NC = 2
NS = 16
NW = NC * NS


_PREC = lax.Precision.HIGHEST



def _h0_body(nf_ref, w_ref, b_ref, o_ref):
    o_ref[...] = jnp.maximum(
        jnp.dot(nf_ref[...], w_ref[...], precision=_PREC) + b_ref[...], 0.0)


def _project_nodes(node_feats, proj_W, proj_b):
    return pl.pallas_call(
        _h0_body,
        out_shape=jax.ShapeDtypeStruct((N, D_OUT), jnp.float32),
    )(node_feats, proj_W, proj_b.reshape(1, D_OUT))


PK = 8
PB = 2000
KW = PK * D_HID * D_OUT


def _bdot(a, b):
    return jnp.dot(a, b, preferred_element_type=jnp.float32)


def _split(x):
    hi = x.astype(jnp.bfloat16)
    lo = (x - hi.astype(jnp.float32)).astype(jnp.bfloat16)
    return hi, lo


def _msg_body(ef_ref, hs_ref, e1wt_ref, e1bt_ref, w2rt_ref, bbt_ref, m_ref):
    efT = ef_ref[...].T
    hT = hs_ref[...].T
    e1h = e1wt_ref[...][:, :D_EDGE]
    e1l = e1wt_ref[...][:, D_EDGE:]
    e1bt = e1bt_ref[...]
    w2h = w2rt_ref[...][:D_OUT]
    w2l = w2rt_ref[...][D_OUT:]
    bbt = bbt_ref[...]
    parts = []
    for j in range(PK):
        efh, efl = _split(efT[j * D_EDGE:(j + 1) * D_EDGE, :])
        hj = hT[j * D_OUT:(j + 1) * D_OUT, :]
        zj = jnp.maximum(
            _bdot(e1h, efh) + _bdot(e1l, efh) + _bdot(e1h, efl) + e1bt, 0.0)
        pj = (zj[:, None, :] * hj[None, :, :]).reshape(D_HID * D_OUT, PB)
        ph, plo = _split(pj)
        mj = (_bdot(w2h, ph) + _bdot(w2l, ph) + _bdot(w2h, plo)
              + _bdot(bbt, hj.astype(jnp.bfloat16)))
        parts.append(mj)
    mT = jnp.concatenate(parts, axis=0)
    m_ref[...] = mT.T


def _messages(efP, hP, e1_WT, e1_bT, W2rT, BbT, boff, n_edges):
    grid = (n_edges // PK // PB,)
    return pl.pallas_call(
        _msg_body,
        grid=grid,
        in_specs=[
            pl.BlockSpec((PB, PK * D_EDGE), lambda i: (i + boff, 0)),
            pl.BlockSpec((PB, PK * D_OUT), lambda i: (i, 0)),
            pl.BlockSpec((D_HID, 2 * D_EDGE), lambda i: (0, 0)),
            pl.BlockSpec((D_HID, 1), lambda i: (0, 0)),
            pl.BlockSpec((2 * D_OUT, D_HID * D_OUT), lambda i: (0, 0)),
            pl.BlockSpec((D_OUT, D_OUT), lambda i: (0, 0)),
        ],
        out_specs=pl.BlockSpec((PB, PK * D_OUT), lambda i: (i, 0)),
        out_shape=jax.ShapeDtypeStruct((n_edges // PK, PK * D_OUT),
                                       jnp.float32),
    )(efP, hP, e1_WT, e1_bT, W2rT, BbT)


def _combine_body(pa_ref, pb_ref, b_ref, o_ref):
    o_ref[...] = jnp.maximum(
        pa_ref[0] + pa_ref[1] + pb_ref[0] + pb_ref[1] + b_ref[...], 0.0)


def _combine(pa, pb, conv_b):
    return pl.pallas_call(
        _combine_body,
        out_shape=jax.ShapeDtypeStruct((N, D_OUT), jnp.float32),
    )(pa, pb, conv_b.reshape(1, D_OUT))


def _final_body(pa_ref, pb_ref, b_ref, pw_ref, pb2_ref, o_ref):
    h = jnp.maximum(
        pa_ref[0] + pa_ref[1] + pb_ref[0] + pb_ref[1] + b_ref[...], 0.0)
    g = jnp.mean(h, axis=0, keepdims=True)
    o_ref[...] = jnp.dot(g, pw_ref[...], precision=_PREC) + pb2_ref[...]


def _final(pa, pb, conv_b, pred_W, pred_b):
    return pl.pallas_call(
        _final_body,
        out_shape=jax.ShapeDtypeStruct((1, pred_W.shape[1]), jnp.float32),
    )(pa, pb, conv_b.reshape(1, D_OUT), pred_W,
      pred_b.reshape(1, pred_W.shape[1]))



_MESH = dict(core_axis_name="c", subcore_axis_name="s", num_cores=NC,
             num_subcores=NS)
_SC_PARAMS = pltpu.CompilerParams(use_tc_tiling_on_sc=False)


NCHUNK = 2
ECH = E // NCHUNK
SCH = 2000
NPIECE = ECH // SCH


def _make_sc_gather(ebase):
    def body_fn(h_hbm, src_hbm, out_hbm, idx_v, rows_v, sem):
        wid = lax.axis_index("s") * NC + lax.axis_index("c")
        iters = (NPIECE + NW - 1) // NW

        def body(i, carry):
            p = i * NW + wid

            @pl.when(p < NPIECE)
            def _():
                base = ebase + p * SCH
                pltpu.sync_copy(src_hbm.at[pl.ds(base, SCH)], idx_v)
                pltpu.async_copy(h_hbm.at[idx_v], rows_v, sem).wait()
                pltpu.sync_copy(rows_v, out_hbm.at[pl.ds(base - ebase, SCH)])

            return carry

        lax.fori_loop(0, iters, body, 0)

    return functools.partial(
        pl.kernel,
        out_type=jax.ShapeDtypeStruct((ECH, D_OUT), jnp.float32),
        mesh=plsc.VectorSubcoreMesh(**_MESH),
        compiler_params=_SC_PARAMS,
        scratch_types=[
            pltpu.VMEM((SCH,), jnp.int32),
            pltpu.VMEM((SCH, D_OUT), jnp.float32),
            pltpu.SemaphoreType.DMA,
        ],
    )(body_fn)


def _make_sc_scatter(ebase):
    def body_fn(m_hbm, dst_hbm, zero_hbm, out_hbm, idx_v, rows_v, acc_sh,
                sem):
        cid = lax.axis_index("c")
        sid = lax.axis_index("s")

        @pl.when(sid == 0)
        def _():
            pltpu.sync_copy(zero_hbm, acc_sh)

        plsc.subcore_barrier()

        npc = NPIECE // NC
        iters = (npc + NS - 1) // NS

        def body(i, carry):
            p = i * NS + sid

            @pl.when(p < npc)
            def _():
                base = cid * (ECH // NC) + p * SCH
                pltpu.sync_copy(dst_hbm.at[pl.ds(ebase + base, SCH)], idx_v)
                pltpu.sync_copy(m_hbm.at[pl.ds(base, SCH)], rows_v)
                pltpu.sync_copy(rows_v, acc_sh.at[idx_v], add=True)

            return carry

        lax.fori_loop(0, iters, body, 0)

        plsc.subcore_barrier()

        rows = N // NS
        pltpu.sync_copy(acc_sh.at[pl.ds(sid * rows, rows)],
                        out_hbm.at[cid].at[pl.ds(sid * rows, rows)])

    return functools.partial(
        pl.kernel,
        out_type=jax.ShapeDtypeStruct((NC, N, D_OUT), jnp.float32),
        mesh=plsc.VectorSubcoreMesh(**_MESH),
        compiler_params=_SC_PARAMS,
        scratch_types=[
            pltpu.VMEM((SCH,), jnp.int32),
            pltpu.VMEM((SCH, D_OUT), jnp.float32),
            pltpu.VMEM_SHARED((N, D_OUT), jnp.float32),
            pltpu.SemaphoreType.DMA,
        ],
    )(body_fn)


def _GATHERS(c):
    return _make_sc_gather(c * ECH)


def _SCATTERS(c):
    return _make_sc_scatter(c * ECH)



def kernel(node_feats, edge_feats, edge_index, proj_W, proj_b, e1_W, e1_b,
           e2_W, e2_b, conv_b, pred_W, pred_b):
    src = edge_index[0]
    dst = edge_index[1]
    f32 = jnp.float32
    bf16 = jnp.bfloat16
    W2r = e2_W.reshape(D_HID, D_OUT, D_OUT).reshape(D_HID * D_OUT, D_OUT)
    Bb = e2_b.reshape(D_OUT, D_OUT)
    def _hilo(x):
        hi = x.astype(bf16)
        lo = (x - hi.astype(f32)).astype(bf16)
        return hi, lo

    e1h, e1l = _hilo(e1_W.T)
    e1_WT = jnp.concatenate([e1h, e1l], axis=1)
    e1_bT = e1_b.reshape(D_HID, 1)
    w2h, w2l = _hilo(W2r.T)
    W2rT = jnp.concatenate([w2h, w2l], axis=0)
    BbT = Bb.T.astype(bf16)
    efP = edge_feats.reshape(E // PK, PK * D_EDGE)

    h = _project_nodes(node_feats, proj_W, proj_b)
    nblk = ECH // PK // PB
    for step in range(N_STEPS):
        hs = [_GATHERS(c)(h, src) for c in range(NCHUNK)]
        parts = []
        for c in range(NCHUNK):
            hP = hs[c].reshape(ECH // PK, PK * D_OUT)
            mP = _messages(efP, hP, e1_WT, e1_bT, W2rT, BbT, c * nblk, ECH)
            parts.append(_SCATTERS(c)(mP.reshape(ECH, D_OUT), dst,
                                      jnp.zeros((N, D_OUT), jnp.float32)))
        if step < N_STEPS - 1:
            h = _combine(parts[0], parts[1], conv_b)
        else:
            out = _final(parts[0], parts[1], conv_b, pred_W, pred_b)
    return out

# --- scband reference (transcript-rebuilt; emitter-appended) ---
"""Pipeline reference for scband-mpgnn-16492674417022 (READ-ONLY COPY).

The authoritative reference and input builder live on the scoring server;
editing this copy changes nothing except your own understanding.
"""

import jax, jax.numpy as jnp
import numpy as np

N = 10000
E = 320000
D_IN = 128
D_EDGE = 16
D_OUT = 16
D_HID = 32
N_CLASSES = 2
N_STEPS = 2


def setup_inputs(seed: int = 0) -> dict:
    key = jax.random.key(seed)
    ks = jax.random.split(key, 16)
    node_feats = jax.random.normal(ks[0], (N, D_IN), dtype=jnp.float32)
    edge_feats = jax.random.normal(ks[1], (E, D_EDGE), dtype=jnp.float32)
    edge_index = jax.random.randint(ks[2], (2, E), 0, N)
    # parameters
    proj_W = jax.random.normal(ks[3], (D_IN, D_OUT), dtype=jnp.float32) / np.sqrt(D_IN)
    proj_b = jnp.zeros((D_OUT,), dtype=jnp.float32)
    e1_W = jax.random.normal(ks[4], (D_EDGE, D_HID), dtype=jnp.float32) / np.sqrt(D_EDGE)
    e1_b = jnp.zeros((D_HID,), dtype=jnp.float32)
    e2_W = jax.random.normal(ks[5], (D_HID, D_OUT * D_OUT), dtype=jnp.float32) / np.sqrt(D_HID)
    e2_b = jnp.zeros((D_OUT * D_OUT,), dtype=jnp.float32)
    conv_b = jnp.zeros((D_OUT,), dtype=jnp.float32)
    pred_W = jax.random.normal(ks[6], (D_OUT, N_CLASSES), dtype=jnp.float32) / np.sqrt(D_OUT)
    pred_b = jnp.zeros((N_CLASSES,), dtype=jnp.float32)
    return {
        "node_feats": node_feats,
        "edge_feats": edge_feats,
        "edge_index": edge_index,
        "proj_W": proj_W, "proj_b": proj_b,
        "e1_W": e1_W, "e1_b": e1_b,
        "e2_W": e2_W, "e2_b": e2_b,
        "conv_b": conv_b,
        "pred_W": pred_W, "pred_b": pred_b,
    }


def reference(node_feats, edge_feats, edge_index, proj_W, proj_b, e1_W, e1_b, e2_W, e2_b, conv_b, pred_W, pred_b):
    src = edge_index[0]
    dst = edge_index[1]
    n_nodes = node_feats.shape[0]
    # project_node_feats + ReLU
    h = jax.nn.relu(node_feats @ proj_W + proj_b)  # [N, D_OUT]
    # edge network (edge_feats is static across message passing steps)
    We = jax.nn.relu(edge_feats @ e1_W + e1_b) @ e2_W + e2_b  # [E, D_OUT*D_OUT]
    We = We.reshape(We.shape[0], D_OUT, D_OUT)  # [E, D_OUT, D_OUT]
    # NNConv message passing, aggregator = sum, with bias
    for _ in range(N_STEPS):
        h_src = jnp.take(h, src, axis=0)  # gather [E, D_OUT]
        m = jnp.einsum('ei,eio->eo', h_src, We)  # per-edge bmm
        agg = jax.ops.segment_sum(m, dst, num_segments=n_nodes)  # scatter-add
        h = jax.nn.relu(agg + conv_b)
    # dgl.mean_nodes over a single graph -> mean over all nodes
    graph_feats = jnp.mean(h, axis=0, keepdims=True)  # [1, D_OUT]
    return graph_feats @ pred_W + pred_b  # [1, N_CLASSES]

if __name__ == "__main__":
    import jax
    _d = setup_inputs()
    print(jax.jit(kernel)(*tuple(_d.values())))

</pallas_src>

<mosaic_0001>
#map = affine_map<(d0, d1) -> (0, 0)>
#map1 = affine_map<(d0, d1) -> (0)>
#map2 = affine_map<(d0, d1) -> (0, 0, 0)>
module attributes {stable_mosaic.version = 14 : i64} {
  func.func @body_fn(%arg0: i32, %arg1: i32, %arg2: memref<160000x16xf32, #tpu.memory_space<hbm>>, %arg3: memref<320000xi32, #tpu.memory_space<hbm>>, %arg4: memref<10000x16xf32, #tpu.memory_space<hbm>>, %arg5: memref<2x10000x16xf32, #tpu.memory_space<hbm>>, %arg6: memref<2000xi32, #tpu.memory_space<vmem>>, %arg7: memref<2000x16xf32, #tpu.memory_space<vmem>>, %arg8: memref<10000x16xf32, #tpu.memory_space<vmem_shared>>, %arg9: memref<!tpu.dma_semaphore, #tpu.memory_space<semaphore_mem>>) attributes {dimension_semantics = [#tpu.dimension_semantics<core_parallel>, #tpu.dimension_semantics<subcore_parallel>], iteration_bounds = array<i64: 2, 16>, scalar_prefetch = 0 : i64, scratch_operands = 4 : i64, tpu.core_type = #tpu.core_type<sc_vector_subcore>, window_params = [{transform_indices = #map}, {transform_indices = #map1}, {transform_indices = #map}, {transform_indices = #map2}]} {
    %eq3A = arith.constant 0 : i32
    %eq3A_0 = arith.cmpi eq, %arg1, %eq3A : i32
    %convert_element_type3A = arith.extui %eq3A_0 : i1 to i32
    %cond3A = arith.constant 0 : i32
    %cond3A_1 = arith.cmpi ne, %convert_element_type3A, %cond3A : i32
    scf.if %cond3A_1 {
      "tpu.region"() ({
        %run_scoped3A = tpu.sem_alloc : memref<!tpu.dma_semaphore, #tpu.memory_space<semaphore_mem>>
        tpu.enqueue_dma source(%arg4 : memref<10000x16xf32, #tpu.memory_space<hbm>>) target(%arg8 : memref<10000x16xf32, #tpu.memory_space<vmem_shared>>) target_semaphore(%run_scoped3A : memref<!tpu.dma_semaphore, #tpu.memory_space<semaphore_mem>>)
        tpu.wait_dma2 semaphore(%run_scoped3A : memref<!tpu.dma_semaphore, #tpu.memory_space<semaphore_mem>>) src(%arg4 : memref<10000x16xf32, #tpu.memory_space<hbm>>) dst(%arg8 : memref<10000x16xf32, #tpu.memory_space<vmem_shared>>)
        tpu.yield
      }) : () -> ()
    } else {
    }
    %barrier3A = arith.constant 0 : index
    tpu.barrier barrier_id(%barrier3A)
    %scan3A = arith.constant 0 : i32
    %scan3A_2 = arith.constant 0 : i32
    %scan3A_3 = arith.constant 3 : i32
    %scan3A_4 = arith.addi %scan3A_2, %scan3A_3 : i32
    %scan3A_5 = arith.constant 1 : i32
    scf.for %scan3A_11 = %scan3A_2 to %scan3A_4 step %scan3A_5  : i32 {
      %mul3A_12 = arith.constant 16 : i32
      %mul3A_13 = arith.muli %scan3A_11, %mul3A_12 : i32
      %add3A = arith.addi %mul3A_13, %arg1 : i32
      %lt3A = arith.constant 40 : i32
      %lt3A_14 = arith.cmpi slt, %add3A, %lt3A : i32
      %convert_element_type3A_15 = arith.extui %lt3A_14 : i1 to i32
      %cond3A_16 = arith.constant 0 : i32
      %cond3A_17 = arith.cmpi ne, %convert_element_type3A_15, %cond3A_16 : i32
      scf.if %cond3A_17 {
        %mul3A_18 = arith.constant 80000 : i32
        %mul3A_19 = arith.muli %arg0, %mul3A_18 : i32
        %mul3A_20 = arith.constant 2000 : i32
        %mul3A_21 = arith.muli %add3A, %mul3A_20 : i32
        %add3A_22 = arith.addi %mul3A_19, %mul3A_21 : i32
        %add3A_23 = arith.constant 160000 : i32
        %add3A_24 = arith.addi %add3A_23, %add3A_22 : i32
        "tpu.region"() ({
          %run_scoped3A = tpu.sem_alloc : memref<!tpu.dma_semaphore, #tpu.memory_space<semaphore_mem>>
          %dma_start3A = tpu.memref_slice %arg3[%add3A_24] : memref<320000xi32, #tpu.memory_space<hbm>> -> memref<2000xi32, #tpu.memory_space<hbm>>
          %dma_start3A_25 = tpu.memref_slice %arg3[%add3A_24] : memref<320000xi32, #tpu.memory_space<hbm>> -> memref<2000xi32, #tpu.memory_space<hbm>>
          tpu.enqueue_dma source(%dma_start3A_25 : memref<2000xi32, #tpu.memory_space<hbm>>) target(%arg6 : memref<2000xi32, #tpu.memory_space<vmem>>) target_semaphore(%run_scoped3A : memref<!tpu.dma_semaphore, #tpu.memory_space<semaphore_mem>>)
          %dma_wait3A = tpu.memref_slice %arg3[%add3A_24] : memref<320000xi32, #tpu.memory_space<hbm>> -> memref<2000xi32, #tpu.memory_space<hbm>>
          %dma_wait3A_26 = tpu.memref_slice %arg3[%add3A_24] : memref<320000xi32, #tpu.memory_space<hbm>> -> memref<2000xi32, #tpu.memory_space<hbm>>
          tpu.wait_dma2 semaphore(%run_scoped3A : memref<!tpu.dma_semaphore, #tpu.memory_space<semaphore_mem>>) src(%dma_wait3A_26 : memref<2000xi32, #tpu.memory_space<hbm>>) dst(%arg6 : memref<2000xi32, #tpu.memory_space<vmem>>)
          tpu.yield
        }) : () -> ()
        "tpu.region"() ({
          %run_scoped3A = tpu.sem_alloc : memref<!tpu.dma_semaphore, #tpu.memory_space<semaphore_mem>>
          %dma_start3A = arith.constant 0 : i32
          %dma_start3A_25 = tpu.memref_slice %arg2[%add3A_22, %dma_start3A] : memref<160000x16xf32, #tpu.memory_space<hbm>> -> memref<2000x16xf32, #tpu.memory_space<hbm>>
          %dma_start3A_26 = arith.constant 0 : i32
          %dma_start3A_27 = tpu.memref_slice %arg2[%add3A_22, %dma_start3A_26] : memref<160000x16xf32, #tpu.memory_space<hbm>> -> memref<2000x16xf32, #tpu.memory_space<hbm>>
          tpu.enqueue_dma source(%dma_start3A_27 : memref<2000x16xf32, #tpu.memory_space<hbm>>) target(%arg7 : memref<2000x16xf32, #tpu.memory_space<vmem>>) target_semaphore(%run_scoped3A : memref<!tpu.dma_semaphore, #tpu.memory_space<semaphore_mem>>)
          %dma_wait3A = arith.constant 0 : i32
          %dma_wait3A_28 = tpu.memref_slice %arg2[%add3A_22, %dma_wait3A] : memref<160000x16xf32, #tpu.memory_space<hbm>> -> memref<2000x16xf32, #tpu.memory_space<hbm>>
          %dma_wait3A_29 = arith.constant 0 : i32
          %dma_wait3A_30 = tpu.memref_slice %arg2[%add3A_22, %dma_wait3A_29] : memref<160000x16xf32, #tpu.memory_space<hbm>> -> memref<2000x16xf32, #tpu.memory_space<hbm>>
          tpu.wait_dma2 semaphore(%run_scoped3A : memref<!tpu.dma_semaphore, #tpu.memory_space<semaphore_mem>>) src(%dma_wait3A_30 : memref<2000x16xf32, #tpu.memory_space<hbm>>) dst(%arg7 : memref<2000x16xf32, #tpu.memory_space<vmem>>)
          tpu.yield
        }) : () -> ()
        "tpu.region"() ({
          %run_scoped3A = tpu.sem_alloc : memref<!tpu.dma_semaphore, #tpu.memory_space<semaphore_mem>>
          %dma_start3A = arith.constant 0 : i32
          %dma_start3A_25 = arith.constant 0 : i32
          %dma_start3A_26 = tpu.memref_slice %arg8[%dma_start3A, %dma_start3A_25] : memref<10000x16xf32, #tpu.memory_space<vmem_shared>> -> memref<10000x16xf32, #tpu.memory_space<vmem_shared>>
          tpu.enqueue_indirect_dma source(%arg7 : memref<2000x16xf32, #tpu.memory_space<vmem>>) target(%dma_start3A_26 : memref<10000x16xf32, #tpu.memory_space<vmem_shared>>) offsets(%arg6 : memref<2000xi32, #tpu.memory_space<vmem>>) semaphore(%run_scoped3A : memref<!tpu.dma_semaphore, #tpu.memory_space<semaphore_mem>>) {add = true}
          %dma_wait3A = arith.constant 0 : i32
          %dma_wait3A_27 = arith.constant 0 : i32
          %dma_wait3A_28 = tpu.memref_slice %arg8[%dma_wait3A, %dma_wait3A_27] : memref<10000x16xf32, #tpu.memory_space<vmem_shared>> -> memref<10000x16xf32, #tpu.memory_space<vmem_shared>>
          tpu.wait_indirect_dma semaphore(%run_scoped3A : memref<!tpu.dma_semaphore, #tpu.memory_space<semaphore_mem>>) src(%arg7 : memref<2000x16xf32, #tpu.memory_space<vmem>>) dst(%dma_wait3A_28 : memref<10000x16xf32, #tpu.memory_space<vmem_shared>>)
          tpu.yield
        }) : () -> ()
      } else {
      }
    }
    %scan3A_6 = arith.constant 3 : i32
    %barrier3A_7 = arith.constant 0 : index
    tpu.barrier barrier_id(%barrier3A_7)
    %mul3A = arith.constant 625 : i32
    %mul3A_8 = arith.muli %arg1, %mul3A : i32
    %mul3A_9 = arith.constant 625 : i32
    %mul3A_10 = arith.muli %arg1, %mul3A_9 : i32
    "tpu.region"() ({
      %run_scoped3A = tpu.sem_alloc : memref<!tpu.dma_semaphore, #tpu.memory_space<semaphore_mem>>
      %dma_start3A = arith.constant 0 : i32
      %dma_start3A_11 = arith.constant 0 : i32
      %dma_start3A_12 = tpu.memref_slice %arg5[%arg0, %dma_start3A, %dma_start3A_11] : memref<2x10000x16xf32, #tpu.memory_space<hbm>> -> memref<1x10000x16xf32, #tpu.memory_space<hbm>>
      %dma_start3A_13 = tpu.memref_squeeze %dma_start3A_12 : memref<1x10000x16xf32, #tpu.memory_space<hbm>> -> memref<10000x16xf32, #tpu.memory_space<hbm>>
      %dma_start3A_14 = arith.constant 0 : i32
      %dma_start3A_15 = tpu.memref_slice %dma_start3A_13[%mul3A_10, %dma_start3A_14] : memref<10000x16xf32, #tpu.memory_space<hbm>> -> memref<625x16xf32, #tpu.memory_space<hbm>>
      %dma_start3A_16 = arith.constant 0 : i32
      %dma_start3A_17 = tpu.memref_slice %arg8[%mul3A_8, %dma_start3A_16] : memref<10000x16xf32, #tpu.memory_space<vmem_shared>> -> memref<625x16xf32, #tpu.memory_space<vmem_shared>>
      tpu.enqueue_dma source(%dma_start3A_17 : memref<625x16xf32, #tpu.memory_space<vmem_shared>>) target(%dma_start3A_15 : memref<625x16xf32, #tpu.memory_space<hbm>>) target_semaphore(%run_scoped3A : memref<!tpu.dma_semaphore, #tpu.memory_space<semaphore_mem>>)
      %dma_wait3A = arith.constant 0 : i32
      %dma_wait3A_18 = arith.constant 0 : i32
      %dma_wait3A_19 = tpu.memref_slice %arg5[%arg0, %dma_wait3A, %dma_wait3A_18] : memref<2x10000x16xf32, #tpu.memory_space<hbm>> -> memref<1x10000x16xf32, #tpu.memory_space<hbm>>
      %dma_wait3A_20 = tpu.memref_squeeze %dma_wait3A_19 : memref<1x10000x16xf32, #tpu.memory_space<hbm>> -> memref<10000x16xf32, #tpu.memory_space<hbm>>
      %dma_wait3A_21 = arith.constant 0 : i32
      %dma_wait3A_22 = tpu.memref_slice %dma_wait3A_20[%mul3A_10, %dma_wait3A_21] : memref<10000x16xf32, #tpu.memory_space<hbm>> -> memref<625x16xf32, #tpu.memory_space<hbm>>
      %dma_wait3A_23 = arith.constant 0 : i32
      %dma_wait3A_24 = tpu.memref_slice %arg8[%mul3A_8, %dma_wait3A_23] : memref<10000x16xf32, #tpu.memory_space<vmem_shared>> -> memref<625x16xf32, #tpu.memory_space<vmem_shared>>
      tpu.wait_dma2 semaphore(%run_scoped3A : memref<!tpu.dma_semaphore, #tpu.memory_space<semaphore_mem>>) src(%dma_wait3A_24 : memref<625x16xf32, #tpu.memory_space<vmem_shared>>) dst(%dma_wait3A_22 : memref<625x16xf32, #tpu.memory_space<hbm>>)
      tpu.yield
    }) : () -> ()
    return
  }
}

#map = affine_map<(d0, d1) -> (0, 0)>
#map1 = affine_map<(d0, d1) -> (0)>
module attributes {stable_mosaic.version = 14 : i64} {
  func.func @body_fn(%arg0: i32, %arg1: i32, %arg2: memref<10000x16xf32, #tpu.memory_space<hbm>>, %arg3: memref<320000xi32, #tpu.memory_space<hbm>>, %arg4: memref<160000x16xf32, #tpu.memory_space<hbm>>, %arg5: memref<2000xi32, #tpu.memory_space<vmem>>, %arg6: memref<2000x16xf32, #tpu.memory_space<vmem>>, %arg7: memref<!tpu.dma_semaphore, #tpu.memory_space<semaphore_mem>>) attributes {dimension_semantics = [#tpu.dimension_semantics<core_parallel>, #tpu.dimension_semantics<subcore_parallel>], iteration_bounds = array<i64: 2, 16>, scalar_prefetch = 0 : i64, scratch_operands = 3 : i64, tpu.core_type = #tpu.core_type<sc_vector_subcore>, window_params = [{transform_indices = #map}, {transform_indices = #map1}, {transform_indices = #map}]} {
    %mul3A = arith.constant 2 : i32
    %mul3A_0 = arith.muli %arg1, %mul3A : i32
    %add3A = arith.addi %mul3A_0, %arg0 : i32
    %scan3A = arith.constant 0 : i32
    %scan3A_1 = arith.constant 0 : i32
    %scan3A_2 = arith.constant 3 : i32
    %scan3A_3 = arith.addi %scan3A_1, %scan3A_2 : i32
    %scan3A_4 = arith.constant 1 : i32
    scf.for %scan3A_6 = %scan3A_1 to %scan3A_3 step %scan3A_4  : i32 {
      %mul3A_7 = arith.constant 32 : i32
      %mul3A_8 = arith.muli %scan3A_6, %mul3A_7 : i32
      %add3A_9 = arith.addi %mul3A_8, %add3A : i32
      %lt3A = arith.constant 80 : i32
      %lt3A_10 = arith.cmpi slt, %add3A_9, %lt3A : i32
      %convert_element_type3A = arith.extui %lt3A_10 : i1 to i32
      %cond3A = arith.constant 0 : i32
      %cond3A_11 = arith.cmpi ne, %convert_element_type3A, %cond3A : i32
      scf.if %cond3A_11 {
        %mul3A_12 = arith.constant 2000 : i32
        %mul3A_13 = arith.muli %add3A_9, %mul3A_12 : i32
        %add3A_14 = arith.constant 0 : i32
        %add3A_15 = arith.addi %add3A_14, %mul3A_13 : i32
        "tpu.region"() ({
          %run_scoped3A = tpu.sem_alloc : memref<!tpu.dma_semaphore, #tpu.memory_space<semaphore_mem>>
          %dma_start3A_21 = tpu.memref_slice %arg3[%add3A_15] : memref<320000xi32, #tpu.memory_space<hbm>> -> memref<2000xi32, #tpu.memory_space<hbm>>
          %dma_start3A_22 = tpu.memref_slice %arg3[%add3A_15] : memref<320000xi32, #tpu.memory_space<hbm>> -> memref<2000xi32, #tpu.memory_space<hbm>>
          tpu.enqueue_dma source(%dma_start3A_22 : memref<2000xi32, #tpu.memory_space<hbm>>) target(%arg5 : memref<2000xi32, #tpu.memory_space<vmem>>) target_semaphore(%run_scoped3A : memref<!tpu.dma_semaphore, #tpu.memory_space<semaphore_mem>>)
          %dma_wait3A_23 = tpu.memref_slice %arg3[%add3A_15] : memref<320000xi32, #tpu.memory_space<hbm>> -> memref<2000xi32, #tpu.memory_space<hbm>>
          %dma_wait3A_24 = tpu.memref_slice %arg3[%add3A_15] : memref<320000xi32, #tpu.memory_space<hbm>> -> memref<2000xi32, #tpu.memory_space<hbm>>
          tpu.wait_dma2 semaphore(%run_scoped3A : memref<!tpu.dma_semaphore, #tpu.memory_space<semaphore_mem>>) src(%dma_wait3A_24 : memref<2000xi32, #tpu.memory_space<hbm>>) dst(%arg5 : memref<2000xi32, #tpu.memory_space<vmem>>)
          tpu.yield
        }) : () -> ()
        %dma_start3A = arith.constant 0 : i32
        %dma_start3A_16 = arith.constant 0 : i32
        %dma_start3A_17 = tpu.memref_slice %arg2[%dma_start3A, %dma_start3A_16] : memref<10000x16xf32, #tpu.memory_space<hbm>> -> memref<10000x16xf32, #tpu.memory_space<hbm>>
        tpu.enqueue_indirect_dma source(%dma_start3A_17 : memref<10000x16xf32, #tpu.memory_space<hbm>>) target(%arg6 : memref<2000x16xf32, #tpu.memory_space<vmem>>) offsets(%arg5 : memref<2000xi32, #tpu.memory_space<vmem>>) semaphore(%arg7 : memref<!tpu.dma_semaphore, #tpu.memory_space<semaphore_mem>>)
        %dma_wait3A = arith.constant 0 : i32
        %dma_wait3A_18 = arith.constant 0 : i32
        %dma_wait3A_19 = tpu.memref_slice %arg2[%dma_wait3A, %dma_wait3A_18] : memref<10000x16xf32, #tpu.memory_space<hbm>> -> memref<10000x16xf32, #tpu.memory_space<hbm>>
        tpu.wait_indirect_dma semaphore(%arg7 : memref<!tpu.dma_semaphore, #tpu.memory_space<semaphore_mem>>) src(%dma_wait3A_19 : memref<10000x16xf32, #tpu.memory_space<hbm>>) dst(%arg6 : memref<2000x16xf32, #tpu.memory_space<vmem>>)
        %sub3A = arith.constant 0 : i32
        %sub3A_20 = arith.subi %add3A_15, %sub3A : i32
        "tpu.region"() ({
          %run_scoped3A = tpu.sem_alloc : memref<!tpu.dma_semaphore, #tpu.memory_space<semaphore_mem>>
          %dma_start3A_21 = arith.constant 0 : i32
          %dma_start3A_22 = tpu.memref_slice %arg4[%sub3A_20, %dma_start3A_21] : memref<160000x16xf32, #tpu.memory_space<hbm>> -> memref<2000x16xf32, #tpu.memory_space<hbm>>
          %dma_start3A_23 = arith.constant 0 : i32
          %dma_start3A_24 = tpu.memref_slice %arg4[%sub3A_20, %dma_start3A_23] : memref<160000x16xf32, #tpu.memory_space<hbm>> -> memref<2000x16xf32, #tpu.memory_space<hbm>>
          tpu.enqueue_dma source(%arg6 : memref<2000x16xf32, #tpu.memory_space<vmem>>) target(%dma_start3A_24 : memref<2000x16xf32, #tpu.memory_space<hbm>>) target_semaphore(%run_scoped3A : memref<!tpu.dma_semaphore, #tpu.memory_space<semaphore_mem>>)
          %dma_wait3A_25 = arith.constant 0 : i32
          %dma_wait3A_26 = tpu.memref_slice %arg4[%sub3A_20, %dma_wait3A_25] : memref<160000x16xf32, #tpu.memory_space<hbm>> -> memref<2000x16xf32, #tpu.memory_space<hbm>>
          %dma_wait3A_27 = arith.constant 0 : i32
          %dma_wait3A_28 = tpu.memref_slice %arg4[%sub3A_20, %dma_wait3A_27] : memref<160000x16xf32, #tpu.memory_space<hbm>> -> memref<2000x16xf32, #tpu.memory_space<hbm>>
          tpu.wait_dma2 semaphore(%run_scoped3A : memref<!tpu.dma_semaphore, #tpu.memory_space<semaphore_mem>>) src(%arg6 : memref<2000x16xf32, #tpu.memory_space<vmem>>) dst(%dma_wait3A_28 : memref<2000x16xf32, #tpu.memory_space<hbm>>)
          tpu.yield
        }) : () -> ()
      } else {
      }
    }
    %scan3A_5 = arith.constant 3 : i32
    return
  }
}

#map = affine_map<(d0, d1) -> (0, 0)>
#map1 = affine_map<(d0, d1) -> (0)>
#map2 = affine_map<(d0, d1) -> (0, 0, 0)>
module attributes {stable_mosaic.version = 14 : i64} {
  func.func @body_fn(%arg0: i32, %arg1: i32, %arg2: memref<160000x16xf32, #tpu.memory_space<hbm>>, %arg3: memref<320000xi32, #tpu.memory_space<hbm>>, %arg4: memref<10000x16xf32, #tpu.memory_space<hbm>>, %arg5: memref<2x10000x16xf32, #tpu.memory_space<hbm>>, %arg6: memref<2000xi32, #tpu.memory_space<vmem>>, %arg7: memref<2000x16xf32, #tpu.memory_space<vmem>>, %arg8: memref<10000x16xf32, #tpu.memory_space<vmem_shared>>, %arg9: memref<!tpu.dma_semaphore, #tpu.memory_space<semaphore_mem>>) attributes {dimension_semantics = [#tpu.dimension_semantics<core_parallel>, #tpu.dimension_semantics<subcore_parallel>], iteration_bounds = array<i64: 2, 16>, scalar_prefetch = 0 : i64, scratch_operands = 4 : i64, tpu.core_type = #tpu.core_type<sc_vector_subcore>, window_params = [{transform_indices = #map}, {transform_indices = #map1}, {transform_indices = #map}, {transform_indices = #map2}]} {
    %eq3A = arith.constant 0 : i32
    %eq3A_0 = arith.cmpi eq, %arg1, %eq3A : i32
    %convert_element_type3A = arith.extui %eq3A_0 : i1 to i32
    %cond3A = arith.constant 0 : i32
    %cond3A_1 = arith.cmpi ne, %convert_element_type3A, %cond3A : i32
    scf.if %cond3A_1 {
      "tpu.region"() ({
        %run_scoped3A = tpu.sem_alloc : memref<!tpu.dma_semaphore, #tpu.memory_space<semaphore_mem>>
        tpu.enqueue_dma source(%arg4 : memref<10000x16xf32, #tpu.memory_space<hbm>>) target(%arg8 : memref<10000x16xf32, #tpu.memory_space<vmem_shared>>) target_semaphore(%run_scoped3A : memref<!tpu.dma_semaphore, #tpu.memory_space<semaphore_mem>>)
        tpu.wait_dma2 semaphore(%run_scoped3A : memref<!tpu.dma_semaphore, #tpu.memory_space<semaphore_mem>>) src(%arg4 : memref<10000x16xf32, #tpu.memory_space<hbm>>) dst(%arg8 : memref<10000x16xf32, #tpu.memory_space<vmem_shared>>)
        tpu.yield
      }) : () -> ()
    } else {
    }
    %barrier3A = arith.constant 0 : index
    tpu.barrier barrier_id(%barrier3A)
    %scan3A = arith.constant 0 : i32
    %scan3A_2 = arith.constant 0 : i32
    %scan3A_3 = arith.constant 3 : i32
    %scan3A_4 = arith.addi %scan3A_2, %scan3A_3 : i32
    %scan3A_5 = arith.constant 1 : i32
    scf.for %scan3A_11 = %scan3A_2 to %scan3A_4 step %scan3A_5  : i32 {
      %mul3A_12 = arith.constant 16 : i32
      %mul3A_13 = arith.muli %scan3A_11, %mul3A_12 : i32
      %add3A = arith.addi %mul3A_13, %arg1 : i32
      %lt3A = arith.constant 40 : i32
      %lt3A_14 = arith.cmpi slt, %add3A, %lt3A : i32
      %convert_element_type3A_15 = arith.extui %lt3A_14 : i1 to i32
      %cond3A_16 = arith.constant 0 : i32
      %cond3A_17 = arith.cmpi ne, %convert_element_type3A_15, %cond3A_16 : i32
      scf.if %cond3A_17 {
        %mul3A_18 = arith.constant 80000 : i32
        %mul3A_19 = arith.muli %arg0, %mul3A_18 : i32
        %mul3A_20 = arith.constant 2000 : i32
        %mul3A_21 = arith.muli %add3A, %mul3A_20 : i32
        %add3A_22 = arith.addi %mul3A_19, %mul3A_21 : i32
        %add3A_23 = arith.constant 0 : i32
        %add3A_24 = arith.addi %add3A_23, %add3A_22 : i32
        "tpu.region"() ({
          %run_scoped3A = tpu.sem_alloc : memref<!tpu.dma_semaphore, #tpu.memory_space<semaphore_mem>>
          %dma_start3A = tpu.memref_slice %arg3[%add3A_24] : memref<320000xi32, #tpu.memory_space<hbm>> -> memref<2000xi32, #tpu.memory_space<hbm>>
          %dma_start3A_25 = tpu.memref_slice %arg3[%add3A_24] : memref<320000xi32, #tpu.memory_space<hbm>> -> memref<2000xi32, #tpu.memory_space<hbm>>
          tpu.enqueue_dma source(%dma_start3A_25 : memref<2000xi32, #tpu.memory_space<hbm>>) target(%arg6 : memref<2000xi32, #tpu.memory_space<vmem>>) target_semaphore(%run_scoped3A : memref<!tpu.dma_semaphore, #tpu.memory_space<semaphore_mem>>)
          %dma_wait3A = tpu.memref_slice %arg3[%add3A_24] : memref<320000xi32, #tpu.memory_space<hbm>> -> memref<2000xi32, #tpu.memory_space<hbm>>
          %dma_wait3A_26 = tpu.memref_slice %arg3[%add3A_24] : memref<320000xi32, #tpu.memory_space<hbm>> -> memref<2000xi32, #tpu.memory_space<hbm>>
          tpu.wait_dma2 semaphore(%run_scoped3A : memref<!tpu.dma_semaphore, #tpu.memory_space<semaphore_mem>>) src(%dma_wait3A_26 : memref<2000xi32, #tpu.memory_space<hbm>>) dst(%arg6 : memref<2000xi32, #tpu.memory_space<vmem>>)
          tpu.yield
        }) : () -> ()
        "tpu.region"() ({
          %run_scoped3A = tpu.sem_alloc : memref<!tpu.dma_semaphore, #tpu.memory_space<semaphore_mem>>
          %dma_start3A = arith.constant 0 : i32
          %dma_start3A_25 = tpu.memref_slice %arg2[%add3A_22, %dma_start3A] : memref<160000x16xf32, #tpu.memory_space<hbm>> -> memref<2000x16xf32, #tpu.memory_space<hbm>>
          %dma_start3A_26 = arith.constant 0 : i32
          %dma_start3A_27 = tpu.memref_slice %arg2[%add3A_22, %dma_start3A_26] : memref<160000x16xf32, #tpu.memory_space<hbm>> -> memref<2000x16xf32, #tpu.memory_space<hbm>>
          tpu.enqueue_dma source(%dma_start3A_27 : memref<2000x16xf32, #tpu.memory_space<hbm>>) target(%arg7 : memref<2000x16xf32, #tpu.memory_space<vmem>>) target_semaphore(%run_scoped3A : memref<!tpu.dma_semaphore, #tpu.memory_space<semaphore_mem>>)
          %dma_wait3A = arith.constant 0 : i32
          %dma_wait3A_28 = tpu.memref_slice %arg2[%add3A_22, %dma_wait3A] : memref<160000x16xf32, #tpu.memory_space<hbm>> -> memref<2000x16xf32, #tpu.memory_space<hbm>>
          %dma_wait3A_29 = arith.constant 0 : i32
          %dma_wait3A_30 = tpu.memref_slice %arg2[%add3A_22, %dma_wait3A_29] : memref<160000x16xf32, #tpu.memory_space<hbm>> -> memref<2000x16xf32, #tpu.memory_space<hbm>>
          tpu.wait_dma2 semaphore(%run_scoped3A : memref<!tpu.dma_semaphore, #tpu.memory_space<semaphore_mem>>) src(%dma_wait3A_30 : memref<2000x16xf32, #tpu.memory_space<hbm>>) dst(%arg7 : memref<2000x16xf32, #tpu.memory_space<vmem>>)
          tpu.yield
        }) : () -> ()
        "tpu.region"() ({
          %run_scoped3A = tpu.sem_alloc : memref<!tpu.dma_semaphore, #tpu.memory_space<semaphore_mem>>
          %dma_start3A = arith.constant 0 : i32
          %dma_start3A_25 = arith.constant 0 : i32
          %dma_start3A_26 = tpu.memref_slice %arg8[%dma_start3A, %dma_start3A_25] : memref<10000x16xf32, #tpu.memory_space<vmem_shared>> -> memref<10000x16xf32, #tpu.memory_space<vmem_shared>>
          tpu.enqueue_indirect_dma source(%arg7 : memref<2000x16xf32, #tpu.memory_space<vmem>>) target(%dma_start3A_26 : memref<10000x16xf32, #tpu.memory_space<vmem_shared>>) offsets(%arg6 : memref<2000xi32, #tpu.memory_space<vmem>>) semaphore(%run_scoped3A : memref<!tpu.dma_semaphore, #tpu.memory_space<semaphore_mem>>) {add = true}
          %dma_wait3A = arith.constant 0 : i32
          %dma_wait3A_27 = arith.constant 0 : i32
          %dma_wait3A_28 = tpu.memref_slice %arg8[%dma_wait3A, %dma_wait3A_27] : memref<10000x16xf32, #tpu.memory_space<vmem_shared>> -> memref<10000x16xf32, #tpu.memory_space<vmem_shared>>
          tpu.wait_indirect_dma semaphore(%run_scoped3A : memref<!tpu.dma_semaphore, #tpu.memory_space<semaphore_mem>>) src(%arg7 : memref<2000x16xf32, #tpu.memory_space<vmem>>) dst(%dma_wait3A_28 : memref<10000x16xf32, #tpu.memory_space<vmem_shared>>)
          tpu.yield
        }) : () -> ()
      } else {
      }
    }
    %scan3A_6 = arith.constant 3 : i32
    %barrier3A_7 = arith.constant 0 : index
    tpu.barrier barrier_id(%barrier3A_7)
    %mul3A = arith.constant 625 : i32
    %mul3A_8 = arith.muli %arg1, %mul3A : i32
    %mul3A_9 = arith.constant 625 : i32
    %mul3A_10 = arith.muli %arg1, %mul3A_9 : i32
    "tpu.region"() ({
      %run_scoped3A = tpu.sem_alloc : memref<!tpu.dma_semaphore, #tpu.memory_space<semaphore_mem>>
      %dma_start3A = arith.constant 0 : i32
      %dma_start3A_11 = arith.constant 0 : i32
      %dma_start3A_12 = tpu.memref_slice %arg5[%arg0, %dma_start3A, %dma_start3A_11] : memref<2x10000x16xf32, #tpu.memory_space<hbm>> -> memref<1x10000x16xf32, #tpu.memory_space<hbm>>
      %dma_start3A_13 = tpu.memref_squeeze %dma_start3A_12 : memref<1x10000x16xf32, #tpu.memory_space<hbm>> -> memref<10000x16xf32, #tpu.memory_space<hbm>>
      %dma_start3A_14 = arith.constant 0 : i32
      %dma_start3A_15 = tpu.memref_slice %dma_start3A_13[%mul3A_10, %dma_start3A_14] : memref<10000x16xf32, #tpu.memory_space<hbm>> -> memref<625x16xf32, #tpu.memory_space<hbm>>
      %dma_start3A_16 = arith.constant 0 : i32
      %dma_start3A_17 = tpu.memref_slice %arg8[%mul3A_8, %dma_start3A_16] : memref<10000x16xf32, #tpu.memory_space<vmem_shared>> -> memref<625x16xf32, #tpu.memory_space<vmem_shared>>
      tpu.enqueue_dma source(%dma_start3A_17 : memref<625x16xf32, #tpu.memory_space<vmem_shared>>) target(%dma_start3A_15 : memref<625x16xf32, #tpu.memory_space<hbm>>) target_semaphore(%run_scoped3A : memref<!tpu.dma_semaphore, #tpu.memory_space<semaphore_mem>>)
      %dma_wait3A = arith.constant 0 : i32
      %dma_wait3A_18 = arith.constant 0 : i32
      %dma_wait3A_19 = tpu.memref_slice %arg5[%arg0, %dma_wait3A, %dma_wait3A_18] : memref<2x10000x16xf32, #tpu.memory_space<hbm>> -> memref<1x10000x16xf32, #tpu.memory_space<hbm>>
      %dma_wait3A_20 = tpu.memref_squeeze %dma_wait3A_19 : memref<1x10000x16xf32, #tpu.memory_space<hbm>> -> memref<10000x16xf32, #tpu.memory_space<hbm>>
      %dma_wait3A_21 = arith.constant 0 : i32
      %dma_wait3A_22 = tpu.memref_slice %dma_wait3A_20[%mul3A_10, %dma_wait3A_21] : memref<10000x16xf32, #tpu.memory_space<hbm>> -> memref<625x16xf32, #tpu.memory_space<hbm>>
      %dma_wait3A_23 = arith.constant 0 : i32
      %dma_wait3A_24 = tpu.memref_slice %arg8[%mul3A_8, %dma_wait3A_23] : memref<10000x16xf32, #tpu.memory_space<vmem_shared>> -> memref<625x16xf32, #tpu.memory_space<vmem_shared>>
      tpu.wait_dma2 semaphore(%run_scoped3A : memref<!tpu.dma_semaphore, #tpu.memory_space<semaphore_mem>>) src(%dma_wait3A_24 : memref<625x16xf32, #tpu.memory_space<vmem_shared>>) dst(%dma_wait3A_22 : memref<625x16xf32, #tpu.memory_space<hbm>>)
      tpu.yield
    }) : () -> ()
    return
  }
}

#map = affine_map<(d0, d1) -> (0, 0)>
#map1 = affine_map<(d0, d1) -> (0)>
module attributes {stable_mosaic.version = 14 : i64} {
  func.func @body_fn(%arg0: i32, %arg1: i32, %arg2: memref<10000x16xf32, #tpu.memory_space<hbm>>, %arg3: memref<320000xi32, #tpu.memory_space<hbm>>, %arg4: memref<160000x16xf32, #tpu.memory_space<hbm>>, %arg5: memref<2000xi32, #tpu.memory_space<vmem>>, %arg6: memref<2000x16xf32, #tpu.memory_space<vmem>>, %arg7: memref<!tpu.dma_semaphore, #tpu.memory_space<semaphore_mem>>) attributes {dimension_semantics = [#tpu.dimension_semantics<core_parallel>, #tpu.dimension_semantics<subcore_parallel>], iteration_bounds = array<i64: 2, 16>, scalar_prefetch = 0 : i64, scratch_operands = 3 : i64, tpu.core_type = #tpu.core_type<sc_vector_subcore>, window_params = [{transform_indices = #map}, {transform_indices = #map1}, {transform_indices = #map}]} {
    %mul3A = arith.constant 2 : i32
    %mul3A_0 = arith.muli %arg1, %mul3A : i32
    %add3A = arith.addi %mul3A_0, %arg0 : i32
    %scan3A = arith.constant 0 : i32
    %scan3A_1 = arith.constant 0 : i32
    %scan3A_2 = arith.constant 3 : i32
    %scan3A_3 = arith.addi %scan3A_1, %scan3A_2 : i32
    %scan3A_4 = arith.constant 1 : i32
    scf.for %scan3A_6 = %scan3A_1 to %scan3A_3 step %scan3A_4  : i32 {
      %mul3A_7 = arith.constant 32 : i32
      %mul3A_8 = arith.muli %scan3A_6, %mul3A_7 : i32
      %add3A_9 = arith.addi %mul3A_8, %add3A : i32
      %lt3A = arith.constant 80 : i32
      %lt3A_10 = arith.cmpi slt, %add3A_9, %lt3A : i32
      %convert_element_type3A = arith.extui %lt3A_10 : i1 to i32
      %cond3A = arith.constant 0 : i32
      %cond3A_11 = arith.cmpi ne, %convert_element_type3A, %cond3A : i32
      scf.if %cond3A_11 {
        %mul3A_12 = arith.constant 2000 : i32
        %mul3A_13 = arith.muli %add3A_9, %mul3A_12 : i32
        %add3A_14 = arith.constant 160000 : i32
        %add3A_15 = arith.addi %add3A_14, %mul3A_13 : i32
        "tpu.region"() ({
          %run_scoped3A = tpu.sem_alloc : memref<!tpu.dma_semaphore, #tpu.memory_space<semaphore_mem>>
          %dma_start3A_21 = tpu.memref_slice %arg3[%add3A_15] : memref<320000xi32, #tpu.memory_space<hbm>> -> memref<2000xi32, #tpu.memory_space<hbm>>
          %dma_start3A_22 = tpu.memref_slice %arg3[%add3A_15] : memref<320000xi32, #tpu.memory_space<hbm>> -> memref<2000xi32, #tpu.memory_space<hbm>>
          tpu.enqueue_dma source(%dma_start3A_22 : memref<2000xi32, #tpu.memory_space<hbm>>) target(%arg5 : memref<2000xi32, #tpu.memory_space<vmem>>) target_semaphore(%run_scoped3A : memref<!tpu.dma_semaphore, #tpu.memory_space<semaphore_mem>>)
          %dma_wait3A_23 = tpu.memref_slice %arg3[%add3A_15] : memref<320000xi32, #tpu.memory_space<hbm>> -> memref<2000xi32, #tpu.memory_space<hbm>>
          %dma_wait3A_24 = tpu.memref_slice %arg3[%add3A_15] : memref<320000xi32, #tpu.memory_space<hbm>> -> memref<2000xi32, #tpu.memory_space<hbm>>
          tpu.wait_dma2 semaphore(%run_scoped3A : memref<!tpu.dma_semaphore, #tpu.memory_space<semaphore_mem>>) src(%dma_wait3A_24 : memref<2000xi32, #tpu.memory_space<hbm>>) dst(%arg5 : memref<2000xi32, #tpu.memory_space<vmem>>)
          tpu.yield
        }) : () -> ()
        %dma_start3A = arith.constant 0 : i32
        %dma_start3A_16 = arith.constant 0 : i32
        %dma_start3A_17 = tpu.memref_slice %arg2[%dma_start3A, %dma_start3A_16] : memref<10000x16xf32, #tpu.memory_space<hbm>> -> memref<10000x16xf32, #tpu.memory_space<hbm>>
        tpu.enqueue_indirect_dma source(%dma_start3A_17 : memref<10000x16xf32, #tpu.memory_space<hbm>>) target(%arg6 : memref<2000x16xf32, #tpu.memory_space<vmem>>) offsets(%arg5 : memref<2000xi32, #tpu.memory_space<vmem>>) semaphore(%arg7 : memref<!tpu.dma_semaphore, #tpu.memory_space<semaphore_mem>>)
        %dma_wait3A = arith.constant 0 : i32
        %dma_wait3A_18 = arith.constant 0 : i32
        %dma_wait3A_19 = tpu.memref_slice %arg2[%dma_wait3A, %dma_wait3A_18] : memref<10000x16xf32, #tpu.memory_space<hbm>> -> memref<10000x16xf32, #tpu.memory_space<hbm>>
        tpu.wait_indirect_dma semaphore(%arg7 : memref<!tpu.dma_semaphore, #tpu.memory_space<semaphore_mem>>) src(%dma_wait3A_19 : memref<10000x16xf32, #tpu.memory_space<hbm>>) dst(%arg6 : memref<2000x16xf32, #tpu.memory_space<vmem>>)
        %sub3A = arith.constant 160000 : i32
        %sub3A_20 = arith.subi %add3A_15, %sub3A : i32
        "tpu.region"() ({
          %run_scoped3A = tpu.sem_alloc : memref<!tpu.dma_semaphore, #tpu.memory_space<semaphore_mem>>
          %dma_start3A_21 = arith.constant 0 : i32
          %dma_start3A_22 = tpu.memref_slice %arg4[%sub3A_20, %dma_start3A_21] : memref<160000x16xf32, #tpu.memory_space<hbm>> -> memref<2000x16xf32, #tpu.memory_space<hbm>>
          %dma_start3A_23 = arith.constant 0 : i32
          %dma_start3A_24 = tpu.memref_slice %arg4[%sub3A_20, %dma_start3A_23] : memref<160000x16xf32, #tpu.memory_space<hbm>> -> memref<2000x16xf32, #tpu.memory_space<hbm>>
          tpu.enqueue_dma source(%arg6 : memref<2000x16xf32, #tpu.memory_space<vmem>>) target(%dma_start3A_24 : memref<2000x16xf32, #tpu.memory_space<hbm>>) target_semaphore(%run_scoped3A : memref<!tpu.dma_semaphore, #tpu.memory_space<semaphore_mem>>)
          %dma_wait3A_25 = arith.constant 0 : i32
          %dma_wait3A_26 = tpu.memref_slice %arg4[%sub3A_20, %dma_wait3A_25] : memref<160000x16xf32, #tpu.memory_space<hbm>> -> memref<2000x16xf32, #tpu.memory_space<hbm>>
          %dma_wait3A_27 = arith.constant 0 : i32
          %dma_wait3A_28 = tpu.memref_slice %arg4[%sub3A_20, %dma_wait3A_27] : memref<160000x16xf32, #tpu.memory_space<hbm>> -> memref<2000x16xf32, #tpu.memory_space<hbm>>
          tpu.wait_dma2 semaphore(%run_scoped3A : memref<!tpu.dma_semaphore, #tpu.memory_space<semaphore_mem>>) src(%arg6 : memref<2000x16xf32, #tpu.memory_space<vmem>>) dst(%dma_wait3A_28 : memref<2000x16xf32, #tpu.memory_space<hbm>>)
          tpu.yield
        }) : () -> ()
      } else {
      }
    }
    %scan3A_5 = arith.constant 3 : i32
    return
  }
}

#map = affine_map<(d0, d1) -> (0, 0)>
#map1 = affine_map<(d0, d1) -> (0)>
module attributes {stable_mosaic.version = 14 : i64} {
  func.func @body_fn(%arg0: i32, %arg1: i32, %arg2: memref<10000x16xf32, #tpu.memory_space<hbm>>, %arg3: memref<320000xi32, #tpu.memory_space<hbm>>, %arg4: memref<160000x16xf32, #tpu.memory_space<hbm>>, %arg5: memref<2000xi32, #tpu.memory_space<vmem>>, %arg6: memref<2000x16xf32, #tpu.memory_space<vmem>>, %arg7: memref<!tpu.dma_semaphore, #tpu.memory_space<semaphore_mem>>) attributes {dimension_semantics = [#tpu.dimension_semantics<core_parallel>, #tpu.dimension_semantics<subcore_parallel>], iteration_bounds = array<i64: 2, 16>, scalar_prefetch = 0 : i64, scratch_operands = 3 : i64, tpu.core_type = #tpu.core_type<sc_vector_subcore>, window_params = [{transform_indices = #map}, {transform_indices = #map1}, {transform_indices = #map}]} {
    %mul3A = arith.constant 2 : i32
    %mul3A_0 = arith.muli %arg1, %mul3A : i32
    %add3A = arith.addi %mul3A_0, %arg0 : i32
    %scan3A = arith.constant 0 : i32
    %scan3A_1 = arith.constant 0 : i32
    %scan3A_2 = arith.constant 3 : i32
    %scan3A_3 = arith.addi %scan3A_1, %scan3A_2 : i32
    %scan3A_4 = arith.constant 1 : i32
    scf.for %scan3A_6 = %scan3A_1 to %scan3A_3 step %scan3A_4  : i32 {
      %mul3A_7 = arith.constant 32 : i32
      %mul3A_8 = arith.muli %scan3A_6, %mul3A_7 : i32
      %add3A_9 = arith.addi %mul3A_8, %add3A : i32
      %lt3A = arith.constant 80 : i32
      %lt3A_10 = arith.cmpi slt, %add3A_9, %lt3A : i32
      %convert_element_type3A = arith.extui %lt3A_10 : i1 to i32
      %cond3A = arith.constant 0 : i32
      %cond3A_11 = arith.cmpi ne, %convert_element_type3A, %cond3A : i32
      scf.if %cond3A_11 {
        %mul3A_12 = arith.constant 2000 : i32
        %mul3A_13 = arith.muli %add3A_9, %mul3A_12 : i32
        %add3A_14 = arith.constant 0 : i32
        %add3A_15 = arith.addi %add3A_14, %mul3A_13 : i32
        "tpu.region"() ({
          %run_scoped3A = tpu.sem_alloc : memref<!tpu.dma_semaphore, #tpu.memory_space<semaphore_mem>>
          %dma_start3A_21 = tpu.memref_slice %arg3[%add3A_15] : memref<320000xi32, #tpu.memory_space<hbm>> -> memref<2000xi32, #tpu.memory_space<hbm>>
          %dma_start3A_22 = tpu.memref_slice %arg3[%add3A_15] : memref<320000xi32, #tpu.memory_space<hbm>> -> memref<2000xi32, #tpu.memory_space<hbm>>
          tpu.enqueue_dma source(%dma_start3A_22 : memref<2000xi32, #tpu.memory_space<hbm>>) target(%arg5 : memref<2000xi32, #tpu.memory_space<vmem>>) target_semaphore(%run_scoped3A : memref<!tpu.dma_semaphore, #tpu.memory_space<semaphore_mem>>)
          %dma_wait3A_23 = tpu.memref_slice %arg3[%add3A_15] : memref<320000xi32, #tpu.memory_space<hbm>> -> memref<2000xi32, #tpu.memory_space<hbm>>
          %dma_wait3A_24 = tpu.memref_slice %arg3[%add3A_15] : memref<320000xi32, #tpu.memory_space<hbm>> -> memref<2000xi32, #tpu.memory_space<hbm>>
          tpu.wait_dma2 semaphore(%run_scoped3A : memref<!tpu.dma_semaphore, #tpu.memory_space<semaphore_mem>>) src(%dma_wait3A_24 : memref<2000xi32, #tpu.memory_space<hbm>>) dst(%arg5 : memref<2000xi32, #tpu.memory_space<vmem>>)
          tpu.yield
        }) : () -> ()
        %dma_start3A = arith.constant 0 : i32
        %dma_start3A_16 = arith.constant 0 : i32
        %dma_start3A_17 = tpu.memref_slice %arg2[%dma_start3A, %dma_start3A_16] : memref<10000x16xf32, #tpu.memory_space<hbm>> -> memref<10000x16xf32, #tpu.memory_space<hbm>>
        tpu.enqueue_indirect_dma source(%dma_start3A_17 : memref<10000x16xf32, #tpu.memory_space<hbm>>) target(%arg6 : memref<2000x16xf32, #tpu.memory_space<vmem>>) offsets(%arg5 : memref<2000xi32, #tpu.memory_space<vmem>>) semaphore(%arg7 : memref<!tpu.dma_semaphore, #tpu.memory_space<semaphore_mem>>)
        %dma_wait3A = arith.constant 0 : i32
        %dma_wait3A_18 = arith.constant 0 : i32
        %dma_wait3A_19 = tpu.memref_slice %arg2[%dma_wait3A, %dma_wait3A_18] : memref<10000x16xf32, #tpu.memory_space<hbm>> -> memref<10000x16xf32, #tpu.memory_space<hbm>>
        tpu.wait_indirect_dma semaphore(%arg7 : memref<!tpu.dma_semaphore, #tpu.memory_space<semaphore_mem>>) src(%dma_wait3A_19 : memref<10000x16xf32, #tpu.memory_space<hbm>>) dst(%arg6 : memref<2000x16xf32, #tpu.memory_space<vmem>>)
        %sub3A = arith.constant 0 : i32
        %sub3A_20 = arith.subi %add3A_15, %sub3A : i32
        "tpu.region"() ({
          %run_scoped3A = tpu.sem_alloc : memref<!tpu.dma_semaphore, #tpu.memory_space<semaphore_mem>>
          %dma_start3A_21 = arith.constant 0 : i32
          %dma_start3A_22 = tpu.memref_slice %arg4[%sub3A_20, %dma_start3A_21] : memref<160000x16xf32, #tpu.memory_space<hbm>> -> memref<2000x16xf32, #tpu.memory_space<hbm>>
          %dma_start3A_23 = arith.constant 0 : i32
          %dma_start3A_24 = tpu.memref_slice %arg4[%sub3A_20, %dma_start3A_23] : memref<160000x16xf32, #tpu.memory_space<hbm>> -> memref<2000x16xf32, #tpu.memory_space<hbm>>
          tpu.enqueue_dma source(%arg6 : memref<2000x16xf32, #tpu.memory_space<vmem>>) target(%dma_start3A_24 : memref<2000x16xf32, #tpu.memory_space<hbm>>) target_semaphore(%run_scoped3A : memref<!tpu.dma_semaphore, #tpu.memory_space<semaphore_mem>>)
          %dma_wait3A_25 = arith.constant 0 : i32
          %dma_wait3A_26 = tpu.memref_slice %arg4[%sub3A_20, %dma_wait3A_25] : memref<160000x16xf32, #tpu.memory_space<hbm>> -> memref<2000x16xf32, #tpu.memory_space<hbm>>
          %dma_wait3A_27 = arith.constant 0 : i32
          %dma_wait3A_28 = tpu.memref_slice %arg4[%sub3A_20, %dma_wait3A_27] : memref<160000x16xf32, #tpu.memory_space<hbm>> -> memref<2000x16xf32, #tpu.memory_space<hbm>>
          tpu.wait_dma2 semaphore(%run_scoped3A : memref<!tpu.dma_semaphore, #tpu.memory_space<semaphore_mem>>) src(%arg6 : memref<2000x16xf32, #tpu.memory_space<vmem>>) dst(%dma_wait3A_28 : memref<2000x16xf32, #tpu.memory_space<hbm>>)
          tpu.yield
        }) : () -> ()
      } else {
      }
    }
    %scan3A_5 = arith.constant 3 : i32
    return
  }
}

#map = affine_map<(d0, d1) -> (0, 0)>
#map1 = affine_map<(d0, d1) -> (0)>
module attributes {stable_mosaic.version = 14 : i64} {
  func.func @body_fn(%arg0: i32, %arg1: i32, %arg2: memref<10000x16xf32, #tpu.memory_space<hbm>>, %arg3: memref<320000xi32, #tpu.memory_space<hbm>>, %arg4: memref<160000x16xf32, #tpu.memory_space<hbm>>, %arg5: memref<2000xi32, #tpu.memory_space<vmem>>, %arg6: memref<2000x16xf32, #tpu.memory_space<vmem>>, %arg7: memref<!tpu.dma_semaphore, #tpu.memory_space<semaphore_mem>>) attributes {dimension_semantics = [#tpu.dimension_semantics<core_parallel>, #tpu.dimension_semantics<subcore_parallel>], iteration_bounds = array<i64: 2, 16>, scalar_prefetch = 0 : i64, scratch_operands = 3 : i64, tpu.core_type = #tpu.core_type<sc_vector_subcore>, window_params = [{transform_indices = #map}, {transform_indices = #map1}, {transform_indices = #map}]} {
    %mul3A = arith.constant 2 : i32
    %mul3A_0 = arith.muli %arg1, %mul3A : i32
    %add3A = arith.addi %mul3A_0, %arg0 : i32
    %scan3A = arith.constant 0 : i32
    %scan3A_1 = arith.constant 0 : i32
    %scan3A_2 = arith.constant 3 : i32
    %scan3A_3 = arith.addi %scan3A_1, %scan3A_2 : i32
    %scan3A_4 = arith.constant 1 : i32
    scf.for %scan3A_6 = %scan3A_1 to %scan3A_3 step %scan3A_4  : i32 {
      %mul3A_7 = arith.constant 32 : i32
      %mul3A_8 = arith.muli %scan3A_6, %mul3A_7 : i32
      %add3A_9 = arith.addi %mul3A_8, %add3A : i32
      %lt3A = arith.constant 80 : i32
      %lt3A_10 = arith.cmpi slt, %add3A_9, %lt3A : i32
      %convert_element_type3A = arith.extui %lt3A_10 : i1 to i32
      %cond3A = arith.constant 0 : i32
      %cond3A_11 = arith.cmpi ne, %convert_element_type3A, %cond3A : i32
      scf.if %cond3A_11 {
        %mul3A_12 = arith.constant 2000 : i32
        %mul3A_13 = arith.muli %add3A_9, %mul3A_12 : i32
        %add3A_14 = arith.constant 160000 : i32
        %add3A_15 = arith.addi %add3A_14, %mul3A_13 : i32
        "tpu.region"() ({
          %run_scoped3A = tpu.sem_alloc : memref<!tpu.dma_semaphore, #tpu.memory_space<semaphore_mem>>
          %dma_start3A_21 = tpu.memref_slice %arg3[%add3A_15] : memref<320000xi32, #tpu.memory_space<hbm>> -> memref<2000xi32, #tpu.memory_space<hbm>>
          %dma_start3A_22 = tpu.memref_slice %arg3[%add3A_15] : memref<320000xi32, #tpu.memory_space<hbm>> -> memref<2000xi32, #tpu.memory_space<hbm>>
          tpu.enqueue_dma source(%dma_start3A_22 : memref<2000xi32, #tpu.memory_space<hbm>>) target(%arg5 : memref<2000xi32, #tpu.memory_space<vmem>>) target_semaphore(%run_scoped3A : memref<!tpu.dma_semaphore, #tpu.memory_space<semaphore_mem>>)
          %dma_wait3A_23 = tpu.memref_slice %arg3[%add3A_15] : memref<320000xi32, #tpu.memory_space<hbm>> -> memref<2000xi32, #tpu.memory_space<hbm>>
          %dma_wait3A_24 = tpu.memref_slice %arg3[%add3A_15] : memref<320000xi32, #tpu.memory_space<hbm>> -> memref<2000xi32, #tpu.memory_space<hbm>>
          tpu.wait_dma2 semaphore(%run_scoped3A : memref<!tpu.dma_semaphore, #tpu.memory_space<semaphore_mem>>) src(%dma_wait3A_24 : memref<2000xi32, #tpu.memory_space<hbm>>) dst(%arg5 : memref<2000xi32, #tpu.memory_space<vmem>>)
          tpu.yield
        }) : () -> ()
        %dma_start3A = arith.constant 0 : i32
        %dma_start3A_16 = arith.constant 0 : i32
        %dma_start3A_17 = tpu.memref_slice %arg2[%dma_start3A, %dma_start3A_16] : memref<10000x16xf32, #tpu.memory_space<hbm>> -> memref<10000x16xf32, #tpu.memory_space<hbm>>
        tpu.enqueue_indirect_dma source(%dma_start3A_17 : memref<10000x16xf32, #tpu.memory_space<hbm>>) target(%arg6 : memref<2000x16xf32, #tpu.memory_space<vmem>>) offsets(%arg5 : memref<2000xi32, #tpu.memory_space<vmem>>) semaphore(%arg7 : memref<!tpu.dma_semaphore, #tpu.memory_space<semaphore_mem>>)
        %dma_wait3A = arith.constant 0 : i32
        %dma_wait3A_18 = arith.constant 0 : i32
        %dma_wait3A_19 = tpu.memref_slice %arg2[%dma_wait3A, %dma_wait3A_18] : memref<10000x16xf32, #tpu.memory_space<hbm>> -> memref<10000x16xf32, #tpu.memory_space<hbm>>
        tpu.wait_indirect_dma semaphore(%arg7 : memref<!tpu.dma_semaphore, #tpu.memory_space<semaphore_mem>>) src(%dma_wait3A_19 : memref<10000x16xf32, #tpu.memory_space<hbm>>) dst(%arg6 : memref<2000x16xf32, #tpu.memory_space<vmem>>)
        %sub3A = arith.constant 160000 : i32
        %sub3A_20 = arith.subi %add3A_15, %sub3A : i32
        "tpu.region"() ({
          %run_scoped3A = tpu.sem_alloc : memref<!tpu.dma_semaphore, #tpu.memory_space<semaphore_mem>>
          %dma_start3A_21 = arith.constant 0 : i32
          %dma_start3A_22 = tpu.memref_slice %arg4[%sub3A_20, %dma_start3A_21] : memref<160000x16xf32, #tpu.memory_space<hbm>> -> memref<2000x16xf32, #tpu.memory_space<hbm>>
          %dma_start3A_23 = arith.constant 0 : i32
          %dma_start3A_24 = tpu.memref_slice %arg4[%sub3A_20, %dma_start3A_23] : memref<160000x16xf32, #tpu.memory_space<hbm>> -> memref<2000x16xf32, #tpu.memory_space<hbm>>
          tpu.enqueue_dma source(%arg6 : memref<2000x16xf32, #tpu.memory_space<vmem>>) target(%dma_start3A_24 : memref<2000x16xf32, #tpu.memory_space<hbm>>) target_semaphore(%run_scoped3A : memref<!tpu.dma_semaphore, #tpu.memory_space<semaphore_mem>>)
          %dma_wait3A_25 = arith.constant 0 : i32
          %dma_wait3A_26 = tpu.memref_slice %arg4[%sub3A_20, %dma_wait3A_25] : memref<160000x16xf32, #tpu.memory_space<hbm>> -> memref<2000x16xf32, #tpu.memory_space<hbm>>
          %dma_wait3A_27 = arith.constant 0 : i32
          %dma_wait3A_28 = tpu.memref_slice %arg4[%sub3A_20, %dma_wait3A_27] : memref<160000x16xf32, #tpu.memory_space<hbm>> -> memref<2000x16xf32, #tpu.memory_space<hbm>>
          tpu.wait_dma2 semaphore(%run_scoped3A : memref<!tpu.dma_semaphore, #tpu.memory_space<semaphore_mem>>) src(%arg6 : memref<2000x16xf32, #tpu.memory_space<vmem>>) dst(%dma_wait3A_28 : memref<2000x16xf32, #tpu.memory_space<hbm>>)
          tpu.yield
        }) : () -> ()
      } else {
      }
    }
    %scan3A_5 = arith.constant 3 : i32
    return
  }
}

#map = affine_map<(d0, d1) -> (0, 0)>
#map1 = affine_map<(d0, d1) -> (0)>
#map2 = affine_map<(d0, d1) -> (0, 0, 0)>
module attributes {stable_mosaic.version = 14 : i64} {
  func.func @body_fn(%arg0: i32, %arg1: i32, %arg2: memref<160000x16xf32, #tpu.memory_space<hbm>>, %arg3: memref<320000xi32, #tpu.memory_space<hbm>>, %arg4: memref<10000x16xf32, #tpu.memory_space<hbm>>, %arg5: memref<2x10000x16xf32, #tpu.memory_space<hbm>>, %arg6: memref<2000xi32, #tpu.memory_space<vmem>>, %arg7: memref<2000x16xf32, #tpu.memory_space<vmem>>, %arg8: memref<10000x16xf32, #tpu.memory_space<vmem_shared>>, %arg9: memref<!tpu.dma_semaphore, #tpu.memory_space<semaphore_mem>>) attributes {dimension_semantics = [#tpu.dimension_semantics<core_parallel>, #tpu.dimension_semantics<subcore_parallel>], iteration_bounds = array<i64: 2, 16>, scalar_prefetch = 0 : i64, scratch_operands = 4 : i64, tpu.core_type = #tpu.core_type<sc_vector_subcore>, window_params = [{transform_indices = #map}, {transform_indices = #map1}, {transform_indices = #map}, {transform_indices = #map2}]} {
    %eq3A = arith.constant 0 : i32
    %eq3A_0 = arith.cmpi eq, %arg1, %eq3A : i32
    %convert_element_type3A = arith.extui %eq3A_0 : i1 to i32
    %cond3A = arith.constant 0 : i32
    %cond3A_1 = arith.cmpi ne, %convert_element_type3A, %cond3A : i32
    scf.if %cond3A_1 {
      "tpu.region"() ({
        %run_scoped3A = tpu.sem_alloc : memref<!tpu.dma_semaphore, #tpu.memory_space<semaphore_mem>>
        tpu.enqueue_dma source(%arg4 : memref<10000x16xf32, #tpu.memory_space<hbm>>) target(%arg8 : memref<10000x16xf32, #tpu.memory_space<vmem_shared>>) target_semaphore(%run_scoped3A : memref<!tpu.dma_semaphore, #tpu.memory_space<semaphore_mem>>)
        tpu.wait_dma2 semaphore(%run_scoped3A : memref<!tpu.dma_semaphore, #tpu.memory_space<semaphore_mem>>) src(%arg4 : memref<10000x16xf32, #tpu.memory_space<hbm>>) dst(%arg8 : memref<10000x16xf32, #tpu.memory_space<vmem_shared>>)
        tpu.yield
      }) : () -> ()
    } else {
    }
    %barrier3A = arith.constant 0 : index
    tpu.barrier barrier_id(%barrier3A)
    %scan3A = arith.constant 0 : i32
    %scan3A_2 = arith.constant 0 : i32
    %scan3A_3 = arith.constant 3 : i32
    %scan3A_4 = arith.addi %scan3A_2, %scan3A_3 : i32
    %scan3A_5 = arith.constant 1 : i32
    scf.for %scan3A_11 = %scan3A_2 to %scan3A_4 step %scan3A_5  : i32 {
      %mul3A_12 = arith.constant 16 : i32
      %mul3A_13 = arith.muli %scan3A_11, %mul3A_12 : i32
      %add3A = arith.addi %mul3A_13, %arg1 : i32
      %lt3A = arith.constant 40 : i32
      %lt3A_14 = arith.cmpi slt, %add3A, %lt3A : i32
      %convert_element_type3A_15 = arith.extui %lt3A_14 : i1 to i32
      %cond3A_16 = arith.constant 0 : i32
      %cond3A_17 = arith.cmpi ne, %convert_element_type3A_15, %cond3A_16 : i32
      scf.if %cond3A_17 {
        %mul3A_18 = arith.constant 80000 : i32
        %mul3A_19 = arith.muli %arg0, %mul3A_18 : i32
        %mul3A_20 = arith.constant 2000 : i32
        %mul3A_21 = arith.muli %add3A, %mul3A_20 : i32
        %add3A_22 = arith.addi %mul3A_19, %mul3A_21 : i32
        %add3A_23 = arith.constant 160000 : i32
        %add3A_24 = arith.addi %add3A_23, %add3A_22 : i32
        "tpu.region"() ({
          %run_scoped3A = tpu.sem_alloc : memref<!tpu.dma_semaphore, #tpu.memory_space<semaphore_mem>>
          %dma_start3A = tpu.memref_slice %arg3[%add3A_24] : memref<320000xi32, #tpu.memory_space<hbm>> -> memref<2000xi32, #tpu.memory_space<hbm>>
          %dma_start3A_25 = tpu.memref_slice %arg3[%add3A_24] : memref<320000xi32, #tpu.memory_space<hbm>> -> memref<2000xi32, #tpu.memory_space<hbm>>
          tpu.enqueue_dma source(%dma_start3A_25 : memref<2000xi32, #tpu.memory_space<hbm>>) target(%arg6 : memref<2000xi32, #tpu.memory_space<vmem>>) target_semaphore(%run_scoped3A : memref<!tpu.dma_semaphore, #tpu.memory_space<semaphore_mem>>)
          %dma_wait3A = tpu.memref_slice %arg3[%add3A_24] : memref<320000xi32, #tpu.memory_space<hbm>> -> memref<2000xi32, #tpu.memory_space<hbm>>
          %dma_wait3A_26 = tpu.memref_slice %arg3[%add3A_24] : memref<320000xi32, #tpu.memory_space<hbm>> -> memref<2000xi32, #tpu.memory_space<hbm>>
          tpu.wait_dma2 semaphore(%run_scoped3A : memref<!tpu.dma_semaphore, #tpu.memory_space<semaphore_mem>>) src(%dma_wait3A_26 : memref<2000xi32, #tpu.memory_space<hbm>>) dst(%arg6 : memref<2000xi32, #tpu.memory_space<vmem>>)
          tpu.yield
        }) : () -> ()
        "tpu.region"() ({
          %run_scoped3A = tpu.sem_alloc : memref<!tpu.dma_semaphore, #tpu.memory_space<semaphore_mem>>
          %dma_start3A = arith.constant 0 : i32
          %dma_start3A_25 = tpu.memref_slice %arg2[%add3A_22, %dma_start3A] : memref<160000x16xf32, #tpu.memory_space<hbm>> -> memref<2000x16xf32, #tpu.memory_space<hbm>>
          %dma_start3A_26 = arith.constant 0 : i32
          %dma_start3A_27 = tpu.memref_slice %arg2[%add3A_22, %dma_start3A_26] : memref<160000x16xf32, #tpu.memory_space<hbm>> -> memref<2000x16xf32, #tpu.memory_space<hbm>>
          tpu.enqueue_dma source(%dma_start3A_27 : memref<2000x16xf32, #tpu.memory_space<hbm>>) target(%arg7 : memref<2000x16xf32, #tpu.memory_space<vmem>>) target_semaphore(%run_scoped3A : memref<!tpu.dma_semaphore, #tpu.memory_space<semaphore_mem>>)
          %dma_wait3A = arith.constant 0 : i32
          %dma_wait3A_28 = tpu.memref_slice %arg2[%add3A_22, %dma_wait3A] : memref<160000x16xf32, #tpu.memory_space<hbm>> -> memref<2000x16xf32, #tpu.memory_space<hbm>>
          %dma_wait3A_29 = arith.constant 0 : i32
          %dma_wait3A_30 = tpu.memref_slice %arg2[%add3A_22, %dma_wait3A_29] : memref<160000x16xf32, #tpu.memory_space<hbm>> -> memref<2000x16xf32, #tpu.memory_space<hbm>>
          tpu.wait_dma2 semaphore(%run_scoped3A : memref<!tpu.dma_semaphore, #tpu.memory_space<semaphore_mem>>) src(%dma_wait3A_30 : memref<2000x16xf32, #tpu.memory_space<hbm>>) dst(%arg7 : memref<2000x16xf32, #tpu.memory_space<vmem>>)
          tpu.yield
        }) : () -> ()
        "tpu.region"() ({
          %run_scoped3A = tpu.sem_alloc : memref<!tpu.dma_semaphore, #tpu.memory_space<semaphore_mem>>
          %dma_start3A = arith.constant 0 : i32
          %dma_start3A_25 = arith.constant 0 : i32
          %dma_start3A_26 = tpu.memref_slice %arg8[%dma_start3A, %dma_start3A_25] : memref<10000x16xf32, #tpu.memory_space<vmem_shared>> -> memref<10000x16xf32, #tpu.memory_space<vmem_shared>>
          tpu.enqueue_indirect_dma source(%arg7 : memref<2000x16xf32, #tpu.memory_space<vmem>>) target(%dma_start3A_26 : memref<10000x16xf32, #tpu.memory_space<vmem_shared>>) offsets(%arg6 : memref<2000xi32, #tpu.memory_space<vmem>>) semaphore(%run_scoped3A : memref<!tpu.dma_semaphore, #tpu.memory_space<semaphore_mem>>) {add = true}
          %dma_wait3A = arith.constant 0 : i32
          %dma_wait3A_27 = arith.constant 0 : i32
          %dma_wait3A_28 = tpu.memref_slice %arg8[%dma_wait3A, %dma_wait3A_27] : memref<10000x16xf32, #tpu.memory_space<vmem_shared>> -> memref<10000x16xf32, #tpu.memory_space<vmem_shared>>
          tpu.wait_indirect_dma semaphore(%run_scoped3A : memref<!tpu.dma_semaphore, #tpu.memory_space<semaphore_mem>>) src(%arg7 : memref<2000x16xf32, #tpu.memory_space<vmem>>) dst(%dma_wait3A_28 : memref<10000x16xf32, #tpu.memory_space<vmem_shared>>)
          tpu.yield
        }) : () -> ()
      } else {
      }
    }
    %scan3A_6 = arith.constant 3 : i32
    %barrier3A_7 = arith.constant 0 : index
    tpu.barrier barrier_id(%barrier3A_7)
    %mul3A = arith.constant 625 : i32
    %mul3A_8 = arith.muli %arg1, %mul3A : i32
    %mul3A_9 = arith.constant 625 : i32
    %mul3A_10 = arith.muli %arg1, %mul3A_9 : i32
    "tpu.region"() ({
      %run_scoped3A = tpu.sem_alloc : memref<!tpu.dma_semaphore, #tpu.memory_space<semaphore_mem>>
      %dma_start3A = arith.constant 0 : i32
      %dma_start3A_11 = arith.constant 0 : i32
      %dma_start3A_12 = tpu.memref_slice %arg5[%arg0, %dma_start3A, %dma_start3A_11] : memref<2x10000x16xf32, #tpu.memory_space<hbm>> -> memref<1x10000x16xf32, #tpu.memory_space<hbm>>
      %dma_start3A_13 = tpu.memref_squeeze %dma_start3A_12 : memref<1x10000x16xf32, #tpu.memory_space<hbm>> -> memref<10000x16xf32, #tpu.memory_space<hbm>>
      %dma_start3A_14 = arith.constant 0 : i32
      %dma_start3A_15 = tpu.memref_slice %dma_start3A_13[%mul3A_10, %dma_start3A_14] : memref<10000x16xf32, #tpu.memory_space<hbm>> -> memref<625x16xf32, #tpu.memory_space<hbm>>
      %dma_start3A_16 = arith.constant 0 : i32
      %dma_start3A_17 = tpu.memref_slice %arg8[%mul3A_8, %dma_start3A_16] : memref<10000x16xf32, #tpu.memory_space<vmem_shared>> -> memref<625x16xf32, #tpu.memory_space<vmem_shared>>
      tpu.enqueue_dma source(%dma_start3A_17 : memref<625x16xf32, #tpu.memory_space<vmem_shared>>) target(%dma_start3A_15 : memref<625x16xf32, #tpu.memory_space<hbm>>) target_semaphore(%run_scoped3A : memref<!tpu.dma_semaphore, #tpu.memory_space<semaphore_mem>>)
      %dma_wait3A = arith.constant 0 : i32
      %dma_wait3A_18 = arith.constant 0 : i32
      %dma_wait3A_19 = tpu.memref_slice %arg5[%arg0, %dma_wait3A, %dma_wait3A_18] : memref<2x10000x16xf32, #tpu.memory_space<hbm>> -> memref<1x10000x16xf32, #tpu.memory_space<hbm>>
      %dma_wait3A_20 = tpu.memref_squeeze %dma_wait3A_19 : memref<1x10000x16xf32, #tpu.memory_space<hbm>> -> memref<10000x16xf32, #tpu.memory_space<hbm>>
      %dma_wait3A_21 = arith.constant 0 : i32
      %dma_wait3A_22 = tpu.memref_slice %dma_wait3A_20[%mul3A_10, %dma_wait3A_21] : memref<10000x16xf32, #tpu.memory_space<hbm>> -> memref<625x16xf32, #tpu.memory_space<hbm>>
      %dma_wait3A_23 = arith.constant 0 : i32
      %dma_wait3A_24 = tpu.memref_slice %arg8[%mul3A_8, %dma_wait3A_23] : memref<10000x16xf32, #tpu.memory_space<vmem_shared>> -> memref<625x16xf32, #tpu.memory_space<vmem_shared>>
      tpu.wait_dma2 semaphore(%run_scoped3A : memref<!tpu.dma_semaphore, #tpu.memory_space<semaphore_mem>>) src(%dma_wait3A_24 : memref<625x16xf32, #tpu.memory_space<vmem_shared>>) dst(%dma_wait3A_22 : memref<625x16xf32, #tpu.memory_space<hbm>>)
      tpu.yield
    }) : () -> ()
    return
  }
}

#map = affine_map<(d0, d1) -> (0, 0)>
#map1 = affine_map<(d0, d1) -> (0)>
#map2 = affine_map<(d0, d1) -> (0, 0, 0)>
module attributes {stable_mosaic.version = 14 : i64} {
  func.func @body_fn(%arg0: i32, %arg1: i32, %arg2: memref<160000x16xf32, #tpu.memory_space<hbm>>, %arg3: memref<320000xi32, #tpu.memory_space<hbm>>, %arg4: memref<10000x16xf32, #tpu.memory_space<hbm>>, %arg5: memref<2x10000x16xf32, #tpu.memory_space<hbm>>, %arg6: memref<2000xi32, #tpu.memory_space<vmem>>, %arg7: memref<2000x16xf32, #tpu.memory_space<vmem>>, %arg8: memref<10000x16xf32, #tpu.memory_space<vmem_shared>>, %arg9: memref<!tpu.dma_semaphore, #tpu.memory_space<semaphore_mem>>) attributes {dimension_semantics = [#tpu.dimension_semantics<core_parallel>, #tpu.dimension_semantics<subcore_parallel>], iteration_bounds = array<i64: 2, 16>, scalar_prefetch = 0 : i64, scratch_operands = 4 : i64, tpu.core_type = #tpu.core_type<sc_vector_subcore>, window_params = [{transform_indices = #map}, {transform_indices = #map1}, {transform_indices = #map}, {transform_indices = #map2}]} {
    %eq3A = arith.constant 0 : i32
    %eq3A_0 = arith.cmpi eq, %arg1, %eq3A : i32
    %convert_element_type3A = arith.extui %eq3A_0 : i1 to i32
    %cond3A = arith.constant 0 : i32
    %cond3A_1 = arith.cmpi ne, %convert_element_type3A, %cond3A : i32
    scf.if %cond3A_1 {
      "tpu.region"() ({
        %run_scoped3A = tpu.sem_alloc : memref<!tpu.dma_semaphore, #tpu.memory_space<semaphore_mem>>
        tpu.enqueue_dma source(%arg4 : memref<10000x16xf32, #tpu.memory_space<hbm>>) target(%arg8 : memref<10000x16xf32, #tpu.memory_space<vmem_shared>>) target_semaphore(%run_scoped3A : memref<!tpu.dma_semaphore, #tpu.memory_space<semaphore_mem>>)
        tpu.wait_dma2 semaphore(%run_scoped3A : memref<!tpu.dma_semaphore, #tpu.memory_space<semaphore_mem>>) src(%arg4 : memref<10000x16xf32, #tpu.memory_space<hbm>>) dst(%arg8 : memref<10000x16xf32, #tpu.memory_space<vmem_shared>>)
        tpu.yield
      }) : () -> ()
    } else {
    }
    %barrier3A = arith.constant 0 : index
    tpu.barrier barrier_id(%barrier3A)
    %scan3A = arith.constant 0 : i32
    %scan3A_2 = arith.constant 0 : i32
    %scan3A_3 = arith.constant 3 : i32
    %scan3A_4 = arith.addi %scan3A_2, %scan3A_3 : i32
    %scan3A_5 = arith.constant 1 : i32
    scf.for %scan3A_11 = %scan3A_2 to %scan3A_4 step %scan3A_5  : i32 {
      %mul3A_12 = arith.constant 16 : i32
      %mul3A_13 = arith.muli %scan3A_11, %mul3A_12 : i32
      %add3A = arith.addi %mul3A_13, %arg1 : i32
      %lt3A = arith.constant 40 : i32
      %lt3A_14 = arith.cmpi slt, %add3A, %lt3A : i32
      %convert_element_type3A_15 = arith.extui %lt3A_14 : i1 to i32
      %cond3A_16 = arith.constant 0 : i32
      %cond3A_17 = arith.cmpi ne, %convert_element_type3A_15, %cond3A_16 : i32
      scf.if %cond3A_17 {
        %mul3A_18 = arith.constant 80000 : i32
        %mul3A_19 = arith.muli %arg0, %mul3A_18 : i32
        %mul3A_20 = arith.constant 2000 : i32
        %mul3A_21 = arith.muli %add3A, %mul3A_20 : i32
        %add3A_22 = arith.addi %mul3A_19, %mul3A_21 : i32
        %add3A_23 = arith.constant 0 : i32
        %add3A_24 = arith.addi %add3A_23, %add3A_22 : i32
        "tpu.region"() ({
          %run_scoped3A = tpu.sem_alloc : memref<!tpu.dma_semaphore, #tpu.memory_space<semaphore_mem>>
          %dma_start3A = tpu.memref_slice %arg3[%add3A_24] : memref<320000xi32, #tpu.memory_space<hbm>> -> memref<2000xi32, #tpu.memory_space<hbm>>
          %dma_start3A_25 = tpu.memref_slice %arg3[%add3A_24] : memref<320000xi32, #tpu.memory_space<hbm>> -> memref<2000xi32, #tpu.memory_space<hbm>>
          tpu.enqueue_dma source(%dma_start3A_25 : memref<2000xi32, #tpu.memory_space<hbm>>) target(%arg6 : memref<2000xi32, #tpu.memory_space<vmem>>) target_semaphore(%run_scoped3A : memref<!tpu.dma_semaphore, #tpu.memory_space<semaphore_mem>>)
          %dma_wait3A = tpu.memref_slice %arg3[%add3A_24] : memref<320000xi32, #tpu.memory_space<hbm>> -> memref<2000xi32, #tpu.memory_space<hbm>>
          %dma_wait3A_26 = tpu.memref_slice %arg3[%add3A_24] : memref<320000xi32, #tpu.memory_space<hbm>> -> memref<2000xi32, #tpu.memory_space<hbm>>
          tpu.wait_dma2 semaphore(%run_scoped3A : memref<!tpu.dma_semaphore, #tpu.memory_space<semaphore_mem>>) src(%dma_wait3A_26 : memref<2000xi32, #tpu.memory_space<hbm>>) dst(%arg6 : memref<2000xi32, #tpu.memory_space<vmem>>)
          tpu.yield
        }) : () -> ()
        "tpu.region"() ({
          %run_scoped3A = tpu.sem_alloc : memref<!tpu.dma_semaphore, #tpu.memory_space<semaphore_mem>>
          %dma_start3A = arith.constant 0 : i32
          %dma_start3A_25 = tpu.memref_slice %arg2[%add3A_22, %dma_start3A] : memref<160000x16xf32, #tpu.memory_space<hbm>> -> memref<2000x16xf32, #tpu.memory_space<hbm>>
          %dma_start3A_26 = arith.constant 0 : i32
          %dma_start3A_27 = tpu.memref_slice %arg2[%add3A_22, %dma_start3A_26] : memref<160000x16xf32, #tpu.memory_space<hbm>> -> memref<2000x16xf32, #tpu.memory_space<hbm>>
          tpu.enqueue_dma source(%dma_start3A_27 : memref<2000x16xf32, #tpu.memory_space<hbm>>) target(%arg7 : memref<2000x16xf32, #tpu.memory_space<vmem>>) target_semaphore(%run_scoped3A : memref<!tpu.dma_semaphore, #tpu.memory_space<semaphore_mem>>)
          %dma_wait3A = arith.constant 0 : i32
          %dma_wait3A_28 = tpu.memref_slice %arg2[%add3A_22, %dma_wait3A] : memref<160000x16xf32, #tpu.memory_space<hbm>> -> memref<2000x16xf32, #tpu.memory_space<hbm>>
          %dma_wait3A_29 = arith.constant 0 : i32
          %dma_wait3A_30 = tpu.memref_slice %arg2[%add3A_22, %dma_wait3A_29] : memref<160000x16xf32, #tpu.memory_space<hbm>> -> memref<2000x16xf32, #tpu.memory_space<hbm>>
          tpu.wait_dma2 semaphore(%run_scoped3A : memref<!tpu.dma_semaphore, #tpu.memory_space<semaphore_mem>>) src(%dma_wait3A_30 : memref<2000x16xf32, #tpu.memory_space<hbm>>) dst(%arg7 : memref<2000x16xf32, #tpu.memory_space<vmem>>)
          tpu.yield
        }) : () -> ()
        "tpu.region"() ({
          %run_scoped3A = tpu.sem_alloc : memref<!tpu.dma_semaphore, #tpu.memory_space<semaphore_mem>>
          %dma_start3A = arith.constant 0 : i32
          %dma_start3A_25 = arith.constant 0 : i32
          %dma_start3A_26 = tpu.memref_slice %arg8[%dma_start3A, %dma_start3A_25] : memref<10000x16xf32, #tpu.memory_space<vmem_shared>> -> memref<10000x16xf32, #tpu.memory_space<vmem_shared>>
          tpu.enqueue_indirect_dma source(%arg7 : memref<2000x16xf32, #tpu.memory_space<vmem>>) target(%dma_start3A_26 : memref<10000x16xf32, #tpu.memory_space<vmem_shared>>) offsets(%arg6 : memref<2000xi32, #tpu.memory_space<vmem>>) semaphore(%run_scoped3A : memref<!tpu.dma_semaphore, #tpu.memory_space<semaphore_mem>>) {add = true}
          %dma_wait3A = arith.constant 0 : i32
          %dma_wait3A_27 = arith.constant 0 : i32
          %dma_wait3A_28 = tpu.memref_slice %arg8[%dma_wait3A, %dma_wait3A_27] : memref<10000x16xf32, #tpu.memory_space<vmem_shared>> -> memref<10000x16xf32, #tpu.memory_space<vmem_shared>>
          tpu.wait_indirect_dma semaphore(%run_scoped3A : memref<!tpu.dma_semaphore, #tpu.memory_space<semaphore_mem>>) src(%arg7 : memref<2000x16xf32, #tpu.memory_space<vmem>>) dst(%dma_wait3A_28 : memref<10000x16xf32, #tpu.memory_space<vmem_shared>>)
          tpu.yield
        }) : () -> ()
      } else {
      }
    }
    %scan3A_6 = arith.constant 3 : i32
    %barrier3A_7 = arith.constant 0 : index
    tpu.barrier barrier_id(%barrier3A_7)
    %mul3A = arith.constant 625 : i32
    %mul3A_8 = arith.muli %arg1, %mul3A : i32
    %mul3A_9 = arith.constant 625 : i32
    %mul3A_10 = arith.muli %arg1, %mul3A_9 : i32
    "tpu.region"() ({
      %run_scoped3A = tpu.sem_alloc : memref<!tpu.dma_semaphore, #tpu.memory_space<semaphore_mem>>
      %dma_start3A = arith.constant 0 : i32
      %dma_start3A_11 = arith.constant 0 : i32
      %dma_start3A_12 = tpu.memref_slice %arg5[%arg0, %dma_start3A, %dma_start3A_11] : memref<2x10000x16xf32, #tpu.memory_space<hbm>> -> memref<1x10000x16xf32, #tpu.memory_space<hbm>>
      %dma_start3A_13 = tpu.memref_squeeze %dma_start3A_12 : memref<1x10000x16xf32, #tpu.memory_space<hbm>> -> memref<10000x16xf32, #tpu.memory_space<hbm>>
      %dma_start3A_14 = arith.constant 0 : i32
      %dma_start3A_15 = tpu.memref_slice %dma_start3A_13[%mul3A_10, %dma_start3A_14] : memref<10000x16xf32, #tpu.memory_space<hbm>> -> memref<625x16xf32, #tpu.memory_space<hbm>>
      %dma_start3A_16 = arith.constant 0 : i32
      %dma_start3A_17 = tpu.memref_slice %arg8[%mul3A_8, %dma_start3A_16] : memref<10000x16xf32, #tpu.memory_space<vmem_shared>> -> memref<625x16xf32, #tpu.memory_space<vmem_shared>>
      tpu.enqueue_dma source(%dma_start3A_17 : memref<625x16xf32, #tpu.memory_space<vmem_shared>>) target(%dma_start3A_15 : memref<625x16xf32, #tpu.memory_space<hbm>>) target_semaphore(%run_scoped3A : memref<!tpu.dma_semaphore, #tpu.memory_space<semaphore_mem>>)
      %dma_wait3A = arith.constant 0 : i32
      %dma_wait3A_18 = arith.constant 0 : i32
      %dma_wait3A_19 = tpu.memref_slice %arg5[%arg0, %dma_wait3A, %dma_wait3A_18] : memref<2x10000x16xf32, #tpu.memory_space<hbm>> -> memref<1x10000x16xf32, #tpu.memory_space<hbm>>
      %dma_wait3A_20 = tpu.memref_squeeze %dma_wait3A_19 : memref<1x10000x16xf32, #tpu.memory_space<hbm>> -> memref<10000x16xf32, #tpu.memory_space<hbm>>
      %dma_wait3A_21 = arith.constant 0 : i32
      %dma_wait3A_22 = tpu.memref_slice %dma_wait3A_20[%mul3A_10, %dma_wait3A_21] : memref<10000x16xf32, #tpu.memory_space<hbm>> -> memref<625x16xf32, #tpu.memory_space<hbm>>
      %dma_wait3A_23 = arith.constant 0 : i32
      %dma_wait3A_24 = tpu.memref_slice %arg8[%mul3A_8, %dma_wait3A_23] : memref<10000x16xf32, #tpu.memory_space<vmem_shared>> -> memref<625x16xf32, #tpu.memory_space<vmem_shared>>
      tpu.wait_dma2 semaphore(%run_scoped3A : memref<!tpu.dma_semaphore, #tpu.memory_space<semaphore_mem>>) src(%dma_wait3A_24 : memref<625x16xf32, #tpu.memory_space<vmem_shared>>) dst(%dma_wait3A_22 : memref<625x16xf32, #tpu.memory_space<hbm>>)
      tpu.yield
    }) : () -> ()
    return
  }
}

module attributes {stable_mosaic.version = 14 : i64} {
  func.func @_h0_body(%arg0: memref<10000x128xf32, #tpu.memory_space<vmem>>, %arg1: memref<128x16xf32, #tpu.memory_space<vmem>>, %arg2: memref<1x16xf32, #tpu.memory_space<vmem>>, %arg3: memref<10000x16xf32, #tpu.memory_space<vmem>>) attributes {dimension_semantics = [], scalar_prefetch = 0 : i64, scratch_operands = 0 : i64, tpu.core_type = #tpu.core_type<tc>} {
    %get3A = arith.constant 0 : index
    %get3A_0 = arith.constant 0 : index
    %get3A_1 = vector.load %arg0[%get3A, %get3A_0] : memref<10000x128xf32, #tpu.memory_space<vmem>>, vector<10000x128xf32>
    %get3A_2 = arith.constant 0 : index
    %get3A_3 = arith.constant 0 : index
    %get3A_4 = vector.load %arg1[%get3A_2, %get3A_3] : memref<128x16xf32, #tpu.memory_space<vmem>>, vector<128x16xf32>
    %dot_general3A = arith.constant dense<0.000000e+00> : vector<10000x16xf32>
    %dot_general3A_5 = tpu.matmul %get3A_1, %get3A_4, %dot_general3A {dimension_numbers = #tpu.dot_dimension_numbers<[1], [0], [0], [1], [0, 0, 1, 1], [], []>, precision = #tpu.contract_precision<fp32>, transpose_lhs_hint = false} : vector<10000x128xf32>, vector<128x16xf32>, vector<10000x16xf32> -> vector<10000x16xf32>
    %get3A_6 = arith.constant 0 : index
    %get3A_7 = arith.constant 0 : index
    %get3A_8 = vector.load %arg2[%get3A_6, %get3A_7] : memref<1x16xf32, #tpu.memory_space<vmem>>, vector<1x16xf32>
    %add3A = vector.broadcast %get3A_8 : vector<1x16xf32> to vector<10000x16xf32>
    %add3A_9 = arith.addf %dot_general3A_5, %add3A : vector<10000x16xf32>
    %max3A = arith.constant 0.000000e+00 : f32
    %max3A_10 = vector.broadcast %max3A : f32 to vector<10000x16xf32>
    %max3A_11 = arith.maximumf %add3A_9, %max3A_10 : vector<10000x16xf32>
    %swap3A = arith.constant 0 : index
    %swap3A_12 = arith.constant 0 : index
    %swap3A_13 = vector.load %arg3[%swap3A, %swap3A_12] : memref<10000x16xf32, #tpu.memory_space<vmem>>, vector<10000x16xf32>
    tpu.vector_store %arg3[%swap3A, %swap3A_12], %max3A_11 {strides = array<i32>} : memref<10000x16xf32, #tpu.memory_space<vmem>>, vector<10000x16xf32>,
    return
  }
}

module attributes {stable_mosaic.version = 14 : i64} {
  func.func @_msg_body(%arg0: i32, %arg1: memref<2000x128xf32, #tpu.memory_space<vmem>>, %arg2: memref<2000x128xf32, #tpu.memory_space<vmem>>, %arg3: memref<32x32xbf16, #tpu.memory_space<vmem>>, %arg4: memref<32x1xf32, #tpu.memory_space<vmem>>, %arg5: memref<32x512xbf16, #tpu.memory_space<vmem>>, %arg6: memref<16x16xbf16, #tpu.memory_space<vmem>>, %arg7: memref<2000x128xf32, #tpu.memory_space<vmem>>) attributes {dimension_semantics = [#tpu.dimension_semantics<arbitrary>], iteration_bounds = array<i64: 10>, scalar_prefetch = 0 : i64, scratch_operands = 0 : i64, tpu.core_type = #tpu.core_type<tc>, window_params = [{transform_indices = @transform_0, window_bounds = array<i64: 2000, 128>}, {transform_indices = @transform_1, window_bounds = array<i64: 2000, 128>}, {pipeline_mode = #tpu.pipeline_mode<synchronous>, transform_indices = @transform_2, window_bounds = array<i64: 32, 32>}, {pipeline_mode = #tpu.pipeline_mode<synchronous>, transform_indices = @transform_3, window_bounds = array<i64: 32, 1>}, {pipeline_mode = #tpu.pipeline_mode<synchronous>, transform_indices = @transform_4, window_bounds = array<i64: 32, 512>}, {pipeline_mode = #tpu.pipeline_mode<synchronous>, transform_indices = @transform_5, window_bounds = array<i64: 16, 16>}, {transform_indices = @transform_6, window_bounds = array<i64: 2000, 128>}]} {
    %get3A = arith.constant 0 : index
    %get3A_0 = arith.constant 0 : index
    %get3A_1 = vector.load %arg1[%get3A, %get3A_0] : memref<2000x128xf32, #tpu.memory_space<vmem>>, vector<2000x128xf32>
    %transpose3A = tpu.transpose %get3A_1, [1, 0] : vector<2000x128xf32> -> vector<128x2000xf32>
    %get3A_2 = arith.constant 0 : index
    %get3A_3 = arith.constant 0 : index
    %get3A_4 = vector.load %arg2[%get3A_2, %get3A_3] : memref<2000x128xf32, #tpu.memory_space<vmem>>, vector<2000x128xf32>
    %transpose3A_5 = tpu.transpose %get3A_4, [1, 0] : vector<2000x128xf32> -> vector<128x2000xf32>
    %get3A_6 = arith.constant 0 : index
    %get3A_7 = arith.constant 0 : index
    %get3A_8 = vector.load %arg3[%get3A_6, %get3A_7] : memref<32x32xbf16, #tpu.memory_space<vmem>>, vector<32x32xbf16>
    %slice3A = vector.extract_strided_slice %get3A_8 {offsets = [0, 0], sizes = [32, 16], strides = [1, 1]} : vector<32x32xbf16> to vector<32x16xbf16>
    %get3A_9 = arith.constant 0 : index
    %get3A_10 = arith.constant 0 : index
    %get3A_11 = vector.load %arg3[%get3A_9, %get3A_10] : memref<32x32xbf16, #tpu.memory_space<vmem>>, vector<32x32xbf16>
    %slice3A_12 = vector.extract_strided_slice %get3A_11 {offsets = [0, 16], sizes = [32, 16], strides = [1, 1]} : vector<32x32xbf16> to vector<32x16xbf16>
    %get3A_13 = arith.constant 0 : index
    %get3A_14 = arith.constant 0 : index
    %get3A_15 = vector.load %arg4[%get3A_13, %get3A_14] : memref<32x1xf32, #tpu.memory_space<vmem>>, vector<32x1xf32>
    %get3A_16 = arith.constant 0 : index
    %get3A_17 = arith.constant 0 : index
    %get3A_18 = vector.load %arg5[%get3A_16, %get3A_17] : memref<32x512xbf16, #tpu.memory_space<vmem>>, vector<32x512xbf16>
    %slice3A_19 = vector.extract_strided_slice %get3A_18 {offsets = [0, 0], sizes = [16, 512], strides = [1, 1]} : vector<32x512xbf16> to vector<16x512xbf16>
    %get3A_20 = arith.constant 0 : index
    %get3A_21 = arith.constant 0 : index
    %get3A_22 = vector.load %arg5[%get3A_20, %get3A_21] : memref<32x512xbf16, #tpu.memory_space<vmem>>, vector<32x512xbf16>
    %slice3A_23 = vector.extract_strided_slice %get3A_22 {offsets = [16, 0], sizes = [16, 512], strides = [1, 1]} : vector<32x512xbf16> to vector<16x512xbf16>
    %get3A_24 = arith.constant 0 : index
    %get3A_25 = arith.constant 0 : index
    %get3A_26 = vector.load %arg6[%get3A_24, %get3A_25] : memref<16x16xbf16, #tpu.memory_space<vmem>>, vector<16x16xbf16>
    %slice3A_27 = vector.extract_strided_slice %transpose3A {offsets = [0, 0], sizes = [16, 2000], strides = [1, 1]} : vector<128x2000xf32> to vector<16x2000xf32>
    %convert_element_type3A = arith.truncf %slice3A_27 : vector<16x2000xf32> to vector<16x2000xbf16>
    %convert_element_type3A_28 = arith.extf %convert_element_type3A : vector<16x2000xbf16> to vector<16x2000xf32>
    %sub3A = arith.subf %slice3A_27, %convert_element_type3A_28 : vector<16x2000xf32>
    %convert_element_type3A_29 = arith.truncf %sub3A : vector<16x2000xf32> to vector<16x2000xbf16>
    %slice3A_30 = vector.extract_strided_slice %transpose3A_5 {offsets = [0, 0], sizes = [16, 2000], strides = [1, 1]} : vector<128x2000xf32> to vector<16x2000xf32>
    %dot_general3A = arith.constant dense<0.000000e+00> : vector<32x2000xf32>
    %dot_general3A_31 = tpu.matmul %slice3A, %convert_element_type3A, %dot_general3A {dimension_numbers = #tpu.dot_dimension_numbers<[1], [0], [0], [1], [0, 0, 1, 1], [], []>, transpose_lhs_hint = false} : vector<32x16xbf16>, vector<16x2000xbf16>, vector<32x2000xf32> -> vector<32x2000xf32>
    %dot_general3A_32 = arith.constant dense<0.000000e+00> : vector<32x2000xf32>
    %dot_general3A_33 = tpu.matmul %slice3A_12, %convert_element_type3A, %dot_general3A_32 {dimension_numbers = #tpu.dot_dimension_numbers<[1], [0], [0], [1], [0, 0, 1, 1], [], []>, transpose_lhs_hint = false} : vector<32x16xbf16>, vector<16x2000xbf16>, vector<32x2000xf32> -> vector<32x2000xf32>
    %add3A = arith.addf %dot_general3A_31, %dot_general3A_33 : vector<32x2000xf32>
    %dot_general3A_34 = arith.constant dense<0.000000e+00> : vector<32x2000xf32>
    %dot_general3A_35 = tpu.matmul %slice3A, %convert_element_type3A_29, %dot_general3A_34 {dimension_numbers = #tpu.dot_dimension_numbers<[1], [0], [0], [1], [0, 0, 1, 1], [], []>, transpose_lhs_hint = false} : vector<32x16xbf16>, vector<16x2000xbf16>, vector<32x2000xf32> -> vector<32x2000xf32>
    %add3A_36 = arith.addf %add3A, %dot_general3A_35 : vector<32x2000xf32>
    %add3A_37 = vector.broadcast %get3A_15 : vector<32x1xf32> to vector<32x2000xf32>
    %add3A_38 = arith.addf %add3A_36, %add3A_37 : vector<32x2000xf32>
    %max3A = arith.constant 0.000000e+00 : f32
    %max3A_39 = vector.broadcast %max3A : f32 to vector<32x2000xf32>
    %max3A_40 = arith.maximumf %add3A_38, %max3A_39 : vector<32x2000xf32>
    %broadcast_in_dim3A = vector.shape_cast %max3A_40 : vector<32x2000xf32> to vector<32x1x2000xf32>
    %broadcast_in_dim3A_41 = vector.shape_cast %slice3A_30 : vector<16x2000xf32> to vector<1x16x2000xf32>
    %mul3A = vector.broadcast %broadcast_in_dim3A : vector<32x1x2000xf32> to vector<32x16x2000xf32>
    %mul3A_42 = vector.broadcast %broadcast_in_dim3A_41 : vector<1x16x2000xf32> to vector<32x16x2000xf32>
    %mul3A_43 = arith.mulf %mul3A, %mul3A_42 : vector<32x16x2000xf32>
    %reshape3A = vector.shape_cast %mul3A_43 : vector<32x16x2000xf32> to vector<512x2000xf32>
    %convert_element_type3A_44 = arith.truncf %reshape3A : vector<512x2000xf32> to vector<512x2000xbf16>
    %convert_element_type3A_45 = arith.extf %convert_element_type3A_44 : vector<512x2000xbf16> to vector<512x2000xf32>
    %sub3A_46 = arith.subf %reshape3A, %convert_element_type3A_45 : vector<512x2000xf32>
    %convert_element_type3A_47 = arith.truncf %sub3A_46 : vector<512x2000xf32> to vector<512x2000xbf16>
    %dot_general3A_48 = arith.constant dense<0.000000e+00> : vector<16x2000xf32>
    %dot_general3A_49 = tpu.matmul %slice3A_19, %convert_element_type3A_44, %dot_general3A_48 {dimension_numbers = #tpu.dot_dimension_numbers<[1], [0], [0], [1], [0, 0, 1, 1], [], []>, transpose_lhs_hint = false} : vector<16x512xbf16>, vector<512x2000xbf16>, vector<16x2000xf32> -> vector<16x2000xf32>
    %dot_general3A_50 = arith.constant dense<0.000000e+00> : vector<16x2000xf32>
    %dot_general3A_51 = tpu.matmul %slice3A_23, %convert_element_type3A_44, %dot_general3A_50 {dimension_numbers = #tpu.dot_dimension_numbers<[1], [0], [0], [1], [0, 0, 1, 1], [], []>, transpose_lhs_hint = false} : vector<16x512xbf16>, vector<512x2000xbf16>, vector<16x2000xf32> -> vector<16x2000xf32>
    %add3A_52 = arith.addf %dot_general3A_49, %dot_general3A_51 : vector<16x2000xf32>
    %dot_general3A_53 = arith.constant dense<0.000000e+00> : vector<16x2000xf32>
    %dot_general3A_54 = tpu.matmul %slice3A_19, %convert_element_type3A_47, %dot_general3A_53 {dimension_numbers = #tpu.dot_dimension_numbers<[1], [0], [0], [1], [0, 0, 1, 1], [], []>, transpose_lhs_hint = false} : vector<16x512xbf16>, vector<512x2000xbf16>, vector<16x2000xf32> -> vector<16x2000xf32>
    %add3A_55 = arith.addf %add3A_52, %dot_general3A_54 : vector<16x2000xf32>
    %convert_element_type3A_56 = arith.truncf %slice3A_30 : vector<16x2000xf32> to vector<16x2000xbf16>
    %dot_general3A_57 = arith.constant dense<0.000000e+00> : vector<16x2000xf32>
    %dot_general3A_58 = tpu.matmul %get3A_26, %convert_element_type3A_56, %dot_general3A_57 {dimension_numbers = #tpu.dot_dimension_numbers<[1], [0], [0], [1], [0, 0, 1, 1], [], []>, transpose_lhs_hint = false} : vector<16x16xbf16>, vector<16x2000xbf16>, vector<16x2000xf32> -> vector<16x2000xf32>
    %add3A_59 = arith.addf %add3A_55, %dot_general3A_58 : vector<16x2000xf32>
    %slice3A_60 = vector.extract_strided_slice %transpose3A {offsets = [16, 0], sizes = [16, 2000], strides = [1, 1]} : vector<128x2000xf32> to vector<16x2000xf32>
    %convert_element_type3A_61 = arith.truncf %slice3A_60 : vector<16x2000xf32> to vector<16x2000xbf16>
    %convert_element_type3A_62 = arith.extf %convert_element_type3A_61 : vector<16x2000xbf16> to vector<16x2000xf32>
    %sub3A_63 = arith.subf %slice3A_60, %convert_element_type3A_62 : vector<16x2000xf32>
    %convert_element_type3A_64 = arith.truncf %sub3A_63 : vector<16x2000xf32> to vector<16x2000xbf16>
    %slice3A_65 = vector.extract_strided_slice %transpose3A_5 {offsets = [16, 0], sizes = [16, 2000], strides = [1, 1]} : vector<128x2000xf32> to vector<16x2000xf32>
    %dot_general3A_66 = arith.constant dense<0.000000e+00> : vector<32x2000xf32>
    %dot_general3A_67 = tpu.matmul %slice3A, %convert_element_type3A_61, %dot_general3A_66 {dimension_numbers = #tpu.dot_dimension_numbers<[1], [0], [0], [1], [0, 0, 1, 1], [], []>, transpose_lhs_hint = false} : vector<32x16xbf16>, vector<16x2000xbf16>, vector<32x2000xf32> -> vector<32x2000xf32>
    %dot_general3A_68 = arith.constant dense<0.000000e+00> : vector<32x2000xf32>
    %dot_general3A_69 = tpu.matmul %slice3A_12, %convert_element_type3A_61, %dot_general3A_68 {dimension_numbers = #tpu.dot_dimension_numbers<[1], [0], [0], [1], [0, 0, 1, 1], [], []>, transpose_lhs_hint = false} : vector<32x16xbf16>, vector<16x2000xbf16>, vector<32x2000xf32> -> vector<32x2000xf32>
    %add3A_70 = arith.addf %dot_general3A_67, %dot_general3A_69 : vector<32x2000xf32>
    %dot_general3A_71 = arith.constant dense<0.000000e+00> : vector<32x2000xf32>
    %dot_general3A_72 = tpu.matmul %slice3A, %convert_element_type3A_64, %dot_general3A_71 {dimension_numbers = #tpu.dot_dimension_numbers<[1], [0], [0], [1], [0, 0, 1, 1], [], []>, transpose_lhs_hint = false} : vector<32x16xbf16>, vector<16x2000xbf16>, vector<32x2000xf32> -> vector<32x2000xf32>
    %add3A_73 = arith.addf %add3A_70, %dot_general3A_72 : vector<32x2000xf32>
    %add3A_74 = vector.broadcast %get3A_15 : vector<32x1xf32> to vector<32x2000xf32>
    %add3A_75 = arith.addf %add3A_73, %add3A_74 : vector<32x2000xf32>
    %max3A_76 = arith.constant 0.000000e+00 : f32
    %max3A_77 = vector.broadcast %max3A_76 : f32 to vector<32x2000xf32>
    %max3A_78 = arith.maximumf %add3A_75, %max3A_77 : vector<32x2000xf32>
    %broadcast_in_dim3A_79 = vector.shape_cast %max3A_78 : vector<32x2000xf32> to vector<32x1x2000xf32>
    %broadcast_in_dim3A_80 = vector.shape_cast %slice3A_65 : vector<16x2000xf32> to vector<1x16x2000xf32>
    %mul3A_81 = vector.broadcast %broadcast_in_dim3A_79 : vector<32x1x2000xf32> to vector<32x16x2000xf32>
    %mul3A_82 = vector.broadcast %broadcast_in_dim3A_80 : vector<1x16x2000xf32> to vector<32x16x2000xf32>
    %mul3A_83 = arith.mulf %mul3A_81, %mul3A_82 : vector<32x16x2000xf32>
    %reshape3A_84 = vector.shape_cast %mul3A_83 : vector<32x16x2000xf32> to vector<512x2000xf32>
    %convert_element_type3A_85 = arith.truncf %reshape3A_84 : vector<512x2000xf32> to vector<512x2000xbf16>
    %convert_element_type3A_86 = arith.extf %convert_element_type3A_85 : vector<512x2000xbf16> to vector<512x2000xf32>
    %sub3A_87 = arith.subf %reshape3A_84, %convert_element_type3A_86 : vector<512x2000xf32>
    %convert_element_type3A_88 = arith.truncf %sub3A_87 : vector<512x2000xf32> to vector<512x2000xbf16>
    %dot_general3A_89 = arith.constant dense<0.000000e+00> : vector<16x2000xf32>
    %dot_general3A_90 = tpu.matmul %slice3A_19, %convert_element_type3A_85, %dot_general3A_89 {dimension_numbers = #tpu.dot_dimension_numbers<[1], [0], [0], [1], [0, 0, 1, 1], [], []>, transpose_lhs_hint = false} : vector<16x512xbf16>, vector<512x2000xbf16>, vector<16x2000xf32> -> vector<16x2000xf32>
    %dot_general3A_91 = arith.constant dense<0.000000e+00> : vector<16x2000xf32>
    %dot_general3A_92 = tpu.matmul %slice3A_23, %convert_element_type3A_85, %dot_general3A_91 {dimension_numbers = #tpu.dot_dimension_numbers<[1], [0], [0], [1], [0, 0, 1, 1], [], []>, transpose_lhs_hint = false} : vector<16x512xbf16>, vector<512x2000xbf16>, vector<16x2000xf32> -> vector<16x2000xf32>
    %add3A_93 = arith.addf %dot_general3A_90, %dot_general3A_92 : vector<16x2000xf32>
    %dot_general3A_94 = arith.constant dense<0.000000e+00> : vector<16x2000xf32>
    %dot_general3A_95 = tpu.matmul %slice3A_19, %convert_element_type3A_88, %dot_general3A_94 {dimension_numbers = #tpu.dot_dimension_numbers<[1], [0], [0], [1], [0, 0, 1, 1], [], []>, transpose_lhs_hint = false} : vector<16x512xbf16>, vector<512x2000xbf16>, vector<16x2000xf32> -> vector<16x2000xf32>
    %add3A_96 = arith.addf %add3A_93, %dot_general3A_95 : vector<16x2000xf32>
    %convert_element_type3A_97 = arith.truncf %slice3A_65 : vector<16x2000xf32> to vector<16x2000xbf16>
    %dot_general3A_98 = arith.constant dense<0.000000e+00> : vector<16x2000xf32>
    %dot_general3A_99 = tpu.matmul %get3A_26, %convert_element_type3A_97, %dot_general3A_98 {dimension_numbers = #tpu.dot_dimension_numbers<[1], [0], [0], [1], [0, 0, 1, 1], [], []>, transpose_lhs_hint = false} : vector<16x16xbf16>, vector<16x2000xbf16>, vector<16x2000xf32> -> vector<16x2000xf32>
    %add3A_100 = arith.addf %add3A_96, %dot_general3A_99 : vector<16x2000xf32>
    %slice3A_101 = vector.extract_strided_slice %transpose3A {offsets = [32, 0], sizes = [16, 2000], strides = [1, 1]} : vector<128x2000xf32> to vector<16x2000xf32>
    %convert_element_type3A_102 = arith.truncf %slice3A_101 : vector<16x2000xf32> to vector<16x2000xbf16>
    %convert_element_type3A_103 = arith.extf %convert_element_type3A_102 : vector<16x2000xbf16> to vector<16x2000xf32>
    %sub3A_104 = arith.subf %slice3A_101, %convert_element_type3A_103 : vector<16x2000xf32>
    %convert_element_type3A_105 = arith.truncf %sub3A_104 : vector<16x2000xf32> to vector<16x2000xbf16>
    %slice3A_106 = vector.extract_strided_slice %transpose3A_5 {offsets = [32, 0], sizes = [16, 2000], strides = [1, 1]} : vector<128x2000xf32> to vector<16x2000xf32>
    %dot_general3A_107 = arith.constant dense<0.000000e+00> : vector<32x2000xf32>
    %dot_general3A_108 = tpu.matmul %slice3A, %convert_element_type3A_102, %dot_general3A_107 {dimension_numbers = #tpu.dot_dimension_numbers<[1], [0], [0], [1], [0, 0, 1, 1], [], []>, transpose_lhs_hint = false} : vector<32x16xbf16>, vector<16x2000xbf16>, vector<32x2000xf32> -> vector<32x2000xf32>
    %dot_general3A_109 = arith.constant dense<0.000000e+00> : vector<32x2000xf32>
    %dot_general3A_110 = tpu.matmul %slice3A_12, %convert_element_type3A_102, %dot_general3A_109 {dimension_numbers = #tpu.dot_dimension_numbers<[1], [0], [0], [1], [0, 0, 1, 1], [], []>, transpose_lhs_hint = false} : vector<32x16xbf16>, vector<16x2000xbf16>, vector<32x2000xf32> -> vector<32x2000xf32>
    %add3A_111 = arith.addf %dot_general3A_108, %dot_general3A_110 : vector<32x2000xf32>
    %dot_general3A_112 = arith.constant dense<0.000000e+00> : vector<32x2000xf32>
    %dot_general3A_113 = tpu.matmul %slice3A, %convert_element_type3A_105, %dot_general3A_112 {dimension_numbers = #tpu.dot_dimension_numbers<[1], [0], [0], [1], [0, 0, 1, 1], [], []>, transpose_lhs_hint = false} : vector<32x16xbf16>, vector<16x2000xbf16>, vector<32x2000xf32> -> vector<32x2000xf32>
    %add3A_114 = arith.addf %add3A_111, %dot_general3A_113 : vector<32x2000xf32>
    %add3A_115 = vector.broadcast %get3A_15 : vector<32x1xf32> to vector<32x2000xf32>
    %add3A_116 = arith.addf %add3A_114, %add3A_115 : vector<32x2000xf32>
    %max3A_117 = arith.constant 0.000000e+00 : f32
    %max3A_118 = vector.broadcast %max3A_117 : f32 to vector<32x2000xf32>
    %max3A_119 = arith.maximumf %add3A_116, %max3A_118 : vector<32x2000xf32>
    %broadcast_in_dim3A_120 = vector.shape_cast %max3A_119 : vector<32x2000xf32> to vector<32x1x2000xf32>
    %broadcast_in_dim3A_121 = vector.shape_cast %slice3A_106 : vector<16x2000xf32> to vector<1x16x2000xf32>
    %mul3A_122 = vector.broadcast %broadcast_in_dim3A_120 : vector<32x1x2000xf32> to vector<32x16x2000xf32>
    %mul3A_123 = vector.broadcast %broadcast_in_dim3A_121 : vector<1x16x2000xf32> to vector<32x16x2000xf32>
    %mul3A_124 = arith.mulf %mul3A_122, %mul3A_123 : vector<32x16x2000xf32>
    %reshape3A_125 = vector.shape_cast %mul3A_124 : vector<32x16x2000xf32> to vector<512x2000xf32>
    %convert_element_type3A_126 = arith.truncf %reshape3A_125 : vector<512x2000xf32> to vector<512x2000xbf16>
    %convert_element_type3A_127 = arith.extf %convert_element_type3A_126 : vector<512x2000xbf16> to vector<512x2000xf32>
    %sub3A_128 = arith.subf %reshape3A_125, %convert_element_type3A_127 : vector<512x2000xf32>
    %convert_element_type3A_129 = arith.truncf %sub3A_128 : vector<512x2000xf32> to vector<512x2000xbf16>
    %dot_general3A_130 = arith.constant dense<0.000000e+00> : vector<16x2000xf32>
    %dot_general3A_131 = tpu.matmul %slice3A_19, %convert_element_type3A_126, %dot_general3A_130 {dimension_numbers = #tpu.dot_dimension_numbers<[1], [0], [0], [1], [0, 0, 1, 1], [], []>, transpose_lhs_hint = false} : vector<16x512xbf16>, vector<512x2000xbf16>, vector<16x2000xf32> -> vector<16x2000xf32>
    %dot_general3A_132 = arith.constant dense<0.000000e+00> : vector<16x2000xf32>
    %dot_general3A_133 = tpu.matmul %slice3A_23, %convert_element_type3A_126, %dot_general3A_132 {dimension_numbers = #tpu.dot_dimension_numbers<[1], [0], [0], [1], [0, 0, 1, 1], [], []>, transpose_lhs_hint = false} : vector<16x512xbf16>, vector<512x2000xbf16>, vector<16x2000xf32> -> vector<16x2000xf32>
    %add3A_134 = arith.addf %dot_general3A_131, %dot_general3A_133 : vector<16x2000xf32>
    %dot_general3A_135 = arith.constant dense<0.000000e+00> : vector<16x2000xf32>
    %dot_general3A_136 = tpu.matmul %slice3A_19, %convert_element_type3A_129, %dot_general3A_135 {dimension_numbers = #tpu.dot_dimension_numbers<[1], [0], [0], [1], [0, 0, 1, 1], [], []>, transpose_lhs_hint = false} : vector<16x512xbf16>, vector<512x2000xbf16>, vector<16x2000xf32> -> vector<16x2000xf32>
    %add3A_137 = arith.addf %add3A_134, %dot_general3A_136 : vector<16x2000xf32>
    %convert_element_type3A_138 = arith.truncf %slice3A_106 : vector<16x2000xf32> to vector<16x2000xbf16>
    %dot_general3A_139 = arith.constant dense<0.000000e+00> : vector<16x2000xf32>
    %dot_general3A_140 = tpu.matmul %get3A_26, %convert_element_type3A_138, %dot_general3A_139 {dimension_numbers = #tpu.dot_dimension_numbers<[1], [0], [0], [1], [0, 0, 1, 1], [], []>, transpose_lhs_hint = false} : vector<16x16xbf16>, vector<16x2000xbf16>, vector<16x2000xf32> -> vector<16x2000xf32>
    %add3A_141 = arith.addf %add3A_137, %dot_general3A_140 : vector<16x2000xf32>
    %slice3A_142 = vector.extract_strided_slice %transpose3A {offsets = [48, 0], sizes = [16, 2000], strides = [1, 1]} : vector<128x2000xf32> to vector<16x2000xf32>
    %convert_element_type3A_143 = arith.truncf %slice3A_142 : vector<16x2000xf32> to vector<16x2000xbf16>
    %convert_element_type3A_144 = arith.extf %convert_element_type3A_143 : vector<16x2000xbf16> to vector<16x2000xf32>
    %sub3A_145 = arith.subf %slice3A_142, %convert_element_type3A_144 : vector<16x2000xf32>
    %convert_element_type3A_146 = arith.truncf %sub3A_145 : vector<16x2000xf32> to vector<16x2000xbf16>
    %slice3A_147 = vector.extract_strided_slice %transpose3A_5 {offsets = [48, 0], sizes = [16, 2000], strides = [1, 1]} : vector<128x2000xf32> to vector<16x2000xf32>
    %dot_general3A_148 = arith.constant dense<0.000000e+00> : vector<32x2000xf32>
    %dot_general3A_149 = tpu.matmul %slice3A, %convert_element_type3A_143, %dot_general3A_148 {dimension_numbers = #tpu.dot_dimension_numbers<[1], [0], [0], [1], [0, 0, 1, 1], [], []>, transpose_lhs_hint = false} : vector<32x16xbf16>, vector<16x2000xbf16>, vector<32x2000xf32> -> vector<32x2000xf32>
    %dot_general3A_150 = arith.constant dense<0.000000e+00> : vector<32x2000xf32>
    %dot_general3A_151 = tpu.matmul %slice3A_12, %convert_element_type3A_143, %dot_general3A_150 {dimension_numbers = #tpu.dot_dimension_numbers<[1], [0], [0], [1], [0, 0, 1, 1], [], []>, transpose_lhs_hint = false} : vector<32x16xbf16>, vector<16x2000xbf16>, vector<32x2000xf32> -> vector<32x2000xf32>
    %add3A_152 = arith.addf %dot_general3A_149, %dot_general3A_151 : vector<32x2000xf32>
    %dot_general3A_153 = arith.constant dense<0.000000e+00> : vector<32x2000xf32>
    %dot_general3A_154 = tpu.matmul %slice3A, %convert_element_type3A_146, %dot_general3A_153 {dimension_numbers = #tpu.dot_dimension_numbers<[1], [0], [0], [1], [0, 0, 1, 1], [], []>, transpose_lhs_hint = false} : vector<32x16xbf16>, vector<16x2000xbf16>, vector<32x2000xf32> -> vector<32x2000xf32>
    %add3A_155 = arith.addf %add3A_152, %dot_general3A_154 : vector<32x2000xf32>
    %add3A_156 = vector.broadcast %get3A_15 : vector<32x1xf32> to vector<32x2000xf32>
    %add3A_157 = arith.addf %add3A_155, %add3A_156 : vector<32x2000xf32>
    %max3A_158 = arith.constant 0.000000e+00 : f32
    %max3A_159 = vector.broadcast %max3A_158 : f32 to vector<32x2000xf32>
    %max3A_160 = arith.maximumf %add3A_157, %max3A_159 : vector<32x2000xf32>
    %broadcast_in_dim3A_161 = vector.shape_cast %max3A_160 : vector<32x2000xf32> to vector<32x1x2000xf32>
    %broadcast_in_dim3A_162 = vector.shape_cast %slice3A_147 : vector<16x2000xf32> to vector<1x16x2000xf32>
    %mul3A_163 = vector.broadcast %broadcast_in_dim3A_161 : vector<32x1x2000xf32> to vector<32x16x2000xf32>
    %mul3A_164 = vector.broadcast %broadcast_in_dim3A_162 : vector<1x16x2000xf32> to vector<32x16x2000xf32>
    %mul3A_165 = arith.mulf %mul3A_163, %mul3A_164 : vector<32x16x2000xf32>
    %reshape3A_166 = vector.shape_cast %mul3A_165 : vector<32x16x2000xf32> to vector<512x2000xf32>
    %convert_element_type3A_167 = arith.truncf %reshape3A_166 : vector<512x2000xf32> to vector<512x2000xbf16>
    %convert_element_type3A_168 = arith.extf %convert_element_type3A_167 : vector<512x2000xbf16> to vector<512x2000xf32>
    %sub3A_169 = arith.subf %reshape3A_166, %convert_element_type3A_168 : vector<512x2000xf32>
    %convert_element_type3A_170 = arith.truncf %sub3A_169 : vector<512x2000xf32> to vector<512x2000xbf16>
    %dot_general3A_171 = arith.constant dense<0.000000e+00> : vector<16x2000xf32>
    %dot_general3A_172 = tpu.matmul %slice3A_19, %convert_element_type3A_167, %dot_general3A_171 {dimension_numbers = #tpu.dot_dimension_numbers<[1], [0], [0], [1], [0, 0, 1, 1], [], []>, transpose_lhs_hint = false} : vector<16x512xbf16>, vector<512x2000xbf16>, vector<16x2000xf32> -> vector<16x2000xf32>
    %dot_general3A_173 = arith.constant dense<0.000000e+00> : vector<16x2000xf32>
    %dot_general3A_174 = tpu.matmul %slice3A_23, %convert_element_type3A_167, %dot_general3A_173 {dimension_numbers = #tpu.dot_dimension_numbers<[1], [0], [0], [1], [0, 0, 1, 1], [], []>, transpose_lhs_hint = false} : vector<16x512xbf16>, vector<512x2000xbf16>, vector<16x2000xf32> -> vector<16x2000xf32>
    %add3A_175 = arith.addf %dot_general3A_172, %dot_general3A_174 : vector<16x2000xf32>
    %dot_general3A_176 = arith.constant dense<0.000000e+00> : vector<16x2000xf32>
    %dot_general3A_177 = tpu.matmul %slice3A_19, %convert_element_type3A_170, %dot_general3A_176 {dimension_numbers = #tpu.dot_dimension_numbers<[1], [0], [0], [1], [0, 0, 1, 1], [], []>, transpose_lhs_hint = false} : vector<16x512xbf16>, vector<512x2000xbf16>, vector<16x2000xf32> -> vector<16x2000xf32>
    %add3A_178 = arith.addf %add3A_175, %dot_general3A_177 : vector<16x2000xf32>
    %convert_element_type3A_179 = arith.truncf %slice3A_147 : vector<16x2000xf32> to vector<16x2000xbf16>
    %dot_general3A_180 = arith.constant dense<0.000000e+00> : vector<16x2000xf32>
    %dot_general3A_181 = tpu.matmul %get3A_26, %convert_element_type3A_179, %dot_general3A_180 {dimension_numbers = #tpu.dot_dimension_numbers<[1], [0], [0], [1], [0, 0, 1, 1], [], []>, transpose_lhs_hint = false} : vector<16x16xbf16>, vector<16x2000xbf16>, vector<16x2000xf32> -> vector<16x2000xf32>
    %add3A_182 = arith.addf %add3A_178, %dot_general3A_181 : vector<16x2000xf32>
    %slice3A_183 = vector.extract_strided_slice %transpose3A {offsets = [64, 0], sizes = [16, 2000], strides = [1, 1]} : vector<128x2000xf32> to vector<16x2000xf32>
    %convert_element_type3A_184 = arith.truncf %slice3A_183 : vector<16x2000xf32> to vector<16x2000xbf16>
    %convert_element_type3A_185 = arith.extf %convert_element_type3A_184 : vector<16x2000xbf16> to vector<16x2000xf32>
    %sub3A_186 = arith.subf %slice3A_183, %convert_element_type3A_185 : vector<16x2000xf32>
    %convert_element_type3A_187 = arith.truncf %sub3A_186 : vector<16x2000xf32> to vector<16x2000xbf16>
    %slice3A_188 = vector.extract_strided_slice %transpose3A_5 {offsets = [64, 0], sizes = [16, 2000], strides = [1, 1]} : vector<128x2000xf32> to vector<16x2000xf32>
    %dot_general3A_189 = arith.constant dense<0.000000e+00> : vector<32x2000xf32>
    %dot_general3A_190 = tpu.matmul %slice3A, %convert_element_type3A_184, %dot_general3A_189 {dimension_numbers = #tpu.dot_dimension_numbers<[1], [0], [0], [1], [0, 0, 1, 1], [], []>, transpose_lhs_hint = false} : vector<32x16xbf16>, vector<16x2000xbf16>, vector<32x2000xf32> -> vector<32x2000xf32>
    %dot_general3A_191 = arith.constant dense<0.000000e+00> : vector<32x2000xf32>
    %dot_general3A_192 = tpu.matmul %slice3A_12, %convert_element_type3A_184, %dot_general3A_191 {dimension_numbers = #tpu.dot_dimension_numbers<[1], [0], [0], [1], [0, 0, 1, 1], [], []>, transpose_lhs_hint = false} : vector<32x16xbf16>, vector<16x2000xbf16>, vector<32x2000xf32> -> vector<32x2000xf32>
    %add3A_193 = arith.addf %dot_general3A_190, %dot_general3A_192 : vector<32x2000xf32>
    %dot_general3A_194 = arith.constant dense<0.000000e+00> : vector<32x2000xf32>
    %dot_general3A_195 = tpu.matmul %slice3A, %convert_element_type3A_187, %dot_general3A_194 {dimension_numbers = #tpu.dot_dimension_numbers<[1], [0], [0], [1], [0, 0, 1, 1], [], []>, transpose_lhs_hint = false} : vector<32x16xbf16>, vector<16x2000xbf16>, vector<32x2000xf32> -> vector<32x2000xf32>
    %add3A_196 = arith.addf %add3A_193, %dot_general3A_195 : vector<32x2000xf32>
    %add3A_197 = vector.broadcast %get3A_15 : vector<32x1xf32> to vector<32x2000xf32>
    %add3A_198 = arith.addf %add3A_196, %add3A_197 : vector<32x2000xf32>
    %max3A_199 = arith.constant 0.000000e+00 : f32
    %max3A_200 = vector.broadcast %max3A_199 : f32 to vector<32x2000xf32>
    %max3A_201 = arith.maximumf %add3A_198, %max3A_200 : vector<32x2000xf32>
    %broadcast_in_dim3A_202 = vector.shape_cast %max3A_201 : vector<32x2000xf32> to vector<32x1x2000xf32>
    %broadcast_in_dim3A_203 = vector.shape_cast %slice3A_188 : vector<16x2000xf32> to vector<1x16x2000xf32>
    %mul3A_204 = vector.broadcast %broadcast_in_dim3A_202 : vector<32x1x2000xf32> to vector<32x16x2000xf32>
    %mul3A_205 = vector.broadcast %broadcast_in_dim3A_203 : vector<1x16x2000xf32> to vector<32x16x2000xf32>
    %mul3A_206 = arith.mulf %mul3A_204, %mul3A_205 : vector<32x16x2000xf32>
    %reshape3A_207 = vector.shape_cast %mul3A_206 : vector<32x16x2000xf32> to vector<512x2000xf32>
    %convert_element_type3A_208 = arith.truncf %reshape3A_207 : vector<512x2000xf32> to vector<512x2000xbf16>
    %convert_element_type3A_209 = arith.extf %convert_element_type3A_208 : vector<512x2000xbf16> to vector<512x2000xf32>
    %sub3A_210 = arith.subf %reshape3A_207, %convert_element_type3A_209 : vector<512x2000xf32>
    %convert_element_type3A_211 = arith.truncf %sub3A_210 : vector<512x2000xf32> to vector<512x2000xbf16>
    %dot_general3A_212 = arith.constant dense<0.000000e+00> : vector<16x2000xf32>
    %dot_general3A_213 = tpu.matmul %slice3A_19, %convert_element_type3A_208, %dot_general3A_212 {dimension_numbers = #tpu.dot_dimension_numbers<[1], [0], [0], [1], [0, 0, 1, 1], [], []>, transpose_lhs_hint = false} : vector<16x512xbf16>, vector<512x2000xbf16>, vector<16x2000xf32> -> vector<16x2000xf32>
    %dot_general3A_214 = arith.constant dense<0.000000e+00> : vector<16x2000xf32>
    %dot_general3A_215 = tpu.matmul %slice3A_23, %convert_element_type3A_208, %dot_general3A_214 {dimension_numbers = #tpu.dot_dimension_numbers<[1], [0], [0], [1], [0, 0, 1, 1], [], []>, transpose_lhs_hint = false} : vector<16x512xbf16>, vector<512x2000xbf16>, vector<16x2000xf32> -> vector<16x2000xf32>
    %add3A_216 = arith.addf %dot_general3A_213, %dot_general3A_215 : vector<16x2000xf32>
    %dot_general3A_217 = arith.constant dense<0.000000e+00> : vector<16x2000xf32>
    %dot_general3A_218 = tpu.matmul %slice3A_19, %convert_element_type3A_211, %dot_general3A_217 {dimension_numbers = #tpu.dot_dimension_numbers<[1], [0], [0], [1], [0, 0, 1, 1], [], []>, transpose_lhs_hint = false} : vector<16x512xbf16>, vector<512x2000xbf16>, vector<16x2000xf32> -> vector<16x2000xf32>
    %add3A_219 = arith.addf %add3A_216, %dot_general3A_218 : vector<16x2000xf32>
    %convert_element_type3A_220 = arith.truncf %slice3A_188 : vector<16x2000xf32> to vector<16x2000xbf16>
    %dot_general3A_221 = arith.constant dense<0.000000e+00> : vector<16x2000xf32>
    %dot_general3A_222 = tpu.matmul %get3A_26, %convert_element_type3A_220, %dot_general3A_221 {dimension_numbers = #tpu.dot_dimension_numbers<[1], [0], [0], [1], [0, 0, 1, 1], [], []>, transpose_lhs_hint = false} : vector<16x16xbf16>, vector<16x2000xbf16>, vector<16x2000xf32> -> vector<16x2000xf32>
    %add3A_223 = arith.addf %add3A_219, %dot_general3A_222 : vector<16x2000xf32>
    %slice3A_224 = vector.extract_strided_slice %transpose3A {offsets = [80, 0], sizes = [16, 2000], strides = [1, 1]} : vector<128x2000xf32> to vector<16x2000xf32>
    %convert_element_type3A_225 = arith.truncf %slice3A_224 : vector<16x2000xf32> to vector<16x2000xbf16>
    %convert_element_type3A_226 = arith.extf %convert_element_type3A_225 : vector<16x2000xbf16> to vector<16x2000xf32>
    %sub3A_227 = arith.subf %slice3A_224, %convert_element_type3A_226 : vector<16x2000xf32>
    %convert_element_type3A_228 = arith.truncf %sub3A_227 : vector<16x2000xf32> to vector<16x2000xbf16>
    %slice3A_229 = vector.extract_strided_slice %transpose3A_5 {offsets = [80, 0], sizes = [16, 2000], strides = [1, 1]} : vector<128x2000xf32> to vector<16x2000xf32>
    %dot_general3A_230 = arith.constant dense<0.000000e+00> : vector<32x2000xf32>
    %dot_general3A_231 = tpu.matmul %slice3A, %convert_element_type3A_225, %dot_general3A_230 {dimension_numbers = #tpu.dot_dimension_numbers<[1], [0], [0], [1], [0, 0, 1, 1], [], []>, transpose_lhs_hint = false} : vector<32x16xbf16>, vector<16x2000xbf16>, vector<32x2000xf32> -> vector<32x2000xf32>
    %dot_general3A_232 = arith.constant dense<0.000000e+00> : vector<32x2000xf32>
    %dot_general3A_233 = tpu.matmul %slice3A_12, %convert_element_type3A_225, %dot_general3A_232 {dimension_numbers = #tpu.dot_dimension_numbers<[1], [0], [0], [1], [0, 0, 1, 1], [], []>, transpose_lhs_hint = false} : vector<32x16xbf16>, vector<16x2000xbf16>, vector<32x2000xf32> -> vector<32x2000xf32>
    %add3A_234 = arith.addf %dot_general3A_231, %dot_general3A_233 : vector<32x2000xf32>
    %dot_general3A_235 = arith.constant dense<0.000000e+00> : vector<32x2000xf32>
    %dot_general3A_236 = tpu.matmul %slice3A, %convert_element_type3A_228, %dot_general3A_235 {dimension_numbers = #tpu.dot_dimension_numbers<[1], [0], [0], [1], [0, 0, 1, 1], [], []>, transpose_lhs_hint = false} : vector<32x16xbf16>, vector<16x2000xbf16>, vector<32x2000xf32> -> vector<32x2000xf32>
    %add3A_237 = arith.addf %add3A_234, %dot_general3A_236 : vector<32x2000xf32>
    %add3A_238 = vector.broadcast %get3A_15 : vector<32x1xf32> to vector<32x2000xf32>
    %add3A_239 = arith.addf %add3A_237, %add3A_238 : vector<32x2000xf32>
    %max3A_240 = arith.constant 0.000000e+00 : f32
    %max3A_241 = vector.broadcast %max3A_240 : f32 to vector<32x2000xf32>
    %max3A_242 = arith.maximumf %add3A_239, %max3A_241 : vector<32x2000xf32>
    %broadcast_in_dim3A_243 = vector.shape_cast %max3A_242 : vector<32x2000xf32> to vector<32x1x2000xf32>
    %broadcast_in_dim3A_244 = vector.shape_cast %slice3A_229 : vector<16x2000xf32> to vector<1x16x2000xf32>
    %mul3A_245 = vector.broadcast %broadcast_in_dim3A_243 : vector<32x1x2000xf32> to vector<32x16x2000xf32>
    %mul3A_246 = vector.broadcast %broadcast_in_dim3A_244 : vector<1x16x2000xf32> to vector<32x16x2000xf32>
    %mul3A_247 = arith.mulf %mul3A_245, %mul3A_246 : vector<32x16x2000xf32>
    %reshape3A_248 = vector.shape_cast %mul3A_247 : vector<32x16x2000xf32> to vector<512x2000xf32>
    %convert_element_type3A_249 = arith.truncf %reshape3A_248 : vector<512x2000xf32> to vector<512x2000xbf16>
    %convert_element_type3A_250 = arith.extf %convert_element_type3A_249 : vector<512x2000xbf16> to vector<512x2000xf32>
    %sub3A_251 = arith.subf %reshape3A_248, %convert_element_type3A_250 : vector<512x2000xf32>
    %convert_element_type3A_252 = arith.truncf %sub3A_251 : vector<512x2000xf32> to vector<512x2000xbf16>
    %dot_general3A_253 = arith.constant dense<0.000000e+00> : vector<16x2000xf32>
    %dot_general3A_254 = tpu.matmul %slice3A_19, %convert_element_type3A_249, %dot_general3A_253 {dimension_numbers = #tpu.dot_dimension_numbers<[1], [0], [0], [1], [0, 0, 1, 1], [], []>, transpose_lhs_hint = false} : vector<16x512xbf16>, vector<512x2000xbf16>, vector<16x2000xf32> -> vector<16x2000xf32>
    %dot_general3A_255 = arith.constant dense<0.000000e+00> : vector<16x2000xf32>
    %dot_general3A_256 = tpu.matmul %slice3A_23, %convert_element_type3A_249, %dot_general3A_255 {dimension_numbers = #tpu.dot_dimension_numbers<[1], [0], [0], [1], [0, 0, 1, 1], [], []>, transpose_lhs_hint = false} : vector<16x512xbf16>, vector<512x2000xbf16>, vector<16x2000xf32> -> vector<16x2000xf32>
    %add3A_257 = arith.addf %dot_general3A_254, %dot_general3A_256 : vector<16x2000xf32>
    %dot_general3A_258 = arith.constant dense<0.000000e+00> : vector<16x2000xf32>
    %dot_general3A_259 = tpu.matmul %slice3A_19, %convert_element_type3A_252, %dot_general3A_258 {dimension_numbers = #tpu.dot_dimension_numbers<[1], [0], [0], [1], [0, 0, 1, 1], [], []>, transpose_lhs_hint = false} : vector<16x512xbf16>, vector<512x2000xbf16>, vector<16x2000xf32> -> vector<16x2000xf32>
    %add3A_260 = arith.addf %add3A_257, %dot_general3A_259 : vector<16x2000xf32>
    %convert_element_type3A_261 = arith.truncf %slice3A_229 : vector<16x2000xf32> to vector<16x2000xbf16>
    %dot_general3A_262 = arith.constant dense<0.000000e+00> : vector<16x2000xf32>
    %dot_general3A_263 = tpu.matmul %get3A_26, %convert_element_type3A_261, %dot_general3A_262 {dimension_numbers = #tpu.dot_dimension_numbers<[1], [0], [0], [1], [0, 0, 1, 1], [], []>, transpose_lhs_hint = false} : vector<16x16xbf16>, vector<16x2000xbf16>, vector<16x2000xf32> -> vector<16x2000xf32>
    %add3A_264 = arith.addf %add3A_260, %dot_general3A_263 : vector<16x2000xf32>
    %slice3A_265 = vector.extract_strided_slice %transpose3A {offsets = [96, 0], sizes = [16, 2000], strides = [1, 1]} : vector<128x2000xf32> to vector<16x2000xf32>
    %convert_element_type3A_266 = arith.truncf %slice3A_265 : vector<16x2000xf32> to vector<16x2000xbf16>
    %convert_element_type3A_267 = arith.extf %convert_element_type3A_266 : vector<16x2000xbf16> to vector<16x2000xf32>
    %sub3A_268 = arith.subf %slice3A_265, %convert_element_type3A_267 : vector<16x2000xf32>
    %convert_element_type3A_269 = arith.truncf %sub3A_268 : vector<16x2000xf32> to vector<16x2000xbf16>
    %slice3A_270 = vector.extract_strided_slice %transpose3A_5 {offsets = [96, 0], sizes = [16, 2000], strides = [1, 1]} : vector<128x2000xf32> to vector<16x2000xf32>
    %dot_general3A_271 = arith.constant dense<0.000000e+00> : vector<32x2000xf32>
    %dot_general3A_272 = tpu.matmul %slice3A, %convert_element_type3A_266, %dot_general3A_271 {dimension_numbers = #tpu.dot_dimension_numbers<[1], [0], [0], [1], [0, 0, 1, 1], [], []>, transpose_lhs_hint = false} : vector<32x16xbf16>, vector<16x2000xbf16>, vector<32x2000xf32> -> vector<32x2000xf32>
    %dot_general3A_273 = arith.constant dense<0.000000e+00> : vector<32x2000xf32>
    %dot_general3A_274 = tpu.matmul %slice3A_12, %convert_element_type3A_266, %dot_general3A_273 {dimension_numbers = #tpu.dot_dimension_numbers<[1], [0], [0], [1], [0, 0, 1, 1], [], []>, transpose_lhs_hint = false} : vector<32x16xbf16>, vector<16x2000xbf16>, vector<32x2000xf32> -> vector<32x2000xf32>
    %add3A_275 = arith.addf %dot_general3A_272, %dot_general3A_274 : vector<32x2000xf32>
    %dot_general3A_276 = arith.constant dense<0.000000e+00> : vector<32x2000xf32>
    %dot_general3A_277 = tpu.matmul %slice3A, %convert_element_type3A_269, %dot_general3A_276 {dimension_numbers = #tpu.dot_dimension_numbers<[1], [0], [0], [1], [0, 0, 1, 1], [], []>, transpose_lhs_hint = false} : vector<32x16xbf16>, vector<16x2000xbf16>, vector<32x2000xf32> -> vector<32x2000xf32>
    %add3A_278 = arith.addf %add3A_275, %dot_general3A_277 : vector<32x2000xf32>
    %add3A_279 = vector.broadcast %get3A_15 : vector<32x1xf32> to vector<32x2000xf32>
    %add3A_280 = arith.addf %add3A_278, %add3A_279 : vector<32x2000xf32>
    %max3A_281 = arith.constant 0.000000e+00 : f32
    %max3A_282 = vector.broadcast %max3A_281 : f32 to vector<32x2000xf32>
    %max3A_283 = arith.maximumf %add3A_280, %max3A_282 : vector<32x2000xf32>
    %broadcast_in_dim3A_284 = vector.shape_cast %max3A_283 : vector<32x2000xf32> to vector<32x1x2000xf32>
    %broadcast_in_dim3A_285 = vector.shape_cast %slice3A_270 : vector<16x2000xf32> to vector<1x16x2000xf32>
    %mul3A_286 = vector.broadcast %broadcast_in_dim3A_284 : vector<32x1x2000xf32> to vector<32x16x2000xf32>
    %mul3A_287 = vector.broadcast %broadcast_in_dim3A_285 : vector<1x16x2000xf32> to vector<32x16x2000xf32>
    %mul3A_288 = arith.mulf %mul3A_286, %mul3A_287 : vector<32x16x2000xf32>
    %reshape3A_289 = vector.shape_cast %mul3A_288 : vector<32x16x2000xf32> to vector<512x2000xf32>
    %convert_element_type3A_290 = arith.truncf %reshape3A_289 : vector<512x2000xf32> to vector<512x2000xbf16>
    %convert_element_type3A_291 = arith.extf %convert_element_type3A_290 : vector<512x2000xbf16> to vector<512x2000xf32>
    %sub3A_292 = arith.subf %reshape3A_289, %convert_element_type3A_291 : vector<512x2000xf32>
    %convert_element_type3A_293 = arith.truncf %sub3A_292 : vector<512x2000xf32> to vector<512x2000xbf16>
    %dot_general3A_294 = arith.constant dense<0.000000e+00> : vector<16x2000xf32>
    %dot_general3A_295 = tpu.matmul %slice3A_19, %convert_element_type3A_290, %dot_general3A_294 {dimension_numbers = #tpu.dot_dimension_numbers<[1], [0], [0], [1], [0, 0, 1, 1], [], []>, transpose_lhs_hint = false} : vector<16x512xbf16>, vector<512x2000xbf16>, vector<16x2000xf32> -> vector<16x2000xf32>
    %dot_general3A_296 = arith.constant dense<0.000000e+00> : vector<16x2000xf32>
    %dot_general3A_297 = tpu.matmul %slice3A_23, %convert_element_type3A_290, %dot_general3A_296 {dimension_numbers = #tpu.dot_dimension_numbers<[1], [0], [0], [1], [0, 0, 1, 1], [], []>, transpose_lhs_hint = false} : vector<16x512xbf16>, vector<512x2000xbf16>, vector<16x2000xf32> -> vector<16x2000xf32>
    %add3A_298 = arith.addf %dot_general3A_295, %dot_general3A_297 : vector<16x2000xf32>
    %dot_general3A_299 = arith.constant dense<0.000000e+00> : vector<16x2000xf32>
    %dot_general3A_300 = tpu.matmul %slice3A_19, %convert_element_type3A_293, %dot_general3A_299 {dimension_numbers = #tpu.dot_dimension_numbers<[1], [0], [0], [1], [0, 0, 1, 1], [], []>, transpose_lhs_hint = false} : vector<16x512xbf16>, vector<512x2000xbf16>, vector<16x2000xf32> -> vector<16x2000xf32>
    %add3A_301 = arith.addf %add3A_298, %dot_general3A_300 : vector<16x2000xf32>
    %convert_element_type3A_302 = arith.truncf %slice3A_270 : vector<16x2000xf32> to vector<16x2000xbf16>
    %dot_general3A_303 = arith.constant dense<0.000000e+00> : vector<16x2000xf32>
    %dot_general3A_304 = tpu.matmul %get3A_26, %convert_element_type3A_302, %dot_general3A_303 {dimension_numbers = #tpu.dot_dimension_numbers<[1], [0], [0], [1], [0, 0, 1, 1], [], []>, transpose_lhs_hint = false} : vector<16x16xbf16>, vector<16x2000xbf16>, vector<16x2000xf32> -> vector<16x2000xf32>
    %add3A_305 = arith.addf %add3A_301, %dot_general3A_304 : vector<16x2000xf32>
    %slice3A_306 = vector.extract_strided_slice %transpose3A {offsets = [112, 0], sizes = [16, 2000], strides = [1, 1]} : vector<128x2000xf32> to vector<16x2000xf32>
    %convert_element_type3A_307 = arith.truncf %slice3A_306 : vector<16x2000xf32> to vector<16x2000xbf16>
    %convert_element_type3A_308 = arith.extf %convert_element_type3A_307 : vector<16x2000xbf16> to vector<16x2000xf32>
    %sub3A_309 = arith.subf %slice3A_306, %convert_element_type3A_308 : vector<16x2000xf32>
    %convert_element_type3A_310 = arith.truncf %sub3A_309 : vector<16x2000xf32> to vector<16x2000xbf16>
    %slice3A_311 = vector.extract_strided_slice %transpose3A_5 {offsets = [112, 0], sizes = [16, 2000], strides = [1, 1]} : vector<128x2000xf32> to vector<16x2000xf32>
    %dot_general3A_312 = arith.constant dense<0.000000e+00> : vector<32x2000xf32>
    %dot_general3A_313 = tpu.matmul %slice3A, %convert_element_type3A_307, %dot_general3A_312 {dimension_numbers = #tpu.dot_dimension_numbers<[1], [0], [0], [1], [0, 0, 1, 1], [], []>, transpose_lhs_hint = false} : vector<32x16xbf16>, vector<16x2000xbf16>, vector<32x2000xf32> -> vector<32x2000xf32>
    %dot_general3A_314 = arith.constant dense<0.000000e+00> : vector<32x2000xf32>
    %dot_general3A_315 = tpu.matmul %slice3A_12, %convert_element_type3A_307, %dot_general3A_314 {dimension_numbers = #tpu.dot_dimension_numbers<[1], [0], [0], [1], [0, 0, 1, 1], [], []>, transpose_lhs_hint = false} : vector<32x16xbf16>, vector<16x2000xbf16>, vector<32x2000xf32> -> vector<32x2000xf32>
    %add3A_316 = arith.addf %dot_general3A_313, %dot_general3A_315 : vector<32x2000xf32>
    %dot_general3A_317 = arith.constant dense<0.000000e+00> : vector<32x2000xf32>
    %dot_general3A_318 = tpu.matmul %slice3A, %convert_element_type3A_310, %dot_general3A_317 {dimension_numbers = #tpu.dot_dimension_numbers<[1], [0], [0], [1], [0, 0, 1, 1], [], []>, transpose_lhs_hint = false} : vector<32x16xbf16>, vector<16x2000xbf16>, vector<32x2000xf32> -> vector<32x2000xf32>
    %add3A_319 = arith.addf %add3A_316, %dot_general3A_318 : vector<32x2000xf32>
    %add3A_320 = vector.broadcast %get3A_15 : vector<32x1xf32> to vector<32x2000xf32>
    %add3A_321 = arith.addf %add3A_319, %add3A_320 : vector<32x2000xf32>
    %max3A_322 = arith.constant 0.000000e+00 : f32
    %max3A_323 = vector.broadcast %max3A_322 : f32 to vector<32x2000xf32>
    %max3A_324 = arith.maximumf %add3A_321, %max3A_323 : vector<32x2000xf32>
    %broadcast_in_dim3A_325 = vector.shape_cast %max3A_324 : vector<32x2000xf32> to vector<32x1x2000xf32>
    %broadcast_in_dim3A_326 = vector.shape_cast %slice3A_311 : vector<16x2000xf32> to vector<1x16x2000xf32>
    %mul3A_327 = vector.broadcast %broadcast_in_dim3A_325 : vector<32x1x2000xf32> to vector<32x16x2000xf32>
    %mul3A_328 = vector.broadcast %broadcast_in_dim3A_326 : vector<1x16x2000xf32> to vector<32x16x2000xf32>
    %mul3A_329 = arith.mulf %mul3A_327, %mul3A_328 : vector<32x16x2000xf32>
    %reshape3A_330 = vector.shape_cast %mul3A_329 : vector<32x16x2000xf32> to vector<512x2000xf32>
    %convert_element_type3A_331 = arith.truncf %reshape3A_330 : vector<512x2000xf32> to vector<512x2000xbf16>
    %convert_element_type3A_332 = arith.extf %convert_element_type3A_331 : vector<512x2000xbf16> to vector<512x2000xf32>
    %sub3A_333 = arith.subf %reshape3A_330, %convert_element_type3A_332 : vector<512x2000xf32>
    %convert_element_type3A_334 = arith.truncf %sub3A_333 : vector<512x2000xf32> to vector<512x2000xbf16>
    %dot_general3A_335 = arith.constant dense<0.000000e+00> : vector<16x2000xf32>
    %dot_general3A_336 = tpu.matmul %slice3A_19, %convert_element_type3A_331, %dot_general3A_335 {dimension_numbers = #tpu.dot_dimension_numbers<[1], [0], [0], [1], [0, 0, 1, 1], [], []>, transpose_lhs_hint = false} : vector<16x512xbf16>, vector<512x2000xbf16>, vector<16x2000xf32> -> vector<16x2000xf32>
    %dot_general3A_337 = arith.constant dense<0.000000e+00> : vector<16x2000xf32>
    %dot_general3A_338 = tpu.matmul %slice3A_23, %convert_element_type3A_331, %dot_general3A_337 {dimension_numbers = #tpu.dot_dimension_numbers<[1], [0], [0], [1], [0, 0, 1, 1], [], []>, transpose_lhs_hint = false} : vector<16x512xbf16>, vector<512x2000xbf16>, vector<16x2000xf32> -> vector<16x2000xf32>
    %add3A_339 = arith.addf %dot_general3A_336, %dot_general3A_338 : vector<16x2000xf32>
    %dot_general3A_340 = arith.constant dense<0.000000e+00> : vector<16x2000xf32>
    %dot_general3A_341 = tpu.matmul %slice3A_19, %convert_element_type3A_334, %dot_general3A_340 {dimension_numbers = #tpu.dot_dimension_numbers<[1], [0], [0], [1], [0, 0, 1, 1], [], []>, transpose_lhs_hint = false} : vector<16x512xbf16>, vector<512x2000xbf16>, vector<16x2000xf32> -> vector<16x2000xf32>
    %add3A_342 = arith.addf %add3A_339, %dot_general3A_341 : vector<16x2000xf32>
    %convert_element_type3A_343 = arith.truncf %slice3A_311 : vector<16x2000xf32> to vector<16x2000xbf16>
    %dot_general3A_344 = arith.constant dense<0.000000e+00> : vector<16x2000xf32>
    %dot_general3A_345 = tpu.matmul %get3A_26, %convert_element_type3A_343, %dot_general3A_344 {dimension_numbers = #tpu.dot_dimension_numbers<[1], [0], [0], [1], [0, 0, 1, 1], [], []>, transpose_lhs_hint = false} : vector<16x16xbf16>, vector<16x2000xbf16>, vector<16x2000xf32> -> vector<16x2000xf32>
    %add3A_346 = arith.addf %add3A_342, %dot_general3A_345 : vector<16x2000xf32>
    %concatenate3A = tpu.concatenate %add3A_59, %add3A_100, %add3A_141, %add3A_182, %add3A_223, %add3A_264, %add3A_305, %add3A_346 in 0 : vector<16x2000xf32>, vector<16x2000xf32>, vector<16x2000xf32>, vector<16x2000xf32>, vector<16x2000xf32>, vector<16x2000xf32>, vector<16x2000xf32>, vector<16x2000xf32> -> vector<128x2000xf32>
    %transpose3A_347 = tpu.transpose %concatenate3A, [1, 0] : vector<128x2000xf32> -> vector<2000x128xf32>
    %swap3A = arith.constant 0 : index
    %swap3A_348 = arith.constant 0 : index
    %swap3A_349 = vector.load %arg7[%swap3A, %swap3A_348] : memref<2000x128xf32, #tpu.memory_space<vmem>>, vector<2000x128xf32>
    tpu.vector_store %arg7[%swap3A, %swap3A_348], %transpose3A_347 {strides = array<i32>} : memref<2000x128xf32, #tpu.memory_space<vmem>>, vector<2000x128xf32>,
    return
  }
  func.func @transform_0(%arg0: i32) -> (i32, i32) {
    %add3A = arith.constant 0 : i32
    %add3A_0 = arith.addi %arg0, %add3A : i32
    %c0_i32 = arith.constant 0 : i32
    %c0_i32_1 = arith.constant 0 : i32
    return %add3A_0, %c0_i32 : i32, i32
  }
  func.func @transform_1(%arg0: i32) -> (i32, i32) {
    %c0_i32 = arith.constant 0 : i32
    %c0_i32_0 = arith.constant 0 : i32
    return %arg0, %c0_i32 : i32, i32
  }
  func.func @transform_2(%arg0: i32) -> (i32, i32) {
    %c0_i32 = arith.constant 0 : i32
    %c0_i32_0 = arith.constant 0 : i32
    %c0_i32_1 = arith.constant 0 : i32
    return %c0_i32, %c0_i32_0 : i32, i32
  }
  func.func @transform_3(%arg0: i32) -> (i32, i32) {
    %c0_i32 = arith.constant 0 : i32
    %c0_i32_0 = arith.constant 0 : i32
    %c0_i32_1 = arith.constant 0 : i32
    return %c0_i32, %c0_i32_0 : i32, i32
  }
  func.func @transform_4(%arg0: i32) -> (i32, i32) {
    %c0_i32 = arith.constant 0 : i32
    %c0_i32_0 = arith.constant 0 : i32
    %c0_i32_1 = arith.constant 0 : i32
    return %c0_i32, %c0_i32_0 : i32, i32
  }
  func.func @transform_5(%arg0: i32) -> (i32, i32) {
    %c0_i32 = arith.constant 0 : i32
    %c0_i32_0 = arith.constant 0 : i32
    %c0_i32_1 = arith.constant 0 : i32
    return %c0_i32, %c0_i32_0 : i32, i32
  }
  func.func @transform_6(%arg0: i32) -> (i32, i32) {
    %c0_i32 = arith.constant 0 : i32
    %c0_i32_0 = arith.constant 0 : i32
    return %arg0, %c0_i32 : i32, i32
  }
}

module attributes {stable_mosaic.version = 14 : i64} {
  func.func @_msg_body(%arg0: i32, %arg1: memref<2000x128xf32, #tpu.memory_space<vmem>>, %arg2: memref<2000x128xf32, #tpu.memory_space<vmem>>, %arg3: memref<32x32xbf16, #tpu.memory_space<vmem>>, %arg4: memref<32x1xf32, #tpu.memory_space<vmem>>, %arg5: memref<32x512xbf16, #tpu.memory_space<vmem>>, %arg6: memref<16x16xbf16, #tpu.memory_space<vmem>>, %arg7: memref<2000x128xf32, #tpu.memory_space<vmem>>) attributes {dimension_semantics = [#tpu.dimension_semantics<arbitrary>], iteration_bounds = array<i64: 10>, scalar_prefetch = 0 : i64, scratch_operands = 0 : i64, tpu.core_type = #tpu.core_type<tc>, window_params = [{transform_indices = @transform_0, window_bounds = array<i64: 2000, 128>}, {transform_indices = @transform_1, window_bounds = array<i64: 2000, 128>}, {pipeline_mode = #tpu.pipeline_mode<synchronous>, transform_indices = @transform_2, window_bounds = array<i64: 32, 32>}, {pipeline_mode = #tpu.pipeline_mode<synchronous>, transform_indices = @transform_3, window_bounds = array<i64: 32, 1>}, {pipeline_mode = #tpu.pipeline_mode<synchronous>, transform_indices = @transform_4, window_bounds = array<i64: 32, 512>}, {pipeline_mode = #tpu.pipeline_mode<synchronous>, transform_indices = @transform_5, window_bounds = array<i64: 16, 16>}, {transform_indices = @transform_6, window_bounds = array<i64: 2000, 128>}]} {
    %get3A = arith.constant 0 : index
    %get3A_0 = arith.constant 0 : index
    %get3A_1 = vector.load %arg1[%get3A, %get3A_0] : memref<2000x128xf32, #tpu.memory_space<vmem>>, vector<2000x128xf32>
    %transpose3A = tpu.transpose %get3A_1, [1, 0] : vector<2000x128xf32> -> vector<128x2000xf32>
    %get3A_2 = arith.constant 0 : index
    %get3A_3 = arith.constant 0 : index
    %get3A_4 = vector.load %arg2[%get3A_2, %get3A_3] : memref<2000x128xf32, #tpu.memory_space<vmem>>, vector<2000x128xf32>
    %transpose3A_5 = tpu.transpose %get3A_4, [1, 0] : vector<2000x128xf32> -> vector<128x2000xf32>
    %get3A_6 = arith.constant 0 : index
    %get3A_7 = arith.constant 0 : index
    %get3A_8 = vector.load %arg3[%get3A_6, %get3A_7] : memref<32x32xbf16, #tpu.memory_space<vmem>>, vector<32x32xbf16>
    %slice3A = vector.extract_strided_slice %get3A_8 {offsets = [0, 0], sizes = [32, 16], strides = [1, 1]} : vector<32x32xbf16> to vector<32x16xbf16>
    %get3A_9 = arith.constant 0 : index
    %get3A_10 = arith.constant 0 : index
    %get3A_11 = vector.load %arg3[%get3A_9, %get3A_10] : memref<32x32xbf16, #tpu.memory_space<vmem>>, vector<32x32xbf16>
    %slice3A_12 = vector.extract_strided_slice %get3A_11 {offsets = [0, 16], sizes = [32, 16], strides = [1, 1]} : vector<32x32xbf16> to vector<32x16xbf16>
    %get3A_13 = arith.constant 0 : index
    %get3A_14 = arith.constant 0 : index
    %get3A_15 = vector.load %arg4[%get3A_13, %get3A_14] : memref<32x1xf32, #tpu.memory_space<vmem>>, vector<32x1xf32>
    %get3A_16 = arith.constant 0 : index
    %get3A_17 = arith.constant 0 : index
    %get3A_18 = vector.load %arg5[%get3A_16, %get3A_17] : memref<32x512xbf16, #tpu.memory_space<vmem>>, vector<32x512xbf16>
    %slice3A_19 = vector.extract_strided_slice %get3A_18 {offsets = [0, 0], sizes = [16, 512], strides = [1, 1]} : vector<32x512xbf16> to vector<16x512xbf16>
    %get3A_20 = arith.constant 0 : index
    %get3A_21 = arith.constant 0 : index
    %get3A_22 = vector.load %arg5[%get3A_20, %get3A_21] : memref<32x512xbf16, #tpu.memory_space<vmem>>, vector<32x512xbf16>
    %slice3A_23 = vector.extract_strided_slice %get3A_22 {offsets = [16, 0], sizes = [16, 512], strides = [1, 1]} : vector<32x512xbf16> to vector<16x512xbf16>
    %get3A_24 = arith.constant 0 : index
    %get3A_25 = arith.constant 0 : index
    %get3A_26 = vector.load %arg6[%get3A_24, %get3A_25] : memref<16x16xbf16, #tpu.memory_space<vmem>>, vector<16x16xbf16>
    %slice3A_27 = vector.extract_strided_slice %transpose3A {offsets = [0, 0], sizes = [16, 2000], strides = [1, 1]} : vector<128x2000xf32> to vector<16x2000xf32>
    %convert_element_type3A = arith.truncf %slice3A_27 : vector<16x2000xf32> to vector<16x2000xbf16>
    %convert_element_type3A_28 = arith.extf %convert_element_type3A : vector<16x2000xbf16> to vector<16x2000xf32>
    %sub3A = arith.subf %slice3A_27, %convert_element_type3A_28 : vector<16x2000xf32>
    %convert_element_type3A_29 = arith.truncf %sub3A : vector<16x2000xf32> to vector<16x2000xbf16>
    %slice3A_30 = vector.extract_strided_slice %transpose3A_5 {offsets = [0, 0], sizes = [16, 2000], strides = [1, 1]} : vector<128x2000xf32> to vector<16x2000xf32>
    %dot_general3A = arith.constant dense<0.000000e+00> : vector<32x2000xf32>
    %dot_general3A_31 = tpu.matmul %slice3A, %convert_element_type3A, %dot_general3A {dimension_numbers = #tpu.dot_dimension_numbers<[1], [0], [0], [1], [0, 0, 1, 1], [], []>, transpose_lhs_hint = false} : vector<32x16xbf16>, vector<16x2000xbf16>, vector<32x2000xf32> -> vector<32x2000xf32>
    %dot_general3A_32 = arith.constant dense<0.000000e+00> : vector<32x2000xf32>
    %dot_general3A_33 = tpu.matmul %slice3A_12, %convert_element_type3A, %dot_general3A_32 {dimension_numbers = #tpu.dot_dimension_numbers<[1], [0], [0], [1], [0, 0, 1, 1], [], []>, transpose_lhs_hint = false} : vector<32x16xbf16>, vector<16x2000xbf16>, vector<32x2000xf32> -> vector<32x2000xf32>
    %add3A = arith.addf %dot_general3A_31, %dot_general3A_33 : vector<32x2000xf32>
    %dot_general3A_34 = arith.constant dense<0.000000e+00> : vector<32x2000xf32>
    %dot_general3A_35 = tpu.matmul %slice3A, %convert_element_type3A_29, %dot_general3A_34 {dimension_numbers = #tpu.dot_dimension_numbers<[1], [0], [0], [1], [0, 0, 1, 1], [], []>, transpose_lhs_hint = false} : vector<32x16xbf16>, vector<16x2000xbf16>, vector<32x2000xf32> -> vector<32x2000xf32>
    %add3A_36 = arith.addf %add3A, %dot_general3A_35 : vector<32x2000xf32>
    %add3A_37 = vector.broadcast %get3A_15 : vector<32x1xf32> to vector<32x2000xf32>
    %add3A_38 = arith.addf %add3A_36, %add3A_37 : vector<32x2000xf32>
    %max3A = arith.constant 0.000000e+00 : f32
    %max3A_39 = vector.broadcast %max3A : f32 to vector<32x2000xf32>
    %max3A_40 = arith.maximumf %add3A_38, %max3A_39 : vector<32x2000xf32>
    %broadcast_in_dim3A = vector.shape_cast %max3A_40 : vector<32x2000xf32> to vector<32x1x2000xf32>
    %broadcast_in_dim3A_41 = vector.shape_cast %slice3A_30 : vector<16x2000xf32> to vector<1x16x2000xf32>
    %mul3A = vector.broadcast %broadcast_in_dim3A : vector<32x1x2000xf32> to vector<32x16x2000xf32>
    %mul3A_42 = vector.broadcast %broadcast_in_dim3A_41 : vector<1x16x2000xf32> to vector<32x16x2000xf32>
    %mul3A_43 = arith.mulf %mul3A, %mul3A_42 : vector<32x16x2000xf32>
    %reshape3A = vector.shape_cast %mul3A_43 : vector<32x16x2000xf32> to vector<512x2000xf32>
    %convert_element_type3A_44 = arith.truncf %reshape3A : vector<512x2000xf32> to vector<512x2000xbf16>
    %convert_element_type3A_45 = arith.extf %convert_element_type3A_44 : vector<512x2000xbf16> to vector<512x2000xf32>
    %sub3A_46 = arith.subf %reshape3A, %convert_element_type3A_45 : vector<512x2000xf32>
    %convert_element_type3A_47 = arith.truncf %sub3A_46 : vector<512x2000xf32> to vector<512x2000xbf16>
    %dot_general3A_48 = arith.constant dense<0.000000e+00> : vector<16x2000xf32>
    %dot_general3A_49 = tpu.matmul %slice3A_19, %convert_element_type3A_44, %dot_general3A_48 {dimension_numbers = #tpu.dot_dimension_numbers<[1], [0], [0], [1], [0, 0, 1, 1], [], []>, transpose_lhs_hint = false} : vector<16x512xbf16>, vector<512x2000xbf16>, vector<16x2000xf32> -> vector<16x2000xf32>
    %dot_general3A_50 = arith.constant dense<0.000000e+00> : vector<16x2000xf32>
    %dot_general3A_51 = tpu.matmul %slice3A_23, %convert_element_type3A_44, %dot_general3A_50 {dimension_numbers = #tpu.dot_dimension_numbers<[1], [0], [0], [1], [0, 0, 1, 1], [], []>, transpose_lhs_hint = false} : vector<16x512xbf16>, vector<512x2000xbf16>, vector<16x2000xf32> -> vector<16x2000xf32>
    %add3A_52 = arith.addf %dot_general3A_49, %dot_general3A_51 : vector<16x2000xf32>
    %dot_general3A_53 = arith.constant dense<0.000000e+00> : vector<16x2000xf32>
    %dot_general3A_54 = tpu.matmul %slice3A_19, %convert_element_type3A_47, %dot_general3A_53 {dimension_numbers = #tpu.dot_dimension_numbers<[1], [0], [0], [1], [0, 0, 1, 1], [], []>, transpose_lhs_hint = false} : vector<16x512xbf16>, vector<512x2000xbf16>, vector<16x2000xf32> -> vector<16x2000xf32>
    %add3A_55 = arith.addf %add3A_52, %dot_general3A_54 : vector<16x2000xf32>
    %convert_element_type3A_56 = arith.truncf %slice3A_30 : vector<16x2000xf32> to vector<16x2000xbf16>
    %dot_general3A_57 = arith.constant dense<0.000000e+00> : vector<16x2000xf32>
    %dot_general3A_58 = tpu.matmul %get3A_26, %convert_element_type3A_56, %dot_general3A_57 {dimension_numbers = #tpu.dot_dimension_numbers<[1], [0], [0], [1], [0, 0, 1, 1], [], []>, transpose_lhs_hint = false} : vector<16x16xbf16>, vector<16x2000xbf16>, vector<16x2000xf32> -> vector<16x2000xf32>
    %add3A_59 = arith.addf %add3A_55, %dot_general3A_58 : vector<16x2000xf32>
    %slice3A_60 = vector.extract_strided_slice %transpose3A {offsets = [16, 0], sizes = [16, 2000], strides = [1, 1]} : vector<128x2000xf32> to vector<16x2000xf32>
    %convert_element_type3A_61 = arith.truncf %slice3A_60 : vector<16x2000xf32> to vector<16x2000xbf16>
    %convert_element_type3A_62 = arith.extf %convert_element_type3A_61 : vector<16x2000xbf16> to vector<16x2000xf32>
    %sub3A_63 = arith.subf %slice3A_60, %convert_element_type3A_62 : vector<16x2000xf32>
    %convert_element_type3A_64 = arith.truncf %sub3A_63 : vector<16x2000xf32> to vector<16x2000xbf16>
    %slice3A_65 = vector.extract_strided_slice %transpose3A_5 {offsets = [16, 0], sizes = [16, 2000], strides = [1, 1]} : vector<128x2000xf32> to vector<16x2000xf32>
    %dot_general3A_66 = arith.constant dense<0.000000e+00> : vector<32x2000xf32>
    %dot_general3A_67 = tpu.matmul %slice3A, %convert_element_type3A_61, %dot_general3A_66 {dimension_numbers = #tpu.dot_dimension_numbers<[1], [0], [0], [1], [0, 0, 1, 1], [], []>, transpose_lhs_hint = false} : vector<32x16xbf16>, vector<16x2000xbf16>, vector<32x2000xf32> -> vector<32x2000xf32>
    %dot_general3A_68 = arith.constant dense<0.000000e+00> : vector<32x2000xf32>
    %dot_general3A_69 = tpu.matmul %slice3A_12, %convert_element_type3A_61, %dot_general3A_68 {dimension_numbers = #tpu.dot_dimension_numbers<[1], [0], [0], [1], [0, 0, 1, 1], [], []>, transpose_lhs_hint = false} : vector<32x16xbf16>, vector<16x2000xbf16>, vector<32x2000xf32> -> vector<32x2000xf32>
    %add3A_70 = arith.addf %dot_general3A_67, %dot_general3A_69 : vector<32x2000xf32>
    %dot_general3A_71 = arith.constant dense<0.000000e+00> : vector<32x2000xf32>
    %dot_general3A_72 = tpu.matmul %slice3A, %convert_element_type3A_64, %dot_general3A_71 {dimension_numbers = #tpu.dot_dimension_numbers<[1], [0], [0], [1], [0, 0, 1, 1], [], []>, transpose_lhs_hint = false} : vector<32x16xbf16>, vector<16x2000xbf16>, vector<32x2000xf32> -> vector<32x2000xf32>
    %add3A_73 = arith.addf %add3A_70, %dot_general3A_72 : vector<32x2000xf32>
    %add3A_74 = vector.broadcast %get3A_15 : vector<32x1xf32> to vector<32x2000xf32>
    %add3A_75 = arith.addf %add3A_73, %add3A_74 : vector<32x2000xf32>
    %max3A_76 = arith.constant 0.000000e+00 : f32
    %max3A_77 = vector.broadcast %max3A_76 : f32 to vector<32x2000xf32>
    %max3A_78 = arith.maximumf %add3A_75, %max3A_77 : vector<32x2000xf32>
    %broadcast_in_dim3A_79 = vector.shape_cast %max3A_78 : vector<32x2000xf32> to vector<32x1x2000xf32>
    %broadcast_in_dim3A_80 = vector.shape_cast %slice3A_65 : vector<16x2000xf32> to vector<1x16x2000xf32>
    %mul3A_81 = vector.broadcast %broadcast_in_dim3A_79 : vector<32x1x2000xf32> to vector<32x16x2000xf32>
    %mul3A_82 = vector.broadcast %broadcast_in_dim3A_80 : vector<1x16x2000xf32> to vector<32x16x2000xf32>
    %mul3A_83 = arith.mulf %mul3A_81, %mul3A_82 : vector<32x16x2000xf32>
    %reshape3A_84 = vector.shape_cast %mul3A_83 : vector<32x16x2000xf32> to vector<512x2000xf32>
    %convert_element_type3A_85 = arith.truncf %reshape3A_84 : vector<512x2000xf32> to vector<512x2000xbf16>
    %convert_element_type3A_86 = arith.extf %convert_element_type3A_85 : vector<512x2000xbf16> to vector<512x2000xf32>
    %sub3A_87 = arith.subf %reshape3A_84, %convert_element_type3A_86 : vector<512x2000xf32>
    %convert_element_type3A_88 = arith.truncf %sub3A_87 : vector<512x2000xf32> to vector<512x2000xbf16>
    %dot_general3A_89 = arith.constant dense<0.000000e+00> : vector<16x2000xf32>
    %dot_general3A_90 = tpu.matmul %slice3A_19, %convert_element_type3A_85, %dot_general3A_89 {dimension_numbers = #tpu.dot_dimension_numbers<[1], [0], [0], [1], [0, 0, 1, 1], [], []>, transpose_lhs_hint = false} : vector<16x512xbf16>, vector<512x2000xbf16>, vector<16x2000xf32> -> vector<16x2000xf32>
    %dot_general3A_91 = arith.constant dense<0.000000e+00> : vector<16x2000xf32>
    %dot_general3A_92 = tpu.matmul %slice3A_23, %convert_element_type3A_85, %dot_general3A_91 {dimension_numbers = #tpu.dot_dimension_numbers<[1], [0], [0], [1], [0, 0, 1, 1], [], []>, transpose_lhs_hint = false} : vector<16x512xbf16>, vector<512x2000xbf16>, vector<16x2000xf32> -> vector<16x2000xf32>
    %add3A_93 = arith.addf %dot_general3A_90, %dot_general3A_92 : vector<16x2000xf32>
    %dot_general3A_94 = arith.constant dense<0.000000e+00> : vector<16x2000xf32>
    %dot_general3A_95 = tpu.matmul %slice3A_19, %convert_element_type3A_88, %dot_general3A_94 {dimension_numbers = #tpu.dot_dimension_numbers<[1], [0], [0], [1], [0, 0, 1, 1], [], []>, transpose_lhs_hint = false} : vector<16x512xbf16>, vector<512x2000xbf16>, vector<16x2000xf32> -> vector<16x2000xf32>
    %add3A_96 = arith.addf %add3A_93, %dot_general3A_95 : vector<16x2000xf32>
    %convert_element_type3A_97 = arith.truncf %slice3A_65 : vector<16x2000xf32> to vector<16x2000xbf16>
    %dot_general3A_98 = arith.constant dense<0.000000e+00> : vector<16x2000xf32>
    %dot_general3A_99 = tpu.matmul %get3A_26, %convert_element_type3A_97, %dot_general3A_98 {dimension_numbers = #tpu.dot_dimension_numbers<[1], [0], [0], [1], [0, 0, 1, 1], [], []>, transpose_lhs_hint = false} : vector<16x16xbf16>, vector<16x2000xbf16>, vector<16x2000xf32> -> vector<16x2000xf32>
    %add3A_100 = arith.addf %add3A_96, %dot_general3A_99 : vector<16x2000xf32>
    %slice3A_101 = vector.extract_strided_slice %transpose3A {offsets = [32, 0], sizes = [16, 2000], strides = [1, 1]} : vector<128x2000xf32> to vector<16x2000xf32>
    %convert_element_type3A_102 = arith.truncf %slice3A_101 : vector<16x2000xf32> to vector<16x2000xbf16>
    %convert_element_type3A_103 = arith.extf %convert_element_type3A_102 : vector<16x2000xbf16> to vector<16x2000xf32>
    %sub3A_104 = arith.subf %slice3A_101, %convert_element_type3A_103 : vector<16x2000xf32>
    %convert_element_type3A_105 = arith.truncf %sub3A_104 : vector<16x2000xf32> to vector<16x2000xbf16>
    %slice3A_106 = vector.extract_strided_slice %transpose3A_5 {offsets = [32, 0], sizes = [16, 2000], strides = [1, 1]} : vector<128x2000xf32> to vector<16x2000xf32>
    %dot_general3A_107 = arith.constant dense<0.000000e+00> : vector<32x2000xf32>
    %dot_general3A_108 = tpu.matmul %slice3A, %convert_element_type3A_102, %dot_general3A_107 {dimension_numbers = #tpu.dot_dimension_numbers<[1], [0], [0], [1], [0, 0, 1, 1], [], []>, transpose_lhs_hint = false} : vector<32x16xbf16>, vector<16x2000xbf16>, vector<32x2000xf32> -> vector<32x2000xf32>
    %dot_general3A_109 = arith.constant dense<0.000000e+00> : vector<32x2000xf32>
    %dot_general3A_110 = tpu.matmul %slice3A_12, %convert_element_type3A_102, %dot_general3A_109 {dimension_numbers = #tpu.dot_dimension_numbers<[1], [0], [0], [1], [0, 0, 1, 1], [], []>, transpose_lhs_hint = false} : vector<32x16xbf16>, vector<16x2000xbf16>, vector<32x2000xf32> -> vector<32x2000xf32>
    %add3A_111 = arith.addf %dot_general3A_108, %dot_general3A_110 : vector<32x2000xf32>
    %dot_general3A_112 = arith.constant dense<0.000000e+00> : vector<32x2000xf32>
    %dot_general3A_113 = tpu.matmul %slice3A, %convert_element_type3A_105, %dot_general3A_112 {dimension_numbers = #tpu.dot_dimension_numbers<[1], [0], [0], [1], [0, 0, 1, 1], [], []>, transpose_lhs_hint = false} : vector<32x16xbf16>, vector<16x2000xbf16>, vector<32x2000xf32> -> vector<32x2000xf32>
    %add3A_114 = arith.addf %add3A_111, %dot_general3A_113 : vector<32x2000xf32>
    %add3A_115 = vector.broadcast %get3A_15 : vector<32x1xf32> to vector<32x2000xf32>
    %add3A_116 = arith.addf %add3A_114, %add3A_115 : vector<32x2000xf32>
    %max3A_117 = arith.constant 0.000000e+00 : f32
    %max3A_118 = vector.broadcast %max3A_117 : f32 to vector<32x2000xf32>
    %max3A_119 = arith.maximumf %add3A_116, %max3A_118 : vector<32x2000xf32>
    %broadcast_in_dim3A_120 = vector.shape_cast %max3A_119 : vector<32x2000xf32> to vector<32x1x2000xf32>
    %broadcast_in_dim3A_121 = vector.shape_cast %slice3A_106 : vector<16x2000xf32> to vector<1x16x2000xf32>
    %mul3A_122 = vector.broadcast %broadcast_in_dim3A_120 : vector<32x1x2000xf32> to vector<32x16x2000xf32>
    %mul3A_123 = vector.broadcast %broadcast_in_dim3A_121 : vector<1x16x2000xf32> to vector<32x16x2000xf32>
    %mul3A_124 = arith.mulf %mul3A_122, %mul3A_123 : vector<32x16x2000xf32>
    %reshape3A_125 = vector.shape_cast %mul3A_124 : vector<32x16x2000xf32> to vector<512x2000xf32>
    %convert_element_type3A_126 = arith.truncf %reshape3A_125 : vector<512x2000xf32> to vector<512x2000xbf16>
    %convert_element_type3A_127 = arith.extf %convert_element_type3A_126 : vector<512x2000xbf16> to vector<512x2000xf32>
    %sub3A_128 = arith.subf %reshape3A_125, %convert_element_type3A_127 : vector<512x2000xf32>
    %convert_element_type3A_129 = arith.truncf %sub3A_128 : vector<512x2000xf32> to vector<512x2000xbf16>
    %dot_general3A_130 = arith.constant dense<0.000000e+00> : vector<16x2000xf32>
    %dot_general3A_131 = tpu.matmul %slice3A_19, %convert_element_type3A_126, %dot_general3A_130 {dimension_numbers = #tpu.dot_dimension_numbers<[1], [0], [0], [1], [0, 0, 1, 1], [], []>, transpose_lhs_hint = false} : vector<16x512xbf16>, vector<512x2000xbf16>, vector<16x2000xf32> -> vector<16x2000xf32>
    %dot_general3A_132 = arith.constant dense<0.000000e+00> : vector<16x2000xf32>
    %dot_general3A_133 = tpu.matmul %slice3A_23, %convert_element_type3A_126, %dot_general3A_132 {dimension_numbers = #tpu.dot_dimension_numbers<[1], [0], [0], [1], [0, 0, 1, 1], [], []>, transpose_lhs_hint = false} : vector<16x512xbf16>, vector<512x2000xbf16>, vector<16x2000xf32> -> vector<16x2000xf32>
    %add3A_134 = arith.addf %dot_general3A_131, %dot_general3A_133 : vector<16x2000xf32>
    %dot_general3A_135 = arith.constant dense<0.000000e+00> : vector<16x2000xf32>
    %dot_general3A_136 = tpu.matmul %slice3A_19, %convert_element_type3A_129, %dot_general3A_135 {dimension_numbers = #tpu.dot_dimension_numbers<[1], [0], [0], [1], [0, 0, 1, 1], [], []>, transpose_lhs_hint = false} : vector<16x512xbf16>, vector<512x2000xbf16>, vector<16x2000xf32> -> vector<16x2000xf32>
    %add3A_137 = arith.addf %add3A_134, %dot_general3A_136 : vector<16x2000xf32>
    %convert_element_type3A_138 = arith.truncf %slice3A_106 : vector<16x2000xf32> to vector<16x2000xbf16>
    %dot_general3A_139 = arith.constant dense<0.000000e+00> : vector<16x2000xf32>
    %dot_general3A_140 = tpu.matmul %get3A_26, %convert_element_type3A_138, %dot_general3A_139 {dimension_numbers = #tpu.dot_dimension_numbers<[1], [0], [0], [1], [0, 0, 1, 1], [], []>, transpose_lhs_hint = false} : vector<16x16xbf16>, vector<16x2000xbf16>, vector<16x2000xf32> -> vector<16x2000xf32>
    %add3A_141 = arith.addf %add3A_137, %dot_general3A_140 : vector<16x2000xf32>
    %slice3A_142 = vector.extract_strided_slice %transpose3A {offsets = [48, 0], sizes = [16, 2000], strides = [1, 1]} : vector<128x2000xf32> to vector<16x2000xf32>
    %convert_element_type3A_143 = arith.truncf %slice3A_142 : vector<16x2000xf32> to vector<16x2000xbf16>
    %convert_element_type3A_144 = arith.extf %convert_element_type3A_143 : vector<16x2000xbf16> to vector<16x2000xf32>
    %sub3A_145 = arith.subf %slice3A_142, %convert_element_type3A_144 : vector<16x2000xf32>
    %convert_element_type3A_146 = arith.truncf %sub3A_145 : vector<16x2000xf32> to vector<16x2000xbf16>
    %slice3A_147 = vector.extract_strided_slice %transpose3A_5 {offsets = [48, 0], sizes = [16, 2000], strides = [1, 1]} : vector<128x2000xf32> to vector<16x2000xf32>
    %dot_general3A_148 = arith.constant dense<0.000000e+00> : vector<32x2000xf32>
    %dot_general3A_149 = tpu.matmul %slice3A, %convert_element_type3A_143, %dot_general3A_148 {dimension_numbers = #tpu.dot_dimension_numbers<[1], [0], [0], [1], [0, 0, 1, 1], [], []>, transpose_lhs_hint = false} : vector<32x16xbf16>, vector<16x2000xbf16>, vector<32x2000xf32> -> vector<32x2000xf32>
    %dot_general3A_150 = arith.constant dense<0.000000e+00> : vector<32x2000xf32>
    %dot_general3A_151 = tpu.matmul %slice3A_12, %convert_element_type3A_143, %dot_general3A_150 {dimension_numbers = #tpu.dot_dimension_numbers<[1], [0], [0], [1], [0, 0, 1, 1], [], []>, transpose_lhs_hint = false} : vector<32x16xbf16>, vector<16x2000xbf16>, vector<32x2000xf32> -> vector<32x2000xf32>
    %add3A_152 = arith.addf %dot_general3A_149, %dot_general3A_151 : vector<32x2000xf32>
    %dot_general3A_153 = arith.constant dense<0.000000e+00> : vector<32x2000xf32>
    %dot_general3A_154 = tpu.matmul %slice3A, %convert_element_type3A_146, %dot_general3A_153 {dimension_numbers = #tpu.dot_dimension_numbers<[1], [0], [0], [1], [0, 0, 1, 1], [], []>, transpose_lhs_hint = false} : vector<32x16xbf16>, vector<16x2000xbf16>, vector<32x2000xf32> -> vector<32x2000xf32>
    %add3A_155 = arith.addf %add3A_152, %dot_general3A_154 : vector<32x2000xf32>
    %add3A_156 = vector.broadcast %get3A_15 : vector<32x1xf32> to vector<32x2000xf32>
    %add3A_157 = arith.addf %add3A_155, %add3A_156 : vector<32x2000xf32>
    %max3A_158 = arith.constant 0.000000e+00 : f32
    %max3A_159 = vector.broadcast %max3A_158 : f32 to vector<32x2000xf32>
    %max3A_160 = arith.maximumf %add3A_157, %max3A_159 : vector<32x2000xf32>
    %broadcast_in_dim3A_161 = vector.shape_cast %max3A_160 : vector<32x2000xf32> to vector<32x1x2000xf32>
    %broadcast_in_dim3A_162 = vector.shape_cast %slice3A_147 : vector<16x2000xf32> to vector<1x16x2000xf32>
    %mul3A_163 = vector.broadcast %broadcast_in_dim3A_161 : vector<32x1x2000xf32> to vector<32x16x2000xf32>
    %mul3A_164 = vector.broadcast %broadcast_in_dim3A_162 : vector<1x16x2000xf32> to vector<32x16x2000xf32>
    %mul3A_165 = arith.mulf %mul3A_163, %mul3A_164 : vector<32x16x2000xf32>
    %reshape3A_166 = vector.shape_cast %mul3A_165 : vector<32x16x2000xf32> to vector<512x2000xf32>
    %convert_element_type3A_167 = arith.truncf %reshape3A_166 : vector<512x2000xf32> to vector<512x2000xbf16>
    %convert_element_type3A_168 = arith.extf %convert_element_type3A_167 : vector<512x2000xbf16> to vector<512x2000xf32>
    %sub3A_169 = arith.subf %reshape3A_166, %convert_element_type3A_168 : vector<512x2000xf32>
    %convert_element_type3A_170 = arith.truncf %sub3A_169 : vector<512x2000xf32> to vector<512x2000xbf16>
    %dot_general3A_171 = arith.constant dense<0.000000e+00> : vector<16x2000xf32>
    %dot_general3A_172 = tpu.matmul %slice3A_19, %convert_element_type3A_167, %dot_general3A_171 {dimension_numbers = #tpu.dot_dimension_numbers<[1], [0], [0], [1], [0, 0, 1, 1], [], []>, transpose_lhs_hint = false} : vector<16x512xbf16>, vector<512x2000xbf16>, vector<16x2000xf32> -> vector<16x2000xf32>
    %dot_general3A_173 = arith.constant dense<0.000000e+00> : vector<16x2000xf32>
    %dot_general3A_174 = tpu.matmul %slice3A_23, %convert_element_type3A_167, %dot_general3A_173 {dimension_numbers = #tpu.dot_dimension_numbers<[1], [0], [0], [1], [0, 0, 1, 1], [], []>, transpose_lhs_hint = false} : vector<16x512xbf16>, vector<512x2000xbf16>, vector<16x2000xf32> -> vector<16x2000xf32>
    %add3A_175 = arith.addf %dot_general3A_172, %dot_general3A_174 : vector<16x2000xf32>
    %dot_general3A_176 = arith.constant dense<0.000000e+00> : vector<16x2000xf32>
    %dot_general3A_177 = tpu.matmul %slice3A_19, %convert_element_type3A_170, %dot_general3A_176 {dimension_numbers = #tpu.dot_dimension_numbers<[1], [0], [0], [1], [0, 0, 1, 1], [], []>, transpose_lhs_hint = false} : vector<16x512xbf16>, vector<512x2000xbf16>, vector<16x2000xf32> -> vector<16x2000xf32>
    %add3A_178 = arith.addf %add3A_175, %dot_general3A_177 : vector<16x2000xf32>
    %convert_element_type3A_179 = arith.truncf %slice3A_147 : vector<16x2000xf32> to vector<16x2000xbf16>
    %dot_general3A_180 = arith.constant dense<0.000000e+00> : vector<16x2000xf32>
    %dot_general3A_181 = tpu.matmul %get3A_26, %convert_element_type3A_179, %dot_general3A_180 {dimension_numbers = #tpu.dot_dimension_numbers<[1], [0], [0], [1], [0, 0, 1, 1], [], []>, transpose_lhs_hint = false} : vector<16x16xbf16>, vector<16x2000xbf16>, vector<16x2000xf32> -> vector<16x2000xf32>
    %add3A_182 = arith.addf %add3A_178, %dot_general3A_181 : vector<16x2000xf32>
    %slice3A_183 = vector.extract_strided_slice %transpose3A {offsets = [64, 0], sizes = [16, 2000], strides = [1, 1]} : vector<128x2000xf32> to vector<16x2000xf32>
    %convert_element_type3A_184 = arith.truncf %slice3A_183 : vector<16x2000xf32> to vector<16x2000xbf16>
    %convert_element_type3A_185 = arith.extf %convert_element_type3A_184 : vector<16x2000xbf16> to vector<16x2000xf32>
    %sub3A_186 = arith.subf %slice3A_183, %convert_element_type3A_185 : vector<16x2000xf32>
    %convert_element_type3A_187 = arith.truncf %sub3A_186 : vector<16x2000xf32> to vector<16x2000xbf16>
    %slice3A_188 = vector.extract_strided_slice %transpose3A_5 {offsets = [64, 0], sizes = [16, 2000], strides = [1, 1]} : vector<128x2000xf32> to vector<16x2000xf32>
    %dot_general3A_189 = arith.constant dense<0.000000e+00> : vector<32x2000xf32>
    %dot_general3A_190 = tpu.matmul %slice3A, %convert_element_type3A_184, %dot_general3A_189 {dimension_numbers = #tpu.dot_dimension_numbers<[1], [0], [0], [1], [0, 0, 1, 1], [], []>, transpose_lhs_hint = false} : vector<32x16xbf16>, vector<16x2000xbf16>, vector<32x2000xf32> -> vector<32x2000xf32>
    %dot_general3A_191 = arith.constant dense<0.000000e+00> : vector<32x2000xf32>
    %dot_general3A_192 = tpu.matmul %slice3A_12, %convert_element_type3A_184, %dot_general3A_191 {dimension_numbers = #tpu.dot_dimension_numbers<[1], [0], [0], [1], [0, 0, 1, 1], [], []>, transpose_lhs_hint = false} : vector<32x16xbf16>, vector<16x2000xbf16>, vector<32x2000xf32> -> vector<32x2000xf32>
    %add3A_193 = arith.addf %dot_general3A_190, %dot_general3A_192 : vector<32x2000xf32>
    %dot_general3A_194 = arith.constant dense<0.000000e+00> : vector<32x2000xf32>
    %dot_general3A_195 = tpu.matmul %slice3A, %convert_element_type3A_187, %dot_general3A_194 {dimension_numbers = #tpu.dot_dimension_numbers<[1], [0], [0], [1], [0, 0, 1, 1], [], []>, transpose_lhs_hint = false} : vector<32x16xbf16>, vector<16x2000xbf16>, vector<32x2000xf32> -> vector<32x2000xf32>
    %add3A_196 = arith.addf %add3A_193, %dot_general3A_195 : vector<32x2000xf32>
    %add3A_197 = vector.broadcast %get3A_15 : vector<32x1xf32> to vector<32x2000xf32>
    %add3A_198 = arith.addf %add3A_196, %add3A_197 : vector<32x2000xf32>
    %max3A_199 = arith.constant 0.000000e+00 : f32
    %max3A_200 = vector.broadcast %max3A_199 : f32 to vector<32x2000xf32>
    %max3A_201 = arith.maximumf %add3A_198, %max3A_200 : vector<32x2000xf32>
    %broadcast_in_dim3A_202 = vector.shape_cast %max3A_201 : vector<32x2000xf32> to vector<32x1x2000xf32>
    %broadcast_in_dim3A_203 = vector.shape_cast %slice3A_188 : vector<16x2000xf32> to vector<1x16x2000xf32>
    %mul3A_204 = vector.broadcast %broadcast_in_dim3A_202 : vector<32x1x2000xf32> to vector<32x16x2000xf32>
    %mul3A_205 = vector.broadcast %broadcast_in_dim3A_203 : vector<1x16x2000xf32> to vector<32x16x2000xf32>
    %mul3A_206 = arith.mulf %mul3A_204, %mul3A_205 : vector<32x16x2000xf32>
    %reshape3A_207 = vector.shape_cast %mul3A_206 : vector<32x16x2000xf32> to vector<512x2000xf32>
    %convert_element_type3A_208 = arith.truncf %reshape3A_207 : vector<512x2000xf32> to vector<512x2000xbf16>
    %convert_element_type3A_209 = arith.extf %convert_element_type3A_208 : vector<512x2000xbf16> to vector<512x2000xf32>
    %sub3A_210 = arith.subf %reshape3A_207, %convert_element_type3A_209 : vector<512x2000xf32>
    %convert_element_type3A_211 = arith.truncf %sub3A_210 : vector<512x2000xf32> to vector<512x2000xbf16>
    %dot_general3A_212 = arith.constant dense<0.000000e+00> : vector<16x2000xf32>
    %dot_general3A_213 = tpu.matmul %slice3A_19, %convert_element_type3A_208, %dot_general3A_212 {dimension_numbers = #tpu.dot_dimension_numbers<[1], [0], [0], [1], [0, 0, 1, 1], [], []>, transpose_lhs_hint = false} : vector<16x512xbf16>, vector<512x2000xbf16>, vector<16x2000xf32> -> vector<16x2000xf32>
    %dot_general3A_214 = arith.constant dense<0.000000e+00> : vector<16x2000xf32>
    %dot_general3A_215 = tpu.matmul %slice3A_23, %convert_element_type3A_208, %dot_general3A_214 {dimension_numbers = #tpu.dot_dimension_numbers<[1], [0], [0], [1], [0, 0, 1, 1], [], []>, transpose_lhs_hint = false} : vector<16x512xbf16>, vector<512x2000xbf16>, vector<16x2000xf32> -> vector<16x2000xf32>
    %add3A_216 = arith.addf %dot_general3A_213, %dot_general3A_215 : vector<16x2000xf32>
    %dot_general3A_217 = arith.constant dense<0.000000e+00> : vector<16x2000xf32>
    %dot_general3A_218 = tpu.matmul %slice3A_19, %convert_element_type3A_211, %dot_general3A_217 {dimension_numbers = #tpu.dot_dimension_numbers<[1], [0], [0], [1], [0, 0, 1, 1], [], []>, transpose_lhs_hint = false} : vector<16x512xbf16>, vector<512x2000xbf16>, vector<16x2000xf32> -> vector<16x2000xf32>
    %add3A_219 = arith.addf %add3A_216, %dot_general3A_218 : vector<16x2000xf32>
    %convert_element_type3A_220 = arith.truncf %slice3A_188 : vector<16x2000xf32> to vector<16x2000xbf16>
    %dot_general3A_221 = arith.constant dense<0.000000e+00> : vector<16x2000xf32>
    %dot_general3A_222 = tpu.matmul %get3A_26, %convert_element_type3A_220, %dot_general3A_221 {dimension_numbers = #tpu.dot_dimension_numbers<[1], [0], [0], [1], [0, 0, 1, 1], [], []>, transpose_lhs_hint = false} : vector<16x16xbf16>, vector<16x2000xbf16>, vector<16x2000xf32> -> vector<16x2000xf32>
    %add3A_223 = arith.addf %add3A_219, %dot_general3A_222 : vector<16x2000xf32>
    %slice3A_224 = vector.extract_strided_slice %transpose3A {offsets = [80, 0], sizes = [16, 2000], strides = [1, 1]} : vector<128x2000xf32> to vector<16x2000xf32>
    %convert_element_type3A_225 = arith.truncf %slice3A_224 : vector<16x2000xf32> to vector<16x2000xbf16>
    %convert_element_type3A_226 = arith.extf %convert_element_type3A_225 : vector<16x2000xbf16> to vector<16x2000xf32>
    %sub3A_227 = arith.subf %slice3A_224, %convert_element_type3A_226 : vector<16x2000xf32>
    %convert_element_type3A_228 = arith.truncf %sub3A_227 : vector<16x2000xf32> to vector<16x2000xbf16>
    %slice3A_229 = vector.extract_strided_slice %transpose3A_5 {offsets = [80, 0], sizes = [16, 2000], strides = [1, 1]} : vector<128x2000xf32> to vector<16x2000xf32>
    %dot_general3A_230 = arith.constant dense<0.000000e+00> : vector<32x2000xf32>
    %dot_general3A_231 = tpu.matmul %slice3A, %convert_element_type3A_225, %dot_general3A_230 {dimension_numbers = #tpu.dot_dimension_numbers<[1], [0], [0], [1], [0, 0, 1, 1], [], []>, transpose_lhs_hint = false} : vector<32x16xbf16>, vector<16x2000xbf16>, vector<32x2000xf32> -> vector<32x2000xf32>
    %dot_general3A_232 = arith.constant dense<0.000000e+00> : vector<32x2000xf32>
    %dot_general3A_233 = tpu.matmul %slice3A_12, %convert_element_type3A_225, %dot_general3A_232 {dimension_numbers = #tpu.dot_dimension_numbers<[1], [0], [0], [1], [0, 0, 1, 1], [], []>, transpose_lhs_hint = false} : vector<32x16xbf16>, vector<16x2000xbf16>, vector<32x2000xf32> -> vector<32x2000xf32>
    %add3A_234 = arith.addf %dot_general3A_231, %dot_general3A_233 : vector<32x2000xf32>
    %dot_general3A_235 = arith.constant dense<0.000000e+00> : vector<32x2000xf32>
    %dot_general3A_236 = tpu.matmul %slice3A, %convert_element_type3A_228, %dot_general3A_235 {dimension_numbers = #tpu.dot_dimension_numbers<[1], [0], [0], [1], [0, 0, 1, 1], [], []>, transpose_lhs_hint = false} : vector<32x16xbf16>, vector<16x2000xbf16>, vector<32x2000xf32> -> vector<32x2000xf32>
    %add3A_237 = arith.addf %add3A_234, %dot_general3A_236 : vector<32x2000xf32>
    %add3A_238 = vector.broadcast %get3A_15 : vector<32x1xf32> to vector<32x2000xf32>
    %add3A_239 = arith.addf %add3A_237, %add3A_238 : vector<32x2000xf32>
    %max3A_240 = arith.constant 0.000000e+00 : f32
    %max3A_241 = vector.broadcast %max3A_240 : f32 to vector<32x2000xf32>
    %max3A_242 = arith.maximumf %add3A_239, %max3A_241 : vector<32x2000xf32>
    %broadcast_in_dim3A_243 = vector.shape_cast %max3A_242 : vector<32x2000xf32> to vector<32x1x2000xf32>
    %broadcast_in_dim3A_244 = vector.shape_cast %slice3A_229 : vector<16x2000xf32> to vector<1x16x2000xf32>
    %mul3A_245 = vector.broadcast %broadcast_in_dim3A_243 : vector<32x1x2000xf32> to vector<32x16x2000xf32>
    %mul3A_246 = vector.broadcast %broadcast_in_dim3A_244 : vector<1x16x2000xf32> to vector<32x16x2000xf32>
    %mul3A_247 = arith.mulf %mul3A_245, %mul3A_246 : vector<32x16x2000xf32>
    %reshape3A_248 = vector.shape_cast %mul3A_247 : vector<32x16x2000xf32> to vector<512x2000xf32>
    %convert_element_type3A_249 = arith.truncf %reshape3A_248 : vector<512x2000xf32> to vector<512x2000xbf16>
    %convert_element_type3A_250 = arith.extf %convert_element_type3A_249 : vector<512x2000xbf16> to vector<512x2000xf32>
    %sub3A_251 = arith.subf %reshape3A_248, %convert_element_type3A_250 : vector<512x2000xf32>
    %convert_element_type3A_252 = arith.truncf %sub3A_251 : vector<512x2000xf32> to vector<512x2000xbf16>
    %dot_general3A_253 = arith.constant dense<0.000000e+00> : vector<16x2000xf32>
    %dot_general3A_254 = tpu.matmul %slice3A_19, %convert_element_type3A_249, %dot_general3A_253 {dimension_numbers = #tpu.dot_dimension_numbers<[1], [0], [0], [1], [0, 0, 1, 1], [], []>, transpose_lhs_hint = false} : vector<16x512xbf16>, vector<512x2000xbf16>, vector<16x2000xf32> -> vector<16x2000xf32>
    %dot_general3A_255 = arith.constant dense<0.000000e+00> : vector<16x2000xf32>
    %dot_general3A_256 = tpu.matmul %slice3A_23, %convert_element_type3A_249, %dot_general3A_255 {dimension_numbers = #tpu.dot_dimension_numbers<[1], [0], [0], [1], [0, 0, 1, 1], [], []>, transpose_lhs_hint = false} : vector<16x512xbf16>, vector<512x2000xbf16>, vector<16x2000xf32> -> vector<16x2000xf32>
    %add3A_257 = arith.addf %dot_general3A_254, %dot_general3A_256 : vector<16x2000xf32>
    %dot_general3A_258 = arith.constant dense<0.000000e+00> : vector<16x2000xf32>
    %dot_general3A_259 = tpu.matmul %slice3A_19, %convert_element_type3A_252, %dot_general3A_258 {dimension_numbers = #tpu.dot_dimension_numbers<[1], [0], [0], [1], [0, 0, 1, 1], [], []>, transpose_lhs_hint = false} : vector<16x512xbf16>, vector<512x2000xbf16>, vector<16x2000xf32> -> vector<16x2000xf32>
    %add3A_260 = arith.addf %add3A_257, %dot_general3A_259 : vector<16x2000xf32>
    %convert_element_type3A_261 = arith.truncf %slice3A_229 : vector<16x2000xf32> to vector<16x2000xbf16>
    %dot_general3A_262 = arith.constant dense<0.000000e+00> : vector<16x2000xf32>
    %dot_general3A_263 = tpu.matmul %get3A_26, %convert_element_type3A_261, %dot_general3A_262 {dimension_numbers = #tpu.dot_dimension_numbers<[1], [0], [0], [1], [0, 0, 1, 1], [], []>, transpose_lhs_hint = false} : vector<16x16xbf16>, vector<16x2000xbf16>, vector<16x2000xf32> -> vector<16x2000xf32>
    %add3A_264 = arith.addf %add3A_260, %dot_general3A_263 : vector<16x2000xf32>
    %slice3A_265 = vector.extract_strided_slice %transpose3A {offsets = [96, 0], sizes = [16, 2000], strides = [1, 1]} : vector<128x2000xf32> to vector<16x2000xf32>
    %convert_element_type3A_266 = arith.truncf %slice3A_265 : vector<16x2000xf32> to vector<16x2000xbf16>
    %convert_element_type3A_267 = arith.extf %convert_element_type3A_266 : vector<16x2000xbf16> to vector<16x2000xf32>
    %sub3A_268 = arith.subf %slice3A_265, %convert_element_type3A_267 : vector<16x2000xf32>
    %convert_element_type3A_269 = arith.truncf %sub3A_268 : vector<16x2000xf32> to vector<16x2000xbf16>
    %slice3A_270 = vector.extract_strided_slice %transpose3A_5 {offsets = [96, 0], sizes = [16, 2000], strides = [1, 1]} : vector<128x2000xf32> to vector<16x2000xf32>
    %dot_general3A_271 = arith.constant dense<0.000000e+00> : vector<32x2000xf32>
    %dot_general3A_272 = tpu.matmul %slice3A, %convert_element_type3A_266, %dot_general3A_271 {dimension_numbers = #tpu.dot_dimension_numbers<[1], [0], [0], [1], [0, 0, 1, 1], [], []>, transpose_lhs_hint = false} : vector<32x16xbf16>, vector<16x2000xbf16>, vector<32x2000xf32> -> vector<32x2000xf32>
    %dot_general3A_273 = arith.constant dense<0.000000e+00> : vector<32x2000xf32>
    %dot_general3A_274 = tpu.matmul %slice3A_12, %convert_element_type3A_266, %dot_general3A_273 {dimension_numbers = #tpu.dot_dimension_numbers<[1], [0], [0], [1], [0, 0, 1, 1], [], []>, transpose_lhs_hint = false} : vector<32x16xbf16>, vector<16x2000xbf16>, vector<32x2000xf32> -> vector<32x2000xf32>
    %add3A_275 = arith.addf %dot_general3A_272, %dot_general3A_274 : vector<32x2000xf32>
    %dot_general3A_276 = arith.constant dense<0.000000e+00> : vector<32x2000xf32>
    %dot_general3A_277 = tpu.matmul %slice3A, %convert_element_type3A_269, %dot_general3A_276 {dimension_numbers = #tpu.dot_dimension_numbers<[1], [0], [0], [1], [0, 0, 1, 1], [], []>, transpose_lhs_hint = false} : vector<32x16xbf16>, vector<16x2000xbf16>, vector<32x2000xf32> -> vector<32x2000xf32>
    %add3A_278 = arith.addf %add3A_275, %dot_general3A_277 : vector<32x2000xf32>
    %add3A_279 = vector.broadcast %get3A_15 : vector<32x1xf32> to vector<32x2000xf32>
    %add3A_280 = arith.addf %add3A_278, %add3A_279 : vector<32x2000xf32>
    %max3A_281 = arith.constant 0.000000e+00 : f32
    %max3A_282 = vector.broadcast %max3A_281 : f32 to vector<32x2000xf32>
    %max3A_283 = arith.maximumf %add3A_280, %max3A_282 : vector<32x2000xf32>
    %broadcast_in_dim3A_284 = vector.shape_cast %max3A_283 : vector<32x2000xf32> to vector<32x1x2000xf32>
    %broadcast_in_dim3A_285 = vector.shape_cast %slice3A_270 : vector<16x2000xf32> to vector<1x16x2000xf32>
    %mul3A_286 = vector.broadcast %broadcast_in_dim3A_284 : vector<32x1x2000xf32> to vector<32x16x2000xf32>
    %mul3A_287 = vector.broadcast %broadcast_in_dim3A_285 : vector<1x16x2000xf32> to vector<32x16x2000xf32>
    %mul3A_288 = arith.mulf %mul3A_286, %mul3A_287 : vector<32x16x2000xf32>
    %reshape3A_289 = vector.shape_cast %mul3A_288 : vector<32x16x2000xf32> to vector<512x2000xf32>
    %convert_element_type3A_290 = arith.truncf %reshape3A_289 : vector<512x2000xf32> to vector<512x2000xbf16>
    %convert_element_type3A_291 = arith.extf %convert_element_type3A_290 : vector<512x2000xbf16> to vector<512x2000xf32>
    %sub3A_292 = arith.subf %reshape3A_289, %convert_element_type3A_291 : vector<512x2000xf32>
    %convert_element_type3A_293 = arith.truncf %sub3A_292 : vector<512x2000xf32> to vector<512x2000xbf16>
    %dot_general3A_294 = arith.constant dense<0.000000e+00> : vector<16x2000xf32>
    %dot_general3A_295 = tpu.matmul %slice3A_19, %convert_element_type3A_290, %dot_general3A_294 {dimension_numbers = #tpu.dot_dimension_numbers<[1], [0], [0], [1], [0, 0, 1, 1], [], []>, transpose_lhs_hint = false} : vector<16x512xbf16>, vector<512x2000xbf16>, vector<16x2000xf32> -> vector<16x2000xf32>
    %dot_general3A_296 = arith.constant dense<0.000000e+00> : vector<16x2000xf32>
    %dot_general3A_297 = tpu.matmul %slice3A_23, %convert_element_type3A_290, %dot_general3A_296 {dimension_numbers = #tpu.dot_dimension_numbers<[1], [0], [0], [1], [0, 0, 1, 1], [], []>, transpose_lhs_hint = false} : vector<16x512xbf16>, vector<512x2000xbf16>, vector<16x2000xf32> -> vector<16x2000xf32>
    %add3A_298 = arith.addf %dot_general3A_295, %dot_general3A_297 : vector<16x2000xf32>
    %dot_general3A_299 = arith.constant dense<0.000000e+00> : vector<16x2000xf32>
    %dot_general3A_300 = tpu.matmul %slice3A_19, %convert_element_type3A_293, %dot_general3A_299 {dimension_numbers = #tpu.dot_dimension_numbers<[1], [0], [0], [1], [0, 0, 1, 1], [], []>, transpose_lhs_hint = false} : vector<16x512xbf16>, vector<512x2000xbf16>, vector<16x2000xf32> -> vector<16x2000xf32>
    %add3A_301 = arith.addf %add3A_298, %dot_general3A_300 : vector<16x2000xf32>
    %convert_element_type3A_302 = arith.truncf %slice3A_270 : vector<16x2000xf32> to vector<16x2000xbf16>
    %dot_general3A_303 = arith.constant dense<0.000000e+00> : vector<16x2000xf32>
    %dot_general3A_304 = tpu.matmul %get3A_26, %convert_element_type3A_302, %dot_general3A_303 {dimension_numbers = #tpu.dot_dimension_numbers<[1], [0], [0], [1], [0, 0, 1, 1], [], []>, transpose_lhs_hint = false} : vector<16x16xbf16>, vector<16x2000xbf16>, vector<16x2000xf32> -> vector<16x2000xf32>
    %add3A_305 = arith.addf %add3A_301, %dot_general3A_304 : vector<16x2000xf32>
    %slice3A_306 = vector.extract_strided_slice %transpose3A {offsets = [112, 0], sizes = [16, 2000], strides = [1, 1]} : vector<128x2000xf32> to vector<16x2000xf32>
    %convert_element_type3A_307 = arith.truncf %slice3A_306 : vector<16x2000xf32> to vector<16x2000xbf16>
    %convert_element_type3A_308 = arith.extf %convert_element_type3A_307 : vector<16x2000xbf16> to vector<16x2000xf32>
    %sub3A_309 = arith.subf %slice3A_306, %convert_element_type3A_308 : vector<16x2000xf32>
    %convert_element_type3A_310 = arith.truncf %sub3A_309 : vector<16x2000xf32> to vector<16x2000xbf16>
    %slice3A_311 = vector.extract_strided_slice %transpose3A_5 {offsets = [112, 0], sizes = [16, 2000], strides = [1, 1]} : vector<128x2000xf32> to vector<16x2000xf32>
    %dot_general3A_312 = arith.constant dense<0.000000e+00> : vector<32x2000xf32>
    %dot_general3A_313 = tpu.matmul %slice3A, %convert_element_type3A_307, %dot_general3A_312 {dimension_numbers = #tpu.dot_dimension_numbers<[1], [0], [0], [1], [0, 0, 1, 1], [], []>, transpose_lhs_hint = false} : vector<32x16xbf16>, vector<16x2000xbf16>, vector<32x2000xf32> -> vector<32x2000xf32>
    %dot_general3A_314 = arith.constant dense<0.000000e+00> : vector<32x2000xf32>
    %dot_general3A_315 = tpu.matmul %slice3A_12, %convert_element_type3A_307, %dot_general3A_314 {dimension_numbers = #tpu.dot_dimension_numbers<[1], [0], [0], [1], [0, 0, 1, 1], [], []>, transpose_lhs_hint = false} : vector<32x16xbf16>, vector<16x2000xbf16>, vector<32x2000xf32> -> vector<32x2000xf32>
    %add3A_316 = arith.addf %dot_general3A_313, %dot_general3A_315 : vector<32x2000xf32>
    %dot_general3A_317 = arith.constant dense<0.000000e+00> : vector<32x2000xf32>
    %dot_general3A_318 = tpu.matmul %slice3A, %convert_element_type3A_310, %dot_general3A_317 {dimension_numbers = #tpu.dot_dimension_numbers<[1], [0], [0], [1], [0, 0, 1, 1], [], []>, transpose_lhs_hint = false} : vector<32x16xbf16>, vector<16x2000xbf16>, vector<32x2000xf32> -> vector<32x2000xf32>
    %add3A_319 = arith.addf %add3A_316, %dot_general3A_318 : vector<32x2000xf32>
    %add3A_320 = vector.broadcast %get3A_15 : vector<32x1xf32> to vector<32x2000xf32>
    %add3A_321 = arith.addf %add3A_319, %add3A_320 : vector<32x2000xf32>
    %max3A_322 = arith.constant 0.000000e+00 : f32
    %max3A_323 = vector.broadcast %max3A_322 : f32 to vector<32x2000xf32>
    %max3A_324 = arith.maximumf %add3A_321, %max3A_323 : vector<32x2000xf32>
    %broadcast_in_dim3A_325 = vector.shape_cast %max3A_324 : vector<32x2000xf32> to vector<32x1x2000xf32>
    %broadcast_in_dim3A_326 = vector.shape_cast %slice3A_311 : vector<16x2000xf32> to vector<1x16x2000xf32>
    %mul3A_327 = vector.broadcast %broadcast_in_dim3A_325 : vector<32x1x2000xf32> to vector<32x16x2000xf32>
    %mul3A_328 = vector.broadcast %broadcast_in_dim3A_326 : vector<1x16x2000xf32> to vector<32x16x2000xf32>
    %mul3A_329 = arith.mulf %mul3A_327, %mul3A_328 : vector<32x16x2000xf32>
    %reshape3A_330 = vector.shape_cast %mul3A_329 : vector<32x16x2000xf32> to vector<512x2000xf32>
    %convert_element_type3A_331 = arith.truncf %reshape3A_330 : vector<512x2000xf32> to vector<512x2000xbf16>
    %convert_element_type3A_332 = arith.extf %convert_element_type3A_331 : vector<512x2000xbf16> to vector<512x2000xf32>
    %sub3A_333 = arith.subf %reshape3A_330, %convert_element_type3A_332 : vector<512x2000xf32>
    %convert_element_type3A_334 = arith.truncf %sub3A_333 : vector<512x2000xf32> to vector<512x2000xbf16>
    %dot_general3A_335 = arith.constant dense<0.000000e+00> : vector<16x2000xf32>
    %dot_general3A_336 = tpu.matmul %slice3A_19, %convert_element_type3A_331, %dot_general3A_335 {dimension_numbers = #tpu.dot_dimension_numbers<[1], [0], [0], [1], [0, 0, 1, 1], [], []>, transpose_lhs_hint = false} : vector<16x512xbf16>, vector<512x2000xbf16>, vector<16x2000xf32> -> vector<16x2000xf32>
    %dot_general3A_337 = arith.constant dense<0.000000e+00> : vector<16x2000xf32>
    %dot_general3A_338 = tpu.matmul %slice3A_23, %convert_element_type3A_331, %dot_general3A_337 {dimension_numbers = #tpu.dot_dimension_numbers<[1], [0], [0], [1], [0, 0, 1, 1], [], []>, transpose_lhs_hint = false} : vector<16x512xbf16>, vector<512x2000xbf16>, vector<16x2000xf32> -> vector<16x2000xf32>
    %add3A_339 = arith.addf %dot_general3A_336, %dot_general3A_338 : vector<16x2000xf32>
    %dot_general3A_340 = arith.constant dense<0.000000e+00> : vector<16x2000xf32>
    %dot_general3A_341 = tpu.matmul %slice3A_19, %convert_element_type3A_334, %dot_general3A_340 {dimension_numbers = #tpu.dot_dimension_numbers<[1], [0], [0], [1], [0, 0, 1, 1], [], []>, transpose_lhs_hint = false} : vector<16x512xbf16>, vector<512x2000xbf16>, vector<16x2000xf32> -> vector<16x2000xf32>
    %add3A_342 = arith.addf %add3A_339, %dot_general3A_341 : vector<16x2000xf32>
    %convert_element_type3A_343 = arith.truncf %slice3A_311 : vector<16x2000xf32> to vector<16x2000xbf16>
    %dot_general3A_344 = arith.constant dense<0.000000e+00> : vector<16x2000xf32>
    %dot_general3A_345 = tpu.matmul %get3A_26, %convert_element_type3A_343, %dot_general3A_344 {dimension_numbers = #tpu.dot_dimension_numbers<[1], [0], [0], [1], [0, 0, 1, 1], [], []>, transpose_lhs_hint = false} : vector<16x16xbf16>, vector<16x2000xbf16>, vector<16x2000xf32> -> vector<16x2000xf32>
    %add3A_346 = arith.addf %add3A_342, %dot_general3A_345 : vector<16x2000xf32>
    %concatenate3A = tpu.concatenate %add3A_59, %add3A_100, %add3A_141, %add3A_182, %add3A_223, %add3A_264, %add3A_305, %add3A_346 in 0 : vector<16x2000xf32>, vector<16x2000xf32>, vector<16x2000xf32>, vector<16x2000xf32>, vector<16x2000xf32>, vector<16x2000xf32>, vector<16x2000xf32>, vector<16x2000xf32> -> vector<128x2000xf32>
    %transpose3A_347 = tpu.transpose %concatenate3A, [1, 0] : vector<128x2000xf32> -> vector<2000x128xf32>
    %swap3A = arith.constant 0 : index
    %swap3A_348 = arith.constant 0 : index
    %swap3A_349 = vector.load %arg7[%swap3A, %swap3A_348] : memref<2000x128xf32, #tpu.memory_space<vmem>>, vector<2000x128xf32>
    tpu.vector_store %arg7[%swap3A, %swap3A_348], %transpose3A_347 {strides = array<i32>} : memref<2000x128xf32, #tpu.memory_space<vmem>>, vector<2000x128xf32>,
    return
  }
  func.func @transform_0(%arg0: i32) -> (i32, i32) {
    %add3A = arith.constant 10 : i32
    %add3A_0 = arith.addi %arg0, %add3A : i32
    %c0_i32 = arith.constant 0 : i32
    %c0_i32_1 = arith.constant 0 : i32
    return %add3A_0, %c0_i32 : i32, i32
  }
  func.func @transform_1(%arg0: i32) -> (i32, i32) {
    %c0_i32 = arith.constant 0 : i32
    %c0_i32_0 = arith.constant 0 : i32
    return %arg0, %c0_i32 : i32, i32
  }
  func.func @transform_2(%arg0: i32) -> (i32, i32) {
    %c0_i32 = arith.constant 0 : i32
    %c0_i32_0 = arith.constant 0 : i32
    %c0_i32_1 = arith.constant 0 : i32
    return %c0_i32, %c0_i32_0 : i32, i32
  }
  func.func @transform_3(%arg0: i32) -> (i32, i32) {
    %c0_i32 = arith.constant 0 : i32
    %c0_i32_0 = arith.constant 0 : i32
    %c0_i32_1 = arith.constant 0 : i32
    return %c0_i32, %c0_i32_0 : i32, i32
  }
  func.func @transform_4(%arg0: i32) -> (i32, i32) {
    %c0_i32 = arith.constant 0 : i32
    %c0_i32_0 = arith.constant 0 : i32
    %c0_i32_1 = arith.constant 0 : i32
    return %c0_i32, %c0_i32_0 : i32, i32
  }
  func.func @transform_5(%arg0: i32) -> (i32, i32) {
    %c0_i32 = arith.constant 0 : i32
    %c0_i32_0 = arith.constant 0 : i32
    %c0_i32_1 = arith.constant 0 : i32
    return %c0_i32, %c0_i32_0 : i32, i32
  }
  func.func @transform_6(%arg0: i32) -> (i32, i32) {
    %c0_i32 = arith.constant 0 : i32
    %c0_i32_0 = arith.constant 0 : i32
    return %arg0, %c0_i32 : i32, i32
  }
}

module attributes {stable_mosaic.version = 14 : i64} {
  func.func @_combine_body(%arg0: memref<2x10000x16xf32, #tpu.memory_space<vmem>>, %arg1: memref<2x10000x16xf32, #tpu.memory_space<vmem>>, %arg2: memref<1x16xf32, #tpu.memory_space<vmem>>, %arg3: memref<10000x16xf32, #tpu.memory_space<vmem>>) attributes {dimension_semantics = [], scalar_prefetch = 0 : i64, scratch_operands = 0 : i64, tpu.core_type = #tpu.core_type<tc>} {
    %get3A = arith.constant 0 : index
    %get3A_0 = arith.constant 0 : index
    %get3A_1 = arith.constant 0 : index
    %get3A_2 = vector.load %arg0[%get3A, %get3A_0, %get3A_1] : memref<2x10000x16xf32, #tpu.memory_space<vmem>>, vector<1x10000x16xf32>
    %get3A_3 = vector.shape_cast %get3A_2 : vector<1x10000x16xf32> to vector<10000x16xf32>
    %get3A_4 = arith.constant 1 : index
    %get3A_5 = arith.constant 0 : index
    %get3A_6 = arith.constant 0 : index
    %get3A_7 = vector.load %arg0[%get3A_4, %get3A_5, %get3A_6] : memref<2x10000x16xf32, #tpu.memory_space<vmem>>, vector<1x10000x16xf32>
    %get3A_8 = vector.shape_cast %get3A_7 : vector<1x10000x16xf32> to vector<10000x16xf32>
    %add3A = arith.addf %get3A_3, %get3A_8 : vector<10000x16xf32>
    %get3A_9 = arith.constant 0 : index
    %get3A_10 = arith.constant 0 : index
    %get3A_11 = arith.constant 0 : index
    %get3A_12 = vector.load %arg1[%get3A_9, %get3A_10, %get3A_11] : memref<2x10000x16xf32, #tpu.memory_space<vmem>>, vector<1x10000x16xf32>
    %get3A_13 = vector.shape_cast %get3A_12 : vector<1x10000x16xf32> to vector<10000x16xf32>
    %add3A_14 = arith.addf %add3A, %get3A_13 : vector<10000x16xf32>
    %get3A_15 = arith.constant 1 : index
    %get3A_16 = arith.constant 0 : index
    %get3A_17 = arith.constant 0 : index
    %get3A_18 = vector.load %arg1[%get3A_15, %get3A_16, %get3A_17] : memref<2x10000x16xf32, #tpu.memory_space<vmem>>, vector<1x10000x16xf32>
    %get3A_19 = vector.shape_cast %get3A_18 : vector<1x10000x16xf32> to vector<10000x16xf32>
    %add3A_20 = arith.addf %add3A_14, %get3A_19 : vector<10000x16xf32>
    %get3A_21 = arith.constant 0 : index
    %get3A_22 = arith.constant 0 : index
    %get3A_23 = vector.load %arg2[%get3A_21, %get3A_22] : memref<1x16xf32, #tpu.memory_space<vmem>>, vector<1x16xf32>
    %add3A_24 = vector.broadcast %get3A_23 : vector<1x16xf32> to vector<10000x16xf32>
    %add3A_25 = arith.addf %add3A_20, %add3A_24 : vector<10000x16xf32>
    %max3A = arith.constant 0.000000e+00 : f32
    %max3A_26 = vector.broadcast %max3A : f32 to vector<10000x16xf32>
    %max3A_27 = arith.maximumf %add3A_25, %max3A_26 : vector<10000x16xf32>
    %swap3A = arith.constant 0 : index
    %swap3A_28 = arith.constant 0 : index
    %swap3A_29 = vector.load %arg3[%swap3A, %swap3A_28] : memref<10000x16xf32, #tpu.memory_space<vmem>>, vector<10000x16xf32>
    tpu.vector_store %arg3[%swap3A, %swap3A_28], %max3A_27 {strides = array<i32>} : memref<10000x16xf32, #tpu.memory_space<vmem>>, vector<10000x16xf32>,
    return
  }
}

module attributes {stable_mosaic.version = 14 : i64} {
  func.func @_final_body(%arg0: memref<2x10000x16xf32, #tpu.memory_space<vmem>>, %arg1: memref<2x10000x16xf32, #tpu.memory_space<vmem>>, %arg2: memref<1x16xf32, #tpu.memory_space<vmem>>, %arg3: memref<16x2xf32, #tpu.memory_space<vmem>>, %arg4: memref<1x2xf32, #tpu.memory_space<vmem>>, %arg5: memref<1x2xf32, #tpu.memory_space<vmem>>) attributes {dimension_semantics = [], scalar_prefetch = 0 : i64, scratch_operands = 0 : i64, tpu.core_type = #tpu.core_type<tc>} {
    %get3A = arith.constant 0 : index
    %get3A_0 = arith.constant 0 : index
    %get3A_1 = arith.constant 0 : index
    %get3A_2 = vector.load %arg0[%get3A, %get3A_0, %get3A_1] : memref<2x10000x16xf32, #tpu.memory_space<vmem>>, vector<1x10000x16xf32>
    %get3A_3 = vector.shape_cast %get3A_2 : vector<1x10000x16xf32> to vector<10000x16xf32>
    %get3A_4 = arith.constant 1 : index
    %get3A_5 = arith.constant 0 : index
    %get3A_6 = arith.constant 0 : index
    %get3A_7 = vector.load %arg0[%get3A_4, %get3A_5, %get3A_6] : memref<2x10000x16xf32, #tpu.memory_space<vmem>>, vector<1x10000x16xf32>
    %get3A_8 = vector.shape_cast %get3A_7 : vector<1x10000x16xf32> to vector<10000x16xf32>
    %add3A = arith.addf %get3A_3, %get3A_8 : vector<10000x16xf32>
    %get3A_9 = arith.constant 0 : index
    %get3A_10 = arith.constant 0 : index
    %get3A_11 = arith.constant 0 : index
    %get3A_12 = vector.load %arg1[%get3A_9, %get3A_10, %get3A_11] : memref<2x10000x16xf32, #tpu.memory_space<vmem>>, vector<1x10000x16xf32>
    %get3A_13 = vector.shape_cast %get3A_12 : vector<1x10000x16xf32> to vector<10000x16xf32>
    %add3A_14 = arith.addf %add3A, %get3A_13 : vector<10000x16xf32>
    %get3A_15 = arith.constant 1 : index
    %get3A_16 = arith.constant 0 : index
    %get3A_17 = arith.constant 0 : index
    %get3A_18 = vector.load %arg1[%get3A_15, %get3A_16, %get3A_17] : memref<2x10000x16xf32, #tpu.memory_space<vmem>>, vector<1x10000x16xf32>
    %get3A_19 = vector.shape_cast %get3A_18 : vector<1x10000x16xf32> to vector<10000x16xf32>
    %add3A_20 = arith.addf %add3A_14, %get3A_19 : vector<10000x16xf32>
    %get3A_21 = arith.constant 0 : index
    %get3A_22 = arith.constant 0 : index
    %get3A_23 = vector.load %arg2[%get3A_21, %get3A_22] : memref<1x16xf32, #tpu.memory_space<vmem>>, vector<1x16xf32>
    %add3A_24 = vector.broadcast %get3A_23 : vector<1x16xf32> to vector<10000x16xf32>
    %add3A_25 = arith.addf %add3A_20, %add3A_24 : vector<10000x16xf32>
    %max3A = arith.constant 0.000000e+00 : f32
    %max3A_26 = vector.broadcast %max3A : f32 to vector<10000x16xf32>
    %max3A_27 = arith.maximumf %add3A_25, %max3A_26 : vector<10000x16xf32>
    %reduce_sum3A = arith.constant dense<0.000000e+00> : vector<16xf32>
    %reduce_sum3A_28 = vector.multi_reduction <add>, %max3A_27, %reduce_sum3A [0] : vector<10000x16xf32> to vector<16xf32>
    %broadcast_in_dim3A = vector.shape_cast %reduce_sum3A_28 : vector<16xf32> to vector<1x16xf32>
    %div3A = arith.constant 1.000000e+04 : f32
    %div3A_29 = vector.broadcast %div3A : f32 to vector<1x16xf32>
    %div3A_30 = arith.divf %broadcast_in_dim3A, %div3A_29 : vector<1x16xf32>
    %get3A_31 = arith.constant 0 : index
    %get3A_32 = arith.constant 0 : index
    %get3A_33 = vector.load %arg3[%get3A_31, %get3A_32] : memref<16x2xf32, #tpu.memory_space<vmem>>, vector<16x2xf32>
    %dot_general3A = arith.constant dense<0.000000e+00> : vector<1x2xf32>
    %dot_general3A_34 = tpu.matmul %div3A_30, %get3A_33, %dot_general3A {dimension_numbers = #tpu.dot_dimension_numbers<[1], [0], [0], [1], [0, 0, 1, 1], [], []>, precision = #tpu.contract_precision<fp32>, transpose_lhs_hint = false} : vector<1x16xf32>, vector<16x2xf32>, vector<1x2xf32> -> vector<1x2xf32>
    %get3A_35 = arith.constant 0 : index
    %get3A_36 = arith.constant 0 : index
    %get3A_37 = vector.load %arg4[%get3A_35, %get3A_36] : memref<1x2xf32, #tpu.memory_space<vmem>>, vector<1x2xf32>
    %add3A_38 = arith.addf %dot_general3A_34, %get3A_37 : vector<1x2xf32>
    %swap3A = arith.constant 0 : index
    %swap3A_39 = arith.constant 0 : index
    %swap3A_40 = vector.load %arg5[%swap3A, %swap3A_39] : memref<1x2xf32, #tpu.memory_space<vmem>>, vector<1x2xf32>
    tpu.vector_store %arg5[%swap3A, %swap3A_39], %add3A_38 {strides = array<i32>} : memref<1x2xf32, #tpu.memory_space<vmem>>, vector<1x2xf32>,
    return
  }
}

</mosaic_0001>

<sc_bundles>
// kernel: kernel.17.cloned.1.call-start
scs
__scs_entry_jumppad:
0x0: {  	(pc) =	sbr.rel $0x88, $3  }
0x1: {  	(tag) =	ssettag $0x0;
	lr =	simm.s32 $0x1  }
0x2: {  	[smem:$0x3F95] =	sst lr;
	_ =	strace $0xD0000000  }
0x3: {  	_ = 	snop  }
0x4: {  	_ = 	snop  }
0x5: {  	_ = 	snop  }
0x6: {  	_ = 	snop  }
0x7: {  	_ = 	snop  }
__scs_overlays_trampoline_lowered:
0x8: {  	[smem:$0x3FA4] =	sst s0  }
0x9: {  	[smem:$0x3FA5] =	sst s1  }
0xa: {  	[smem:$0x3FA6] =	sst s2  }
0xb: {  	[smem:$0x3FA7] =	sst s3  }
0xc: {  	[smem:$0x3FA8] =	sst s4  }
0xd: {  	[smem:$0x3FA9] =	sst s5  }
0xe: {  	[smem:$0x3FAA] =	sst s6  }
0xf: {  	[smem:$0x3FAB] =	sst s7  }
0x10: {  	[smem:$0x3FAC] =	sst s8  }
0x11: {  	[smem:$0x3FAD] =	sst s9;
	s0 =	simm.s32 @!p0 $0x0  }
0x12: {  	s1 =	sld [smem:$0x3F93];
	s0 =	simm.s32 @p0 $0x1  }
0x13: {  	[smem:$0x3FAE] =	sst s0;
	s0 =	simm.s32 @!p1 $0x0  }
0x14: {  	s2 =	sld [smem:$0x3F92];
	s0 =	simm.s32 @p1 $0x1  }
0x15: {  	[smem:$0x3FAF] =	sst s0;
	s0 =	simm.s32 @!p2 $0x0  }
0x16: {  	s3 =	sld [smem:$0x3FDB];
	s0 =	simm.s32 @p2 $0x1  }
0x17: {  	s4 =	simm.s32 $0x1BF5;
	[smem:$0x3FB1] =	sst s0  }
0x18: {  	s0 =	sld [smem:$0x3F94];
	_ =	swait.ge [sflag:s4], $0x0  }
0x19: {  	s7 =	sld [smem:$0x3F95]  }
0x1a: {  	s8 =	sadd.s32 $0xFFFFE003, lr  }
0x1b: {  	s9 =	sadd.s32 $0xFFFFFEF7, lr;
	s5 =	simm.s32 $0xFFFFFFFF;
	p2 =	slt.u32 s8, $0xFFFFF086  }
0x1c: {  	p1 =	slt.u32 s9, $0xF7A;
	s5 =	simm.s32 @!p2 $0x0  }
0x1d: {  	s5 =	simm.s32 @p1 $0x1;
	p0 =	seq.s32 s7, s2  }
0x1e: {  	s7 =	smul.u32 @!p0 $0xF7A, s2;
	p2 =	seq.s32 @!p0 s5, $0x0  }
0x1f: {  	s9 =	smul.u32 $0xF7A, s1;
	s8 =	simm.s32 @!p0 $0x1BF5;
	p2 =	por !p2, p0  }
0x20: {  	[sflag:s8] =	ssyncset.s32 @!p0 $0xFFFFF086;
	s6 =	sadd.s32 @!p0 s3, s7;
	s7 =	simm.s32 @!p0 $0x108  }
0x21: {  	s3 =	sadd.s32 s3, s9;
	s6 =	sadd.s32 @!p0 $0x88, s6;
	s7 =	simm.s32 @p2 $0x1082  }
0x22: {  	[simem:s7], [sflag:s8] =	dma.local @!p0 [hbm:s6], $0xF7A  }
0x23: {  	s9 =	sor.u32 $0xD0000000, s2;
	s6 =	simm.s32 $0x108;
	_ =	swait.ge @!p0 [sflag:s8], $0x0  }
0x24: {  	s3 =	sadd.s32 $0x88, s3;
	s6 =	simm.s32 @!p1 $0x1082;
	[sflag:s4] =	ssyncset.s32 $0xFFFFF086  }
0x25: {  	[simem:s6], [sflag:s4] =	dma.local [hbm:s3], $0xF7A  }
0x26: {  	[smem:$0x3F95] =	sst s1;
	(tag) =	ssettag s2;
	_ =	strace s9  }
0x27: {  	s1 =	sld [smem:$0x3FA5]  }
0x28: {  	s2 =	sld [smem:$0x3FA6]  }
0x29: {  	s4 =	sld [smem:$0x3FA8]  }
0x2a: {  	p0 =	seq.s32 s5, $0x0;
	s5 =	sld [smem:$0x3FA9]  }
0x2b: {  	s6 =	sld [smem:$0x3FAA]  }
0x2c: {  	s7 =	sld [smem:$0x3FAB]  }
0x2d: {  	s3 =	simm.s32 $0x108;
	s8 =	sld [smem:$0x3FAC]  }
0x2e: {  	s3 =	simm.s32 @!p0 $0x1082;
	s9 =	sld [smem:$0x3FAD]  }
0x2f: {  	lr =	sadd.s32 s0, s3;
	s0 =	sld [smem:$0x3FA4]  }
0x30: {  	s3 =	sld [smem:$0x3FA7]  }
0x31: {  	[smem:$0x3FB0] =	sst s10  }
0x32: {  	s10 =	sld [smem:$0x3FAE];
	_ =	sdelay $0x3  }
0x33: {  	p0 =	seq.s32 s10, $0x1;
	s10 =	sld [smem:$0x3FB0];
	_ =	sdelay $0x3  }
0x34: {  	[smem:$0x3FB0] =	sst s10  }
0x35: {  	s10 =	sld [smem:$0x3FAF];
	_ =	sdelay $0x3  }
0x36: {  	p1 =	seq.s32 s10, $0x1;
	s10 =	sld [smem:$0x3FB0];
	_ =	sdelay $0x3  }
0x37: {  	[smem:$0x3FB0] =	sst s10  }
0x38: {  	s10 =	sld [smem:$0x3FB1]  }
0x39: {  	_ = 	snop;
	(pc) =	sbr.ind lr, $3  }
0x3a: {  	_ = 	snop  }
0x3b: {  	_ = 	snop  }
0x3c: {  	p2 =	seq.s32 s10, $0x1;
	s10 =	sld [smem:$0x3FB0]  }
0x3d: {  	_ =	shalt  }
0x3e: {  	_ =	shalt  }
0x3f: {  	_ =	shalt  }
0x40: {  	_ =	shalt  }
0x41: {  	_ =	shalt  }
0x42: {  	_ =	shalt  }
0x43: {  	_ =	shalt  }
0x44: {  	_ =	shalt  }
0x45: {  	_ =	shalt  }
0x46: {  	_ =	shalt  }
0x47: {  	_ =	shalt  }
0x48: {  	_ =	shalt  }
0x49: {  	_ =	shalt  }
0x4a: {  	_ =	shalt  }
0x4b: {  	_ =	shalt  }
0x4c: {  	_ =	shalt  }
0x4d: {  	_ =	shalt  }
0x4e: {  	_ =	shalt  }
0x4f: {  	_ =	shalt  }
0x50: {  	_ =	shalt  }
0x51: {  	_ =	shalt  }
0x52: {  	_ =	shalt  }
0x53: {  	_ =	shalt  }
0x54: {  	_ =	shalt  }
0x55: {  	_ =	shalt  }
0x56: {  	_ =	shalt  }
0x57: {  	_ =	shalt  }
0x58: {  	_ =	shalt  }
0x59: {  	_ =	shalt  }
0x5a: {  	_ =	shalt  }
0x5b: {  	_ =	shalt  }
0x5c: {  	_ =	shalt  }
0x5d: {  	_ =	shalt  }
0x5e: {  	_ =	shalt  }
0x5f: {  	_ =	shalt  }
0x60: {  	_ =	shalt  }
0x61: {  	_ =	shalt  }
0x62: {  	_ =	shalt  }
0x63: {  	_ =	shalt  }
0x64: {  	_ =	shalt  }
0x65: {  	_ =	shalt  }
0x66: {  	_ =	shalt  }
0x67: {  	_ =	shalt  }
0x68: {  	_ =	shalt  }
0x69: {  	_ =	shalt  }
0x6a: {  	_ =	shalt  }
0x6b: {  	_ =	shalt  }
0x6c: {  	_ =	shalt  }
0x6d: {  	_ =	shalt  }
0x6e: {  	_ =	shalt  }
0x6f: {  	_ =	shalt  }
0x70: {  	_ =	shalt  }
0x71: {  	_ =	shalt  }
0x72: {  	_ =	shalt  }
0x73: {  	_ =	shalt  }
0x74: {  	_ =	shalt  }
0x75: {  	_ =	shalt  }
0x76: {  	_ =	shalt  }
0x77: {  	_ =	shalt  }
0x78: {  	_ =	shalt  }
0x79: {  	_ =	shalt  }
0x7a: {  	_ =	shalt  }
0x7b: {  	_ =	shalt  }
0x7c: {  	_ =	shalt  }
0x7d: {  	_ =	shalt  }
0x7e: {  	_ =	shalt  }
0x7f: {  	_ =	shalt  }
0x80: {  	_ =	shalt  }
0x81: {  	_ =	shalt  }
0x82: {  	_ =	shalt  }
0x83: {  	_ =	shalt  }
0x84: {  	_ =	shalt  }
0x85: {  	_ =	shalt  }
0x86: {  	_ =	shalt  }
0x87: {  	_ =	shalt  }
.Lfunc_end0:
.L_simem_size_0:
called_computation_lowered:
.L_overlay_start_0:
0x88: {  	s2 =	sld [smem:$0x3FD9]  }
0x89: {  	s3 =	sld [smem:$0x3FFE];
	_ =	sdelay $0x1  }
0x8a: {  	s1 =	srdreg.scid  }
0x8b: {  	s0 =	sand.u32 $0x1, s1  }
0x8c: {  	s16 =	sshll.u32 s0, $0xA;
	s2 =	sadd.s32 s3, s2  }
0x8d: {  	s2 =	sadd.s32 s2, s16  }
0x8e: {  	[smem:$0x3FBC] =	sst s2  }
0x8f: {  	_ = 	snop  }
0x90: {  	(tm) =	ssettm $0x1  }
0x91: {  	s17 =	sld [smem:$0x3FFB];
	_ =	sdelay $0x3  }
0x92: {  	_ =	strace s17  }
0x93: {  	s2 =	sld [smem:$0x3FFC];
	_ =	sdelay $0x3  }
0x94: {  	_ =	strace s2  }
0x95: {  	s2 =	sld [smem:$0x3FFD];
	_ =	sdelay $0x3  }
0x96: {  	_ =	strace s2  }
0x97: {  	_ =	strace $0x8FFFFFFF  }
0x98: {  	s18 =	sld [smem:$0x3FDB];
	_ =	sdelay $0x1  }
0x99: {  	s19 =	simm.s32 $_scs_section_size  }
0x9a: {  	s4 =	simm.s32 $_size__tile_overlayer_lowered;
	s5 =	simm.s32 $_tile_overlayer_lowered  }
0x9b: {  	s22 =	simm.s32 $0x1BFF;
	s21 =	sshll.u32 s5, $0x1;
	s2 =	sadd.s32 s19, s18  }
0x9c: {  	s6 =	simm.s32 $0x0;
	s20 =	sshll.u32 s4, $0x1;
	s4 =	sadd.s32 s21, s2  }
0x9d: {  	[timem:s6], [sflag:s22] =	dma.local [hbm:s4], s20  }
0x9e: {  	_ =	swait.ge [sflag:s22], s20  }
0x9f: {  	s3 =	ssub.s32 $0x0, s20;
	[sflag:s22] =	ssyncset.done $0x0  }
0xa0: {  	[sflag:s22] =	ssyncadd.s32 s3;
	_ =	sdelay $0x1  }
0xa1: {  	s23 =	simm.s32 $0x1B8B  }
0xa2: {  	_ =	swait.ge [sflag:s23], $0x1  }
0xa3: {  	[sflag:s23] =	ssyncset.done $0x0  }
0xa4: {  	s25 =	simm.s32 $0x1B8E;
	s24 =	sld [smem:$0x3FFE];
	[sflag:s23] =	ssyncadd.s32 $0xFFFFFFFF  }
0xa5: {  	s26 =	simm.s32 $execute0_lowered;
	[smem:$0x3FD2] =	sst s25  }
0xa6: {  	s4 =	sshll.u32 s26, $0x1;
	_ =	strace $0x80000046;
	[dreg:$0x1] =	wrdreg $0xFFFFFFFF  }
0xa7: {  	s28 =	simm.s32 $_size_execute0_lowered;
	s2 =	sadd.s32 s2, s4;
	[dreg:$0x0] =	wrdreg $0x0  }
0xa8: {  	s4 =	sshll.u32 s28, $0x1;
	[dreg:$0x2] =	wrdreg s2  }
0xa9: {  	[dreg:$0x3] =	wrdreg s4  }
0xaa: {  	[dreg:$0x4] =	wrdreg $0xC0  }
0xab: {  	_ =	task [dreg:s6], $0x5FFFF  }
0xac: {  	[dreg:$0x1] =	wrdreg $0xFFFFFFFF  }
0xad: {  	[dreg:$0x0] =	wrdreg $0x60  }
0xae: {  	[dreg:$0x2] =	wrdreg s24  }
0xaf: {  	[dreg:$0x3] =	wrdreg $0xA  }
0xb0: {  	_ =	task.clear_ibuf [dreg:s6], $0x4FFFF;
	_ =	strace $0x90000046  }
0xb1: {  	s29 =	simm.s32 $0xA;
	_ =	strace $0x80000048  }
0xb2: {  	_ =	swait.ge [sflag:s29], $0x1  }
0xb3: {  	[sflag:s29] =	ssyncadd.s32 $0xFFFFFFFF  }
0xb4: {  	_ =	strace $0x90000048  }
0xb5: {  	_ =	sfence  }
0xb6: {  	s30 =	sld [smem:$0x0];
	_ =	sdelay $0x2  }
0xb7: {  	s31 =	sshll.u32 s1, $0xD;
	s1 =	sshrl.u32 s1, $0x2  }
0xb8: {  	s3 =	sand.u32 $0x4000, s31;
	s1 =	sadd.s32 s1, s30  }
0xb9: {  	s0 =	sor.u32 s3, s0;
	s1 =	sshll.u32 s1, $0x11  }
0xba: {  	s0 =	sor.u32 s1, s0  }
0xbb: {  	s0 =	sadd.s32 $0x8F2B, s0  }
0xbc: {  	[sflag:s0] =	ssyncadd.remote.s32 $0x1  }
0xbd: {  	_ =	sfence.sel $0xFFFF  }
0xbe: {  	[dreg:$0x0] =	wrdreg $0xFFFFFFFF;
	(pc) =	sbr.abs _section_cstart, $3  }
0xbf: {  	[dreg:$0x1] =	wrdreg $0xFFFFFFFF  }
0xc0: {  	_ =	task.clear_ibuf [dreg:s6], $0x2FFFF;
	_ =	strace $0x9FFFFFFF  }
0xc1: {  	(tm) =	ssettm $0x7FFFFFFF  }
tec
execute0_lowered:
.L_overlay_start_1:
0x0: {  	(tag) =	ssettag $0x1  }
0x1: {  	s1 =	srdreg.scid;
	s0 =	stileid.u32  }
0x2: {  	s15 =	sand.u32 $0x1, s1;
	s11 =	sshll.u32 s0, $0x1  }
0x3: {  	s9 =	sor.u32 s15, s11  }
0x4: {  	s8 =	rddreg [dreg:$0x0];
	s2 =	simm.s32 $0x0;
	s3 =	smul.u32 $0xFA, s9  }
0x5: {  	s4 =	simm.s32 $0x3;
	[smem:$0x7FF] =	sst s2;
	s12 =	sadd.s32 $0xA400, s8  }
0x6: {  	s1 =	rddreg [dreg:$0x1];
	_ =	strace $0x80000047;
	s3 =	sadd.s32 s12, s3  }
0x7: {  	[tilespmem:s2], [sflag:$0x3] =	stream.linear.gather [hbm4b:s3+s2], $0x7D0, $0x38;
	[tilespmem:$0x84D0] =	vst v63  }
0x8: {  	_ =	swait.ge [sflag:s4], $0x7D0  }
0x9: {  	s6 =	simm.s32 $0x7D0;
	[sflag:s4] =	ssyncset.done $0x0  }
0xa: {  	s7 =	simm.s32 $0x1;
	s5 =	sadd.s32 $0x5400, s8;
	[sflag:s4] =	ssyncadd.s32 $0xFFFFF830  }
0xb: {  	[tilespmem:s6], [sflag:$0x1] =	stream.indirect.gather [hbm4b:s5+s6], $0x10, s2, s6, $0xb8;
	[tilespmem:$0x84D0] =	vst v63  }
0xc: {  	s10 =	smul.u32 $0xFA0, s9;
	_ =	swait.ge [sflag:s7], $0x7D00  }
0xd: {  	s17 =	sadd.s32 $0x1E000, s8;
	s13 =	sor.u32 $0x20, s9;
	[sflag:s7] =	ssyncset.done $0x0  }
0xe: {  	s9 =	simm.s32 $0x2;
	s8 =	sadd.s32 s17, s10;
	[sflag:s7] =	ssyncadd.s32 $0xFFFF8300  }
0xf: {  	[hbm4b:s8+s2] =	stream.linear.scatter [tilespmem:s6], [sflag:$0x2], $0x7D00, $0x38;
	[tilespmem:$0x84D0] =	vst v63  }
0x10: {  	s30 =	smul.u32 $0xFA, s13;
	_ =	swait.ge [sflag:s9], $0x7D00  }
0x11: {  	[sflag:s9] =	ssyncset.done $0x0  }
0x12: {  	s10 =	sadd.s32 s12, s30;
	[sflag:s9] =	ssyncadd.s32 $0xFFFF8300  }
0x13: {  	[tilespmem:s2], [sflag:$0x3] =	stream.linear.gather [hbm4b:s10+s2], $0x7D0, $0x38;
	[tilespmem:$0x84D0] =	vst v63  }
0x14: {  	_ =	swait.ge [sflag:s4], $0x7D0  }
0x15: {  	[sflag:s4] =	ssyncset.done $0x0  }
0x16: {  	[sflag:s4] =	ssyncadd.s32 $0xFFFFF830  }
0x17: {  	[tilespmem:s6], [sflag:$0x1] =	stream.indirect.gather [hbm4b:s5+s6], $0x10, s2, s6, $0xb8;
	[tilespmem:$0x84D0] =	vst v63  }
0x18: {  	s13 =	smul.u32 $0xFA0, s13;
	_ =	swait.ge [sflag:s7], $0x7D00  }
0x19: {  	s14 =	sor.u32 $0x40, s11;
	s18 =	ssub.s32 $0x2, s15;
	[sflag:s7] =	ssyncset.done $0x0  }
0x1a: {  	s16 =	sor.u32 s15, s14;
	s11 =	sadd.s32 s17, s13;
	[sflag:s7] =	ssyncadd.s32 $0xFFFF8300  }
0x1b: {  	[hbm4b:s11+s2] =	stream.linear.scatter [tilespmem:s6], [sflag:$0x2], $0x7D00, $0x38;
	[tilespmem:$0x84D0] =	vst v63  }
0x1c: {  	p0 =	sgt.u32 s14, $0x4F;
	s31 =	smul.u32 $0xFA, s16;
	_ =	swait.ge [sflag:s9], $0x7D00  }
0x1d: {  	s19 =	sshrl.u32 s18, $0x1;
	s14 =	simm.s32 @!p0 $0x3;
	[sflag:s9] =	ssyncset.done $0x0  }
0x1e: {  	s12 =	sadd.s32 s12, s31;
	s13 =	simm.s32 @!p0 $0x0;
	[sflag:s9] =	ssyncadd.s32 $0xFFFF8300  }
0x1f: {  	[tilespmem:s13], [sflag:$0x3] =	stream.linear.gather @!p0 [hbm4b:s12+s13], $0x7D0, $0x38;
	[tilespmem:$0x84D0] =	vst v63  }
0x20: {  	s20 =	smul.u32 $0xFA0, s16;
	s18 =	ssub.s32 s18, s19;
	_ =	swait.ge @!p0 [sflag:s14], $0x7D0  }
0x21: {  	s15 =	simm.s32 @!p0 $0x7D0;
	s19 =	smax.u32 s18, $0x1;
	[sflag:s14] =	ssyncset.done @!p0 $0x0  }
0x22: {  	s16 =	simm.s32 @!p0 $0x1;
	s19 =	sadd.s32 $0xFFFFFFFF, s19;
	[sflag:s14] =	ssyncadd.s32 @!p0 $0xFFFFF830  }
0x23: {  	[tilespmem:s15], [sflag:$0x1] =	stream.indirect.gather @!p0 [hbm4b:s5+s15], $0x10, s13, s15, $0xb8;
	[tilespmem:$0x84D0] =	vst v63  }
0x24: {  	p1 =	sne.s32 s19, $0x0;
	_ =	swait.ge @!p0 [sflag:s16], $0x7D00  }
.Ltmp0:
0x25: {  	[sflag:s16] =	ssyncset.done @!p0 $0x0;
	(pc) =	sbr.rel @!p1 .LBB2_2-.Ltmp0, $4  }
0x26: {  	s18 =	sadd.s32 s17, s20;
	s17 =	simm.s32 @!p0 $0x2;
	[sflag:s16] =	ssyncadd.s32 @!p0 $0xFFFF8300  }
0x27: {  	[hbm4b:s18+s13] =	stream.linear.scatter @!p0 [tilespmem:s15], [sflag:$0x2], $0x7D00, $0x38;
	[tilespmem:$0x84D0] =	vst v63  }
0x28: {  	_ =	swait.ge @!p0 [sflag:s17], $0x7D00  }
0x29: {  	[sflag:s17] =	ssyncset.done @!p0 $0x0  }
.LBB2_1:
0x2a: {  	s19 =	sadd.s32 $0xFFFFFFFF, s19;
	[sflag:s17] =	ssyncadd.s32 @!p0 $0xFFFF8300  }
0x2b: {  	[tilespmem:s2], [sflag:$0x3] =	stream.linear.gather [hbm4b:s3+s2], $0x7D0, $0x38;
	[tilespmem:$0x84D0] =	vst v63  }
0x2c: {  	p1 =	sne.s32 s19, $0x0;
	_ =	swait.ge [sflag:s4], $0x7D0  }
0x2d: {  	[sflag:s4] =	ssyncset.done $0x0  }
0x2e: {  	[sflag:s4] =	ssyncadd.s32 $0xFFFFF830  }
0x2f: {  	[tilespmem:s6], [sflag:$0x1] =	stream.indirect.gather [hbm4b:s5+s6], $0x10, s2, s6, $0xb8;
	[tilespmem:$0x84D0] =	vst v63  }
0x30: {  	_ =	swait.ge [sflag:s7], $0x7D00  }
0x31: {  	[sflag:s7] =	ssyncset.done $0x0  }
0x32: {  	[sflag:s7] =	ssyncadd.s32 $0xFFFF8300  }
0x33: {  	[hbm4b:s8+s2] =	stream.linear.scatter [tilespmem:s6], [sflag:$0x2], $0x7D00, $0x38;
	[tilespmem:$0x84D0] =	vst v63  }
0x34: {  	_ =	swait.ge [sflag:s9], $0x7D00  }
0x35: {  	[sflag:s9] =	ssyncset.done $0x0  }
0x36: {  	[sflag:s9] =	ssyncadd.s32 $0xFFFF8300  }
0x37: {  	[tilespmem:s2], [sflag:$0x3] =	stream.linear.gather [hbm4b:s10+s2], $0x7D0, $0x38;
	[tilespmem:$0x84D0] =	vst v63  }
0x38: {  	_ =	swait.ge [sflag:s4], $0x7D0  }
0x39: {  	[sflag:s4] =	ssyncset.done $0x0  }
0x3a: {  	[sflag:s4] =	ssyncadd.s32 $0xFFFFF830  }
0x3b: {  	[tilespmem:s6], [sflag:$0x1] =	stream.indirect.gather [hbm4b:s5+s6], $0x10, s2, s6, $0xb8;
	[tilespmem:$0x84D0] =	vst v63  }
0x3c: {  	_ =	swait.ge [sflag:s7], $0x7D00  }
0x3d: {  	[sflag:s7] =	ssyncset.done $0x0  }
0x3e: {  	[sflag:s7] =	ssyncadd.s32 $0xFFFF8300  }
0x3f: {  	[hbm4b:s11+s2] =	stream.linear.scatter [tilespmem:s6], [sflag:$0x2], $0x7D00, $0x38;
	[tilespmem:$0x84D0] =	vst v63  }
0x40: {  	_ =	swait.ge [sflag:s9], $0x7D00  }
0x41: {  	[sflag:s9] =	ssyncset.done $0x0  }
0x42: {  	[sflag:s9] =	ssyncadd.s32 $0xFFFF8300  }
0x43: {  	[tilespmem:s13], [sflag:$0x3] =	stream.linear.gather @!p0 [hbm4b:s12+s13], $0x7D0, $0x38;
	[tilespmem:$0x84D0] =	vst v63  }
0x44: {  	_ =	swait.ge @!p0 [sflag:s14], $0x7D0  }
0x45: {  	[sflag:s14] =	ssyncset.done @!p0 $0x0  }
0x46: {  	[sflag:s14] =	ssyncadd.s32 @!p0 $0xFFFFF830  }
0x47: {  	[tilespmem:s15], [sflag:$0x1] =	stream.indirect.gather @!p0 [hbm4b:s5+s15], $0x10, s13, s15, $0xb8;
	[tilespmem:$0x84D0] =	vst v63  }
0x48: {  	_ =	swait.ge @!p0 [sflag:s16], $0x7D00  }
.Ltmp1:
0x49: {  	[sflag:s16] =	ssyncset.done @!p0 $0x0;
	(pc) =	sbr.rel @p1 .LBB2_1-.Ltmp1, $4  }
0x4a: {  	[sflag:s16] =	ssyncadd.s32 @!p0 $0xFFFF8300  }
0x4b: {  	[hbm4b:s18+s13] =	stream.linear.scatter @!p0 [tilespmem:s15], [sflag:$0x2], $0x7D00, $0x38;
	[tilespmem:$0x84D0] =	vst v63  }
0x4c: {  	_ =	swait.ge @!p0 [sflag:s17], $0x7D00  }
0x4d: {  	[sflag:s17] =	ssyncset.done @!p0 $0x0  }
.LBB2_2:
0x4e: {  	[sflag:s17] =	ssyncadd.s32 @!p0 $0xFFFF8300  }
0x4f: {  	_ =	sfence.sel $0x180000  }
0x50: {  	[bflag:$0x0] =	sbarrier.arrive $0xFFFF  }
0x51: {  	p0 =	sne.s32 s0, $0x0;
	_ =	strace $0x90000047  }
0x52: {  	s0 =	sadd.s32 @!p0 $0x100000, s1;
	[bflag:$0x2] =	sbarrier.arrive $0xFFFF  }
0x53: {  	[sflag:s0] =	ssyncadd.tile.s32 @!p0 $0x1;
	_ =	shalt  }
.Lfunc_end2:
_tile_overlayer_lowered:
.L_overlay_start_2:
0x54: {  	(tag) =	ssettag $0x2  }
0x55: {  	s0 =	rddreg [dreg:$0x0];
	s2 =	stileid.u32  }
0x56: {  	s1 =	rddreg [dreg:$0x1];
	p0 =	sne.s32 s2, $0x0  }
0x57: {  	s3 =	rddreg [dreg:$0x2];
	[bflag:$0x3] =	sbarrier.arrive $0xFFFF;
	s2 =	simm.s32 @!p0 $0x1C02  }
0x58: {  	[timem:s3], [sflag:s2] =	dma.local @!p0 [hbm:s0], s1  }
0x59: {  	s0 =	simm.s32 @!p0 $0x2  }
0x5a: {  	_ =	swait.ge @!p0 [sflag:s0], s1  }
0x5b: {  	s1 =	ssub.s32 @!p0 $0x0, s1;
	[sflag:s0] =	ssyncset.done @!p0 $0x0  }
0x5c: {  	[sflag:s0] =	ssyncadd.s32 @!p0 s1  }
0x5d: {  	[bflag:$0x3] =	sbarrier.arrive $0xFFFF  }
0x5e: {  	_ =	shalt  }

// kernel: kernel.20.cloned.1.call-start
scs
__scs_entry_jumppad:
0x0: {  	(pc) =	sbr.rel $0x88, $3  }
0x1: {  	(tag) =	ssettag $0x0;
	lr =	simm.s32 $0x1  }
0x2: {  	[smem:$0x3F95] =	sst lr;
	_ =	strace $0xD0000000  }
0x3: {  	_ = 	snop  }
0x4: {  	_ = 	snop  }
0x5: {  	_ = 	snop  }
0x6: {  	_ = 	snop  }
0x7: {  	_ = 	snop  }
__scs_overlays_trampoline_lowered:
0x8: {  	[smem:$0x3FA4] =	sst s0  }
0x9: {  	[smem:$0x3FA5] =	sst s1  }
0xa: {  	[smem:$0x3FA6] =	sst s2  }
0xb: {  	[smem:$0x3FA7] =	sst s3  }
0xc: {  	[smem:$0x3FA8] =	sst s4  }
0xd: {  	[smem:$0x3FA9] =	sst s5  }
0xe: {  	[smem:$0x3FAA] =	sst s6  }
0xf: {  	[smem:$0x3FAB] =	sst s7  }
0x10: {  	[smem:$0x3FAC] =	sst s8  }
0x11: {  	[smem:$0x3FAD] =	sst s9;
	s0 =	simm.s32 @!p0 $0x0  }
0x12: {  	s1 =	sld [smem:$0x3F93];
	s0 =	simm.s32 @p0 $0x1  }
0x13: {  	[smem:$0x3FAE] =	sst s0;
	s0 =	simm.s32 @!p1 $0x0  }
0x14: {  	s2 =	sld [smem:$0x3F92];
	s0 =	simm.s32 @p1 $0x1  }
0x15: {  	[smem:$0x3FAF] =	sst s0;
	s0 =	simm.s32 @!p2 $0x0  }
0x16: {  	s3 =	sld [smem:$0x3FDB];
	s0 =	simm.s32 @p2 $0x1  }
0x17: {  	s4 =	simm.s32 $0x1BF5;
	[smem:$0x3FB1] =	sst s0  }
0x18: {  	s0 =	sld [smem:$0x3F94];
	_ =	swait.ge [sflag:s4], $0x0  }
0x19: {  	s7 =	sld [smem:$0x3F95]  }
0x1a: {  	s8 =	sadd.s32 $0xFFFFE003, lr  }
0x1b: {  	s9 =	sadd.s32 $0xFFFFFEF7, lr;
	s5 =	simm.s32 $0xFFFFFFFF;
	p2 =	slt.u32 s8, $0xFFFFF086  }
0x1c: {  	p1 =	slt.u32 s9, $0xF7A;
	s5 =	simm.s32 @!p2 $0x0  }
0x1d: {  	s5 =	simm.s32 @p1 $0x1;
	p0 =	seq.s32 s7, s2  }
0x1e: {  	s7 =	smul.u32 @!p0 $0xF7A, s2;
	p2 =	seq.s32 @!p0 s5, $0x0  }
0x1f: {  	s9 =	smul.u32 $0xF7A, s1;
	s8 =	simm.s32 @!p0 $0x1BF5;
	p2 =	por !p2, p0  }
0x20: {  	[sflag:s8] =	ssyncset.s32 @!p0 $0xFFFFF086;
	s6 =	sadd.s32 @!p0 s3, s7;
	s7 =	simm.s32 @!p0 $0x108  }
0x21: {  	s3 =	sadd.s32 s3, s9;
	s6 =	sadd.s32 @!p0 $0x88, s6;
	s7 =	simm.s32 @p2 $0x1082  }
0x22: {  	[simem:s7], [sflag:s8] =	dma.local @!p0 [hbm:s6], $0xF7A  }
0x23: {  	s9 =	sor.u32 $0xD0000000, s2;
	s6 =	simm.s32 $0x108;
	_ =	swait.ge @!p0 [sflag:s8], $0x0  }
0x24: {  	s3 =	sadd.s32 $0x88, s3;
	s6 =	simm.s32 @!p1 $0x1082;
	[sflag:s4] =	ssyncset.s32 $0xFFFFF086  }
0x25: {  	[simem:s6], [sflag:s4] =	dma.local [hbm:s3], $0xF7A  }
0x26: {  	[smem:$0x3F95] =	sst s1;
	(tag) =	ssettag s2;
	_ =	strace s9  }
0x27: {  	s1 =	sld [smem:$0x3FA5]  }
0x28: {  	s2 =	sld [smem:$0x3FA6]  }
0x29: {  	s4 =	sld [smem:$0x3FA8]  }
0x2a: {  	p0 =	seq.s32 s5, $0x0;
	s5 =	sld [smem:$0x3FA9]  }
0x2b: {  	s6 =	sld [smem:$0x3FAA]  }
0x2c: {  	s7 =	sld [smem:$0x3FAB]  }
0x2d: {  	s3 =	simm.s32 $0x108;
	s8 =	sld [smem:$0x3FAC]  }
0x2e: {  	s3 =	simm.s32 @!p0 $0x1082;
	s9 =	sld [smem:$0x3FAD]  }
0x2f: {  	lr =	sadd.s32 s0, s3;
	s0 =	sld [smem:$0x3FA4]  }
0x30: {  	s3 =	sld [smem:$0x3FA7]  }
0x31: {  	[smem:$0x3FB0] =	sst s10  }
0x32: {  	s10 =	sld [smem:$0x3FAE];
	_ =	sdelay $0x3  }
0x33: {  	p0 =	seq.s32 s10, $0x1;
	s10 =	sld [smem:$0x3FB0];
	_ =	sdelay $0x3  }
0x34: {  	[smem:$0x3FB0] =	sst s10  }
0x35: {  	s10 =	sld [smem:$0x3FAF];
	_ =	sdelay $0x3  }
0x36: {  	p1 =	seq.s32 s10, $0x1;
	s10 =	sld [smem:$0x3FB0];
	_ =	sdelay $0x3  }
0x37: {  	[smem:$0x3FB0] =	sst s10  }
0x38: {  	s10 =	sld [smem:$0x3FB1]  }
0x39: {  	_ = 	snop;
	(pc) =	sbr.ind lr, $3  }
0x3a: {  	_ = 	snop  }
0x3b: {  	_ = 	snop  }
0x3c: {  	p2 =	seq.s32 s10, $0x1;
	s10 =	sld [smem:$0x3FB0]  }
0x3d: {  	_ =	shalt  }
0x3e: {  	_ =	shalt  }
0x3f: {  	_ =	shalt  }
0x40: {  	_ =	shalt  }
0x41: {  	_ =	shalt  }
0x42: {  	_ =	shalt  }
0x43: {  	_ =	shalt  }
0x44: {  	_ =	shalt  }
0x45: {  	_ =	shalt  }
0x46: {  	_ =	shalt  }
0x47: {  	_ =	shalt  }
0x48: {  	_ =	shalt  }
0x49: {  	_ =	shalt  }
0x4a: {  	_ =	shalt  }
0x4b: {  	_ =	shalt  }
0x4c: {  	_ =	shalt  }
0x4d: {  	_ =	shalt  }
0x4e: {  	_ =	shalt  }
0x4f: {  	_ =	shalt  }
0x50: {  	_ =	shalt  }
0x51: {  	_ =	shalt  }
0x52: {  	_ =	shalt  }
0x53: {  	_ =	shalt  }
0x54: {  	_ =	shalt  }
0x55: {  	_ =	shalt  }
0x56: {  	_ =	shalt  }
0x57: {  	_ =	shalt  }
0x58: {  	_ =	shalt  }
0x59: {  	_ =	shalt  }
0x5a: {  	_ =	shalt  }
0x5b: {  	_ =	shalt  }
0x5c: {  	_ =	shalt  }
0x5d: {  	_ =	shalt  }
0x5e: {  	_ =	shalt  }
0x5f: {  	_ =	shalt  }
0x60: {  	_ =	shalt  }
0x61: {  	_ =	shalt  }
0x62: {  	_ =	shalt  }
0x63: {  	_ =	shalt  }
0x64: {  	_ =	shalt  }
0x65: {  	_ =	shalt  }
0x66: {  	_ =	shalt  }
0x67: {  	_ =	shalt  }
0x68: {  	_ =	shalt  }
0x69: {  	_ =	shalt  }
0x6a: {  	_ =	shalt  }
0x6b: {  	_ =	shalt  }
0x6c: {  	_ =	shalt  }
0x6d: {  	_ =	shalt  }
0x6e: {  	_ =	shalt  }
0x6f: {  	_ =	shalt  }
0x70: {  	_ =	shalt  }
0x71: {  	_ =	shalt  }
0x72: {  	_ =	shalt  }
0x73: {  	_ =	shalt  }
0x74: {  	_ =	shalt  }
0x75: {  	_ =	shalt  }
0x76: {  	_ =	shalt  }
0x77: {  	_ =	shalt  }
0x78: {  	_ =	shalt  }
0x79: {  	_ =	shalt  }
0x7a: {  	_ =	shalt  }
0x7b: {  	_ =	shalt  }
0x7c: {  	_ =	shalt  }
0x7d: {  	_ =	shalt  }
0x7e: {  	_ =	shalt  }
0x7f: {  	_ =	shalt  }
0x80: {  	_ =	shalt  }
0x81: {  	_ =	shalt  }
0x82: {  	_ =	shalt  }
0x83: {  	_ =	shalt  }
0x84: {  	_ =	shalt  }
0x85: {  	_ =	shalt  }
0x86: {  	_ =	shalt  }
0x87: {  	_ =	shalt  }
.Lfunc_end0:
.L_simem_size_0:
called_computation.1_lowered:
.L_overlay_start_0:
0x88: {  	s2 =	sld [smem:$0x3FD9]  }
0x89: {  	s3 =	sld [smem:$0x3FFE];
	_ =	sdelay $0x1  }
0x8a: {  	s1 =	srdreg.scid  }
0x8b: {  	s0 =	sand.u32 $0x1, s1  }
0x8c: {  	s17 =	sshll.u32 s0, $0xA;
	s2 =	sadd.s32 s3, s2  }
0x8d: {  	s2 =	sadd.s32 s2, s17  }
0x8e: {  	[smem:$0x3FBC] =	sst s2  }
0x8f: {  	_ = 	snop  }
0x90: {  	(tm) =	ssettm $0x1  }
0x91: {  	s18 =	sld [smem:$0x3FFB];
	_ =	sdelay $0x3  }
0x92: {  	_ =	strace s18  }
0x93: {  	s2 =	sld [smem:$0x3FFC];
	_ =	sdelay $0x3  }
0x94: {  	_ =	strace s2  }
0x95: {  	s2 =	sld [smem:$0x3FFD];
	_ =	sdelay $0x3  }
0x96: {  	_ =	strace s2  }
0x97: {  	_ =	strace $0x8FFFFFFF  }
0x98: {  	s19 =	sld [smem:$0x3FDB];
	_ =	sdelay $0x1  }
0x99: {  	s20 =	simm.s32 $_scs_section_size  }
0x9a: {  	s4 =	simm.s32 $_size__tile_overlayer_lowered;
	s5 =	simm.s32 $_tile_overlayer_lowered  }
0x9b: {  	s6 =	simm.s32 $0x1BFF;
	s21 =	sshll.u32 s5, $0x1;
	s3 =	sadd.s32 s20, s19  }
0x9c: {  	s22 =	simm.s32 $0x0;
	s4 =	sshll.u32 s4, $0x1;
	s5 =	sadd.s32 s21, s3  }
0x9d: {  	[timem:s22], [sflag:s6] =	dma.local [hbm:s5], s4  }
0x9e: {  	_ =	swait.ge [sflag:s6], s4  }
0x9f: {  	s4 =	ssub.s32 $0x0, s4;
	[sflag:s6] =	ssyncset.done $0x0  }
0xa0: {  	[sflag:s6] =	ssyncadd.s32 s4;
	_ =	sdelay $0x1  }
0xa1: {  	s23 =	simm.s32 $0x1B8B  }
0xa2: {  	_ =	swait.ge [sflag:s23], $0x1  }
0xa3: {  	[sflag:s23] =	ssyncset.done $0x0  }
0xa4: {  	[sflag:s23] =	ssyncadd.s32 $0xFFFFFFFF  }
0xa5: {  	s4 =	sld [smem:$0x0]  }
0xa6: {  	s5 =	sand.u32 $0xFFFFFFFE, s1  }
0xa7: {  	p0 =	sne.s32 s1, s5  }
0xa8: {  	s5 =	sshll.u32 @p0 s5, $0xE  }
0xa9: {  	s5 =	sadd.s32 @p0 $0x11B8D, s5;
	s6 =	sshll.u32 @p0 s4, $0x11  }
0xaa: {  	s5 =	sor.u32 @p0 s6, s5  }
0xab: {  	[sflag:s5] =	ssyncadd.remote.s32 @p0 $0x1;
	_ =	sdelay $0x1  }
0xac: {  	s5 =	simm.s32 @p0 $0x1B8D  }
0xad: {  	_ =	swait.eq @p0 [sflag:s5], $0x1  }
0xae: {  	[sflag:s5] =	ssyncadd.s32 @p0 $0xFFFFFFFF  }
0xaf: {  	s6 =	sshll.u32 @!p0 s1, $0xE  }
0xb0: {  	s6 =	sor.u32 @!p0 $0x4000, s6;
	s5 =	simm.s32 @!p0 $0x1B8D  }
0xb1: {  	s4 =	sshll.u32 @!p0 s4, $0x11;
	s6 =	sadd.s32 @!p0 $0x11B8D, s6;
	_ =	swait.eq @!p0 [sflag:s5], $0x1  }
0xb2: {  	s4 =	sor.u32 @!p0 s4, s6;
	[sflag:s5] =	ssyncadd.s32 @!p0 $0xFFFFFFFF  }
0xb3: {  	s25 =	simm.s32 $0x1B8E;
	s24 =	sld [smem:$0x3FFE];
	[sflag:s4] =	ssyncadd.remote.s32 @!p0 $0x1  }
0xb4: {  	s26 =	simm.s32 $execute0_lowered;
	[smem:$0x3FD2] =	sst s25  }
0xb5: {  	s5 =	sshll.u32 s26, $0x1;
	_ =	strace $0x80000049;
	[dreg:$0x1] =	wrdreg $0xFFFFFFFF  }
0xb6: {  	s28 =	simm.s32 $_size_execute0_lowered;
	s3 =	sadd.s32 s3, s5;
	[dreg:$0x0] =	wrdreg $0x0  }
0xb7: {  	s5 =	sshll.u32 s28, $0x1;
	[dreg:$0x2] =	wrdreg s3  }
0xb8: {  	[dreg:$0x3] =	wrdreg s5  }
0xb9: {  	[dreg:$0x4] =	wrdreg $0xC0  }
0xba: {  	_ =	task [dreg:s22], $0x5FFFF  }
0xbb: {  	[dreg:$0x1] =	wrdreg $0xFFFFFFFF  }
0xbc: {  	[dreg:$0x0] =	wrdreg $0x60  }
0xbd: {  	[dreg:$0x2] =	wrdreg s24  }
0xbe: {  	[dreg:$0x3] =	wrdreg $0x9  }
0xbf: {  	_ =	task.clear_ibuf [dreg:s22], $0x4FFFF;
	_ =	strace $0x90000049  }
0xc0: {  	s29 =	simm.s32 $0x9;
	_ =	strace $0x8000004B  }
0xc1: {  	_ =	swait.ge [sflag:s29], $0x1  }
0xc2: {  	[sflag:s29] =	ssyncadd.s32 $0xFFFFFFFF  }
0xc3: {  	_ =	strace $0x9000004B  }
0xc4: {  	_ =	sfence  }
0xc5: {  	s30 =	sld [smem:$0x0];
	_ =	sdelay $0x2  }
0xc6: {  	s31 =	sshll.u32 s1, $0xD;
	s1 =	sshrl.u32 s1, $0x2  }
0xc7: {  	s4 =	sand.u32 $0x4000, s31;
	s1 =	sadd.s32 s1, s30  }
0xc8: {  	s0 =	sor.u32 s4, s0;
	s1 =	sshll.u32 s1, $0x11  }
0xc9: {  	s0 =	sor.u32 s1, s0  }
0xca: {  	s0 =	sadd.s32 $0x8F2B, s0  }
0xcb: {  	[sflag:s0] =	ssyncadd.remote.s32 $0x1  }
0xcc: {  	_ =	sfence.sel $0xFFFF  }
0xcd: {  	[dreg:$0x0] =	wrdreg $0xFFFFFFFF;
	(pc) =	sbr.abs _section_cstart, $3  }
0xce: {  	[dreg:$0x1] =	wrdreg $0xFFFFFFFF  }
0xcf: {  	_ =	task.clear_ibuf [dreg:s22], $0x2FFFF;
	_ =	strace $0x9FFFFFFF  }
0xd0: {  	(tm) =	ssettm $0x7FFFFFFF  }
0xd1: {  	_ =	shalt  }
tec
execute0_lowered:
.L_overlay_start_1:
0x0: {  	(tag) =	ssettag $0x1  }
0x1: {  	s1 =	srdreg.scid;
	s0 =	stileid.u32  }
0x2: {  	s15 =	sand.u32 $0x1, s1;
	s11 =	sshll.u32 s0, $0x1  }
0x3: {  	s9 =	sor.u32 s15, s11  }
0x4: {  	s3 =	smul.u32 $0x7D0, s9  }
0x5: {  	s8 =	rddreg [dreg:$0x0]  }
0x6: {  	s2 =	simm.s32 $0x0;
	s12 =	sadd.s32 $0xA400, s8;
	s3 =	sshrl.u32 s3, $0x3  }
0x7: {  	s4 =	simm.s32 $0x3;
	[smem:$0x7FF] =	sst s2;
	s3 =	sadd.s32 s12, s3  }
0x8: {  	s1 =	rddreg [dreg:$0x1];
	_ =	strace $0x8000004A;
	s3 =	sadd.s32 $0x4E20, s3  }
0x9: {  	[tilespmem:s2], [sflag:$0x3] =	stream.linear.gather [hbm4b:s3+s2], $0x7D0, $0x38;
	[tilespmem:$0x84D0] =	vst v63  }
0xa: {  	_ =	swait.ge [sflag:s4], $0x7D0  }
0xb: {  	s6 =	simm.s32 $0x7D0;
	[sflag:s4] =	ssyncset.done $0x0  }
0xc: {  	s7 =	simm.s32 $0x1;
	s5 =	sadd.s32 $0x5400, s8;
	[sflag:s4] =	ssyncadd.s32 $0xFFFFF830  }
0xd: {  	[tilespmem:s6], [sflag:$0x1] =	stream.indirect.gather [hbm4b:s5+s6], $0x10, s2, s6, $0xb8;
	[tilespmem:$0x84D0] =	vst v63  }
0xe: {  	s17 =	sadd.s32 $0x6C200, s8;
	s10 =	smul.u32 $0xFA0, s9;
	_ =	swait.ge [sflag:s7], $0x7D00  }
0xf: {  	s13 =	sor.u32 $0x20, s9;
	s9 =	simm.s32 $0x2;
	[sflag:s7] =	ssyncset.done $0x0  }
0x10: {  	s29 =	smul.u32 $0x7D0, s13;
	s8 =	sadd.s32 s17, s10;
	[sflag:s7] =	ssyncadd.s32 $0xFFFF8300  }
0x11: {  	[hbm4b:s8+s2] =	stream.linear.scatter [tilespmem:s6], [sflag:$0x2], $0x7D00, $0x38;
	[tilespmem:$0x84D0] =	vst v63  }
0x12: {  	s10 =	sshrl.u32 s29, $0x3;
	_ =	swait.ge [sflag:s9], $0x7D00  }
0x13: {  	s10 =	sadd.s32 s12, s10;
	[sflag:s9] =	ssyncset.done $0x0  }
0x14: {  	s10 =	sadd.s32 $0x4E20, s10;
	[sflag:s9] =	ssyncadd.s32 $0xFFFF8300  }
0x15: {  	[tilespmem:s2], [sflag:$0x3] =	stream.linear.gather [hbm4b:s10+s2], $0x7D0, $0x38;
	[tilespmem:$0x84D0] =	vst v63  }
0x16: {  	_ =	swait.ge [sflag:s4], $0x7D0  }
0x17: {  	[sflag:s4] =	ssyncset.done $0x0  }
0x18: {  	s14 =	sor.u32 $0x40, s11;
	[sflag:s4] =	ssyncadd.s32 $0xFFFFF830  }
0x19: {  	[tilespmem:s6], [sflag:$0x1] =	stream.indirect.gather [hbm4b:s5+s6], $0x10, s2, s6, $0xb8;
	[tilespmem:$0x84D0] =	vst v63  }
0x1a: {  	s18 =	ssub.s32 $0x2, s15;
	s30 =	smul.u32 $0xFA0, s13;
	_ =	swait.ge [sflag:s7], $0x7D00  }
0x1b: {  	s16 =	sor.u32 s15, s14;
	p0 =	sgt.u32 s14, $0x4F;
	[sflag:s7] =	ssyncset.done $0x0  }
0x1c: {  	s31 =	smul.u32 $0x7D0, s16;
	s11 =	sadd.s32 s17, s30;
	[sflag:s7] =	ssyncadd.s32 $0xFFFF8300  }
0x1d: {  	[hbm4b:s11+s2] =	stream.linear.scatter [tilespmem:s6], [sflag:$0x2], $0x7D00, $0x38;
	[tilespmem:$0x84D0] =	vst v63  }
0x1e: {  	s19 =	sshrl.u32 s18, $0x1;
	s13 =	sshrl.u32 s31, $0x3;
	_ =	swait.ge [sflag:s9], $0x7D00  }
0x1f: {  	s14 =	simm.s32 @!p0 $0x3;
	s12 =	sadd.s32 s12, s13;
	[sflag:s9] =	ssyncset.done $0x0  }
0x20: {  	s13 =	simm.s32 @!p0 $0x0;
	s12 =	sadd.s32 $0x4E20, s12;
	[sflag:s9] =	ssyncadd.s32 $0xFFFF8300  }
0x21: {  	[tilespmem:s13], [sflag:$0x3] =	stream.linear.gather @!p0 [hbm4b:s12+s13], $0x7D0, $0x38;
	[tilespmem:$0x84D0] =	vst v63  }
0x22: {  	s20 =	smul.u32 $0xFA0, s16;
	s18 =	ssub.s32 s18, s19;
	_ =	swait.ge @!p0 [sflag:s14], $0x7D0  }
0x23: {  	s15 =	simm.s32 @!p0 $0x7D0;
	s19 =	smax.u32 s18, $0x1;
	[sflag:s14] =	ssyncset.done @!p0 $0x0  }
0x24: {  	s16 =	simm.s32 @!p0 $0x1;
	s19 =	sadd.s32 $0xFFFFFFFF, s19;
	[sflag:s14] =	ssyncadd.s32 @!p0 $0xFFFFF830  }
0x25: {  	[tilespmem:s15], [sflag:$0x1] =	stream.indirect.gather @!p0 [hbm4b:s5+s15], $0x10, s13, s15, $0xb8;
	[tilespmem:$0x84D0] =	vst v63  }
0x26: {  	p1 =	sne.s32 s19, $0x0;
	_ =	swait.ge @!p0 [sflag:s16], $0x7D00  }
.Ltmp0:
0x27: {  	[sflag:s16] =	ssyncset.done @!p0 $0x0;
	(pc) =	sbr.rel @!p1 .LBB2_2-.Ltmp0, $4  }
0x28: {  	s18 =	sadd.s32 s17, s20;
	s17 =	simm.s32 @!p0 $0x2;
	[sflag:s16] =	ssyncadd.s32 @!p0 $0xFFFF8300  }
0x29: {  	[hbm4b:s18+s13] =	stream.linear.scatter @!p0 [tilespmem:s15], [sflag:$0x2], $0x7D00, $0x38;
	[tilespmem:$0x84D0] =	vst v63  }
0x2a: {  	_ =	swait.ge @!p0 [sflag:s17], $0x7D00  }
0x2b: {  	[sflag:s17] =	ssyncset.done @!p0 $0x0  }
.LBB2_1:
0x2c: {  	s19 =	sadd.s32 $0xFFFFFFFF, s19;
	[sflag:s17] =	ssyncadd.s32 @!p0 $0xFFFF8300  }
0x2d: {  	[tilespmem:s2], [sflag:$0x3] =	stream.linear.gather [hbm4b:s3+s2], $0x7D0, $0x38;
	[tilespmem:$0x84D0] =	vst v63  }
0x2e: {  	p1 =	sne.s32 s19, $0x0;
	_ =	swait.ge [sflag:s4], $0x7D0  }
0x2f: {  	[sflag:s4] =	ssyncset.done $0x0  }
0x30: {  	[sflag:s4] =	ssyncadd.s32 $0xFFFFF830  }
0x31: {  	[tilespmem:s6], [sflag:$0x1] =	stream.indirect.gather [hbm4b:s5+s6], $0x10, s2, s6, $0xb8;
	[tilespmem:$0x84D0] =	vst v63  }
0x32: {  	_ =	swait.ge [sflag:s7], $0x7D00  }
0x33: {  	[sflag:s7] =	ssyncset.done $0x0  }
0x34: {  	[sflag:s7] =	ssyncadd.s32 $0xFFFF8300  }
0x35: {  	[hbm4b:s8+s2] =	stream.linear.scatter [tilespmem:s6], [sflag:$0x2], $0x7D00, $0x38;
	[tilespmem:$0x84D0] =	vst v63  }
0x36: {  	_ =	swait.ge [sflag:s9], $0x7D00  }
0x37: {  	[sflag:s9] =	ssyncset.done $0x0  }
0x38: {  	[sflag:s9] =	ssyncadd.s32 $0xFFFF8300  }
0x39: {  	[tilespmem:s2], [sflag:$0x3] =	stream.linear.gather [hbm4b:s10+s2], $0x7D0, $0x38;
	[tilespmem:$0x84D0] =	vst v63  }
0x3a: {  	_ =	swait.ge [sflag:s4], $0x7D0  }
0x3b: {  	[sflag:s4] =	ssyncset.done $0x0  }
0x3c: {  	[sflag:s4] =	ssyncadd.s32 $0xFFFFF830  }
0x3d: {  	[tilespmem:s6], [sflag:$0x1] =	stream.indirect.gather [hbm4b:s5+s6], $0x10, s2, s6, $0xb8;
	[tilespmem:$0x84D0] =	vst v63  }
0x3e: {  	_ =	swait.ge [sflag:s7], $0x7D00  }
0x3f: {  	[sflag:s7] =	ssyncset.done $0x0  }
0x40: {  	[sflag:s7] =	ssyncadd.s32 $0xFFFF8300  }
0x41: {  	[hbm4b:s11+s2] =	stream.linear.scatter [tilespmem:s6], [sflag:$0x2], $0x7D00, $0x38;
	[tilespmem:$0x84D0] =	vst v63  }
0x42: {  	_ =	swait.ge [sflag:s9], $0x7D00  }
0x43: {  	[sflag:s9] =	ssyncset.done $0x0  }
0x44: {  	[sflag:s9] =	ssyncadd.s32 $0xFFFF8300  }
0x45: {  	[tilespmem:s13], [sflag:$0x3] =	stream.linear.gather @!p0 [hbm4b:s12+s13], $0x7D0, $0x38;
	[tilespmem:$0x84D0] =	vst v63  }
0x46: {  	_ =	swait.ge @!p0 [sflag:s14], $0x7D0  }
0x47: {  	[sflag:s14] =	ssyncset.done @!p0 $0x0  }
0x48: {  	[sflag:s14] =	ssyncadd.s32 @!p0 $0xFFFFF830  }
0x49: {  	[tilespmem:s15], [sflag:$0x1] =	stream.indirect.gather @!p0 [hbm4b:s5+s15], $0x10, s13, s15, $0xb8;
	[tilespmem:$0x84D0] =	vst v63  }
0x4a: {  	_ =	swait.ge @!p0 [sflag:s16], $0x7D00  }
.Ltmp1:
0x4b: {  	[sflag:s16] =	ssyncset.done @!p0 $0x0;
	(pc) =	sbr.rel @p1 .LBB2_1-.Ltmp1, $4  }
0x4c: {  	[sflag:s16] =	ssyncadd.s32 @!p0 $0xFFFF8300  }
0x4d: {  	[hbm4b:s18+s13] =	stream.linear.scatter @!p0 [tilespmem:s15], [sflag:$0x2], $0x7D00, $0x38;
	[tilespmem:$0x84D0] =	vst v63  }
0x4e: {  	_ =	swait.ge @!p0 [sflag:s17], $0x7D00  }
0x4f: {  	[sflag:s17] =	ssyncset.done @!p0 $0x0  }
.LBB2_2:
0x50: {  	[sflag:s17] =	ssyncadd.s32 @!p0 $0xFFFF8300  }
0x51: {  	_ =	sfence.sel $0x180000  }
0x52: {  	[bflag:$0x0] =	sbarrier.arrive $0xFFFF  }
0x53: {  	p0 =	sne.s32 s0, $0x0;
	_ =	strace $0x9000004A  }
0x54: {  	s0 =	sadd.s32 @!p0 $0x100000, s1;
	[bflag:$0x2] =	sbarrier.arrive $0xFFFF  }
0x55: {  	[sflag:s0] =	ssyncadd.tile.s32 @!p0 $0x1;
	_ =	shalt  }
.Lfunc_end2:
_tile_overlayer_lowered:
.L_overlay_start_2:
0x56: {  	(tag) =	ssettag $0x2  }
0x57: {  	s0 =	rddreg [dreg:$0x0];
	s2 =	stileid.u32  }
0x58: {  	s1 =	rddreg [dreg:$0x1];
	p0 =	sne.s32 s2, $0x0  }
0x59: {  	s3 =	rddreg [dreg:$0x2];
	[bflag:$0x3] =	sbarrier.arrive $0xFFFF;
	s2 =	simm.s32 @!p0 $0x1C02  }
0x5a: {  	[timem:s3], [sflag:s2] =	dma.local @!p0 [hbm:s0], s1  }
0x5b: {  	s0 =	simm.s32 @!p0 $0x2  }
0x5c: {  	_ =	swait.ge @!p0 [sflag:s0], s1  }
0x5d: {  	s1 =	ssub.s32 @!p0 $0x0, s1;
	[sflag:s0] =	ssyncset.done @!p0 $0x0  }
0x5e: {  	[sflag:s0] =	ssyncadd.s32 @!p0 s1  }
0x5f: {  	[bflag:$0x3] =	sbarrier.arrive $0xFFFF  }
0x60: {  	_ =	shalt  }

// kernel: kernel.23.cloned.1.call-start
scs
__scs_entry_jumppad:
0x0: {  	(pc) =	sbr.rel $0x88, $3  }
0x1: {  	(tag) =	ssettag $0x0;
	lr =	simm.s32 $0x1  }
0x2: {  	[smem:$0x3F95] =	sst lr;
	_ =	strace $0xD0000000  }
0x3: {  	_ = 	snop  }
0x4: {  	_ = 	snop  }
0x5: {  	_ = 	snop  }
0x6: {  	_ = 	snop  }
0x7: {  	_ = 	snop  }
__scs_overlays_trampoline_lowered:
0x8: {  	[smem:$0x3FA4] =	sst s0  }
0x9: {  	[smem:$0x3FA5] =	sst s1  }
0xa: {  	[smem:$0x3FA6] =	sst s2  }
0xb: {  	[smem:$0x3FA7] =	sst s3  }
0xc: {  	[smem:$0x3FA8] =	sst s4  }
0xd: {  	[smem:$0x3FA9] =	sst s5  }
0xe: {  	[smem:$0x3FAA] =	sst s6  }
0xf: {  	[smem:$0x3FAB] =	sst s7  }
0x10: {  	[smem:$0x3FAC] =	sst s8  }
0x11: {  	[smem:$0x3FAD] =	sst s9;
	s0 =	simm.s32 @!p0 $0x0  }
0x12: {  	s1 =	sld [smem:$0x3F93];
	s0 =	simm.s32 @p0 $0x1  }
0x13: {  	[smem:$0x3FAE] =	sst s0;
	s0 =	simm.s32 @!p1 $0x0  }
0x14: {  	s2 =	sld [smem:$0x3F92];
	s0 =	simm.s32 @p1 $0x1  }
0x15: {  	[smem:$0x3FAF] =	sst s0;
	s0 =	simm.s32 @!p2 $0x0  }
0x16: {  	s3 =	sld [smem:$0x3FDB];
	s0 =	simm.s32 @p2 $0x1  }
0x17: {  	s4 =	simm.s32 $0x1BF5;
	[smem:$0x3FB1] =	sst s0  }
0x18: {  	s0 =	sld [smem:$0x3F94];
	_ =	swait.ge [sflag:s4], $0x0  }
0x19: {  	s7 =	sld [smem:$0x3F95]  }
0x1a: {  	s8 =	sadd.s32 $0xFFFFE003, lr  }
0x1b: {  	s9 =	sadd.s32 $0xFFFFFEF7, lr;
	s5 =	simm.s32 $0xFFFFFFFF;
	p2 =	slt.u32 s8, $0xFFFFF086  }
0x1c: {  	p1 =	slt.u32 s9, $0xF7A;
	s5 =	simm.s32 @!p2 $0x0  }
0x1d: {  	s5 =	simm.s32 @p1 $0x1;
	p0 =	seq.s32 s7, s2  }
0x1e: {  	s7 =	smul.u32 @!p0 $0xF7A, s2;
	p2 =	seq.s32 @!p0 s5, $0x0  }
0x1f: {  	s9 =	smul.u32 $0xF7A, s1;
	s8 =	simm.s32 @!p0 $0x1BF5;
	p2 =	por !p2, p0  }
0x20: {  	[sflag:s8] =	ssyncset.s32 @!p0 $0xFFFFF086;
	s6 =	sadd.s32 @!p0 s3, s7;
	s7 =	simm.s32 @!p0 $0x108  }
0x21: {  	s3 =	sadd.s32 s3, s9;
	s6 =	sadd.s32 @!p0 $0x88, s6;
	s7 =	simm.s32 @p2 $0x1082  }
0x22: {  	[simem:s7], [sflag:s8] =	dma.local @!p0 [hbm:s6], $0xF7A  }
0x23: {  	s9 =	sor.u32 $0xD0000000, s2;
	s6 =	simm.s32 $0x108;
	_ =	swait.ge @!p0 [sflag:s8], $0x0  }
0x24: {  	s3 =	sadd.s32 $0x88, s3;
	s6 =	simm.s32 @!p1 $0x1082;
	[sflag:s4] =	ssyncset.s32 $0xFFFFF086  }
0x25: {  	[simem:s6], [sflag:s4] =	dma.local [hbm:s3], $0xF7A  }
0x26: {  	[smem:$0x3F95] =	sst s1;
	(tag) =	ssettag s2;
	_ =	strace s9  }
0x27: {  	s1 =	sld [smem:$0x3FA5]  }
0x28: {  	s2 =	sld [smem:$0x3FA6]  }
0x29: {  	s4 =	sld [smem:$0x3FA8]  }
0x2a: {  	p0 =	seq.s32 s5, $0x0;
	s5 =	sld [smem:$0x3FA9]  }
0x2b: {  	s6 =	sld [smem:$0x3FAA]  }
0x2c: {  	s7 =	sld [smem:$0x3FAB]  }
0x2d: {  	s3 =	simm.s32 $0x108;
	s8 =	sld [smem:$0x3FAC]  }
0x2e: {  	s3 =	simm.s32 @!p0 $0x1082;
	s9 =	sld [smem:$0x3FAD]  }
0x2f: {  	lr =	sadd.s32 s0, s3;
	s0 =	sld [smem:$0x3FA4]  }
0x30: {  	s3 =	sld [smem:$0x3FA7]  }
0x31: {  	[smem:$0x3FB0] =	sst s10  }
0x32: {  	s10 =	sld [smem:$0x3FAE];
	_ =	sdelay $0x3  }
0x33: {  	p0 =	seq.s32 s10, $0x1;
	s10 =	sld [smem:$0x3FB0];
	_ =	sdelay $0x3  }
0x34: {  	[smem:$0x3FB0] =	sst s10  }
0x35: {  	s10 =	sld [smem:$0x3FAF];
	_ =	sdelay $0x3  }
0x36: {  	p1 =	seq.s32 s10, $0x1;
	s10 =	sld [smem:$0x3FB0];
	_ =	sdelay $0x3  }
0x37: {  	[smem:$0x3FB0] =	sst s10  }
0x38: {  	s10 =	sld [smem:$0x3FB1]  }
0x39: {  	_ = 	snop;
	(pc) =	sbr.ind lr, $3  }
0x3a: {  	_ = 	snop  }
0x3b: {  	_ = 	snop  }
0x3c: {  	p2 =	seq.s32 s10, $0x1;
	s10 =	sld [smem:$0x3FB0]  }
0x3d: {  	_ =	shalt  }
0x3e: {  	_ =	shalt  }
0x3f: {  	_ =	shalt  }
0x40: {  	_ =	shalt  }
0x41: {  	_ =	shalt  }
0x42: {  	_ =	shalt  }
0x43: {  	_ =	shalt  }
0x44: {  	_ =	shalt  }
0x45: {  	_ =	shalt  }
0x46: {  	_ =	shalt  }
0x47: {  	_ =	shalt  }
0x48: {  	_ =	shalt  }
0x49: {  	_ =	shalt  }
0x4a: {  	_ =	shalt  }
0x4b: {  	_ =	shalt  }
0x4c: {  	_ =	shalt  }
0x4d: {  	_ =	shalt  }
0x4e: {  	_ =	shalt  }
0x4f: {  	_ =	shalt  }
0x50: {  	_ =	shalt  }
0x51: {  	_ =	shalt  }
0x52: {  	_ =	shalt  }
0x53: {  	_ =	shalt  }
0x54: {  	_ =	shalt  }
0x55: {  	_ =	shalt  }
0x56: {  	_ =	shalt  }
0x57: {  	_ =	shalt  }
0x58: {  	_ =	shalt  }
0x59: {  	_ =	shalt  }
0x5a: {  	_ =	shalt  }
0x5b: {  	_ =	shalt  }
0x5c: {  	_ =	shalt  }
0x5d: {  	_ =	shalt  }
0x5e: {  	_ =	shalt  }
0x5f: {  	_ =	shalt  }
0x60: {  	_ =	shalt  }
0x61: {  	_ =	shalt  }
0x62: {  	_ =	shalt  }
0x63: {  	_ =	shalt  }
0x64: {  	_ =	shalt  }
0x65: {  	_ =	shalt  }
0x66: {  	_ =	shalt  }
0x67: {  	_ =	shalt  }
0x68: {  	_ =	shalt  }
0x69: {  	_ =	shalt  }
0x6a: {  	_ =	shalt  }
0x6b: {  	_ =	shalt  }
0x6c: {  	_ =	shalt  }
0x6d: {  	_ =	shalt  }
0x6e: {  	_ =	shalt  }
0x6f: {  	_ =	shalt  }
0x70: {  	_ =	shalt  }
0x71: {  	_ =	shalt  }
0x72: {  	_ =	shalt  }
0x73: {  	_ =	shalt  }
0x74: {  	_ =	shalt  }
0x75: {  	_ =	shalt  }
0x76: {  	_ =	shalt  }
0x77: {  	_ =	shalt  }
0x78: {  	_ =	shalt  }
0x79: {  	_ =	shalt  }
0x7a: {  	_ =	shalt  }
0x7b: {  	_ =	shalt  }
0x7c: {  	_ =	shalt  }
0x7d: {  	_ =	shalt  }
0x7e: {  	_ =	shalt  }
0x7f: {  	_ =	shalt  }
0x80: {  	_ =	shalt  }
0x81: {  	_ =	shalt  }
0x82: {  	_ =	shalt  }
0x83: {  	_ =	shalt  }
0x84: {  	_ =	shalt  }
0x85: {  	_ =	shalt  }
0x86: {  	_ =	shalt  }
0x87: {  	_ =	shalt  }
.Lfunc_end0:
.L_simem_size_0:
called_computation.2_lowered:
.L_overlay_start_0:
0x88: {  	s2 =	sld [smem:$0x3FD9]  }
0x89: {  	s3 =	sld [smem:$0x3FFE];
	_ =	sdelay $0x1  }
0x8a: {  	s1 =	srdreg.scid  }
0x8b: {  	s0 =	sand.u32 $0x1, s1  }
0x8c: {  	s17 =	sshll.u32 s0, $0xA;
	s2 =	sadd.s32 s3, s2  }
0x8d: {  	s2 =	sadd.s32 s2, s17  }
0x8e: {  	[smem:$0x3FBC] =	sst s2  }
0x8f: {  	_ = 	snop  }
0x90: {  	(tm) =	ssettm $0x1  }
0x91: {  	s18 =	sld [smem:$0x3FFB];
	_ =	sdelay $0x3  }
0x92: {  	_ =	strace s18  }
0x93: {  	s2 =	sld [smem:$0x3FFC];
	_ =	sdelay $0x3  }
0x94: {  	_ =	strace s2  }
0x95: {  	s2 =	sld [smem:$0x3FFD];
	_ =	sdelay $0x3  }
0x96: {  	_ =	strace s2  }
0x97: {  	_ =	strace $0x8FFFFFFF  }
0x98: {  	s19 =	sld [smem:$0x3FDB];
	_ =	sdelay $0x1  }
0x99: {  	s20 =	simm.s32 $_scs_section_size  }
0x9a: {  	s4 =	simm.s32 $_size__tile_overlayer_lowered;
	s5 =	simm.s32 $_tile_overlayer_lowered  }
0x9b: {  	s6 =	simm.s32 $0x1BFF;
	s21 =	sshll.u32 s5, $0x1;
	s3 =	sadd.s32 s20, s19  }
0x9c: {  	s22 =	simm.s32 $0x0;
	s4 =	sshll.u32 s4, $0x1;
	s5 =	sadd.s32 s21, s3  }
0x9d: {  	[timem:s22], [sflag:s6] =	dma.local [hbm:s5], s4  }
0x9e: {  	_ =	swait.ge [sflag:s6], s4  }
0x9f: {  	s4 =	ssub.s32 $0x0, s4;
	[sflag:s6] =	ssyncset.done $0x0  }
0xa0: {  	[sflag:s6] =	ssyncadd.s32 s4;
	_ =	sdelay $0x1  }
0xa1: {  	s23 =	simm.s32 $0x1B8B  }
0xa2: {  	_ =	swait.ge [sflag:s23], $0x1  }
0xa3: {  	[sflag:s23] =	ssyncset.done $0x0  }
0xa4: {  	[sflag:s23] =	ssyncadd.s32 $0xFFFFFFFF  }
0xa5: {  	s4 =	sld [smem:$0x0]  }
0xa6: {  	s5 =	sand.u32 $0xFFFFFFFE, s1  }
0xa7: {  	p0 =	sne.s32 s1, s5  }
0xa8: {  	s5 =	sshll.u32 @p0 s5, $0xE  }
0xa9: {  	s5 =	sadd.s32 @p0 $0x11B8D, s5;
	s6 =	sshll.u32 @p0 s4, $0x11  }
0xaa: {  	s5 =	sor.u32 @p0 s6, s5  }
0xab: {  	[sflag:s5] =	ssyncadd.remote.s32 @p0 $0x1;
	_ =	sdelay $0x1  }
0xac: {  	s5 =	simm.s32 @p0 $0x1B8D  }
0xad: {  	_ =	swait.eq @p0 [sflag:s5], $0x1  }
0xae: {  	[sflag:s5] =	ssyncadd.s32 @p0 $0xFFFFFFFF  }
0xaf: {  	s6 =	sshll.u32 @!p0 s1, $0xE  }
0xb0: {  	s6 =	sor.u32 @!p0 $0x4000, s6;
	s5 =	simm.s32 @!p0 $0x1B8D  }
0xb1: {  	s4 =	sshll.u32 @!p0 s4, $0x11;
	s6 =	sadd.s32 @!p0 $0x11B8D, s6;
	_ =	swait.eq @!p0 [sflag:s5], $0x1  }
0xb2: {  	s4 =	sor.u32 @!p0 s4, s6;
	[sflag:s5] =	ssyncadd.s32 @!p0 $0xFFFFFFFF  }
0xb3: {  	s25 =	simm.s32 $0x1B8E;
	s24 =	sld [smem:$0x3FFE];
	[sflag:s4] =	ssyncadd.remote.s32 @!p0 $0x1  }
0xb4: {  	s26 =	simm.s32 $execute0_lowered;
	[smem:$0x3FD2] =	sst s25  }
0xb5: {  	s5 =	sshll.u32 s26, $0x1;
	_ =	strace $0x8000004C;
	[dreg:$0x1] =	wrdreg $0xFFFFFFFF  }
0xb6: {  	s28 =	simm.s32 $_size_execute0_lowered;
	s3 =	sadd.s32 s3, s5;
	[dreg:$0x0] =	wrdreg $0x0  }
0xb7: {  	s5 =	sshll.u32 s28, $0x1;
	[dreg:$0x2] =	wrdreg s3  }
0xb8: {  	[dreg:$0x3] =	wrdreg s5  }
0xb9: {  	[dreg:$0x4] =	wrdreg $0xC0  }
0xba: {  	_ =	task [dreg:s22], $0x5FFFF  }
0xbb: {  	[dreg:$0x1] =	wrdreg $0xFFFFFFFF  }
0xbc: {  	[dreg:$0x0] =	wrdreg $0x60  }
0xbd: {  	[dreg:$0x2] =	wrdreg s24  }
0xbe: {  	[dreg:$0x3] =	wrdreg $0x84D00  }
0xbf: {  	[dreg:$0x4] =	wrdreg $0xA  }
0xc0: {  	_ =	task.clear_ibuf [dreg:s22], $0x5FFFF;
	_ =	strace $0x9000004C  }
0xc1: {  	s29 =	simm.s32 $0xA;
	_ =	strace $0x8000004E  }
0xc2: {  	_ =	swait.ge [sflag:s29], $0x1  }
0xc3: {  	[sflag:s29] =	ssyncadd.s32 $0xFFFFFFFF  }
0xc4: {  	_ =	strace $0x9000004E  }
0xc5: {  	_ =	sfence  }
0xc6: {  	s30 =	sld [smem:$0x0];
	_ =	sdelay $0x2  }
0xc7: {  	s31 =	sshll.u32 s1, $0xD;
	s1 =	sshrl.u32 s1, $0x2  }
0xc8: {  	s4 =	sand.u32 $0x4000, s31;
	s1 =	sadd.s32 s1, s30  }
0xc9: {  	s0 =	sor.u32 s4, s0;
	s1 =	sshll.u32 s1, $0x11  }
0xca: {  	s0 =	sor.u32 s1, s0  }
0xcb: {  	s0 =	sadd.s32 $0x8F2B, s0  }
0xcc: {  	[sflag:s0] =	ssyncadd.remote.s32 $0x1  }
0xcd: {  	_ =	sfence.sel $0xFFFF  }
0xce: {  	[dreg:$0x0] =	wrdreg $0xFFFFFFFF;
	(pc) =	sbr.abs _section_cstart, $3  }
0xcf: {  	[dreg:$0x1] =	wrdreg $0xFFFFFFFF  }
0xd0: {  	_ =	task.clear_ibuf [dreg:s22], $0x2FFFF;
	_ =	strace $0x9FFFFFFF  }
0xd1: {  	(tm) =	ssettm $0x7FFFFFFF  }
tec
execute0_lowered:
.L_overlay_start_1:
0x0: {  	(tag) =	ssettag $0x1  }
0x1: {  	s3 =	rddreg [dreg:$0x0]  }
0x2: {  	s1 =	rddreg [dreg:$0x1]  }
0x3: {  	s0 =	rddreg [dreg:$0x2];
	s2 =	simm.s32 $0x0  }
0x4: {  	s4 =	srdreg.scid;
	s7 =	stileid.u32;
	p2 =	por $0x0, $0x0  }
0x5: {  	[smem:$0x7FF] =	sst s2;
	s4 =	sand.u32 $0x1, s4;
	s9 =	smul.u32 $0x2710, s7  }
0x6: {  	s6 =	sadd.s32 $0x1E000, s3;
	s12 =	sadd.s32 $0x14200, s3;
	s13 =	smul.u32 $0x7D0, s7  }
0x7: {  	s11 =	sadd.s32 $0xBA400, s3;
	s24 =	sor.u32 $0x20, s7;
	s5 =	smul.u32 $0x4E20, s4  }
0x8: {  	p0 =	sne.s32 s7, $0x0;
	s31 =	sshll.u32 s7, $0x6;
	s8 =	smul.u32 $0x13880, s4  }
0x9: {  	_ =	strace $0x8000004D;
	s4 =	ssub.s32 $0x2, s4;
	s16 =	smul.u32 $0x7D0, s24  }
0xa: {  	p1 =	sgt.u32 s24, $0x27;
	s10 =	sshrl.u32 s4, $0x1;
	s17 =	sshrl.u32 s9, $0x3  }
0xb: {  	s18 =	sadd.s32 s9, s1;
	s5 =	sadd.s32 s5, s3;
	s20 =	ssub.s32 s4, s10  }
0xc: {  	s22 =	sadd.s32 s8, s13;
	s29 =	sadd.s32 s8, s16;
	s16 =	sshrl.u32 @!p0 s1, $0x3  }
0xd: {  	s13 =	simm.s32 $0x7D0;
	s19 =	smax.u32 s20, $0x1;
	s23 =	sshrl.u32 s22, $0x3  }
0xe: {  	s3 =	simm.s32 $0x1;
	s15 =	sadd.s32 s12, s23;
	s23 =	sadd.s32 $0xFFFFFFFF, s19  }
0xf: {  	s7 =	sshrl.u32 s18, $0x3;
	s21 =	sadd.s32 $0xBF400, s5;
	p3 =	sne.s32 s23, $0x0  }
.Ltmp0:
0x10: {  	s25 =	sshll.u32 s22, $0x1;
	s5 =	sadd.s32 $0x7D00, s22;
	(pc) =	sbr.rel @!p3 .LBB2_3-.Ltmp0, $4  }
0x11: {  	s30 =	sshrl.u32 s29, $0x3;
	s14 =	sadd.s32 s6, s25;
	s26 =	sshrl.u32 s5, $0x3  }
0x12: {  	s28 =	sshll.u32 s5, $0x1;
	s5 =	sshll.u32 s29, $0x1;
	s8 =	sadd.s32 s12, s30  }
0x13: {  	s4 =	sadd.s32 s17, s21;
	s10 =	sadd.s32 s12, s26;
	s9 =	sadd.s32 s6, s28  }
0x14: {  	s5 =	sadd.s32 s6, s5;
	s12 =	simm.s32 $0x2;
	s6 =	sor.u32 $0x1C01, s31  }
0x15: {  	s17 =	simm.s32 @!p0 $0x1C01;
	s18 =	simm.s32 @!p0 $0x1  }
0x16: {  	[spmem:s16], [sflag:s17] =	dma.local @!p0 [hbm:s11], $0x4E20  }
0x17: {  	_ =	swait.ge @!p0 [sflag:s18], $0x4E20  }
0x18: {  	[sflag:s18] =	ssyncset.done @!p0 $0x0  }
0x19: {  	[sflag:s18] =	ssyncadd.s32 @!p0 $0xFFFFB1E0  }
0x1a: {  	[bflag:$0x0] =	sbarrier.arrive $0xFFFF  }
0x1b: {  	[tilespmem:s2], [sflag:$0x2] =	stream.linear.gather [hbm4b:s15+s2], $0x7D0, $0x38;
	[tilespmem:$0xABE0] =	vst v63  }
0x1c: {  	_ =	swait.ge [sflag:s12], $0x7D0  }
0x1d: {  	[sflag:s12] =	ssyncset.done $0x0  }
0x1e: {  	[sflag:s12] =	ssyncadd.s32 $0xFFFFF830  }
0x1f: {  	[tilespmem:s13], [sflag:$0x2] =	stream.linear.gather [hbm4b:s14+s2], $0x7D00, $0x38;
	[tilespmem:$0xABE0] =	vst v63  }
0x20: {  	_ =	swait.ge [sflag:s12], $0x7D00  }
0x21: {  	[sflag:s12] =	ssyncset.done $0x0  }
0x22: {  	[sflag:s12] =	ssyncadd.s32 $0xFFFF8300  }
0x23: {  	[spmem:s1] =	stream.indirect.scatter.add.f32 [tilespmem:s13], [sflag:$0x1], $0x10, s2, s13, $0xb8;
	[tilespmem:$0xABE0] =	vst v63  }
0x24: {  	_ =	swait.ge [sflag:s3], $0x7D00  }
0x25: {  	[sflag:s3] =	ssyncset.done $0x0  }
0x26: {  	[sflag:s3] =	ssyncadd.s32 $0xFFFF8300  }
0x27: {  	[tilespmem:s2], [sflag:$0x2] =	stream.linear.gather [hbm4b:s10+s2], $0x7D0, $0x38;
	[tilespmem:$0xABE0] =	vst v63  }
0x28: {  	_ =	swait.ge [sflag:s12], $0x7D0  }
0x29: {  	[sflag:s12] =	ssyncset.done $0x0  }
0x2a: {  	[sflag:s12] =	ssyncadd.s32 $0xFFFFF830  }
0x2b: {  	[tilespmem:s13], [sflag:$0x2] =	stream.linear.gather [hbm4b:s9+s2], $0x7D00, $0x38;
	[tilespmem:$0xABE0] =	vst v63  }
0x2c: {  	_ =	swait.ge [sflag:s12], $0x7D00  }
0x2d: {  	[sflag:s12] =	ssyncset.done $0x0  }
0x2e: {  	[sflag:s12] =	ssyncadd.s32 $0xFFFF8300  }
0x2f: {  	[spmem:s1] =	stream.indirect.scatter.add.f32 [tilespmem:s13], [sflag:$0x1], $0x10, s2, s13, $0xb8;
	[tilespmem:$0xABE0] =	vst v63  }
0x30: {  	_ =	swait.ge [sflag:s3], $0x7D00  }
0x31: {  	[sflag:s3] =	ssyncset.done $0x0  }
0x32: {  	s19 =	simm.s32 @!p1 $0x0;
	s20 =	simm.s32 @!p1 $0x2;
	[sflag:s3] =	ssyncadd.s32 $0xFFFF8300  }
0x33: {  	[tilespmem:s19], [sflag:$0x2] =	stream.linear.gather @!p1 [hbm4b:s8+s19], $0x7D0, $0x38;
	[tilespmem:$0xABE0] =	vst v63  }
0x34: {  	_ =	swait.ge @!p1 [sflag:s20], $0x7D0  }
0x35: {  	[sflag:s20] =	ssyncset.done @!p1 $0x0  }
0x36: {  	s21 =	simm.s32 @!p1 $0x7D0;
	[sflag:s20] =	ssyncadd.s32 @!p1 $0xFFFFF830  }
0x37: {  	[tilespmem:s21], [sflag:$0x2] =	stream.linear.gather @!p1 [hbm4b:s5+s19], $0x7D00, $0x38;
	[tilespmem:$0xABE0] =	vst v63  }
0x38: {  	_ =	swait.ge @!p1 [sflag:s20], $0x7D00  }
0x39: {  	[sflag:s20] =	ssyncset.done @!p1 $0x0  }
0x3a: {  	s22 =	simm.s32 @!p1 $0x1;
	[sflag:s20] =	ssyncadd.s32 @!p1 $0xFFFF8300  }
0x3b: {  	[spmem:s1] =	stream.indirect.scatter.add.f32 @!p1 [tilespmem:s21], [sflag:$0x1], $0x10, s19, s21, $0xb8;
	[tilespmem:$0xABE0] =	vst v63  }
0x3c: {  	s23 =	sadd.s32 $0xFFFFFFFF, s23;
	_ =	swait.ge @!p1 [sflag:s22], $0x7D00  }
0x3d: {  	p3 =	sne.s32 s23, $0x0;
	[sflag:s22] =	ssyncset.done @!p1 $0x0  }
.Ltmp1:
0x3e: {  	[sflag:s22] =	ssyncadd.s32 @!p1 $0xFFFF8300;
	(pc) =	sbr.rel @!p3 .LBB2_3-.Ltmp1, $4  }
0x3f: {  	[bflag:$0x0] =	sbarrier.arrive $0xFFFF  }
0x40: {  	[hbm:s4], [sflag:s6] =	dma.local [spmem:s7], $0x4E2  }
0x41: {  	_ =	swait.ge [sflag:s3], $0x4E2  }
0x42: {  	p2 =	por $0x1, $0x1;
	[sflag:s3] =	ssyncset.done $0x0  }
.LBB2_2:
0x43: {  	[sflag:s3] =	ssyncadd.s32 $0xFFFFFB1E  }
0x44: {  	[spmem:s16], [sflag:s17] =	dma.local @!p0 [hbm:s11], $0x4E20  }
0x45: {  	s23 =	sadd.s32 $0xFFFFFFFF, s23;
	_ =	swait.ge @!p0 [sflag:s18], $0x4E20  }
0x46: {  	p3 =	sne.s32 s23, $0x0;
	[sflag:s18] =	ssyncset.done @!p0 $0x0  }
0x47: {  	[sflag:s18] =	ssyncadd.s32 @!p0 $0xFFFFB1E0  }
0x48: {  	[bflag:$0x0] =	sbarrier.arrive $0xFFFF  }
0x49: {  	[tilespmem:s2], [sflag:$0x2] =	stream.linear.gather [hbm4b:s15+s2], $0x7D0, $0x38;
	[tilespmem:$0xABE0] =	vst v63  }
0x4a: {  	_ =	swait.ge [sflag:s12], $0x7D0  }
0x4b: {  	[sflag:s12] =	ssyncset.done $0x0  }
0x4c: {  	[sflag:s12] =	ssyncadd.s32 $0xFFFFF830  }
0x4d: {  	[tilespmem:s13], [sflag:$0x2] =	stream.linear.gather [hbm4b:s14+s2], $0x7D00, $0x38;
	[tilespmem:$0xABE0] =	vst v63  }
0x4e: {  	_ =	swait.ge [sflag:s12], $0x7D00  }
0x4f: {  	[sflag:s12] =	ssyncset.done $0x0  }
0x50: {  	[sflag:s12] =	ssyncadd.s32 $0xFFFF8300  }
0x51: {  	[spmem:s1] =	stream.indirect.scatter.add.f32 [tilespmem:s13], [sflag:$0x1], $0x10, s2, s13, $0xb8;
	[tilespmem:$0xABE0] =	vst v63  }
0x52: {  	_ =	swait.ge [sflag:s3], $0x7D00  }
0x53: {  	[sflag:s3] =	ssyncset.done $0x0  }
0x54: {  	[sflag:s3] =	ssyncadd.s32 $0xFFFF8300  }
0x55: {  	[tilespmem:s2], [sflag:$0x2] =	stream.linear.gather [hbm4b:s10+s2], $0x7D0, $0x38;
	[tilespmem:$0xABE0] =	vst v63  }
0x56: {  	_ =	swait.ge [sflag:s12], $0x7D0  }
0x57: {  	[sflag:s12] =	ssyncset.done $0x0  }
0x58: {  	[sflag:s12] =	ssyncadd.s32 $0xFFFFF830  }
0x59: {  	[tilespmem:s13], [sflag:$0x2] =	stream.linear.gather [hbm4b:s9+s2], $0x7D00, $0x38;
	[tilespmem:$0xABE0] =	vst v63  }
0x5a: {  	_ =	swait.ge [sflag:s12], $0x7D00  }
0x5b: {  	[sflag:s12] =	ssyncset.done $0x0  }
0x5c: {  	[sflag:s12] =	ssyncadd.s32 $0xFFFF8300  }
0x5d: {  	[spmem:s1] =	stream.indirect.scatter.add.f32 [tilespmem:s13], [sflag:$0x1], $0x10, s2, s13, $0xb8;
	[tilespmem:$0xABE0] =	vst v63  }
0x5e: {  	_ =	swait.ge [sflag:s3], $0x7D00  }
0x5f: {  	[sflag:s3] =	ssyncset.done $0x0  }
0x60: {  	[sflag:s3] =	ssyncadd.s32 $0xFFFF8300  }
0x61: {  	[tilespmem:s19], [sflag:$0x2] =	stream.linear.gather @!p1 [hbm4b:s8+s19], $0x7D0, $0x38;
	[tilespmem:$0xABE0] =	vst v63  }
0x62: {  	_ =	swait.ge @!p1 [sflag:s20], $0x7D0  }
0x63: {  	[sflag:s20] =	ssyncset.done @!p1 $0x0  }
0x64: {  	[sflag:s20] =	ssyncadd.s32 @!p1 $0xFFFFF830  }
0x65: {  	[tilespmem:s21], [sflag:$0x2] =	stream.linear.gather @!p1 [hbm4b:s5+s19], $0x7D00, $0x38;
	[tilespmem:$0xABE0] =	vst v63  }
0x66: {  	_ =	swait.ge @!p1 [sflag:s20], $0x7D00  }
0x67: {  	[sflag:s20] =	ssyncset.done @!p1 $0x0  }
0x68: {  	[sflag:s20] =	ssyncadd.s32 @!p1 $0xFFFF8300  }
0x69: {  	[spmem:s1] =	stream.indirect.scatter.add.f32 @!p1 [tilespmem:s21], [sflag:$0x1], $0x10, s19, s21, $0xb8;
	[tilespmem:$0xABE0] =	vst v63  }
0x6a: {  	_ =	swait.ge @!p1 [sflag:s22], $0x7D00  }
0x6b: {  	[sflag:s22] =	ssyncset.done @!p1 $0x0  }
.Ltmp2:
0x6c: {  	[sflag:s22] =	ssyncadd.s32 @!p1 $0xFFFF8300;
	(pc) =	sbr.rel @p3 .LBB2_2-.Ltmp2, $4  }
0x6d: {  	[bflag:$0x0] =	sbarrier.arrive $0xFFFF  }
0x6e: {  	[hbm:s4], [sflag:s6] =	dma.local [spmem:s7], $0x4E2  }
0x6f: {  	_ =	swait.ge [sflag:s3], $0x4E2  }
0x70: {  	[sflag:s3] =	ssyncset.done $0x0  }
.LBB2_3:
0x71: {  	s17 =	simm.s32 @!p0 $0x1C01;
	s18 =	simm.s32 @!p0 $0x1;
	[sflag:s3] =	ssyncadd.s32 @p2 $0xFFFFFB1E  }
0x72: {  	[spmem:s16], [sflag:s17] =	dma.local @!p0 [hbm:s11], $0x4E20  }
0x73: {  	_ =	swait.ge @!p0 [sflag:s18], $0x4E20  }
0x74: {  	[sflag:s18] =	ssyncset.done @!p0 $0x0  }
0x75: {  	[sflag:s18] =	ssyncadd.s32 @!p0 $0xFFFFB1E0  }
0x76: {  	[bflag:$0x0] =	sbarrier.arrive $0xFFFF  }
0x77: {  	[tilespmem:s2], [sflag:$0x2] =	stream.linear.gather [hbm4b:s15+s2], $0x7D0, $0x38;
	[tilespmem:$0xABE0] =	vst v63  }
0x78: {  	_ =	swait.ge [sflag:s12], $0x7D0  }
0x79: {  	[sflag:s12] =	ssyncset.done $0x0  }
0x7a: {  	[sflag:s12] =	ssyncadd.s32 $0xFFFFF830  }
0x7b: {  	[tilespmem:s13], [sflag:$0x2] =	stream.linear.gather [hbm4b:s14+s2], $0x7D00, $0x38;
	[tilespmem:$0xABE0] =	vst v63  }
0x7c: {  	_ =	swait.ge [sflag:s12], $0x7D00  }
0x7d: {  	[sflag:s12] =	ssyncset.done $0x0  }
0x7e: {  	[sflag:s12] =	ssyncadd.s32 $0xFFFF8300  }
0x7f: {  	[spmem:s1] =	stream.indirect.scatter.add.f32 [tilespmem:s13], [sflag:$0x1], $0x10, s2, s13, $0xb8;
	[tilespmem:$0xABE0] =	vst v63  }
0x80: {  	_ =	swait.ge [sflag:s3], $0x7D00  }
0x81: {  	[sflag:s3] =	ssyncset.done $0x0  }
0x82: {  	[sflag:s3] =	ssyncadd.s32 $0xFFFF8300  }
0x83: {  	[tilespmem:s2], [sflag:$0x2] =	stream.linear.gather [hbm4b:s10+s2], $0x7D0, $0x38;
	[tilespmem:$0xABE0] =	vst v63  }
0x84: {  	_ =	swait.ge [sflag:s12], $0x7D0  }
0x85: {  	[sflag:s12] =	ssyncset.done $0x0  }
0x86: {  	[sflag:s12] =	ssyncadd.s32 $0xFFFFF830  }
0x87: {  	[tilespmem:s13], [sflag:$0x2] =	stream.linear.gather [hbm4b:s9+s2], $0x7D00, $0x38;
	[tilespmem:$0xABE0] =	vst v63  }
0x88: {  	_ =	swait.ge [sflag:s12], $0x7D00  }
0x89: {  	[sflag:s12] =	ssyncset.done $0x0  }
0x8a: {  	[sflag:s12] =	ssyncadd.s32 $0xFFFF8300  }
0x8b: {  	[spmem:s1] =	stream.indirect.scatter.add.f32 [tilespmem:s13], [sflag:$0x1], $0x10, s2, s13, $0xb8;
	[tilespmem:$0xABE0] =	vst v63  }
0x8c: {  	_ =	swait.ge [sflag:s3], $0x7D00  }
0x8d: {  	[sflag:s3] =	ssyncset.done $0x0  }
0x8e: {  	s9 =	simm.s32 @!p1 $0x2;
	s2 =	simm.s32 @!p1 $0x0;
	[sflag:s3] =	ssyncadd.s32 $0xFFFF8300  }
0x8f: {  	[tilespmem:s2], [sflag:$0x2] =	stream.linear.gather @!p1 [hbm4b:s8+s2], $0x7D0, $0x38;
	[tilespmem:$0xABE0] =	vst v63  }
0x90: {  	_ =	swait.ge @!p1 [sflag:s9], $0x7D0  }
0x91: {  	[sflag:s9] =	ssyncset.done @!p1 $0x0  }
0x92: {  	s8 =	simm.s32 @!p1 $0x7D0;
	[sflag:s9] =	ssyncadd.s32 @!p1 $0xFFFFF830  }
0x93: {  	[tilespmem:s8], [sflag:$0x2] =	stream.linear.gather @!p1 [hbm4b:s5+s2], $0x7D00, $0x38;
	[tilespmem:$0xABE0] =	vst v63  }
0x94: {  	_ =	swait.ge @!p1 [sflag:s9], $0x7D00  }
0x95: {  	[sflag:s9] =	ssyncset.done @!p1 $0x0  }
0x96: {  	s5 =	simm.s32 @!p1 $0x1;
	[sflag:s9] =	ssyncadd.s32 @!p1 $0xFFFF8300  }
0x97: {  	[spmem:s1] =	stream.indirect.scatter.add.f32 @!p1 [tilespmem:s8], [sflag:$0x1], $0x10, s2, s8, $0xb8;
	[tilespmem:$0xABE0] =	vst v63  }
0x98: {  	_ =	swait.ge @!p1 [sflag:s5], $0x7D00  }
0x99: {  	[sflag:s5] =	ssyncset.done @!p1 $0x0  }
0x9a: {  	[sflag:s5] =	ssyncadd.s32 @!p1 $0xFFFF8300  }
0x9b: {  	[bflag:$0x0] =	sbarrier.arrive $0xFFFF  }
0x9c: {  	[hbm:s4], [sflag:s6] =	dma.local [spmem:s7], $0x4E2  }
0x9d: {  	_ =	swait.ge [sflag:s3], $0x4E2  }
0x9e: {  	[sflag:s3] =	ssyncset.done $0x0  }
0x9f: {  	[sflag:s3] =	ssyncadd.s32 $0xFFFFFB1E  }
0xa0: {  	_ =	sfence.sel $0x180000  }
0xa1: {  	[bflag:$0x0] =	sbarrier.arrive $0xFFFF  }
0xa2: {  	_ =	strace $0x9000004D  }
0xa3: {  	s0 =	sadd.s32 @!p0 $0x100000, s0;
	[bflag:$0x2] =	sbarrier.arrive $0xFFFF  }
0xa4: {  	[sflag:s0] =	ssyncadd.tile.s32 @!p0 $0x1;
	_ =	shalt  }
.Lfunc_end2:
_tile_overlayer_lowered:
.L_overlay_start_2:
0xa5: {  	(tag) =	ssettag $0x2  }
0xa6: {  	s0 =	rddreg [dreg:$0x0];
	s2 =	stileid.u32  }
0xa7: {  	s1 =	rddreg [dreg:$0x1];
	p0 =	sne.s32 s2, $0x0  }
0xa8: {  	s3 =	rddreg [dreg:$0x2];
	[bflag:$0x3] =	sbarrier.arrive $0xFFFF;
	s2 =	simm.s32 @!p0 $0x1C01  }
0xa9: {  	[timem:s3], [sflag:s2] =	dma.local @!p0 [hbm:s0], s1  }
0xaa: {  	s0 =	simm.s32 @!p0 $0x1  }
0xab: {  	_ =	swait.ge @!p0 [sflag:s0], s1  }
0xac: {  	s1 =	ssub.s32 @!p0 $0x0, s1;
	[sflag:s0] =	ssyncset.done @!p0 $0x0  }
0xad: {  	[sflag:s0] =	ssyncadd.s32 @!p0 s1  }
0xae: {  	[bflag:$0x3] =	sbarrier.arrive $0xFFFF  }
0xaf: {  	_ =	shalt  }

// kernel: kernel.26.cloned.1.call-start
scs
__scs_entry_jumppad:
0x0: {  	(pc) =	sbr.rel $0x88, $3  }
0x1: {  	(tag) =	ssettag $0x0;
	lr =	simm.s32 $0x1  }
0x2: {  	[smem:$0x3F95] =	sst lr;
	_ =	strace $0xD0000000  }
0x3: {  	_ = 	snop  }
0x4: {  	_ = 	snop  }
0x5: {  	_ = 	snop  }
0x6: {  	_ = 	snop  }
0x7: {  	_ = 	snop  }
__scs_overlays_trampoline_lowered:
0x8: {  	[smem:$0x3FA4] =	sst s0  }
0x9: {  	[smem:$0x3FA5] =	sst s1  }
0xa: {  	[smem:$0x3FA6] =	sst s2  }
0xb: {  	[smem:$0x3FA7] =	sst s3  }
0xc: {  	[smem:$0x3FA8] =	sst s4  }
0xd: {  	[smem:$0x3FA9] =	sst s5  }
0xe: {  	[smem:$0x3FAA] =	sst s6  }
0xf: {  	[smem:$0x3FAB] =	sst s7  }
0x10: {  	[smem:$0x3FAC] =	sst s8  }
0x11: {  	[smem:$0x3FAD] =	sst s9;
	s0 =	simm.s32 @!p0 $0x0  }
0x12: {  	s1 =	sld [smem:$0x3F93];
	s0 =	simm.s32 @p0 $0x1  }
0x13: {  	[smem:$0x3FAE] =	sst s0;
	s0 =	simm.s32 @!p1 $0x0  }
0x14: {  	s2 =	sld [smem:$0x3F92];
	s0 =	simm.s32 @p1 $0x1  }
0x15: {  	[smem:$0x3FAF] =	sst s0;
	s0 =	simm.s32 @!p2 $0x0  }
0x16: {  	s3 =	sld [smem:$0x3FDB];
	s0 =	simm.s32 @p2 $0x1  }
0x17: {  	s4 =	simm.s32 $0x1BF5;
	[smem:$0x3FB1] =	sst s0  }
0x18: {  	s0 =	sld [smem:$0x3F94];
	_ =	swait.ge [sflag:s4], $0x0  }
0x19: {  	s7 =	sld [smem:$0x3F95]  }
0x1a: {  	s8 =	sadd.s32 $0xFFFFE003, lr  }
0x1b: {  	s9 =	sadd.s32 $0xFFFFFEF7, lr;
	s5 =	simm.s32 $0xFFFFFFFF;
	p2 =	slt.u32 s8, $0xFFFFF086  }
0x1c: {  	p1 =	slt.u32 s9, $0xF7A;
	s5 =	simm.s32 @!p2 $0x0  }
0x1d: {  	s5 =	simm.s32 @p1 $0x1;
	p0 =	seq.s32 s7, s2  }
0x1e: {  	s7 =	smul.u32 @!p0 $0xF7A, s2;
	p2 =	seq.s32 @!p0 s5, $0x0  }
0x1f: {  	s9 =	smul.u32 $0xF7A, s1;
	s8 =	simm.s32 @!p0 $0x1BF5;
	p2 =	por !p2, p0  }
0x20: {  	[sflag:s8] =	ssyncset.s32 @!p0 $0xFFFFF086;
	s6 =	sadd.s32 @!p0 s3, s7;
	s7 =	simm.s32 @!p0 $0x108  }
0x21: {  	s3 =	sadd.s32 s3, s9;
	s6 =	sadd.s32 @!p0 $0x88, s6;
	s7 =	simm.s32 @p2 $0x1082  }
0x22: {  	[simem:s7], [sflag:s8] =	dma.local @!p0 [hbm:s6], $0xF7A  }
0x23: {  	s9 =	sor.u32 $0xD0000000, s2;
	s6 =	simm.s32 $0x108;
	_ =	swait.ge @!p0 [sflag:s8], $0x0  }
0x24: {  	s3 =	sadd.s32 $0x88, s3;
	s6 =	simm.s32 @!p1 $0x1082;
	[sflag:s4] =	ssyncset.s32 $0xFFFFF086  }
0x25: {  	[simem:s6], [sflag:s4] =	dma.local [hbm:s3], $0xF7A  }
0x26: {  	[smem:$0x3F95] =	sst s1;
	(tag) =	ssettag s2;
	_ =	strace s9  }
0x27: {  	s1 =	sld [smem:$0x3FA5]  }
0x28: {  	s2 =	sld [smem:$0x3FA6]  }
0x29: {  	s4 =	sld [smem:$0x3FA8]  }
0x2a: {  	p0 =	seq.s32 s5, $0x0;
	s5 =	sld [smem:$0x3FA9]  }
0x2b: {  	s6 =	sld [smem:$0x3FAA]  }
0x2c: {  	s7 =	sld [smem:$0x3FAB]  }
0x2d: {  	s3 =	simm.s32 $0x108;
	s8 =	sld [smem:$0x3FAC]  }
0x2e: {  	s3 =	simm.s32 @!p0 $0x1082;
	s9 =	sld [smem:$0x3FAD]  }
0x2f: {  	lr =	sadd.s32 s0, s3;
	s0 =	sld [smem:$0x3FA4]  }
0x30: {  	s3 =	sld [smem:$0x3FA7]  }
0x31: {  	[smem:$0x3FB0] =	sst s10  }
0x32: {  	s10 =	sld [smem:$0x3FAE];
	_ =	sdelay $0x3  }
0x33: {  	p0 =	seq.s32 s10, $0x1;
	s10 =	sld [smem:$0x3FB0];
	_ =	sdelay $0x3  }
0x34: {  	[smem:$0x3FB0] =	sst s10  }
0x35: {  	s10 =	sld [smem:$0x3FAF];
	_ =	sdelay $0x3  }
0x36: {  	p1 =	seq.s32 s10, $0x1;
	s10 =	sld [smem:$0x3FB0];
	_ =	sdelay $0x3  }
0x37: {  	[smem:$0x3FB0] =	sst s10  }
0x38: {  	s10 =	sld [smem:$0x3FB1]  }
0x39: {  	_ = 	snop;
	(pc) =	sbr.ind lr, $3  }
0x3a: {  	_ = 	snop  }
0x3b: {  	_ = 	snop  }
0x3c: {  	p2 =	seq.s32 s10, $0x1;
	s10 =	sld [smem:$0x3FB0]  }
0x3d: {  	_ =	shalt  }
0x3e: {  	_ =	shalt  }
0x3f: {  	_ =	shalt  }
0x40: {  	_ =	shalt  }
0x41: {  	_ =	shalt  }
0x42: {  	_ =	shalt  }
0x43: {  	_ =	shalt  }
0x44: {  	_ =	shalt  }
0x45: {  	_ =	shalt  }
0x46: {  	_ =	shalt  }
0x47: {  	_ =	shalt  }
0x48: {  	_ =	shalt  }
0x49: {  	_ =	shalt  }
0x4a: {  	_ =	shalt  }
0x4b: {  	_ =	shalt  }
0x4c: {  	_ =	shalt  }
0x4d: {  	_ =	shalt  }
0x4e: {  	_ =	shalt  }
0x4f: {  	_ =	shalt  }
0x50: {  	_ =	shalt  }
0x51: {  	_ =	shalt  }
0x52: {  	_ =	shalt  }
0x53: {  	_ =	shalt  }
0x54: {  	_ =	shalt  }
0x55: {  	_ =	shalt  }
0x56: {  	_ =	shalt  }
0x57: {  	_ =	shalt  }
0x58: {  	_ =	shalt  }
0x59: {  	_ =	shalt  }
0x5a: {  	_ =	shalt  }
0x5b: {  	_ =	shalt  }
0x5c: {  	_ =	shalt  }
0x5d: {  	_ =	shalt  }
0x5e: {  	_ =	shalt  }
0x5f: {  	_ =	shalt  }
0x60: {  	_ =	shalt  }
0x61: {  	_ =	shalt  }
0x62: {  	_ =	shalt  }
0x63: {  	_ =	shalt  }
0x64: {  	_ =	shalt  }
0x65: {  	_ =	shalt  }
0x66: {  	_ =	shalt  }
0x67: {  	_ =	shalt  }
0x68: {  	_ =	shalt  }
0x69: {  	_ =	shalt  }
0x6a: {  	_ =	shalt  }
0x6b: {  	_ =	shalt  }
0x6c: {  	_ =	shalt  }
0x6d: {  	_ =	shalt  }
0x6e: {  	_ =	shalt  }
0x6f: {  	_ =	shalt  }
0x70: {  	_ =	shalt  }
0x71: {  	_ =	shalt  }
0x72: {  	_ =	shalt  }
0x73: {  	_ =	shalt  }
0x74: {  	_ =	shalt  }
0x75: {  	_ =	shalt  }
0x76: {  	_ =	shalt  }
0x77: {  	_ =	shalt  }
0x78: {  	_ =	shalt  }
0x79: {  	_ =	shalt  }
0x7a: {  	_ =	shalt  }
0x7b: {  	_ =	shalt  }
0x7c: {  	_ =	shalt  }
0x7d: {  	_ =	shalt  }
0x7e: {  	_ =	shalt  }
0x7f: {  	_ =	shalt  }
0x80: {  	_ =	shalt  }
0x81: {  	_ =	shalt  }
0x82: {  	_ =	shalt  }
0x83: {  	_ =	shalt  }
0x84: {  	_ =	shalt  }
0x85: {  	_ =	shalt  }
0x86: {  	_ =	shalt  }
0x87: {  	_ =	shalt  }
.Lfunc_end0:
.L_simem_size_0:
called_computation.3_lowered:
.L_overlay_start_0:
0x88: {  	s2 =	sld [smem:$0x3FD9]  }
0x89: {  	s3 =	sld [smem:$0x3FFE];
	_ =	sdelay $0x1  }
0x8a: {  	s1 =	srdreg.scid  }
0x8b: {  	s0 =	sand.u32 $0x1, s1  }
0x8c: {  	s17 =	sshll.u32 s0, $0xA;
	s2 =	sadd.s32 s3, s2  }
0x8d: {  	s2 =	sadd.s32 s2, s17  }
0x8e: {  	[smem:$0x3FBC] =	sst s2  }
0x8f: {  	_ = 	snop  }
0x90: {  	(tm) =	ssettm $0x1  }
0x91: {  	s18 =	sld [smem:$0x3FFB];
	_ =	sdelay $0x3  }
0x92: {  	_ =	strace s18  }
0x93: {  	s2 =	sld [smem:$0x3FFC];
	_ =	sdelay $0x3  }
0x94: {  	_ =	strace s2  }
0x95: {  	s2 =	sld [smem:$0x3FFD];
	_ =	sdelay $0x3  }
0x96: {  	_ =	strace s2  }
0x97: {  	_ =	strace $0x8FFFFFFF  }
0x98: {  	s19 =	sld [smem:$0x3FDB];
	_ =	sdelay $0x1  }
0x99: {  	s20 =	simm.s32 $_scs_section_size  }
0x9a: {  	s4 =	simm.s32 $_size__tile_overlayer_lowered;
	s5 =	simm.s32 $_tile_overlayer_lowered  }
0x9b: {  	s6 =	simm.s32 $0x1BFF;
	s21 =	sshll.u32 s5, $0x1;
	s3 =	sadd.s32 s20, s19  }
0x9c: {  	s22 =	simm.s32 $0x0;
	s4 =	sshll.u32 s4, $0x1;
	s5 =	sadd.s32 s21, s3  }
0x9d: {  	[timem:s22], [sflag:s6] =	dma.local [hbm:s5], s4  }
0x9e: {  	_ =	swait.ge [sflag:s6], s4  }
0x9f: {  	s4 =	ssub.s32 $0x0, s4;
	[sflag:s6] =	ssyncset.done $0x0  }
0xa0: {  	[sflag:s6] =	ssyncadd.s32 s4;
	_ =	sdelay $0x1  }
0xa1: {  	s23 =	simm.s32 $0x1B8B  }
0xa2: {  	_ =	swait.ge [sflag:s23], $0x1  }
0xa3: {  	[sflag:s23] =	ssyncset.done $0x0  }
0xa4: {  	[sflag:s23] =	ssyncadd.s32 $0xFFFFFFFF  }
0xa5: {  	s4 =	sld [smem:$0x0]  }
0xa6: {  	s5 =	sand.u32 $0xFFFFFFFE, s1  }
0xa7: {  	p0 =	sne.s32 s1, s5  }
0xa8: {  	s5 =	sshll.u32 @p0 s5, $0xE  }
0xa9: {  	s5 =	sadd.s32 @p0 $0x11B8D, s5;
	s6 =	sshll.u32 @p0 s4, $0x11  }
0xaa: {  	s5 =	sor.u32 @p0 s6, s5  }
0xab: {  	[sflag:s5] =	ssyncadd.remote.s32 @p0 $0x1;
	_ =	sdelay $0x1  }
0xac: {  	s5 =	simm.s32 @p0 $0x1B8D  }
0xad: {  	_ =	swait.eq @p0 [sflag:s5], $0x1  }
0xae: {  	[sflag:s5] =	ssyncadd.s32 @p0 $0xFFFFFFFF  }
0xaf: {  	s6 =	sshll.u32 @!p0 s1, $0xE  }
0xb0: {  	s6 =	sor.u32 @!p0 $0x4000, s6;
	s5 =	simm.s32 @!p0 $0x1B8D  }
0xb1: {  	s4 =	sshll.u32 @!p0 s4, $0x11;
	s6 =	sadd.s32 @!p0 $0x11B8D, s6;
	_ =	swait.eq @!p0 [sflag:s5], $0x1  }
0xb2: {  	s4 =	sor.u32 @!p0 s4, s6;
	[sflag:s5] =	ssyncadd.s32 @!p0 $0xFFFFFFFF  }
0xb3: {  	s25 =	simm.s32 $0x1B8E;
	s24 =	sld [smem:$0x3FFE];
	[sflag:s4] =	ssyncadd.remote.s32 @!p0 $0x1  }
0xb4: {  	s26 =	simm.s32 $execute0_lowered;
	[smem:$0x3FD2] =	sst s25  }
0xb5: {  	s5 =	sshll.u32 s26, $0x1;
	_ =	strace $0x8000004F;
	[dreg:$0x1] =	wrdreg $0xFFFFFFFF  }
0xb6: {  	s28 =	simm.s32 $_size_execute0_lowered;
	s3 =	sadd.s32 s3, s5;
	[dreg:$0x0] =	wrdreg $0x0  }
0xb7: {  	s5 =	sshll.u32 s28, $0x1;
	[dreg:$0x2] =	wrdreg s3  }
0xb8: {  	[dreg:$0x3] =	wrdreg s5  }
0xb9: {  	[dreg:$0x4] =	wrdreg $0xC0  }
0xba: {  	_ =	task [dreg:s22], $0x5FFFF  }
0xbb: {  	[dreg:$0x1] =	wrdreg $0xFFFFFFFF  }
0xbc: {  	[dreg:$0x0] =	wrdreg $0x60  }
0xbd: {  	[dreg:$0x2] =	wrdreg s24  }
0xbe: {  	[dreg:$0x3] =	wrdreg $0x84D00  }
0xbf: {  	[dreg:$0x4] =	wrdreg $0x9  }
0xc0: {  	_ =	task.clear_ibuf [dreg:s22], $0x5FFFF;
	_ =	strace $0x9000004F  }
0xc1: {  	s29 =	simm.s32 $0x9;
	_ =	strace $0x80000051  }
0xc2: {  	_ =	swait.ge [sflag:s29], $0x1  }
0xc3: {  	[sflag:s29] =	ssyncadd.s32 $0xFFFFFFFF  }
0xc4: {  	_ =	strace $0x90000051  }
0xc5: {  	_ =	sfence  }
0xc6: {  	s30 =	sld [smem:$0x0];
	_ =	sdelay $0x2  }
0xc7: {  	s31 =	sshll.u32 s1, $0xD;
	s1 =	sshrl.u32 s1, $0x2  }
0xc8: {  	s4 =	sand.u32 $0x4000, s31;
	s1 =	sadd.s32 s1, s30  }
0xc9: {  	s0 =	sor.u32 s4, s0;
	s1 =	sshll.u32 s1, $0x11  }
0xca: {  	s0 =	sor.u32 s1, s0  }
0xcb: {  	s0 =	sadd.s32 $0x8F2B, s0  }
0xcc: {  	[sflag:s0] =	ssyncadd.remote.s32 $0x1  }
0xcd: {  	_ =	sfence.sel $0xFFFF  }
0xce: {  	[dreg:$0x0] =	wrdreg $0xFFFFFFFF;
	(pc) =	sbr.abs _section_cstart, $3  }
0xcf: {  	[dreg:$0x1] =	wrdreg $0xFFFFFFFF  }
0xd0: {  	_ =	task.clear_ibuf [dreg:s22], $0x2FFFF;
	_ =	strace $0x9FFFFFFF  }
0xd1: {  	(tm) =	ssettm $0x7FFFFFFF  }
tec
execute0_lowered:
.L_overlay_start_1:
0x0: {  	(tag) =	ssettag $0x1  }
0x1: {  	s3 =	rddreg [dreg:$0x0]  }
0x2: {  	s1 =	rddreg [dreg:$0x1]  }
0x3: {  	s0 =	rddreg [dreg:$0x2];
	s2 =	simm.s32 $0x0  }
0x4: {  	s4 =	srdreg.scid;
	s7 =	stileid.u32;
	p2 =	por $0x0, $0x0  }
0x5: {  	[smem:$0x7FF] =	sst s2;
	s4 =	sand.u32 $0x1, s4;
	s10 =	smul.u32 $0x2710, s7  }
0x6: {  	s6 =	sadd.s32 $0x6C200, s3;
	s12 =	sadd.s32 $0x14200, s3;
	s13 =	smul.u32 $0x7D0, s7  }
0x7: {  	s9 =	sadd.s32 $0xBA400, s3;
	s21 =	sor.u32 $0x20, s7;
	s5 =	smul.u32 $0x4E20, s4  }
0x8: {  	p0 =	sne.s32 s7, $0x0;
	_ =	strace $0x80000050;
	s8 =	smul.u32 $0x13880, s4  }
0x9: {  	s4 =	ssub.s32 $0x2, s4;
	s23 =	smul.u32 $0x7D0, s21;
	p1 =	sgt.u32 s21, $0x27  }
0xa: {  	s11 =	sshrl.u32 s4, $0x1;
	s17 =	sshrl.u32 s10, $0x3;
	s18 =	sadd.s32 s10, s1  }
0xb: {  	s5 =	sadd.s32 s5, s3;
	s30 =	ssub.s32 s4, s11;
	s16 =	sadd.s32 s8, s13  }
0xc: {  	s28 =	sadd.s32 s8, s23;
	s13 =	simm.s32 $0x7D0;
	s31 =	sadd.s32 $0xC9200, s5  }
0xd: {  	s19 =	smax.u32 s30, $0x1;
	s20 =	sshrl.u32 s16, $0x3;
	s22 =	sadd.s32 $0x7D00, s16  }
0xe: {  	s24 =	sshll.u32 s16, $0x1;
	s8 =	sshrl.u32 s28, $0x3;
	s5 =	sshll.u32 s28, $0x1  }
0xf: {  	s16 =	sshrl.u32 @!p0 s1, $0x3;
	s3 =	sadd.s32 s12, s20;
	s23 =	sadd.s32 $0xFFFFFFFF, s19  }
0x10: {  	s25 =	sshrl.u32 s22, $0x3;
	s14 =	sadd.s32 s6, s24;
	p3 =	sne.s32 s23, $0x0  }
.Ltmp0:
0x11: {  	s29 =	sshll.u32 s22, $0x1;
	s30 =	sadd.s32 s12, s8;
	(pc) =	sbr.rel @!p3 .LBB2_3-.Ltmp0, $4  }
0x12: {  	s5 =	sadd.s32 s6, s5;
	s4 =	sadd.s32 s17, s31;
	s31 =	sshll.u32 s7, $0x6  }
0x13: {  	s7 =	sshrl.u32 s18, $0x3;
	s15 =	sadd.s32 $0x4E20, s3;
	s26 =	sadd.s32 s12, s25  }
0x14: {  	s10 =	sadd.s32 s6, s29;
	s8 =	sadd.s32 $0x4E20, s30;
	s12 =	simm.s32 $0x2  }
0x15: {  	s3 =	simm.s32 $0x1;
	s6 =	sor.u32 $0x1C01, s31;
	s11 =	sadd.s32 $0x4E20, s26  }
0x16: {  	s17 =	simm.s32 @!p0 $0x1C01;
	s18 =	simm.s32 @!p0 $0x1  }
0x17: {  	[spmem:s16], [sflag:s17] =	dma.local @!p0 [hbm:s9], $0x4E20  }
0x18: {  	_ =	swait.ge @!p0 [sflag:s18], $0x4E20  }
0x19: {  	[sflag:s18] =	ssyncset.done @!p0 $0x0  }
0x1a: {  	[sflag:s18] =	ssyncadd.s32 @!p0 $0xFFFFB1E0  }
0x1b: {  	[bflag:$0x0] =	sbarrier.arrive $0xFFFF  }
0x1c: {  	[tilespmem:s2], [sflag:$0x2] =	stream.linear.gather [hbm4b:s15+s2], $0x7D0, $0x38;
	[tilespmem:$0xABE0] =	vst v63  }
0x1d: {  	_ =	swait.ge [sflag:s12], $0x7D0  }
0x1e: {  	[sflag:s12] =	ssyncset.done $0x0  }
0x1f: {  	[sflag:s12] =	ssyncadd.s32 $0xFFFFF830  }
0x20: {  	[tilespmem:s13], [sflag:$0x2] =	stream.linear.gather [hbm4b:s14+s2], $0x7D00, $0x38;
	[tilespmem:$0xABE0] =	vst v63  }
0x21: {  	_ =	swait.ge [sflag:s12], $0x7D00  }
0x22: {  	[sflag:s12] =	ssyncset.done $0x0  }
0x23: {  	[sflag:s12] =	ssyncadd.s32 $0xFFFF8300  }
0x24: {  	[spmem:s1] =	stream.indirect.scatter.add.f32 [tilespmem:s13], [sflag:$0x1], $0x10, s2, s13, $0xb8;
	[tilespmem:$0xABE0] =	vst v63  }
0x25: {  	_ =	swait.ge [sflag:s3], $0x7D00  }
0x26: {  	[sflag:s3] =	ssyncset.done $0x0  }
0x27: {  	[sflag:s3] =	ssyncadd.s32 $0xFFFF8300  }
0x28: {  	[tilespmem:s2], [sflag:$0x2] =	stream.linear.gather [hbm4b:s11+s2], $0x7D0, $0x38;
	[tilespmem:$0xABE0] =	vst v63  }
0x29: {  	_ =	swait.ge [sflag:s12], $0x7D0  }
0x2a: {  	[sflag:s12] =	ssyncset.done $0x0  }
0x2b: {  	[sflag:s12] =	ssyncadd.s32 $0xFFFFF830  }
0x2c: {  	[tilespmem:s13], [sflag:$0x2] =	stream.linear.gather [hbm4b:s10+s2], $0x7D00, $0x38;
	[tilespmem:$0xABE0] =	vst v63  }
0x2d: {  	_ =	swait.ge [sflag:s12], $0x7D00  }
0x2e: {  	[sflag:s12] =	ssyncset.done $0x0  }
0x2f: {  	[sflag:s12] =	ssyncadd.s32 $0xFFFF8300  }
0x30: {  	[spmem:s1] =	stream.indirect.scatter.add.f32 [tilespmem:s13], [sflag:$0x1], $0x10, s2, s13, $0xb8;
	[tilespmem:$0xABE0] =	vst v63  }
0x31: {  	_ =	swait.ge [sflag:s3], $0x7D00  }
0x32: {  	[sflag:s3] =	ssyncset.done $0x0  }
0x33: {  	s19 =	simm.s32 @!p1 $0x0;
	s20 =	simm.s32 @!p1 $0x2;
	[sflag:s3] =	ssyncadd.s32 $0xFFFF8300  }
0x34: {  	[tilespmem:s19], [sflag:$0x2] =	stream.linear.gather @!p1 [hbm4b:s8+s19], $0x7D0, $0x38;
	[tilespmem:$0xABE0] =	vst v63  }
0x35: {  	_ =	swait.ge @!p1 [sflag:s20], $0x7D0  }
0x36: {  	[sflag:s20] =	ssyncset.done @!p1 $0x0  }
0x37: {  	s21 =	simm.s32 @!p1 $0x7D0;
	[sflag:s20] =	ssyncadd.s32 @!p1 $0xFFFFF830  }
0x38: {  	[tilespmem:s21], [sflag:$0x2] =	stream.linear.gather @!p1 [hbm4b:s5+s19], $0x7D00, $0x38;
	[tilespmem:$0xABE0] =	vst v63  }
0x39: {  	_ =	swait.ge @!p1 [sflag:s20], $0x7D00  }
0x3a: {  	[sflag:s20] =	ssyncset.done @!p1 $0x0  }
0x3b: {  	s22 =	simm.s32 @!p1 $0x1;
	[sflag:s20] =	ssyncadd.s32 @!p1 $0xFFFF8300  }
0x3c: {  	[spmem:s1] =	stream.indirect.scatter.add.f32 @!p1 [tilespmem:s21], [sflag:$0x1], $0x10, s19, s21, $0xb8;
	[tilespmem:$0xABE0] =	vst v63  }
0x3d: {  	s23 =	sadd.s32 $0xFFFFFFFF, s23;
	_ =	swait.ge @!p1 [sflag:s22], $0x7D00  }
0x3e: {  	p3 =	sne.s32 s23, $0x0;
	[sflag:s22] =	ssyncset.done @!p1 $0x0  }
.Ltmp1:
0x3f: {  	[sflag:s22] =	ssyncadd.s32 @!p1 $0xFFFF8300;
	(pc) =	sbr.rel @!p3 .LBB2_3-.Ltmp1, $4  }
0x40: {  	[bflag:$0x0] =	sbarrier.arrive $0xFFFF  }
0x41: {  	[hbm:s4], [sflag:s6] =	dma.local [spmem:s7], $0x4E2  }
0x42: {  	_ =	swait.ge [sflag:s3], $0x4E2  }
0x43: {  	p2 =	por $0x1, $0x1;
	[sflag:s3] =	ssyncset.done $0x0  }
.LBB2_2:
0x44: {  	[sflag:s3] =	ssyncadd.s32 $0xFFFFFB1E  }
0x45: {  	[spmem:s16], [sflag:s17] =	dma.local @!p0 [hbm:s9], $0x4E20  }
0x46: {  	s23 =	sadd.s32 $0xFFFFFFFF, s23;
	_ =	swait.ge @!p0 [sflag:s18], $0x4E20  }
0x47: {  	p3 =	sne.s32 s23, $0x0;
	[sflag:s18] =	ssyncset.done @!p0 $0x0  }
0x48: {  	[sflag:s18] =	ssyncadd.s32 @!p0 $0xFFFFB1E0  }
0x49: {  	[bflag:$0x0] =	sbarrier.arrive $0xFFFF  }
0x4a: {  	[tilespmem:s2], [sflag:$0x2] =	stream.linear.gather [hbm4b:s15+s2], $0x7D0, $0x38;
	[tilespmem:$0xABE0] =	vst v63  }
0x4b: {  	_ =	swait.ge [sflag:s12], $0x7D0  }
0x4c: {  	[sflag:s12] =	ssyncset.done $0x0  }
0x4d: {  	[sflag:s12] =	ssyncadd.s32 $0xFFFFF830  }
0x4e: {  	[tilespmem:s13], [sflag:$0x2] =	stream.linear.gather [hbm4b:s14+s2], $0x7D00, $0x38;
	[tilespmem:$0xABE0] =	vst v63  }
0x4f: {  	_ =	swait.ge [sflag:s12], $0x7D00  }
0x50: {  	[sflag:s12] =	ssyncset.done $0x0  }
0x51: {  	[sflag:s12] =	ssyncadd.s32 $0xFFFF8300  }
0x52: {  	[spmem:s1] =	stream.indirect.scatter.add.f32 [tilespmem:s13], [sflag:$0x1], $0x10, s2, s13, $0xb8;
	[tilespmem:$0xABE0] =	vst v63  }
0x53: {  	_ =	swait.ge [sflag:s3], $0x7D00  }
0x54: {  	[sflag:s3] =	ssyncset.done $0x0  }
0x55: {  	[sflag:s3] =	ssyncadd.s32 $0xFFFF8300  }
0x56: {  	[tilespmem:s2], [sflag:$0x2] =	stream.linear.gather [hbm4b:s11+s2], $0x7D0, $0x38;
	[tilespmem:$0xABE0] =	vst v63  }
0x57: {  	_ =	swait.ge [sflag:s12], $0x7D0  }
0x58: {  	[sflag:s12] =	ssyncset.done $0x0  }
0x59: {  	[sflag:s12] =	ssyncadd.s32 $0xFFFFF830  }
0x5a: {  	[tilespmem:s13], [sflag:$0x2] =	stream.linear.gather [hbm4b:s10+s2], $0x7D00, $0x38;
	[tilespmem:$0xABE0] =	vst v63  }
0x5b: {  	_ =	swait.ge [sflag:s12], $0x7D00  }
0x5c: {  	[sflag:s12] =	ssyncset.done $0x0  }
0x5d: {  	[sflag:s12] =	ssyncadd.s32 $0xFFFF8300  }
0x5e: {  	[spmem:s1] =	stream.indirect.scatter.add.f32 [tilespmem:s13], [sflag:$0x1], $0x10, s2, s13, $0xb8;
	[tilespmem:$0xABE0] =	vst v63  }
0x5f: {  	_ =	swait.ge [sflag:s3], $0x7D00  }
0x60: {  	[sflag:s3] =	ssyncset.done $0x0  }
0x61: {  	[sflag:s3] =	ssyncadd.s32 $0xFFFF8300  }
0x62: {  	[tilespmem:s19], [sflag:$0x2] =	stream.linear.gather @!p1 [hbm4b:s8+s19], $0x7D0, $0x38;
	[tilespmem:$0xABE0] =	vst v63  }
0x63: {  	_ =	swait.ge @!p1 [sflag:s20], $0x7D0  }
0x64: {  	[sflag:s20] =	ssyncset.done @!p1 $0x0  }
0x65: {  	[sflag:s20] =	ssyncadd.s32 @!p1 $0xFFFFF830  }
0x66: {  	[tilespmem:s21], [sflag:$0x2] =	stream.linear.gather @!p1 [hbm4b:s5+s19], $0x7D00, $0x38;
	[tilespmem:$0xABE0] =	vst v63  }
0x67: {  	_ =	swait.ge @!p1 [sflag:s20], $0x7D00  }
0x68: {  	[sflag:s20] =	ssyncset.done @!p1 $0x0  }
0x69: {  	[sflag:s20] =	ssyncadd.s32 @!p1 $0xFFFF8300  }
0x6a: {  	[spmem:s1] =	stream.indirect.scatter.add.f32 @!p1 [tilespmem:s21], [sflag:$0x1], $0x10, s19, s21, $0xb8;
	[tilespmem:$0xABE0] =	vst v63  }
0x6b: {  	_ =	swait.ge @!p1 [sflag:s22], $0x7D00  }
0x6c: {  	[sflag:s22] =	ssyncset.done @!p1 $0x0  }
.Ltmp2:
0x6d: {  	[sflag:s22] =	ssyncadd.s32 @!p1 $0xFFFF8300;
	(pc) =	sbr.rel @p3 .LBB2_2-.Ltmp2, $4  }
0x6e: {  	[bflag:$0x0] =	sbarrier.arrive $0xFFFF  }
0x6f: {  	[hbm:s4], [sflag:s6] =	dma.local [spmem:s7], $0x4E2  }
0x70: {  	_ =	swait.ge [sflag:s3], $0x4E2  }
0x71: {  	[sflag:s3] =	ssyncset.done $0x0  }
.LBB2_3:
0x72: {  	s17 =	simm.s32 @!p0 $0x1C01;
	s18 =	simm.s32 @!p0 $0x1;
	[sflag:s3] =	ssyncadd.s32 @p2 $0xFFFFFB1E  }
0x73: {  	[spmem:s16], [sflag:s17] =	dma.local @!p0 [hbm:s9], $0x4E20  }
0x74: {  	_ =	swait.ge @!p0 [sflag:s18], $0x4E20  }
0x75: {  	[sflag:s18] =	ssyncset.done @!p0 $0x0  }
0x76: {  	[sflag:s18] =	ssyncadd.s32 @!p0 $0xFFFFB1E0  }
0x77: {  	[bflag:$0x0] =	sbarrier.arrive $0xFFFF  }
0x78: {  	[tilespmem:s2], [sflag:$0x2] =	stream.linear.gather [hbm4b:s15+s2], $0x7D0, $0x38;
	[tilespmem:$0xABE0] =	vst v63  }
0x79: {  	_ =	swait.ge [sflag:s12], $0x7D0  }
0x7a: {  	[sflag:s12] =	ssyncset.done $0x0  }
0x7b: {  	[sflag:s12] =	ssyncadd.s32 $0xFFFFF830  }
0x7c: {  	[tilespmem:s13], [sflag:$0x2] =	stream.linear.gather [hbm4b:s14+s2], $0x7D00, $0x38;
	[tilespmem:$0xABE0] =	vst v63  }
0x7d: {  	_ =	swait.ge [sflag:s12], $0x7D00  }
0x7e: {  	[sflag:s12] =	ssyncset.done $0x0  }
0x7f: {  	[sflag:s12] =	ssyncadd.s32 $0xFFFF8300  }
0x80: {  	[spmem:s1] =	stream.indirect.scatter.add.f32 [tilespmem:s13], [sflag:$0x1], $0x10, s2, s13, $0xb8;
	[tilespmem:$0xABE0] =	vst v63  }
0x81: {  	_ =	swait.ge [sflag:s3], $0x7D00  }
0x82: {  	[sflag:s3] =	ssyncset.done $0x0  }
0x83: {  	[sflag:s3] =	ssyncadd.s32 $0xFFFF8300  }
0x84: {  	[tilespmem:s2], [sflag:$0x2] =	stream.linear.gather [hbm4b:s11+s2], $0x7D0, $0x38;
	[tilespmem:$0xABE0] =	vst v63  }
0x85: {  	_ =	swait.ge [sflag:s12], $0x7D0  }
0x86: {  	[sflag:s12] =	ssyncset.done $0x0  }
0x87: {  	[sflag:s12] =	ssyncadd.s32 $0xFFFFF830  }
0x88: {  	[tilespmem:s13], [sflag:$0x2] =	stream.linear.gather [hbm4b:s10+s2], $0x7D00, $0x38;
	[tilespmem:$0xABE0] =	vst v63  }
0x89: {  	_ =	swait.ge [sflag:s12], $0x7D00  }
0x8a: {  	[sflag:s12] =	ssyncset.done $0x0  }
0x8b: {  	[sflag:s12] =	ssyncadd.s32 $0xFFFF8300  }
0x8c: {  	[spmem:s1] =	stream.indirect.scatter.add.f32 [tilespmem:s13], [sflag:$0x1], $0x10, s2, s13, $0xb8;
	[tilespmem:$0xABE0] =	vst v63  }
0x8d: {  	_ =	swait.ge [sflag:s3], $0x7D00  }
0x8e: {  	[sflag:s3] =	ssyncset.done $0x0  }
0x8f: {  	s9 =	simm.s32 @!p1 $0x2;
	s2 =	simm.s32 @!p1 $0x0;
	[sflag:s3] =	ssyncadd.s32 $0xFFFF8300  }
0x90: {  	[tilespmem:s2], [sflag:$0x2] =	stream.linear.gather @!p1 [hbm4b:s8+s2], $0x7D0, $0x38;
	[tilespmem:$0xABE0] =	vst v63  }
0x91: {  	_ =	swait.ge @!p1 [sflag:s9], $0x7D0  }
0x92: {  	[sflag:s9] =	ssyncset.done @!p1 $0x0  }
0x93: {  	s8 =	simm.s32 @!p1 $0x7D0;
	[sflag:s9] =	ssyncadd.s32 @!p1 $0xFFFFF830  }
0x94: {  	[tilespmem:s8], [sflag:$0x2] =	stream.linear.gather @!p1 [hbm4b:s5+s2], $0x7D00, $0x38;
	[tilespmem:$0xABE0] =	vst v63  }
0x95: {  	_ =	swait.ge @!p1 [sflag:s9], $0x7D00  }
0x96: {  	[sflag:s9] =	ssyncset.done @!p1 $0x0  }
0x97: {  	s5 =	simm.s32 @!p1 $0x1;
	[sflag:s9] =	ssyncadd.s32 @!p1 $0xFFFF8300  }
0x98: {  	[spmem:s1] =	stream.indirect.scatter.add.f32 @!p1 [tilespmem:s8], [sflag:$0x1], $0x10, s2, s8, $0xb8;
	[tilespmem:$0xABE0] =	vst v63  }
0x99: {  	_ =	swait.ge @!p1 [sflag:s5], $0x7D00  }
0x9a: {  	[sflag:s5] =	ssyncset.done @!p1 $0x0  }
0x9b: {  	[sflag:s5] =	ssyncadd.s32 @!p1 $0xFFFF8300  }
0x9c: {  	[bflag:$0x0] =	sbarrier.arrive $0xFFFF  }
0x9d: {  	[hbm:s4], [sflag:s6] =	dma.local [spmem:s7], $0x4E2  }
0x9e: {  	_ =	swait.ge [sflag:s3], $0x4E2  }
0x9f: {  	[sflag:s3] =	ssyncset.done $0x0  }
0xa0: {  	[sflag:s3] =	ssyncadd.s32 $0xFFFFFB1E  }
0xa1: {  	_ =	sfence.sel $0x180000  }
0xa2: {  	[bflag:$0x0] =	sbarrier.arrive $0xFFFF  }
0xa3: {  	_ =	strace $0x90000050  }
0xa4: {  	s0 =	sadd.s32 @!p0 $0x100000, s0;
	[bflag:$0x2] =	sbarrier.arrive $0xFFFF  }
0xa5: {  	[sflag:s0] =	ssyncadd.tile.s32 @!p0 $0x1;
	_ =	shalt  }
.Lfunc_end2:
_tile_overlayer_lowered:
.L_overlay_start_2:
0xa6: {  	(tag) =	ssettag $0x2  }
0xa7: {  	s0 =	rddreg [dreg:$0x0];
	s2 =	stileid.u32  }
0xa8: {  	s1 =	rddreg [dreg:$0x1];
	p0 =	sne.s32 s2, $0x0  }
0xa9: {  	s3 =	rddreg [dreg:$0x2];
	[bflag:$0x3] =	sbarrier.arrive $0xFFFF;
	s2 =	simm.s32 @!p0 $0x1C01  }
0xaa: {  	[timem:s3], [sflag:s2] =	dma.local @!p0 [hbm:s0], s1  }
0xab: {  	s0 =	simm.s32 @!p0 $0x1  }
0xac: {  	_ =	swait.ge @!p0 [sflag:s0], s1  }
0xad: {  	s1 =	ssub.s32 @!p0 $0x0, s1;
	[sflag:s0] =	ssyncset.done @!p0 $0x0  }
0xae: {  	[sflag:s0] =	ssyncadd.s32 @!p0 s1  }
0xaf: {  	[bflag:$0x3] =	sbarrier.arrive $0xFFFF  }
0xb0: {  	_ =	shalt  }

// kernel: kernel.29.cloned.1.call-start
scs
__scs_entry_jumppad:
0x0: {  	(pc) =	sbr.rel $0x88, $3  }
0x1: {  	(tag) =	ssettag $0x0;
	lr =	simm.s32 $0x1  }
0x2: {  	[smem:$0x3F95] =	sst lr;
	_ =	strace $0xD0000000  }
0x3: {  	_ = 	snop  }
0x4: {  	_ = 	snop  }
0x5: {  	_ = 	snop  }
0x6: {  	_ = 	snop  }
0x7: {  	_ = 	snop  }
__scs_overlays_trampoline_lowered:
0x8: {  	[smem:$0x3FA4] =	sst s0  }
0x9: {  	[smem:$0x3FA5] =	sst s1  }
0xa: {  	[smem:$0x3FA6] =	sst s2  }
0xb: {  	[smem:$0x3FA7] =	sst s3  }
0xc: {  	[smem:$0x3FA8] =	sst s4  }
0xd: {  	[smem:$0x3FA9] =	sst s5  }
0xe: {  	[smem:$0x3FAA] =	sst s6  }
0xf: {  	[smem:$0x3FAB] =	sst s7  }
0x10: {  	[smem:$0x3FAC] =	sst s8  }
0x11: {  	[smem:$0x3FAD] =	sst s9;
	s0 =	simm.s32 @!p0 $0x0  }
0x12: {  	s1 =	sld [smem:$0x3F93];
	s0 =	simm.s32 @p0 $0x1  }
0x13: {  	[smem:$0x3FAE] =	sst s0;
	s0 =	simm.s32 @!p1 $0x0  }
0x14: {  	s2 =	sld [smem:$0x3F92];
	s0 =	simm.s32 @p1 $0x1  }
0x15: {  	[smem:$0x3FAF] =	sst s0;
	s0 =	simm.s32 @!p2 $0x0  }
0x16: {  	s3 =	sld [smem:$0x3FDB];
	s0 =	simm.s32 @p2 $0x1  }
0x17: {  	s4 =	simm.s32 $0x1BF5;
	[smem:$0x3FB1] =	sst s0  }
0x18: {  	s0 =	sld [smem:$0x3F94];
	_ =	swait.ge [sflag:s4], $0x0  }
0x19: {  	s7 =	sld [smem:$0x3F95]  }
0x1a: {  	s8 =	sadd.s32 $0xFFFFE003, lr  }
0x1b: {  	s9 =	sadd.s32 $0xFFFFFEF7, lr;
	s5 =	simm.s32 $0xFFFFFFFF;
	p2 =	slt.u32 s8, $0xFFFFF086  }
0x1c: {  	p1 =	slt.u32 s9, $0xF7A;
	s5 =	simm.s32 @!p2 $0x0  }
0x1d: {  	s5 =	simm.s32 @p1 $0x1;
	p0 =	seq.s32 s7, s2  }
0x1e: {  	s7 =	smul.u32 @!p0 $0xF7A, s2;
	p2 =	seq.s32 @!p0 s5, $0x0  }
0x1f: {  	s9 =	smul.u32 $0xF7A, s1;
	s8 =	simm.s32 @!p0 $0x1BF5;
	p2 =	por !p2, p0  }
0x20: {  	[sflag:s8] =	ssyncset.s32 @!p0 $0xFFFFF086;
	s6 =	sadd.s32 @!p0 s3, s7;
	s7 =	simm.s32 @!p0 $0x108  }
0x21: {  	s3 =	sadd.s32 s3, s9;
	s6 =	sadd.s32 @!p0 $0x88, s6;
	s7 =	simm.s32 @p2 $0x1082  }
0x22: {  	[simem:s7], [sflag:s8] =	dma.local @!p0 [hbm:s6], $0xF7A  }
0x23: {  	s9 =	sor.u32 $0xD0000000, s2;
	s6 =	simm.s32 $0x108;
	_ =	swait.ge @!p0 [sflag:s8], $0x0  }
0x24: {  	s3 =	sadd.s32 $0x88, s3;
	s6 =	simm.s32 @!p1 $0x1082;
	[sflag:s4] =	ssyncset.s32 $0xFFFFF086  }
0x25: {  	[simem:s6], [sflag:s4] =	dma.local [hbm:s3], $0xF7A  }
0x26: {  	[smem:$0x3F95] =	sst s1;
	(tag) =	ssettag s2;
	_ =	strace s9  }
0x27: {  	s1 =	sld [smem:$0x3FA5]  }
0x28: {  	s2 =	sld [smem:$0x3FA6]  }
0x29: {  	s4 =	sld [smem:$0x3FA8]  }
0x2a: {  	p0 =	seq.s32 s5, $0x0;
	s5 =	sld [smem:$0x3FA9]  }
0x2b: {  	s6 =	sld [smem:$0x3FAA]  }
0x2c: {  	s7 =	sld [smem:$0x3FAB]  }
0x2d: {  	s3 =	simm.s32 $0x108;
	s8 =	sld [smem:$0x3FAC]  }
0x2e: {  	s3 =	simm.s32 @!p0 $0x1082;
	s9 =	sld [smem:$0x3FAD]  }
0x2f: {  	lr =	sadd.s32 s0, s3;
	s0 =	sld [smem:$0x3FA4]  }
0x30: {  	s3 =	sld [smem:$0x3FA7]  }
0x31: {  	[smem:$0x3FB0] =	sst s10  }
0x32: {  	s10 =	sld [smem:$0x3FAE];
	_ =	sdelay $0x3  }
0x33: {  	p0 =	seq.s32 s10, $0x1;
	s10 =	sld [smem:$0x3FB0];
	_ =	sdelay $0x3  }
0x34: {  	[smem:$0x3FB0] =	sst s10  }
0x35: {  	s10 =	sld [smem:$0x3FAF];
	_ =	sdelay $0x3  }
0x36: {  	p1 =	seq.s32 s10, $0x1;
	s10 =	sld [smem:$0x3FB0];
	_ =	sdelay $0x3  }
0x37: {  	[smem:$0x3FB0] =	sst s10  }
0x38: {  	s10 =	sld [smem:$0x3FB1]  }
0x39: {  	_ = 	snop;
	(pc) =	sbr.ind lr, $3  }
0x3a: {  	_ = 	snop  }
0x3b: {  	_ = 	snop  }
0x3c: {  	p2 =	seq.s32 s10, $0x1;
	s10 =	sld [smem:$0x3FB0]  }
0x3d: {  	_ =	shalt  }
0x3e: {  	_ =	shalt  }
0x3f: {  	_ =	shalt  }
0x40: {  	_ =	shalt  }
0x41: {  	_ =	shalt  }
0x42: {  	_ =	shalt  }
0x43: {  	_ =	shalt  }
0x44: {  	_ =	shalt  }
0x45: {  	_ =	shalt  }
0x46: {  	_ =	shalt  }
0x47: {  	_ =	shalt  }
0x48: {  	_ =	shalt  }
0x49: {  	_ =	shalt  }
0x4a: {  	_ =	shalt  }
0x4b: {  	_ =	shalt  }
0x4c: {  	_ =	shalt  }
0x4d: {  	_ =	shalt  }
0x4e: {  	_ =	shalt  }
0x4f: {  	_ =	shalt  }
0x50: {  	_ =	shalt  }
0x51: {  	_ =	shalt  }
0x52: {  	_ =	shalt  }
0x53: {  	_ =	shalt  }
0x54: {  	_ =	shalt  }
0x55: {  	_ =	shalt  }
0x56: {  	_ =	shalt  }
0x57: {  	_ =	shalt  }
0x58: {  	_ =	shalt  }
0x59: {  	_ =	shalt  }
0x5a: {  	_ =	shalt  }
0x5b: {  	_ =	shalt  }
0x5c: {  	_ =	shalt  }
0x5d: {  	_ =	shalt  }
0x5e: {  	_ =	shalt  }
0x5f: {  	_ =	shalt  }
0x60: {  	_ =	shalt  }
0x61: {  	_ =	shalt  }
0x62: {  	_ =	shalt  }
0x63: {  	_ =	shalt  }
0x64: {  	_ =	shalt  }
0x65: {  	_ =	shalt  }
0x66: {  	_ =	shalt  }
0x67: {  	_ =	shalt  }
0x68: {  	_ =	shalt  }
0x69: {  	_ =	shalt  }
0x6a: {  	_ =	shalt  }
0x6b: {  	_ =	shalt  }
0x6c: {  	_ =	shalt  }
0x6d: {  	_ =	shalt  }
0x6e: {  	_ =	shalt  }
0x6f: {  	_ =	shalt  }
0x70: {  	_ =	shalt  }
0x71: {  	_ =	shalt  }
0x72: {  	_ =	shalt  }
0x73: {  	_ =	shalt  }
0x74: {  	_ =	shalt  }
0x75: {  	_ =	shalt  }
0x76: {  	_ =	shalt  }
0x77: {  	_ =	shalt  }
0x78: {  	_ =	shalt  }
0x79: {  	_ =	shalt  }
0x7a: {  	_ =	shalt  }
0x7b: {  	_ =	shalt  }
0x7c: {  	_ =	shalt  }
0x7d: {  	_ =	shalt  }
0x7e: {  	_ =	shalt  }
0x7f: {  	_ =	shalt  }
0x80: {  	_ =	shalt  }
0x81: {  	_ =	shalt  }
0x82: {  	_ =	shalt  }
0x83: {  	_ =	shalt  }
0x84: {  	_ =	shalt  }
0x85: {  	_ =	shalt  }
0x86: {  	_ =	shalt  }
0x87: {  	_ =	shalt  }
.Lfunc_end0:
.L_simem_size_0:
called_computation.4_lowered:
.L_overlay_start_0:
0x88: {  	s2 =	sld [smem:$0x3FD9]  }
0x89: {  	s3 =	sld [smem:$0x3FFE];
	_ =	sdelay $0x1  }
0x8a: {  	s1 =	srdreg.scid  }
0x8b: {  	s0 =	sand.u32 $0x1, s1  }
0x8c: {  	s16 =	sshll.u32 s0, $0xA;
	s2 =	sadd.s32 s3, s2  }
0x8d: {  	s2 =	sadd.s32 s2, s16  }
0x8e: {  	[smem:$0x3FBC] =	sst s2  }
0x8f: {  	_ = 	snop  }
0x90: {  	(tm) =	ssettm $0x1  }
0x91: {  	s17 =	sld [smem:$0x3FFB];
	_ =	sdelay $0x3  }
0x92: {  	_ =	strace s17  }
0x93: {  	s2 =	sld [smem:$0x3FFC];
	_ =	sdelay $0x3  }
0x94: {  	_ =	strace s2  }
0x95: {  	s2 =	sld [smem:$0x3FFD];
	_ =	sdelay $0x3  }
0x96: {  	_ =	strace s2  }
0x97: {  	_ =	strace $0x8FFFFFFF  }
0x98: {  	s18 =	sld [smem:$0x3FDB];
	_ =	sdelay $0x1  }
0x99: {  	s19 =	simm.s32 $_scs_section_size  }
0x9a: {  	s4 =	simm.s32 $_size__tile_overlayer_lowered;
	s5 =	simm.s32 $_tile_overlayer_lowered  }
0x9b: {  	s22 =	simm.s32 $0x1BFF;
	s21 =	sshll.u32 s5, $0x1;
	s2 =	sadd.s32 s19, s18  }
0x9c: {  	s6 =	simm.s32 $0x0;
	s20 =	sshll.u32 s4, $0x1;
	s4 =	sadd.s32 s21, s2  }
0x9d: {  	[timem:s6], [sflag:s22] =	dma.local [hbm:s4], s20  }
0x9e: {  	_ =	swait.ge [sflag:s22], s20  }
0x9f: {  	s3 =	ssub.s32 $0x0, s20;
	[sflag:s22] =	ssyncset.done $0x0  }
0xa0: {  	[sflag:s22] =	ssyncadd.s32 s3;
	_ =	sdelay $0x1  }
0xa1: {  	s23 =	simm.s32 $0x1B8B  }
0xa2: {  	_ =	swait.ge [sflag:s23], $0x1  }
0xa3: {  	[sflag:s23] =	ssyncset.done $0x0  }
0xa4: {  	s25 =	simm.s32 $0x1B8E;
	s24 =	sld [smem:$0x3FFE];
	[sflag:s23] =	ssyncadd.s32 $0xFFFFFFFF  }
0xa5: {  	s26 =	simm.s32 $execute0_lowered;
	[smem:$0x3FD2] =	sst s25  }
0xa6: {  	s4 =	sshll.u32 s26, $0x1;
	_ =	strace $0x80000052;
	[dreg:$0x1] =	wrdreg $0xFFFFFFFF  }
0xa7: {  	s28 =	simm.s32 $_size_execute0_lowered;
	s2 =	sadd.s32 s2, s4;
	[dreg:$0x0] =	wrdreg $0x0  }
0xa8: {  	s4 =	sshll.u32 s28, $0x1;
	[dreg:$0x2] =	wrdreg s2  }
0xa9: {  	[dreg:$0x3] =	wrdreg s4  }
0xaa: {  	[dreg:$0x4] =	wrdreg $0xC0  }
0xab: {  	_ =	task [dreg:s6], $0x5FFFF  }
0xac: {  	[dreg:$0x1] =	wrdreg $0xFFFFFFFF  }
0xad: {  	[dreg:$0x0] =	wrdreg $0x60  }
0xae: {  	[dreg:$0x2] =	wrdreg s24  }
0xaf: {  	[dreg:$0x3] =	wrdreg $0xA  }
0xb0: {  	_ =	task.clear_ibuf [dreg:s6], $0x4FFFF;
	_ =	strace $0x90000052  }
0xb1: {  	s29 =	simm.s32 $0xA;
	_ =	strace $0x80000054  }
0xb2: {  	_ =	swait.ge [sflag:s29], $0x1  }
0xb3: {  	[sflag:s29] =	ssyncadd.s32 $0xFFFFFFFF  }
0xb4: {  	_ =	strace $0x90000054  }
0xb5: {  	_ =	sfence  }
0xb6: {  	s30 =	sld [smem:$0x0];
	_ =	sdelay $0x2  }
0xb7: {  	s31 =	sshll.u32 s1, $0xD;
	s1 =	sshrl.u32 s1, $0x2  }
0xb8: {  	s3 =	sand.u32 $0x4000, s31;
	s1 =	sadd.s32 s1, s30  }
0xb9: {  	s0 =	sor.u32 s3, s0;
	s1 =	sshll.u32 s1, $0x11  }
0xba: {  	s0 =	sor.u32 s1, s0  }
0xbb: {  	s0 =	sadd.s32 $0x8F2B, s0  }
0xbc: {  	[sflag:s0] =	ssyncadd.remote.s32 $0x1  }
0xbd: {  	_ =	sfence.sel $0xFFFF  }
0xbe: {  	[dreg:$0x0] =	wrdreg $0xFFFFFFFF;
	(pc) =	sbr.abs _section_cstart, $3  }
0xbf: {  	[dreg:$0x1] =	wrdreg $0xFFFFFFFF  }
0xc0: {  	_ =	task.clear_ibuf [dreg:s6], $0x2FFFF;
	_ =	strace $0x9FFFFFFF  }
0xc1: {  	(tm) =	ssettm $0x7FFFFFFF  }
tec
execute0_lowered:
.L_overlay_start_1:
0x0: {  	(tag) =	ssettag $0x1  }
0x1: {  	s1 =	srdreg.scid;
	s0 =	stileid.u32  }
0x2: {  	s15 =	sand.u32 $0x1, s1;
	s11 =	sshll.u32 s0, $0x1  }
0x3: {  	s9 =	sor.u32 s15, s11  }
0x4: {  	s8 =	rddreg [dreg:$0x0];
	s2 =	simm.s32 $0x0;
	s3 =	smul.u32 $0xFA, s9  }
0x5: {  	s4 =	simm.s32 $0x3;
	[smem:$0x7FF] =	sst s2;
	s12 =	sadd.s32 $0xA400, s8  }
0x6: {  	s1 =	rddreg [dreg:$0x1];
	_ =	strace $0x80000053;
	s3 =	sadd.s32 s12, s3  }
0x7: {  	[tilespmem:s2], [sflag:$0x3] =	stream.linear.gather [hbm4b:s3+s2], $0x7D0, $0x38;
	[tilespmem:$0x84D0] =	vst v63  }
0x8: {  	_ =	swait.ge [sflag:s4], $0x7D0  }
0x9: {  	s6 =	simm.s32 $0x7D0;
	[sflag:s4] =	ssyncset.done $0x0  }
0xa: {  	s7 =	simm.s32 $0x1;
	s5 =	sadd.s32 $0x5400, s8;
	[sflag:s4] =	ssyncadd.s32 $0xFFFFF830  }
0xb: {  	[tilespmem:s6], [sflag:$0x1] =	stream.indirect.gather [hbm4b:s5+s6], $0x10, s2, s6, $0xb8;
	[tilespmem:$0x84D0] =	vst v63  }
0xc: {  	s10 =	smul.u32 $0xFA0, s9;
	_ =	swait.ge [sflag:s7], $0x7D00  }
0xd: {  	s17 =	sadd.s32 $0x1E000, s8;
	s13 =	sor.u32 $0x20, s9;
	[sflag:s7] =	ssyncset.done $0x0  }
0xe: {  	s9 =	simm.s32 $0x2;
	s8 =	sadd.s32 s17, s10;
	[sflag:s7] =	ssyncadd.s32 $0xFFFF8300  }
0xf: {  	[hbm4b:s8+s2] =	stream.linear.scatter [tilespmem:s6], [sflag:$0x2], $0x7D00, $0x38;
	[tilespmem:$0x84D0] =	vst v63  }
0x10: {  	s30 =	smul.u32 $0xFA, s13;
	_ =	swait.ge [sflag:s9], $0x7D00  }
0x11: {  	[sflag:s9] =	ssyncset.done $0x0  }
0x12: {  	s10 =	sadd.s32 s12, s30;
	[sflag:s9] =	ssyncadd.s32 $0xFFFF8300  }
0x13: {  	[tilespmem:s2], [sflag:$0x3] =	stream.linear.gather [hbm4b:s10+s2], $0x7D0, $0x38;
	[tilespmem:$0x84D0] =	vst v63  }
0x14: {  	_ =	swait.ge [sflag:s4], $0x7D0  }
0x15: {  	[sflag:s4] =	ssyncset.done $0x0  }
0x16: {  	[sflag:s4] =	ssyncadd.s32 $0xFFFFF830  }
0x17: {  	[tilespmem:s6], [sflag:$0x1] =	stream.indirect.gather [hbm4b:s5+s6], $0x10, s2, s6, $0xb8;
	[tilespmem:$0x84D0] =	vst v63  }
0x18: {  	s13 =	smul.u32 $0xFA0, s13;
	_ =	swait.ge [sflag:s7], $0x7D00  }
0x19: {  	s14 =	sor.u32 $0x40, s11;
	s18 =	ssub.s32 $0x2, s15;
	[sflag:s7] =	ssyncset.done $0x0  }
0x1a: {  	s16 =	sor.u32 s15, s14;
	s11 =	sadd.s32 s17, s13;
	[sflag:s7] =	ssyncadd.s32 $0xFFFF8300  }
0x1b: {  	[hbm4b:s11+s2] =	stream.linear.scatter [tilespmem:s6], [sflag:$0x2], $0x7D00, $0x38;
	[tilespmem:$0x84D0] =	vst v63  }
0x1c: {  	p0 =	sgt.u32 s14, $0x4F;
	s31 =	smul.u32 $0xFA, s16;
	_ =	swait.ge [sflag:s9], $0x7D00  }
0x1d: {  	s19 =	sshrl.u32 s18, $0x1;
	s14 =	simm.s32 @!p0 $0x3;
	[sflag:s9] =	ssyncset.done $0x0  }
0x1e: {  	s12 =	sadd.s32 s12, s31;
	s13 =	simm.s32 @!p0 $0x0;
	[sflag:s9] =	ssyncadd.s32 $0xFFFF8300  }
0x1f: {  	[tilespmem:s13], [sflag:$0x3] =	stream.linear.gather @!p0 [hbm4b:s12+s13], $0x7D0, $0x38;
	[tilespmem:$0x84D0] =	vst v63  }
0x20: {  	s20 =	smul.u32 $0xFA0, s16;
	s18 =	ssub.s32 s18, s19;
	_ =	swait.ge @!p0 [sflag:s14], $0x7D0  }
0x21: {  	s15 =	simm.s32 @!p0 $0x7D0;
	s19 =	smax.u32 s18, $0x1;
	[sflag:s14] =	ssyncset.done @!p0 $0x0  }
0x22: {  	s16 =	simm.s32 @!p0 $0x1;
	s19 =	sadd.s32 $0xFFFFFFFF, s19;
	[sflag:s14] =	ssyncadd.s32 @!p0 $0xFFFFF830  }
0x23: {  	[tilespmem:s15], [sflag:$0x1] =	stream.indirect.gather @!p0 [hbm4b:s5+s15], $0x10, s13, s15, $0xb8;
	[tilespmem:$0x84D0] =	vst v63  }
0x24: {  	p1 =	sne.s32 s19, $0x0;
	_ =	swait.ge @!p0 [sflag:s16], $0x7D00  }
.Ltmp0:
0x25: {  	[sflag:s16] =	ssyncset.done @!p0 $0x0;
	(pc) =	sbr.rel @!p1 .LBB2_2-.Ltmp0, $4  }
0x26: {  	s18 =	sadd.s32 s17, s20;
	s17 =	simm.s32 @!p0 $0x2;
	[sflag:s16] =	ssyncadd.s32 @!p0 $0xFFFF8300  }
0x27: {  	[hbm4b:s18+s13] =	stream.linear.scatter @!p0 [tilespmem:s15], [sflag:$0x2], $0x7D00, $0x38;
	[tilespmem:$0x84D0] =	vst v63  }
0x28: {  	_ =	swait.ge @!p0 [sflag:s17], $0x7D00  }
0x29: {  	[sflag:s17] =	ssyncset.done @!p0 $0x0  }
.LBB2_1:
0x2a: {  	s19 =	sadd.s32 $0xFFFFFFFF, s19;
	[sflag:s17] =	ssyncadd.s32 @!p0 $0xFFFF8300  }
0x2b: {  	[tilespmem:s2], [sflag:$0x3] =	stream.linear.gather [hbm4b:s3+s2], $0x7D0, $0x38;
	[tilespmem:$0x84D0] =	vst v63  }
0x2c: {  	p1 =	sne.s32 s19, $0x0;
	_ =	swait.ge [sflag:s4], $0x7D0  }
0x2d: {  	[sflag:s4] =	ssyncset.done $0x0  }
0x2e: {  	[sflag:s4] =	ssyncadd.s32 $0xFFFFF830  }
0x2f: {  	[tilespmem:s6], [sflag:$0x1] =	stream.indirect.gather [hbm4b:s5+s6], $0x10, s2, s6, $0xb8;
	[tilespmem:$0x84D0] =	vst v63  }
0x30: {  	_ =	swait.ge [sflag:s7], $0x7D00  }
0x31: {  	[sflag:s7] =	ssyncset.done $0x0  }
0x32: {  	[sflag:s7] =	ssyncadd.s32 $0xFFFF8300  }
0x33: {  	[hbm4b:s8+s2] =	stream.linear.scatter [tilespmem:s6], [sflag:$0x2], $0x7D00, $0x38;
	[tilespmem:$0x84D0] =	vst v63  }
0x34: {  	_ =	swait.ge [sflag:s9], $0x7D00  }
0x35: {  	[sflag:s9] =	ssyncset.done $0x0  }
0x36: {  	[sflag:s9] =	ssyncadd.s32 $0xFFFF8300  }
0x37: {  	[tilespmem:s2], [sflag:$0x3] =	stream.linear.gather [hbm4b:s10+s2], $0x7D0, $0x38;
	[tilespmem:$0x84D0] =	vst v63  }
0x38: {  	_ =	swait.ge [sflag:s4], $0x7D0  }
0x39: {  	[sflag:s4] =	ssyncset.done $0x0  }
0x3a: {  	[sflag:s4] =	ssyncadd.s32 $0xFFFFF830  }
0x3b: {  	[tilespmem:s6], [sflag:$0x1] =	stream.indirect.gather [hbm4b:s5+s6], $0x10, s2, s6, $0xb8;
	[tilespmem:$0x84D0] =	vst v63  }
0x3c: {  	_ =	swait.ge [sflag:s7], $0x7D00  }
0x3d: {  	[sflag:s7] =	ssyncset.done $0x0  }
0x3e: {  	[sflag:s7] =	ssyncadd.s32 $0xFFFF8300  }
0x3f: {  	[hbm4b:s11+s2] =	stream.linear.scatter [tilespmem:s6], [sflag:$0x2], $0x7D00, $0x38;
	[tilespmem:$0x84D0] =	vst v63  }
0x40: {  	_ =	swait.ge [sflag:s9], $0x7D00  }
0x41: {  	[sflag:s9] =	ssyncset.done $0x0  }
0x42: {  	[sflag:s9] =	ssyncadd.s32 $0xFFFF8300  }
0x43: {  	[tilespmem:s13], [sflag:$0x3] =	stream.linear.gather @!p0 [hbm4b:s12+s13], $0x7D0, $0x38;
	[tilespmem:$0x84D0] =	vst v63  }
0x44: {  	_ =	swait.ge @!p0 [sflag:s14], $0x7D0  }
0x45: {  	[sflag:s14] =	ssyncset.done @!p0 $0x0  }
0x46: {  	[sflag:s14] =	ssyncadd.s32 @!p0 $0xFFFFF830  }
0x47: {  	[tilespmem:s15], [sflag:$0x1] =	stream.indirect.gather @!p0 [hbm4b:s5+s15], $0x10, s13, s15, $0xb8;
	[tilespmem:$0x84D0] =	vst v63  }
0x48: {  	_ =	swait.ge @!p0 [sflag:s16], $0x7D00  }
.Ltmp1:
0x49: {  	[sflag:s16] =	ssyncset.done @!p0 $0x0;
	(pc) =	sbr.rel @p1 .LBB2_1-.Ltmp1, $4  }
0x4a: {  	[sflag:s16] =	ssyncadd.s32 @!p0 $0xFFFF8300  }
0x4b: {  	[hbm4b:s18+s13] =	stream.linear.scatter @!p0 [tilespmem:s15], [sflag:$0x2], $0x7D00, $0x38;
	[tilespmem:$0x84D0] =	vst v63  }
0x4c: {  	_ =	swait.ge @!p0 [sflag:s17], $0x7D00  }
0x4d: {  	[sflag:s17] =	ssyncset.done @!p0 $0x0  }
.LBB2_2:
0x4e: {  	[sflag:s17] =	ssyncadd.s32 @!p0 $0xFFFF8300  }
0x4f: {  	_ =	sfence.sel $0x180000  }
0x50: {  	[bflag:$0x0] =	sbarrier.arrive $0xFFFF  }
0x51: {  	p0 =	sne.s32 s0, $0x0;
	_ =	strace $0x90000053  }
0x52: {  	s0 =	sadd.s32 @!p0 $0x100000, s1;
	[bflag:$0x2] =	sbarrier.arrive $0xFFFF  }
0x53: {  	[sflag:s0] =	ssyncadd.tile.s32 @!p0 $0x1;
	_ =	shalt  }
.Lfunc_end2:
_tile_overlayer_lowered:
.L_overlay_start_2:
0x54: {  	(tag) =	ssettag $0x2  }
0x55: {  	s0 =	rddreg [dreg:$0x0];
	s2 =	stileid.u32  }
0x56: {  	s1 =	rddreg [dreg:$0x1];
	p0 =	sne.s32 s2, $0x0  }
0x57: {  	s3 =	rddreg [dreg:$0x2];
	[bflag:$0x3] =	sbarrier.arrive $0xFFFF;
	s2 =	simm.s32 @!p0 $0x1C02  }
0x58: {  	[timem:s3], [sflag:s2] =	dma.local @!p0 [hbm:s0], s1  }
0x59: {  	s0 =	simm.s32 @!p0 $0x2  }
0x5a: {  	_ =	swait.ge @!p0 [sflag:s0], s1  }
0x5b: {  	s1 =	ssub.s32 @!p0 $0x0, s1;
	[sflag:s0] =	ssyncset.done @!p0 $0x0  }
0x5c: {  	[sflag:s0] =	ssyncadd.s32 @!p0 s1  }
0x5d: {  	[bflag:$0x3] =	sbarrier.arrive $0xFFFF  }
0x5e: {  	_ =	shalt  }

// kernel: kernel.32.cloned.1.call-start
scs
__scs_entry_jumppad:
0x0: {  	(pc) =	sbr.rel $0x88, $3  }
0x1: {  	(tag) =	ssettag $0x0;
	lr =	simm.s32 $0x1  }
0x2: {  	[smem:$0x3F95] =	sst lr;
	_ =	strace $0xD0000000  }
0x3: {  	_ = 	snop  }
0x4: {  	_ = 	snop  }
0x5: {  	_ = 	snop  }
0x6: {  	_ = 	snop  }
0x7: {  	_ = 	snop  }
__scs_overlays_trampoline_lowered:
0x8: {  	[smem:$0x3FA4] =	sst s0  }
0x9: {  	[smem:$0x3FA5] =	sst s1  }
0xa: {  	[smem:$0x3FA6] =	sst s2  }
0xb: {  	[smem:$0x3FA7] =	sst s3  }
0xc: {  	[smem:$0x3FA8] =	sst s4  }
0xd: {  	[smem:$0x3FA9] =	sst s5  }
0xe: {  	[smem:$0x3FAA] =	sst s6  }
0xf: {  	[smem:$0x3FAB] =	sst s7  }
0x10: {  	[smem:$0x3FAC] =	sst s8  }
0x11: {  	[smem:$0x3FAD] =	sst s9;
	s0 =	simm.s32 @!p0 $0x0  }
0x12: {  	s1 =	sld [smem:$0x3F93];
	s0 =	simm.s32 @p0 $0x1  }
0x13: {  	[smem:$0x3FAE] =	sst s0;
	s0 =	simm.s32 @!p1 $0x0  }
0x14: {  	s2 =	sld [smem:$0x3F92];
	s0 =	simm.s32 @p1 $0x1  }
0x15: {  	[smem:$0x3FAF] =	sst s0;
	s0 =	simm.s32 @!p2 $0x0  }
0x16: {  	s3 =	sld [smem:$0x3FDB];
	s0 =	simm.s32 @p2 $0x1  }
0x17: {  	s4 =	simm.s32 $0x1BF5;
	[smem:$0x3FB1] =	sst s0  }
0x18: {  	s0 =	sld [smem:$0x3F94];
	_ =	swait.ge [sflag:s4], $0x0  }
0x19: {  	s7 =	sld [smem:$0x3F95]  }
0x1a: {  	s8 =	sadd.s32 $0xFFFFE003, lr  }
0x1b: {  	s9 =	sadd.s32 $0xFFFFFEF7, lr;
	s5 =	simm.s32 $0xFFFFFFFF;
	p2 =	slt.u32 s8, $0xFFFFF086  }
0x1c: {  	p1 =	slt.u32 s9, $0xF7A;
	s5 =	simm.s32 @!p2 $0x0  }
0x1d: {  	s5 =	simm.s32 @p1 $0x1;
	p0 =	seq.s32 s7, s2  }
0x1e: {  	s7 =	smul.u32 @!p0 $0xF7A, s2;
	p2 =	seq.s32 @!p0 s5, $0x0  }
0x1f: {  	s9 =	smul.u32 $0xF7A, s1;
	s8 =	simm.s32 @!p0 $0x1BF5;
	p2 =	por !p2, p0  }
0x20: {  	[sflag:s8] =	ssyncset.s32 @!p0 $0xFFFFF086;
	s6 =	sadd.s32 @!p0 s3, s7;
	s7 =	simm.s32 @!p0 $0x108  }
0x21: {  	s3 =	sadd.s32 s3, s9;
	s6 =	sadd.s32 @!p0 $0x88, s6;
	s7 =	simm.s32 @p2 $0x1082  }
0x22: {  	[simem:s7], [sflag:s8] =	dma.local @!p0 [hbm:s6], $0xF7A  }
0x23: {  	s9 =	sor.u32 $0xD0000000, s2;
	s6 =	simm.s32 $0x108;
	_ =	swait.ge @!p0 [sflag:s8], $0x0  }
0x24: {  	s3 =	sadd.s32 $0x88, s3;
	s6 =	simm.s32 @!p1 $0x1082;
	[sflag:s4] =	ssyncset.s32 $0xFFFFF086  }
0x25: {  	[simem:s6], [sflag:s4] =	dma.local [hbm:s3], $0xF7A  }
0x26: {  	[smem:$0x3F95] =	sst s1;
	(tag) =	ssettag s2;
	_ =	strace s9  }
0x27: {  	s1 =	sld [smem:$0x3FA5]  }
0x28: {  	s2 =	sld [smem:$0x3FA6]  }
0x29: {  	s4 =	sld [smem:$0x3FA8]  }
0x2a: {  	p0 =	seq.s32 s5, $0x0;
	s5 =	sld [smem:$0x3FA9]  }
0x2b: {  	s6 =	sld [smem:$0x3FAA]  }
0x2c: {  	s7 =	sld [smem:$0x3FAB]  }
0x2d: {  	s3 =	simm.s32 $0x108;
	s8 =	sld [smem:$0x3FAC]  }
0x2e: {  	s3 =	simm.s32 @!p0 $0x1082;
	s9 =	sld [smem:$0x3FAD]  }
0x2f: {  	lr =	sadd.s32 s0, s3;
	s0 =	sld [smem:$0x3FA4]  }
0x30: {  	s3 =	sld [smem:$0x3FA7]  }
0x31: {  	[smem:$0x3FB0] =	sst s10  }
0x32: {  	s10 =	sld [smem:$0x3FAE];
	_ =	sdelay $0x3  }
0x33: {  	p0 =	seq.s32 s10, $0x1;
	s10 =	sld [smem:$0x3FB0];
	_ =	sdelay $0x3  }
0x34: {  	[smem:$0x3FB0] =	sst s10  }
0x35: {  	s10 =	sld [smem:$0x3FAF];
	_ =	sdelay $0x3  }
0x36: {  	p1 =	seq.s32 s10, $0x1;
	s10 =	sld [smem:$0x3FB0];
	_ =	sdelay $0x3  }
0x37: {  	[smem:$0x3FB0] =	sst s10  }
0x38: {  	s10 =	sld [smem:$0x3FB1]  }
0x39: {  	_ = 	snop;
	(pc) =	sbr.ind lr, $3  }
0x3a: {  	_ = 	snop  }
0x3b: {  	_ = 	snop  }
0x3c: {  	p2 =	seq.s32 s10, $0x1;
	s10 =	sld [smem:$0x3FB0]  }
0x3d: {  	_ =	shalt  }
0x3e: {  	_ =	shalt  }
0x3f: {  	_ =	shalt  }
0x40: {  	_ =	shalt  }
0x41: {  	_ =	shalt  }
0x42: {  	_ =	shalt  }
0x43: {  	_ =	shalt  }
0x44: {  	_ =	shalt  }
0x45: {  	_ =	shalt  }
0x46: {  	_ =	shalt  }
0x47: {  	_ =	shalt  }
0x48: {  	_ =	shalt  }
0x49: {  	_ =	shalt  }
0x4a: {  	_ =	shalt  }
0x4b: {  	_ =	shalt  }
0x4c: {  	_ =	shalt  }
0x4d: {  	_ =	shalt  }
0x4e: {  	_ =	shalt  }
0x4f: {  	_ =	shalt  }
0x50: {  	_ =	shalt  }
0x51: {  	_ =	shalt  }
0x52: {  	_ =	shalt  }
0x53: {  	_ =	shalt  }
0x54: {  	_ =	shalt  }
0x55: {  	_ =	shalt  }
0x56: {  	_ =	shalt  }
0x57: {  	_ =	shalt  }
0x58: {  	_ =	shalt  }
0x59: {  	_ =	shalt  }
0x5a: {  	_ =	shalt  }
0x5b: {  	_ =	shalt  }
0x5c: {  	_ =	shalt  }
0x5d: {  	_ =	shalt  }
0x5e: {  	_ =	shalt  }
0x5f: {  	_ =	shalt  }
0x60: {  	_ =	shalt  }
0x61: {  	_ =	shalt  }
0x62: {  	_ =	shalt  }
0x63: {  	_ =	shalt  }
0x64: {  	_ =	shalt  }
0x65: {  	_ =	shalt  }
0x66: {  	_ =	shalt  }
0x67: {  	_ =	shalt  }
0x68: {  	_ =	shalt  }
0x69: {  	_ =	shalt  }
0x6a: {  	_ =	shalt  }
0x6b: {  	_ =	shalt  }
0x6c: {  	_ =	shalt  }
0x6d: {  	_ =	shalt  }
0x6e: {  	_ =	shalt  }
0x6f: {  	_ =	shalt  }
0x70: {  	_ =	shalt  }
0x71: {  	_ =	shalt  }
0x72: {  	_ =	shalt  }
0x73: {  	_ =	shalt  }
0x74: {  	_ =	shalt  }
0x75: {  	_ =	shalt  }
0x76: {  	_ =	shalt  }
0x77: {  	_ =	shalt  }
0x78: {  	_ =	shalt  }
0x79: {  	_ =	shalt  }
0x7a: {  	_ =	shalt  }
0x7b: {  	_ =	shalt  }
0x7c: {  	_ =	shalt  }
0x7d: {  	_ =	shalt  }
0x7e: {  	_ =	shalt  }
0x7f: {  	_ =	shalt  }
0x80: {  	_ =	shalt  }
0x81: {  	_ =	shalt  }
0x82: {  	_ =	shalt  }
0x83: {  	_ =	shalt  }
0x84: {  	_ =	shalt  }
0x85: {  	_ =	shalt  }
0x86: {  	_ =	shalt  }
0x87: {  	_ =	shalt  }
.Lfunc_end0:
.L_simem_size_0:
called_computation.5_lowered:
.L_overlay_start_0:
0x88: {  	s2 =	sld [smem:$0x3FD9]  }
0x89: {  	s3 =	sld [smem:$0x3FFE];
	_ =	sdelay $0x1  }
0x8a: {  	s1 =	srdreg.scid  }
0x8b: {  	s0 =	sand.u32 $0x1, s1  }
0x8c: {  	s17 =	sshll.u32 s0, $0xA;
	s2 =	sadd.s32 s3, s2  }
0x8d: {  	s2 =	sadd.s32 s2, s17  }
0x8e: {  	[smem:$0x3FBC] =	sst s2  }
0x8f: {  	_ = 	snop  }
0x90: {  	(tm) =	ssettm $0x1  }
0x91: {  	s18 =	sld [smem:$0x3FFB];
	_ =	sdelay $0x3  }
0x92: {  	_ =	strace s18  }
0x93: {  	s2 =	sld [smem:$0x3FFC];
	_ =	sdelay $0x3  }
0x94: {  	_ =	strace s2  }
0x95: {  	s2 =	sld [smem:$0x3FFD];
	_ =	sdelay $0x3  }
0x96: {  	_ =	strace s2  }
0x97: {  	_ =	strace $0x8FFFFFFF  }
0x98: {  	s19 =	sld [smem:$0x3FDB];
	_ =	sdelay $0x1  }
0x99: {  	s20 =	simm.s32 $_scs_section_size  }
0x9a: {  	s4 =	simm.s32 $_size__tile_overlayer_lowered;
	s5 =	simm.s32 $_tile_overlayer_lowered  }
0x9b: {  	s6 =	simm.s32 $0x1BFF;
	s21 =	sshll.u32 s5, $0x1;
	s3 =	sadd.s32 s20, s19  }
0x9c: {  	s22 =	simm.s32 $0x0;
	s4 =	sshll.u32 s4, $0x1;
	s5 =	sadd.s32 s21, s3  }
0x9d: {  	[timem:s22], [sflag:s6] =	dma.local [hbm:s5], s4  }
0x9e: {  	_ =	swait.ge [sflag:s6], s4  }
0x9f: {  	s4 =	ssub.s32 $0x0, s4;
	[sflag:s6] =	ssyncset.done $0x0  }
0xa0: {  	[sflag:s6] =	ssyncadd.s32 s4;
	_ =	sdelay $0x1  }
0xa1: {  	s23 =	simm.s32 $0x1B8B  }
0xa2: {  	_ =	swait.ge [sflag:s23], $0x1  }
0xa3: {  	[sflag:s23] =	ssyncset.done $0x0  }
0xa4: {  	[sflag:s23] =	ssyncadd.s32 $0xFFFFFFFF  }
0xa5: {  	s4 =	sld [smem:$0x0]  }
0xa6: {  	s5 =	sand.u32 $0xFFFFFFFE, s1  }
0xa7: {  	p0 =	sne.s32 s1, s5  }
0xa8: {  	s5 =	sshll.u32 @p0 s5, $0xE  }
0xa9: {  	s5 =	sadd.s32 @p0 $0x11B8D, s5;
	s6 =	sshll.u32 @p0 s4, $0x11  }
0xaa: {  	s5 =	sor.u32 @p0 s6, s5  }
0xab: {  	[sflag:s5] =	ssyncadd.remote.s32 @p0 $0x1;
	_ =	sdelay $0x1  }
0xac: {  	s5 =	simm.s32 @p0 $0x1B8D  }
0xad: {  	_ =	swait.eq @p0 [sflag:s5], $0x1  }
0xae: {  	[sflag:s5] =	ssyncadd.s32 @p0 $0xFFFFFFFF  }
0xaf: {  	s6 =	sshll.u32 @!p0 s1, $0xE  }
0xb0: {  	s6 =	sor.u32 @!p0 $0x4000, s6;
	s5 =	simm.s32 @!p0 $0x1B8D  }
0xb1: {  	s4 =	sshll.u32 @!p0 s4, $0x11;
	s6 =	sadd.s32 @!p0 $0x11B8D, s6;
	_ =	swait.eq @!p0 [sflag:s5], $0x1  }
0xb2: {  	s4 =	sor.u32 @!p0 s4, s6;
	[sflag:s5] =	ssyncadd.s32 @!p0 $0xFFFFFFFF  }
0xb3: {  	s25 =	simm.s32 $0x1B8E;
	s24 =	sld [smem:$0x3FFE];
	[sflag:s4] =	ssyncadd.remote.s32 @!p0 $0x1  }
0xb4: {  	s26 =	simm.s32 $execute0_lowered;
	[smem:$0x3FD2] =	sst s25  }
0xb5: {  	s5 =	sshll.u32 s26, $0x1;
	_ =	strace $0x80000055;
	[dreg:$0x1] =	wrdreg $0xFFFFFFFF  }
0xb6: {  	s28 =	simm.s32 $_size_execute0_lowered;
	s3 =	sadd.s32 s3, s5;
	[dreg:$0x0] =	wrdreg $0x0  }
0xb7: {  	s5 =	sshll.u32 s28, $0x1;
	[dreg:$0x2] =	wrdreg s3  }
0xb8: {  	[dreg:$0x3] =	wrdreg s5  }
0xb9: {  	[dreg:$0x4] =	wrdreg $0xC0  }
0xba: {  	_ =	task [dreg:s22], $0x5FFFF  }
0xbb: {  	[dreg:$0x1] =	wrdreg $0xFFFFFFFF  }
0xbc: {  	[dreg:$0x0] =	wrdreg $0x60  }
0xbd: {  	[dreg:$0x2] =	wrdreg s24  }
0xbe: {  	[dreg:$0x3] =	wrdreg $0x9  }
0xbf: {  	_ =	task.clear_ibuf [dreg:s22], $0x4FFFF;
	_ =	strace $0x90000055  }
0xc0: {  	s29 =	simm.s32 $0x9;
	_ =	strace $0x80000057  }
0xc1: {  	_ =	swait.ge [sflag:s29], $0x1  }
0xc2: {  	[sflag:s29] =	ssyncadd.s32 $0xFFFFFFFF  }
0xc3: {  	_ =	strace $0x90000057  }
0xc4: {  	_ =	sfence  }
0xc5: {  	s30 =	sld [smem:$0x0];
	_ =	sdelay $0x2  }
0xc6: {  	s31 =	sshll.u32 s1, $0xD;
	s1 =	sshrl.u32 s1, $0x2  }
0xc7: {  	s4 =	sand.u32 $0x4000, s31;
	s1 =	sadd.s32 s1, s30  }
0xc8: {  	s0 =	sor.u32 s4, s0;
	s1 =	sshll.u32 s1, $0x11  }
0xc9: {  	s0 =	sor.u32 s1, s0  }
0xca: {  	s0 =	sadd.s32 $0x8F2B, s0  }
0xcb: {  	[sflag:s0] =	ssyncadd.remote.s32 $0x1  }
0xcc: {  	_ =	sfence.sel $0xFFFF  }
0xcd: {  	[dreg:$0x0] =	wrdreg $0xFFFFFFFF;
	(pc) =	sbr.abs _section_cstart, $3  }
0xce: {  	[dreg:$0x1] =	wrdreg $0xFFFFFFFF  }
0xcf: {  	_ =	task.clear_ibuf [dreg:s22], $0x2FFFF;
	_ =	strace $0x9FFFFFFF  }
0xd0: {  	(tm) =	ssettm $0x7FFFFFFF  }
0xd1: {  	_ =	shalt  }
tec
execute0_lowered:
.L_overlay_start_1:
0x0: {  	(tag) =	ssettag $0x1  }
0x1: {  	s1 =	srdreg.scid;
	s0 =	stileid.u32  }
0x2: {  	s15 =	sand.u32 $0x1, s1;
	s11 =	sshll.u32 s0, $0x1  }
0x3: {  	s9 =	sor.u32 s15, s11  }
0x4: {  	s3 =	smul.u32 $0x7D0, s9  }
0x5: {  	s8 =	rddreg [dreg:$0x0]  }
0x6: {  	s2 =	simm.s32 $0x0;
	s12 =	sadd.s32 $0xA400, s8;
	s3 =	sshrl.u32 s3, $0x3  }
0x7: {  	s4 =	simm.s32 $0x3;
	[smem:$0x7FF] =	sst s2;
	s3 =	sadd.s32 s12, s3  }
0x8: {  	s1 =	rddreg [dreg:$0x1];
	_ =	strace $0x80000056;
	s3 =	sadd.s32 $0x4E20, s3  }
0x9: {  	[tilespmem:s2], [sflag:$0x3] =	stream.linear.gather [hbm4b:s3+s2], $0x7D0, $0x38;
	[tilespmem:$0x84D0] =	vst v63  }
0xa: {  	_ =	swait.ge [sflag:s4], $0x7D0  }
0xb: {  	s6 =	simm.s32 $0x7D0;
	[sflag:s4] =	ssyncset.done $0x0  }
0xc: {  	s7 =	simm.s32 $0x1;
	s5 =	sadd.s32 $0x5400, s8;
	[sflag:s4] =	ssyncadd.s32 $0xFFFFF830  }
0xd: {  	[tilespmem:s6], [sflag:$0x1] =	stream.indirect.gather [hbm4b:s5+s6], $0x10, s2, s6, $0xb8;
	[tilespmem:$0x84D0] =	vst v63  }
0xe: {  	s17 =	sadd.s32 $0x6C200, s8;
	s10 =	smul.u32 $0xFA0, s9;
	_ =	swait.ge [sflag:s7], $0x7D00  }
0xf: {  	s13 =	sor.u32 $0x20, s9;
	s9 =	simm.s32 $0x2;
	[sflag:s7] =	ssyncset.done $0x0  }
0x10: {  	s29 =	smul.u32 $0x7D0, s13;
	s8 =	sadd.s32 s17, s10;
	[sflag:s7] =	ssyncadd.s32 $0xFFFF8300  }
0x11: {  	[hbm4b:s8+s2] =	stream.linear.scatter [tilespmem:s6], [sflag:$0x2], $0x7D00, $0x38;
	[tilespmem:$0x84D0] =	vst v63  }
0x12: {  	s10 =	sshrl.u32 s29, $0x3;
	_ =	swait.ge [sflag:s9], $0x7D00  }
0x13: {  	s10 =	sadd.s32 s12, s10;
	[sflag:s9] =	ssyncset.done $0x0  }
0x14: {  	s10 =	sadd.s32 $0x4E20, s10;
	[sflag:s9] =	ssyncadd.s32 $0xFFFF8300  }
0x15: {  	[tilespmem:s2], [sflag:$0x3] =	stream.linear.gather [hbm4b:s10+s2], $0x7D0, $0x38;
	[tilespmem:$0x84D0] =	vst v63  }
0x16: {  	_ =	swait.ge [sflag:s4], $0x7D0  }
0x17: {  	[sflag:s4] =	ssyncset.done $0x0  }
0x18: {  	s14 =	sor.u32 $0x40, s11;
	[sflag:s4] =	ssyncadd.s32 $0xFFFFF830  }
0x19: {  	[tilespmem:s6], [sflag:$0x1] =	stream.indirect.gather [hbm4b:s5+s6], $0x10, s2, s6, $0xb8;
	[tilespmem:$0x84D0] =	vst v63  }
0x1a: {  	s18 =	ssub.s32 $0x2, s15;
	s30 =	smul.u32 $0xFA0, s13;
	_ =	swait.ge [sflag:s7], $0x7D00  }
0x1b: {  	s16 =	sor.u32 s15, s14;
	p0 =	sgt.u32 s14, $0x4F;
	[sflag:s7] =	ssyncset.done $0x0  }
0x1c: {  	s31 =	smul.u32 $0x7D0, s16;
	s11 =	sadd.s32 s17, s30;
	[sflag:s7] =	ssyncadd.s32 $0xFFFF8300  }
0x1d: {  	[hbm4b:s11+s2] =	stream.linear.scatter [tilespmem:s6], [sflag:$0x2], $0x7D00, $0x38;
	[tilespmem:$0x84D0] =	vst v63  }
0x1e: {  	s19 =	sshrl.u32 s18, $0x1;
	s13 =	sshrl.u32 s31, $0x3;
	_ =	swait.ge [sflag:s9], $0x7D00  }
0x1f: {  	s14 =	simm.s32 @!p0 $0x3;
	s12 =	sadd.s32 s12, s13;
	[sflag:s9] =	ssyncset.done $0x0  }
0x20: {  	s13 =	simm.s32 @!p0 $0x0;
	s12 =	sadd.s32 $0x4E20, s12;
	[sflag:s9] =	ssyncadd.s32 $0xFFFF8300  }
0x21: {  	[tilespmem:s13], [sflag:$0x3] =	stream.linear.gather @!p0 [hbm4b:s12+s13], $0x7D0, $0x38;
	[tilespmem:$0x84D0] =	vst v63  }
0x22: {  	s20 =	smul.u32 $0xFA0, s16;
	s18 =	ssub.s32 s18, s19;
	_ =	swait.ge @!p0 [sflag:s14], $0x7D0  }
0x23: {  	s15 =	simm.s32 @!p0 $0x7D0;
	s19 =	smax.u32 s18, $0x1;
	[sflag:s14] =	ssyncset.done @!p0 $0x0  }
0x24: {  	s16 =	simm.s32 @!p0 $0x1;
	s19 =	sadd.s32 $0xFFFFFFFF, s19;
	[sflag:s14] =	ssyncadd.s32 @!p0 $0xFFFFF830  }
0x25: {  	[tilespmem:s15], [sflag:$0x1] =	stream.indirect.gather @!p0 [hbm4b:s5+s15], $0x10, s13, s15, $0xb8;
	[tilespmem:$0x84D0] =	vst v63  }
0x26: {  	p1 =	sne.s32 s19, $0x0;
	_ =	swait.ge @!p0 [sflag:s16], $0x7D00  }
.Ltmp0:
0x27: {  	[sflag:s16] =	ssyncset.done @!p0 $0x0;
	(pc) =	sbr.rel @!p1 .LBB2_2-.Ltmp0, $4  }
0x28: {  	s18 =	sadd.s32 s17, s20;
	s17 =	simm.s32 @!p0 $0x2;
	[sflag:s16] =	ssyncadd.s32 @!p0 $0xFFFF8300  }
0x29: {  	[hbm4b:s18+s13] =	stream.linear.scatter @!p0 [tilespmem:s15], [sflag:$0x2], $0x7D00, $0x38;
	[tilespmem:$0x84D0] =	vst v63  }
0x2a: {  	_ =	swait.ge @!p0 [sflag:s17], $0x7D00  }
0x2b: {  	[sflag:s17] =	ssyncset.done @!p0 $0x0  }
.LBB2_1:
0x2c: {  	s19 =	sadd.s32 $0xFFFFFFFF, s19;
	[sflag:s17] =	ssyncadd.s32 @!p0 $0xFFFF8300  }
0x2d: {  	[tilespmem:s2], [sflag:$0x3] =	stream.linear.gather [hbm4b:s3+s2], $0x7D0, $0x38;
	[tilespmem:$0x84D0] =	vst v63  }
0x2e: {  	p1 =	sne.s32 s19, $0x0;
	_ =	swait.ge [sflag:s4], $0x7D0  }
0x2f: {  	[sflag:s4] =	ssyncset.done $0x0  }
0x30: {  	[sflag:s4] =	ssyncadd.s32 $0xFFFFF830  }
0x31: {  	[tilespmem:s6], [sflag:$0x1] =	stream.indirect.gather [hbm4b:s5+s6], $0x10, s2, s6, $0xb8;
	[tilespmem:$0x84D0] =	vst v63  }
0x32: {  	_ =	swait.ge [sflag:s7], $0x7D00  }
0x33: {  	[sflag:s7] =	ssyncset.done $0x0  }
0x34: {  	[sflag:s7] =	ssyncadd.s32 $0xFFFF8300  }
0x35: {  	[hbm4b:s8+s2] =	stream.linear.scatter [tilespmem:s6], [sflag:$0x2], $0x7D00, $0x38;
	[tilespmem:$0x84D0] =	vst v63  }
0x36: {  	_ =	swait.ge [sflag:s9], $0x7D00  }
0x37: {  	[sflag:s9] =	ssyncset.done $0x0  }
0x38: {  	[sflag:s9] =	ssyncadd.s32 $0xFFFF8300  }
0x39: {  	[tilespmem:s2], [sflag:$0x3] =	stream.linear.gather [hbm4b:s10+s2], $0x7D0, $0x38;
	[tilespmem:$0x84D0] =	vst v63  }
0x3a: {  	_ =	swait.ge [sflag:s4], $0x7D0  }
0x3b: {  	[sflag:s4] =	ssyncset.done $0x0  }
0x3c: {  	[sflag:s4] =	ssyncadd.s32 $0xFFFFF830  }
0x3d: {  	[tilespmem:s6], [sflag:$0x1] =	stream.indirect.gather [hbm4b:s5+s6], $0x10, s2, s6, $0xb8;
	[tilespmem:$0x84D0] =	vst v63  }
0x3e: {  	_ =	swait.ge [sflag:s7], $0x7D00  }
0x3f: {  	[sflag:s7] =	ssyncset.done $0x0  }
0x40: {  	[sflag:s7] =	ssyncadd.s32 $0xFFFF8300  }
0x41: {  	[hbm4b:s11+s2] =	stream.linear.scatter [tilespmem:s6], [sflag:$0x2], $0x7D00, $0x38;
	[tilespmem:$0x84D0] =	vst v63  }
0x42: {  	_ =	swait.ge [sflag:s9], $0x7D00  }
0x43: {  	[sflag:s9] =	ssyncset.done $0x0  }
0x44: {  	[sflag:s9] =	ssyncadd.s32 $0xFFFF8300  }
0x45: {  	[tilespmem:s13], [sflag:$0x3] =	stream.linear.gather @!p0 [hbm4b:s12+s13], $0x7D0, $0x38;
	[tilespmem:$0x84D0] =	vst v63  }
0x46: {  	_ =	swait.ge @!p0 [sflag:s14], $0x7D0  }
0x47: {  	[sflag:s14] =	ssyncset.done @!p0 $0x0  }
0x48: {  	[sflag:s14] =	ssyncadd.s32 @!p0 $0xFFFFF830  }
0x49: {  	[tilespmem:s15], [sflag:$0x1] =	stream.indirect.gather @!p0 [hbm4b:s5+s15], $0x10, s13, s15, $0xb8;
	[tilespmem:$0x84D0] =	vst v63  }
0x4a: {  	_ =	swait.ge @!p0 [sflag:s16], $0x7D00  }
.Ltmp1:
0x4b: {  	[sflag:s16] =	ssyncset.done @!p0 $0x0;
	(pc) =	sbr.rel @p1 .LBB2_1-.Ltmp1, $4  }
0x4c: {  	[sflag:s16] =	ssyncadd.s32 @!p0 $0xFFFF8300  }
0x4d: {  	[hbm4b:s18+s13] =	stream.linear.scatter @!p0 [tilespmem:s15], [sflag:$0x2], $0x7D00, $0x38;
	[tilespmem:$0x84D0] =	vst v63  }
0x4e: {  	_ =	swait.ge @!p0 [sflag:s17], $0x7D00  }
0x4f: {  	[sflag:s17] =	ssyncset.done @!p0 $0x0  }
.LBB2_2:
0x50: {  	[sflag:s17] =	ssyncadd.s32 @!p0 $0xFFFF8300  }
0x51: {  	_ =	sfence.sel $0x180000  }
0x52: {  	[bflag:$0x0] =	sbarrier.arrive $0xFFFF  }
0x53: {  	p0 =	sne.s32 s0, $0x0;
	_ =	strace $0x90000056  }
0x54: {  	s0 =	sadd.s32 @!p0 $0x100000, s1;
	[bflag:$0x2] =	sbarrier.arrive $0xFFFF  }
0x55: {  	[sflag:s0] =	ssyncadd.tile.s32 @!p0 $0x1;
	_ =	shalt  }
.Lfunc_end2:
_tile_overlayer_lowered:
.L_overlay_start_2:
0x56: {  	(tag) =	ssettag $0x2  }
0x57: {  	s0 =	rddreg [dreg:$0x0];
	s2 =	stileid.u32  }
0x58: {  	s1 =	rddreg [dreg:$0x1];
	p0 =	sne.s32 s2, $0x0  }
0x59: {  	s3 =	rddreg [dreg:$0x2];
	[bflag:$0x3] =	sbarrier.arrive $0xFFFF;
	s2 =	simm.s32 @!p0 $0x1C02  }
0x5a: {  	[timem:s3], [sflag:s2] =	dma.local @!p0 [hbm:s0], s1  }
0x5b: {  	s0 =	simm.s32 @!p0 $0x2  }
0x5c: {  	_ =	swait.ge @!p0 [sflag:s0], s1  }
0x5d: {  	s1 =	ssub.s32 @!p0 $0x0, s1;
	[sflag:s0] =	ssyncset.done @!p0 $0x0  }
0x5e: {  	[sflag:s0] =	ssyncadd.s32 @!p0 s1  }
0x5f: {  	[bflag:$0x3] =	sbarrier.arrive $0xFFFF  }
0x60: {  	_ =	shalt  }

// kernel: kernel.35.cloned.1.call-start
scs
__scs_entry_jumppad:
0x0: {  	(pc) =	sbr.rel $0x88, $3  }
0x1: {  	(tag) =	ssettag $0x0;
	lr =	simm.s32 $0x1  }
0x2: {  	[smem:$0x3F95] =	sst lr;
	_ =	strace $0xD0000000  }
0x3: {  	_ = 	snop  }
0x4: {  	_ = 	snop  }
0x5: {  	_ = 	snop  }
0x6: {  	_ = 	snop  }
0x7: {  	_ = 	snop  }
__scs_overlays_trampoline_lowered:
0x8: {  	[smem:$0x3FA4] =	sst s0  }
0x9: {  	[smem:$0x3FA5] =	sst s1  }
0xa: {  	[smem:$0x3FA6] =	sst s2  }
0xb: {  	[smem:$0x3FA7] =	sst s3  }
0xc: {  	[smem:$0x3FA8] =	sst s4  }
0xd: {  	[smem:$0x3FA9] =	sst s5  }
0xe: {  	[smem:$0x3FAA] =	sst s6  }
0xf: {  	[smem:$0x3FAB] =	sst s7  }
0x10: {  	[smem:$0x3FAC] =	sst s8  }
0x11: {  	[smem:$0x3FAD] =	sst s9;
	s0 =	simm.s32 @!p0 $0x0  }
0x12: {  	s1 =	sld [smem:$0x3F93];
	s0 =	simm.s32 @p0 $0x1  }
0x13: {  	[smem:$0x3FAE] =	sst s0;
	s0 =	simm.s32 @!p1 $0x0  }
0x14: {  	s2 =	sld [smem:$0x3F92];
	s0 =	simm.s32 @p1 $0x1  }
0x15: {  	[smem:$0x3FAF] =	sst s0;
	s0 =	simm.s32 @!p2 $0x0  }
0x16: {  	s3 =	sld [smem:$0x3FDB];
	s0 =	simm.s32 @p2 $0x1  }
0x17: {  	s4 =	simm.s32 $0x1BF5;
	[smem:$0x3FB1] =	sst s0  }
0x18: {  	s0 =	sld [smem:$0x3F94];
	_ =	swait.ge [sflag:s4], $0x0  }
0x19: {  	s7 =	sld [smem:$0x3F95]  }
0x1a: {  	s8 =	sadd.s32 $0xFFFFE003, lr  }
0x1b: {  	s9 =	sadd.s32 $0xFFFFFEF7, lr;
	s5 =	simm.s32 $0xFFFFFFFF;
	p2 =	slt.u32 s8, $0xFFFFF086  }
0x1c: {  	p1 =	slt.u32 s9, $0xF7A;
	s5 =	simm.s32 @!p2 $0x0  }
0x1d: {  	s5 =	simm.s32 @p1 $0x1;
	p0 =	seq.s32 s7, s2  }
0x1e: {  	s7 =	smul.u32 @!p0 $0xF7A, s2;
	p2 =	seq.s32 @!p0 s5, $0x0  }
0x1f: {  	s9 =	smul.u32 $0xF7A, s1;
	s8 =	simm.s32 @!p0 $0x1BF5;
	p2 =	por !p2, p0  }
0x20: {  	[sflag:s8] =	ssyncset.s32 @!p0 $0xFFFFF086;
	s6 =	sadd.s32 @!p0 s3, s7;
	s7 =	simm.s32 @!p0 $0x108  }
0x21: {  	s3 =	sadd.s32 s3, s9;
	s6 =	sadd.s32 @!p0 $0x88, s6;
	s7 =	simm.s32 @p2 $0x1082  }
0x22: {  	[simem:s7], [sflag:s8] =	dma.local @!p0 [hbm:s6], $0xF7A  }
0x23: {  	s9 =	sor.u32 $0xD0000000, s2;
	s6 =	simm.s32 $0x108;
	_ =	swait.ge @!p0 [sflag:s8], $0x0  }
0x24: {  	s3 =	sadd.s32 $0x88, s3;
	s6 =	simm.s32 @!p1 $0x1082;
	[sflag:s4] =	ssyncset.s32 $0xFFFFF086  }
0x25: {  	[simem:s6], [sflag:s4] =	dma.local [hbm:s3], $0xF7A  }
0x26: {  	[smem:$0x3F95] =	sst s1;
	(tag) =	ssettag s2;
	_ =	strace s9  }
0x27: {  	s1 =	sld [smem:$0x3FA5]  }
0x28: {  	s2 =	sld [smem:$0x3FA6]  }
0x29: {  	s4 =	sld [smem:$0x3FA8]  }
0x2a: {  	p0 =	seq.s32 s5, $0x0;
	s5 =	sld [smem:$0x3FA9]  }
0x2b: {  	s6 =	sld [smem:$0x3FAA]  }
0x2c: {  	s7 =	sld [smem:$0x3FAB]  }
0x2d: {  	s3 =	simm.s32 $0x108;
	s8 =	sld [smem:$0x3FAC]  }
0x2e: {  	s3 =	simm.s32 @!p0 $0x1082;
	s9 =	sld [smem:$0x3FAD]  }
0x2f: {  	lr =	sadd.s32 s0, s3;
	s0 =	sld [smem:$0x3FA4]  }
0x30: {  	s3 =	sld [smem:$0x3FA7]  }
0x31: {  	[smem:$0x3FB0] =	sst s10  }
0x32: {  	s10 =	sld [smem:$0x3FAE];
	_ =	sdelay $0x3  }
0x33: {  	p0 =	seq.s32 s10, $0x1;
	s10 =	sld [smem:$0x3FB0];
	_ =	sdelay $0x3  }
0x34: {  	[smem:$0x3FB0] =	sst s10  }
0x35: {  	s10 =	sld [smem:$0x3FAF];
	_ =	sdelay $0x3  }
0x36: {  	p1 =	seq.s32 s10, $0x1;
	s10 =	sld [smem:$0x3FB0];
	_ =	sdelay $0x3  }
0x37: {  	[smem:$0x3FB0] =	sst s10  }
0x38: {  	s10 =	sld [smem:$0x3FB1]  }
0x39: {  	_ = 	snop;
	(pc) =	sbr.ind lr, $3  }
0x3a: {  	_ = 	snop  }
0x3b: {  	_ = 	snop  }
0x3c: {  	p2 =	seq.s32 s10, $0x1;
	s10 =	sld [smem:$0x3FB0]  }
0x3d: {  	_ =	shalt  }
0x3e: {  	_ =	shalt  }
0x3f: {  	_ =	shalt  }
0x40: {  	_ =	shalt  }
0x41: {  	_ =	shalt  }
0x42: {  	_ =	shalt  }
0x43: {  	_ =	shalt  }
0x44: {  	_ =	shalt  }
0x45: {  	_ =	shalt  }
0x46: {  	_ =	shalt  }
0x47: {  	_ =	shalt  }
0x48: {  	_ =	shalt  }
0x49: {  	_ =	shalt  }
0x4a: {  	_ =	shalt  }
0x4b: {  	_ =	shalt  }
0x4c: {  	_ =	shalt  }
0x4d: {  	_ =	shalt  }
0x4e: {  	_ =	shalt  }
0x4f: {  	_ =	shalt  }
0x50: {  	_ =	shalt  }
0x51: {  	_ =	shalt  }
0x52: {  	_ =	shalt  }
0x53: {  	_ =	shalt  }
0x54: {  	_ =	shalt  }
0x55: {  	_ =	shalt  }
0x56: {  	_ =	shalt  }
0x57: {  	_ =	shalt  }
0x58: {  	_ =	shalt  }
0x59: {  	_ =	shalt  }
0x5a: {  	_ =	shalt  }
0x5b: {  	_ =	shalt  }
0x5c: {  	_ =	shalt  }
0x5d: {  	_ =	shalt  }
0x5e: {  	_ =	shalt  }
0x5f: {  	_ =	shalt  }
0x60: {  	_ =	shalt  }
0x61: {  	_ =	shalt  }
0x62: {  	_ =	shalt  }
0x63: {  	_ =	shalt  }
0x64: {  	_ =	shalt  }
0x65: {  	_ =	shalt  }
0x66: {  	_ =	shalt  }
0x67: {  	_ =	shalt  }
0x68: {  	_ =	shalt  }
0x69: {  	_ =	shalt  }
0x6a: {  	_ =	shalt  }
0x6b: {  	_ =	shalt  }
0x6c: {  	_ =	shalt  }
0x6d: {  	_ =	shalt  }
0x6e: {  	_ =	shalt  }
0x6f: {  	_ =	shalt  }
0x70: {  	_ =	shalt  }
0x71: {  	_ =	shalt  }
0x72: {  	_ =	shalt  }
0x73: {  	_ =	shalt  }
0x74: {  	_ =	shalt  }
0x75: {  	_ =	shalt  }
0x76: {  	_ =	shalt  }
0x77: {  	_ =	shalt  }
0x78: {  	_ =	shalt  }
0x79: {  	_ =	shalt  }
0x7a: {  	_ =	shalt  }
0x7b: {  	_ =	shalt  }
0x7c: {  	_ =	shalt  }
0x7d: {  	_ =	shalt  }
0x7e: {  	_ =	shalt  }
0x7f: {  	_ =	shalt  }
0x80: {  	_ =	shalt  }
0x81: {  	_ =	shalt  }
0x82: {  	_ =	shalt  }
0x83: {  	_ =	shalt  }
0x84: {  	_ =	shalt  }
0x85: {  	_ =	shalt  }
0x86: {  	_ =	shalt  }
0x87: {  	_ =	shalt  }
.Lfunc_end0:
.L_simem_size_0:
called_computation.6_lowered:
.L_overlay_start_0:
0x88: {  	s2 =	sld [smem:$0x3FD9]  }
0x89: {  	s3 =	sld [smem:$0x3FFE];
	_ =	sdelay $0x1  }
0x8a: {  	s1 =	srdreg.scid  }
0x8b: {  	s0 =	sand.u32 $0x1, s1  }
0x8c: {  	s17 =	sshll.u32 s0, $0xA;
	s2 =	sadd.s32 s3, s2  }
0x8d: {  	s2 =	sadd.s32 s2, s17  }
0x8e: {  	[smem:$0x3FBC] =	sst s2  }
0x8f: {  	_ = 	snop  }
0x90: {  	(tm) =	ssettm $0x1  }
0x91: {  	s18 =	sld [smem:$0x3FFB];
	_ =	sdelay $0x3  }
0x92: {  	_ =	strace s18  }
0x93: {  	s2 =	sld [smem:$0x3FFC];
	_ =	sdelay $0x3  }
0x94: {  	_ =	strace s2  }
0x95: {  	s2 =	sld [smem:$0x3FFD];
	_ =	sdelay $0x3  }
0x96: {  	_ =	strace s2  }
0x97: {  	_ =	strace $0x8FFFFFFF  }
0x98: {  	s19 =	sld [smem:$0x3FDB];
	_ =	sdelay $0x1  }
0x99: {  	s20 =	simm.s32 $_scs_section_size  }
0x9a: {  	s4 =	simm.s32 $_size__tile_overlayer_lowered;
	s5 =	simm.s32 $_tile_overlayer_lowered  }
0x9b: {  	s6 =	simm.s32 $0x1BFF;
	s21 =	sshll.u32 s5, $0x1;
	s3 =	sadd.s32 s20, s19  }
0x9c: {  	s22 =	simm.s32 $0x0;
	s4 =	sshll.u32 s4, $0x1;
	s5 =	sadd.s32 s21, s3  }
0x9d: {  	[timem:s22], [sflag:s6] =	dma.local [hbm:s5], s4  }
0x9e: {  	_ =	swait.ge [sflag:s6], s4  }
0x9f: {  	s4 =	ssub.s32 $0x0, s4;
	[sflag:s6] =	ssyncset.done $0x0  }
0xa0: {  	[sflag:s6] =	ssyncadd.s32 s4;
	_ =	sdelay $0x1  }
0xa1: {  	s23 =	simm.s32 $0x1B8B  }
0xa2: {  	_ =	swait.ge [sflag:s23], $0x1  }
0xa3: {  	[sflag:s23] =	ssyncset.done $0x0  }
0xa4: {  	[sflag:s23] =	ssyncadd.s32 $0xFFFFFFFF  }
0xa5: {  	s4 =	sld [smem:$0x0]  }
0xa6: {  	s5 =	sand.u32 $0xFFFFFFFE, s1  }
0xa7: {  	p0 =	sne.s32 s1, s5  }
0xa8: {  	s5 =	sshll.u32 @p0 s5, $0xE  }
0xa9: {  	s5 =	sadd.s32 @p0 $0x11B8D, s5;
	s6 =	sshll.u32 @p0 s4, $0x11  }
0xaa: {  	s5 =	sor.u32 @p0 s6, s5  }
0xab: {  	[sflag:s5] =	ssyncadd.remote.s32 @p0 $0x1;
	_ =	sdelay $0x1  }
0xac: {  	s5 =	simm.s32 @p0 $0x1B8D  }
0xad: {  	_ =	swait.eq @p0 [sflag:s5], $0x1  }
0xae: {  	[sflag:s5] =	ssyncadd.s32 @p0 $0xFFFFFFFF  }
0xaf: {  	s6 =	sshll.u32 @!p0 s1, $0xE  }
0xb0: {  	s6 =	sor.u32 @!p0 $0x4000, s6;
	s5 =	simm.s32 @!p0 $0x1B8D  }
0xb1: {  	s4 =	sshll.u32 @!p0 s4, $0x11;
	s6 =	sadd.s32 @!p0 $0x11B8D, s6;
	_ =	swait.eq @!p0 [sflag:s5], $0x1  }
0xb2: {  	s4 =	sor.u32 @!p0 s4, s6;
	[sflag:s5] =	ssyncadd.s32 @!p0 $0xFFFFFFFF  }
0xb3: {  	s25 =	simm.s32 $0x1B8E;
	s24 =	sld [smem:$0x3FFE];
	[sflag:s4] =	ssyncadd.remote.s32 @!p0 $0x1  }
0xb4: {  	s26 =	simm.s32 $execute0_lowered;
	[smem:$0x3FD2] =	sst s25  }
0xb5: {  	s5 =	sshll.u32 s26, $0x1;
	_ =	strace $0x80000058;
	[dreg:$0x1] =	wrdreg $0xFFFFFFFF  }
0xb6: {  	s28 =	simm.s32 $_size_execute0_lowered;
	s3 =	sadd.s32 s3, s5;
	[dreg:$0x0] =	wrdreg $0x0  }
0xb7: {  	s5 =	sshll.u32 s28, $0x1;
	[dreg:$0x2] =	wrdreg s3  }
0xb8: {  	[dreg:$0x3] =	wrdreg s5  }
0xb9: {  	[dreg:$0x4] =	wrdreg $0xC0  }
0xba: {  	_ =	task [dreg:s22], $0x5FFFF  }
0xbb: {  	[dreg:$0x1] =	wrdreg $0xFFFFFFFF  }
0xbc: {  	[dreg:$0x0] =	wrdreg $0x60  }
0xbd: {  	[dreg:$0x2] =	wrdreg s24  }
0xbe: {  	[dreg:$0x3] =	wrdreg $0x84D00  }
0xbf: {  	[dreg:$0x4] =	wrdreg $0xA  }
0xc0: {  	_ =	task.clear_ibuf [dreg:s22], $0x5FFFF;
	_ =	strace $0x90000058  }
0xc1: {  	s29 =	simm.s32 $0xA;
	_ =	strace $0x8000005A  }
0xc2: {  	_ =	swait.ge [sflag:s29], $0x1  }
0xc3: {  	[sflag:s29] =	ssyncadd.s32 $0xFFFFFFFF  }
0xc4: {  	_ =	strace $0x9000005A  }
0xc5: {  	_ =	sfence  }
0xc6: {  	s30 =	sld [smem:$0x0];
	_ =	sdelay $0x2  }
0xc7: {  	s31 =	sshll.u32 s1, $0xD;
	s1 =	sshrl.u32 s1, $0x2  }
0xc8: {  	s4 =	sand.u32 $0x4000, s31;
	s1 =	sadd.s32 s1, s30  }
0xc9: {  	s0 =	sor.u32 s4, s0;
	s1 =	sshll.u32 s1, $0x11  }
0xca: {  	s0 =	sor.u32 s1, s0  }
0xcb: {  	s0 =	sadd.s32 $0x8F2B, s0  }
0xcc: {  	[sflag:s0] =	ssyncadd.remote.s32 $0x1  }
0xcd: {  	_ =	sfence.sel $0xFFFF  }
0xce: {  	[dreg:$0x0] =	wrdreg $0xFFFFFFFF;
	(pc) =	sbr.abs _section_cstart, $3  }
0xcf: {  	[dreg:$0x1] =	wrdreg $0xFFFFFFFF  }
0xd0: {  	_ =	task.clear_ibuf [dreg:s22], $0x2FFFF;
	_ =	strace $0x9FFFFFFF  }
0xd1: {  	(tm) =	ssettm $0x7FFFFFFF  }
tec
execute0_lowered:
.L_overlay_start_1:
0x0: {  	(tag) =	ssettag $0x1  }
0x1: {  	s3 =	rddreg [dreg:$0x0]  }
0x2: {  	s1 =	rddreg [dreg:$0x1]  }
0x3: {  	s0 =	rddreg [dreg:$0x2];
	s2 =	simm.s32 $0x0  }
0x4: {  	s4 =	srdreg.scid;
	s7 =	stileid.u32;
	p2 =	por $0x0, $0x0  }
0x5: {  	[smem:$0x7FF] =	sst s2;
	s4 =	sand.u32 $0x1, s4;
	s9 =	smul.u32 $0x2710, s7  }
0x6: {  	s6 =	sadd.s32 $0x1E000, s3;
	s12 =	sadd.s32 $0x14200, s3;
	s13 =	smul.u32 $0x7D0, s7  }
0x7: {  	s11 =	sadd.s32 $0xBA400, s3;
	s24 =	sor.u32 $0x20, s7;
	s5 =	smul.u32 $0x4E20, s4  }
0x8: {  	p0 =	sne.s32 s7, $0x0;
	s31 =	sshll.u32 s7, $0x6;
	s8 =	smul.u32 $0x13880, s4  }
0x9: {  	_ =	strace $0x80000059;
	s4 =	ssub.s32 $0x2, s4;
	s16 =	smul.u32 $0x7D0, s24  }
0xa: {  	p1 =	sgt.u32 s24, $0x27;
	s10 =	sshrl.u32 s4, $0x1;
	s17 =	sshrl.u32 s9, $0x3  }
0xb: {  	s18 =	sadd.s32 s9, s1;
	s5 =	sadd.s32 s5, s3;
	s20 =	ssub.s32 s4, s10  }
0xc: {  	s22 =	sadd.s32 s8, s13;
	s29 =	sadd.s32 s8, s16;
	s16 =	sshrl.u32 @!p0 s1, $0x3  }
0xd: {  	s13 =	simm.s32 $0x7D0;
	s19 =	smax.u32 s20, $0x1;
	s23 =	sshrl.u32 s22, $0x3  }
0xe: {  	s3 =	simm.s32 $0x1;
	s15 =	sadd.s32 s12, s23;
	s23 =	sadd.s32 $0xFFFFFFFF, s19  }
0xf: {  	s7 =	sshrl.u32 s18, $0x3;
	s21 =	sadd.s32 $0xBF400, s5;
	p3 =	sne.s32 s23, $0x0  }
.Ltmp0:
0x10: {  	s25 =	sshll.u32 s22, $0x1;
	s5 =	sadd.s32 $0x7D00, s22;
	(pc) =	sbr.rel @!p3 .LBB2_3-.Ltmp0, $4  }
0x11: {  	s30 =	sshrl.u32 s29, $0x3;
	s14 =	sadd.s32 s6, s25;
	s26 =	sshrl.u32 s5, $0x3  }
0x12: {  	s28 =	sshll.u32 s5, $0x1;
	s5 =	sshll.u32 s29, $0x1;
	s8 =	sadd.s32 s12, s30  }
0x13: {  	s4 =	sadd.s32 s17, s21;
	s10 =	sadd.s32 s12, s26;
	s9 =	sadd.s32 s6, s28  }
0x14: {  	s5 =	sadd.s32 s6, s5;
	s12 =	simm.s32 $0x2;
	s6 =	sor.u32 $0x1C01, s31  }
0x15: {  	s17 =	simm.s32 @!p0 $0x1C01;
	s18 =	simm.s32 @!p0 $0x1  }
0x16: {  	[spmem:s16], [sflag:s17] =	dma.local @!p0 [hbm:s11], $0x4E20  }
0x17: {  	_ =	swait.ge @!p0 [sflag:s18], $0x4E20  }
0x18: {  	[sflag:s18] =	ssyncset.done @!p0 $0x0  }
0x19: {  	[sflag:s18] =	ssyncadd.s32 @!p0 $0xFFFFB1E0  }
0x1a: {  	[bflag:$0x0] =	sbarrier.arrive $0xFFFF  }
0x1b: {  	[tilespmem:s2], [sflag:$0x2] =	stream.linear.gather [hbm4b:s15+s2], $0x7D0, $0x38;
	[tilespmem:$0xABE0] =	vst v63  }
0x1c: {  	_ =	swait.ge [sflag:s12], $0x7D0  }
0x1d: {  	[sflag:s12] =	ssyncset.done $0x0  }
0x1e: {  	[sflag:s12] =	ssyncadd.s32 $0xFFFFF830  }
0x1f: {  	[tilespmem:s13], [sflag:$0x2] =	stream.linear.gather [hbm4b:s14+s2], $0x7D00, $0x38;
	[tilespmem:$0xABE0] =	vst v63  }
0x20: {  	_ =	swait.ge [sflag:s12], $0x7D00  }
0x21: {  	[sflag:s12] =	ssyncset.done $0x0  }
0x22: {  	[sflag:s12] =	ssyncadd.s32 $0xFFFF8300  }
0x23: {  	[spmem:s1] =	stream.indirect.scatter.add.f32 [tilespmem:s13], [sflag:$0x1], $0x10, s2, s13, $0xb8;
	[tilespmem:$0xABE0] =	vst v63  }
0x24: {  	_ =	swait.ge [sflag:s3], $0x7D00  }
0x25: {  	[sflag:s3] =	ssyncset.done $0x0  }
0x26: {  	[sflag:s3] =	ssyncadd.s32 $0xFFFF8300  }
0x27: {  	[tilespmem:s2], [sflag:$0x2] =	stream.linear.gather [hbm4b:s10+s2], $0x7D0, $0x38;
	[tilespmem:$0xABE0] =	vst v63  }
0x28: {  	_ =	swait.ge [sflag:s12], $0x7D0  }
0x29: {  	[sflag:s12] =	ssyncset.done $0x0  }
0x2a: {  	[sflag:s12] =	ssyncadd.s32 $0xFFFFF830  }
0x2b: {  	[tilespmem:s13], [sflag:$0x2] =	stream.linear.gather [hbm4b:s9+s2], $0x7D00, $0x38;
	[tilespmem:$0xABE0] =	vst v63  }
0x2c: {  	_ =	swait.ge [sflag:s12], $0x7D00  }
0x2d: {  	[sflag:s12] =	ssyncset.done $0x0  }
0x2e: {  	[sflag:s12] =	ssyncadd.s32 $0xFFFF8300  }
0x2f: {  	[spmem:s1] =	stream.indirect.scatter.add.f32 [tilespmem:s13], [sflag:$0x1], $0x10, s2, s13, $0xb8;
	[tilespmem:$0xABE0] =	vst v63  }
0x30: {  	_ =	swait.ge [sflag:s3], $0x7D00  }
0x31: {  	[sflag:s3] =	ssyncset.done $0x0  }
0x32: {  	s19 =	simm.s32 @!p1 $0x0;
	s20 =	simm.s32 @!p1 $0x2;
	[sflag:s3] =	ssyncadd.s32 $0xFFFF8300  }
0x33: {  	[tilespmem:s19], [sflag:$0x2] =	stream.linear.gather @!p1 [hbm4b:s8+s19], $0x7D0, $0x38;
	[tilespmem:$0xABE0] =	vst v63  }
0x34: {  	_ =	swait.ge @!p1 [sflag:s20], $0x7D0  }
0x35: {  	[sflag:s20] =	ssyncset.done @!p1 $0x0  }
0x36: {  	s21 =	simm.s32 @!p1 $0x7D0;
	[sflag:s20] =	ssyncadd.s32 @!p1 $0xFFFFF830  }
0x37: {  	[tilespmem:s21], [sflag:$0x2] =	stream.linear.gather @!p1 [hbm4b:s5+s19], $0x7D00, $0x38;
	[tilespmem:$0xABE0] =	vst v63  }
0x38: {  	_ =	swait.ge @!p1 [sflag:s20], $0x7D00  }
0x39: {  	[sflag:s20] =	ssyncset.done @!p1 $0x0  }
0x3a: {  	s22 =	simm.s32 @!p1 $0x1;
	[sflag:s20] =	ssyncadd.s32 @!p1 $0xFFFF8300  }
0x3b: {  	[spmem:s1] =	stream.indirect.scatter.add.f32 @!p1 [tilespmem:s21], [sflag:$0x1], $0x10, s19, s21, $0xb8;
	[tilespmem:$0xABE0] =	vst v63  }
0x3c: {  	s23 =	sadd.s32 $0xFFFFFFFF, s23;
	_ =	swait.ge @!p1 [sflag:s22], $0x7D00  }
0x3d: {  	p3 =	sne.s32 s23, $0x0;
	[sflag:s22] =	ssyncset.done @!p1 $0x0  }
.Ltmp1:
0x3e: {  	[sflag:s22] =	ssyncadd.s32 @!p1 $0xFFFF8300;
	(pc) =	sbr.rel @!p3 .LBB2_3-.Ltmp1, $4  }
0x3f: {  	[bflag:$0x0] =	sbarrier.arrive $0xFFFF  }
0x40: {  	[hbm:s4], [sflag:s6] =	dma.local [spmem:s7], $0x4E2  }
0x41: {  	_ =	swait.ge [sflag:s3], $0x4E2  }
0x42: {  	p2 =	por $0x1, $0x1;
	[sflag:s3] =	ssyncset.done $0x0  }
.LBB2_2:
0x43: {  	[sflag:s3] =	ssyncadd.s32 $0xFFFFFB1E  }
0x44: {  	[spmem:s16], [sflag:s17] =	dma.local @!p0 [hbm:s11], $0x4E20  }
0x45: {  	s23 =	sadd.s32 $0xFFFFFFFF, s23;
	_ =	swait.ge @!p0 [sflag:s18], $0x4E20  }
0x46: {  	p3 =	sne.s32 s23, $0x0;
	[sflag:s18] =	ssyncset.done @!p0 $0x0  }
0x47: {  	[sflag:s18] =	ssyncadd.s32 @!p0 $0xFFFFB1E0  }
0x48: {  	[bflag:$0x0] =	sbarrier.arrive $0xFFFF  }
0x49: {  	[tilespmem:s2], [sflag:$0x2] =	stream.linear.gather [hbm4b:s15+s2], $0x7D0, $0x38;
	[tilespmem:$0xABE0] =	vst v63  }
0x4a: {  	_ =	swait.ge [sflag:s12], $0x7D0  }
0x4b: {  	[sflag:s12] =	ssyncset.done $0x0  }
0x4c: {  	[sflag:s12] =	ssyncadd.s32 $0xFFFFF830  }
0x4d: {  	[tilespmem:s13], [sflag:$0x2] =	stream.linear.gather [hbm4b:s14+s2], $0x7D00, $0x38;
	[tilespmem:$0xABE0] =	vst v63  }
0x4e: {  	_ =	swait.ge [sflag:s12], $0x7D00  }
0x4f: {  	[sflag:s12] =	ssyncset.done $0x0  }
0x50: {  	[sflag:s12] =	ssyncadd.s32 $0xFFFF8300  }
0x51: {  	[spmem:s1] =	stream.indirect.scatter.add.f32 [tilespmem:s13], [sflag:$0x1], $0x10, s2, s13, $0xb8;
	[tilespmem:$0xABE0] =	vst v63  }
0x52: {  	_ =	swait.ge [sflag:s3], $0x7D00  }
0x53: {  	[sflag:s3] =	ssyncset.done $0x0  }
0x54: {  	[sflag:s3] =	ssyncadd.s32 $0xFFFF8300  }
0x55: {  	[tilespmem:s2], [sflag:$0x2] =	stream.linear.gather [hbm4b:s10+s2], $0x7D0, $0x38;
	[tilespmem:$0xABE0] =	vst v63  }
0x56: {  	_ =	swait.ge [sflag:s12], $0x7D0  }
0x57: {  	[sflag:s12] =	ssyncset.done $0x0  }
0x58: {  	[sflag:s12] =	ssyncadd.s32 $0xFFFFF830  }
0x59: {  	[tilespmem:s13], [sflag:$0x2] =	stream.linear.gather [hbm4b:s9+s2], $0x7D00, $0x38;
	[tilespmem:$0xABE0] =	vst v63  }
0x5a: {  	_ =	swait.ge [sflag:s12], $0x7D00  }
0x5b: {  	[sflag:s12] =	ssyncset.done $0x0  }
0x5c: {  	[sflag:s12] =	ssyncadd.s32 $0xFFFF8300  }
0x5d: {  	[spmem:s1] =	stream.indirect.scatter.add.f32 [tilespmem:s13], [sflag:$0x1], $0x10, s2, s13, $0xb8;
	[tilespmem:$0xABE0] =	vst v63  }
0x5e: {  	_ =	swait.ge [sflag:s3], $0x7D00  }
0x5f: {  	[sflag:s3] =	ssyncset.done $0x0  }
0x60: {  	[sflag:s3] =	ssyncadd.s32 $0xFFFF8300  }
0x61: {  	[tilespmem:s19], [sflag:$0x2] =	stream.linear.gather @!p1 [hbm4b:s8+s19], $0x7D0, $0x38;
	[tilespmem:$0xABE0] =	vst v63  }
0x62: {  	_ =	swait.ge @!p1 [sflag:s20], $0x7D0  }
0x63: {  	[sflag:s20] =	ssyncset.done @!p1 $0x0  }
0x64: {  	[sflag:s20] =	ssyncadd.s32 @!p1 $0xFFFFF830  }
0x65: {  	[tilespmem:s21], [sflag:$0x2] =	stream.linear.gather @!p1 [hbm4b:s5+s19], $0x7D00, $0x38;
	[tilespmem:$0xABE0] =	vst v63  }
0x66: {  	_ =	swait.ge @!p1 [sflag:s20], $0x7D00  }
0x67: {  	[sflag:s20] =	ssyncset.done @!p1 $0x0  }
0x68: {  	[sflag:s20] =	ssyncadd.s32 @!p1 $0xFFFF8300  }
0x69: {  	[spmem:s1] =	stream.indirect.scatter.add.f32 @!p1 [tilespmem:s21], [sflag:$0x1], $0x10, s19, s21, $0xb8;
	[tilespmem:$0xABE0] =	vst v63  }
0x6a: {  	_ =	swait.ge @!p1 [sflag:s22], $0x7D00  }
0x6b: {  	[sflag:s22] =	ssyncset.done @!p1 $0x0  }
.Ltmp2:
0x6c: {  	[sflag:s22] =	ssyncadd.s32 @!p1 $0xFFFF8300;
	(pc) =	sbr.rel @p3 .LBB2_2-.Ltmp2, $4  }
0x6d: {  	[bflag:$0x0] =	sbarrier.arrive $0xFFFF  }
0x6e: {  	[hbm:s4], [sflag:s6] =	dma.local [spmem:s7], $0x4E2  }
0x6f: {  	_ =	swait.ge [sflag:s3], $0x4E2  }
0x70: {  	[sflag:s3] =	ssyncset.done $0x0  }
.LBB2_3:
0x71: {  	s17 =	simm.s32 @!p0 $0x1C01;
	s18 =	simm.s32 @!p0 $0x1;
	[sflag:s3] =	ssyncadd.s32 @p2 $0xFFFFFB1E  }
0x72: {  	[spmem:s16], [sflag:s17] =	dma.local @!p0 [hbm:s11], $0x4E20  }
0x73: {  	_ =	swait.ge @!p0 [sflag:s18], $0x4E20  }
0x74: {  	[sflag:s18] =	ssyncset.done @!p0 $0x0  }
0x75: {  	[sflag:s18] =	ssyncadd.s32 @!p0 $0xFFFFB1E0  }
0x76: {  	[bflag:$0x0] =	sbarrier.arrive $0xFFFF  }
0x77: {  	[tilespmem:s2], [sflag:$0x2] =	stream.linear.gather [hbm4b:s15+s2], $0x7D0, $0x38;
	[tilespmem:$0xABE0] =	vst v63  }
0x78: {  	_ =	swait.ge [sflag:s12], $0x7D0  }
0x79: {  	[sflag:s12] =	ssyncset.done $0x0  }
0x7a: {  	[sflag:s12] =	ssyncadd.s32 $0xFFFFF830  }
0x7b: {  	[tilespmem:s13], [sflag:$0x2] =	stream.linear.gather [hbm4b:s14+s2], $0x7D00, $0x38;
	[tilespmem:$0xABE0] =	vst v63  }
0x7c: {  	_ =	swait.ge [sflag:s12], $0x7D00  }
0x7d: {  	[sflag:s12] =	ssyncset.done $0x0  }
0x7e: {  	[sflag:s12] =	ssyncadd.s32 $0xFFFF8300  }
0x7f: {  	[spmem:s1] =	stream.indirect.scatter.add.f32 [tilespmem:s13], [sflag:$0x1], $0x10, s2, s13, $0xb8;
	[tilespmem:$0xABE0] =	vst v63  }
0x80: {  	_ =	swait.ge [sflag:s3], $0x7D00  }
0x81: {  	[sflag:s3] =	ssyncset.done $0x0  }
0x82: {  	[sflag:s3] =	ssyncadd.s32 $0xFFFF8300  }
0x83: {  	[tilespmem:s2], [sflag:$0x2] =	stream.linear.gather [hbm4b:s10+s2], $0x7D0, $0x38;
	[tilespmem:$0xABE0] =	vst v63  }
0x84: {  	_ =	swait.ge [sflag:s12], $0x7D0  }
0x85: {  	[sflag:s12] =	ssyncset.done $0x0  }
0x86: {  	[sflag:s12] =	ssyncadd.s32 $0xFFFFF830  }
0x87: {  	[tilespmem:s13], [sflag:$0x2] =	stream.linear.gather [hbm4b:s9+s2], $0x7D00, $0x38;
	[tilespmem:$0xABE0] =	vst v63  }
0x88: {  	_ =	swait.ge [sflag:s12], $0x7D00  }
0x89: {  	[sflag:s12] =	ssyncset.done $0x0  }
0x8a: {  	[sflag:s12] =	ssyncadd.s32 $0xFFFF8300  }
0x8b: {  	[spmem:s1] =	stream.indirect.scatter.add.f32 [tilespmem:s13], [sflag:$0x1], $0x10, s2, s13, $0xb8;
	[tilespmem:$0xABE0] =	vst v63  }
0x8c: {  	_ =	swait.ge [sflag:s3], $0x7D00  }
0x8d: {  	[sflag:s3] =	ssyncset.done $0x0  }
0x8e: {  	s9 =	simm.s32 @!p1 $0x2;
	s2 =	simm.s32 @!p1 $0x0;
	[sflag:s3] =	ssyncadd.s32 $0xFFFF8300  }
0x8f: {  	[tilespmem:s2], [sflag:$0x2] =	stream.linear.gather @!p1 [hbm4b:s8+s2], $0x7D0, $0x38;
	[tilespmem:$0xABE0] =	vst v63  }
0x90: {  	_ =	swait.ge @!p1 [sflag:s9], $0x7D0  }
0x91: {  	[sflag:s9] =	ssyncset.done @!p1 $0x0  }
0x92: {  	s8 =	simm.s32 @!p1 $0x7D0;
	[sflag:s9] =	ssyncadd.s32 @!p1 $0xFFFFF830  }
0x93: {  	[tilespmem:s8], [sflag:$0x2] =	stream.linear.gather @!p1 [hbm4b:s5+s2], $0x7D00, $0x38;
	[tilespmem:$0xABE0] =	vst v63  }
0x94: {  	_ =	swait.ge @!p1 [sflag:s9], $0x7D00  }
0x95: {  	[sflag:s9] =	ssyncset.done @!p1 $0x0  }
0x96: {  	s5 =	simm.s32 @!p1 $0x1;
	[sflag:s9] =	ssyncadd.s32 @!p1 $0xFFFF8300  }
0x97: {  	[spmem:s1] =	stream.indirect.scatter.add.f32 @!p1 [tilespmem:s8], [sflag:$0x1], $0x10, s2, s8, $0xb8;
	[tilespmem:$0xABE0] =	vst v63  }
0x98: {  	_ =	swait.ge @!p1 [sflag:s5], $0x7D00  }
0x99: {  	[sflag:s5] =	ssyncset.done @!p1 $0x0  }
0x9a: {  	[sflag:s5] =	ssyncadd.s32 @!p1 $0xFFFF8300  }
0x9b: {  	[bflag:$0x0] =	sbarrier.arrive $0xFFFF  }
0x9c: {  	[hbm:s4], [sflag:s6] =	dma.local [spmem:s7], $0x4E2  }
0x9d: {  	_ =	swait.ge [sflag:s3], $0x4E2  }
0x9e: {  	[sflag:s3] =	ssyncset.done $0x0  }
0x9f: {  	[sflag:s3] =	ssyncadd.s32 $0xFFFFFB1E  }
0xa0: {  	_ =	sfence.sel $0x180000  }
0xa1: {  	[bflag:$0x0] =	sbarrier.arrive $0xFFFF  }
0xa2: {  	_ =	strace $0x90000059  }
0xa3: {  	s0 =	sadd.s32 @!p0 $0x100000, s0;
	[bflag:$0x2] =	sbarrier.arrive $0xFFFF  }
0xa4: {  	[sflag:s0] =	ssyncadd.tile.s32 @!p0 $0x1;
	_ =	shalt  }
.Lfunc_end2:
_tile_overlayer_lowered:
.L_overlay_start_2:
0xa5: {  	(tag) =	ssettag $0x2  }
0xa6: {  	s0 =	rddreg [dreg:$0x0];
	s2 =	stileid.u32  }
0xa7: {  	s1 =	rddreg [dreg:$0x1];
	p0 =	sne.s32 s2, $0x0  }
0xa8: {  	s3 =	rddreg [dreg:$0x2];
	[bflag:$0x3] =	sbarrier.arrive $0xFFFF;
	s2 =	simm.s32 @!p0 $0x1C01  }
0xa9: {  	[timem:s3], [sflag:s2] =	dma.local @!p0 [hbm:s0], s1  }
0xaa: {  	s0 =	simm.s32 @!p0 $0x1  }
0xab: {  	_ =	swait.ge @!p0 [sflag:s0], s1  }
0xac: {  	s1 =	ssub.s32 @!p0 $0x0, s1;
	[sflag:s0] =	ssyncset.done @!p0 $0x0  }
0xad: {  	[sflag:s0] =	ssyncadd.s32 @!p0 s1  }
0xae: {  	[bflag:$0x3] =	sbarrier.arrive $0xFFFF  }
0xaf: {  	_ =	shalt  }

// kernel: kernel.38.cloned.1.call-start
scs
__scs_entry_jumppad:
0x0: {  	(pc) =	sbr.rel $0x88, $3  }
0x1: {  	(tag) =	ssettag $0x0;
	lr =	simm.s32 $0x1  }
0x2: {  	[smem:$0x3F95] =	sst lr;
	_ =	strace $0xD0000000  }
0x3: {  	_ = 	snop  }
0x4: {  	_ = 	snop  }
0x5: {  	_ = 	snop  }
0x6: {  	_ = 	snop  }
0x7: {  	_ = 	snop  }
__scs_overlays_trampoline_lowered:
0x8: {  	[smem:$0x3FA4] =	sst s0  }
0x9: {  	[smem:$0x3FA5] =	sst s1  }
0xa: {  	[smem:$0x3FA6] =	sst s2  }
0xb: {  	[smem:$0x3FA7] =	sst s3  }
0xc: {  	[smem:$0x3FA8] =	sst s4  }
0xd: {  	[smem:$0x3FA9] =	sst s5  }
0xe: {  	[smem:$0x3FAA] =	sst s6  }
0xf: {  	[smem:$0x3FAB] =	sst s7  }
0x10: {  	[smem:$0x3FAC] =	sst s8  }
0x11: {  	[smem:$0x3FAD] =	sst s9;
	s0 =	simm.s32 @!p0 $0x0  }
0x12: {  	s1 =	sld [smem:$0x3F93];
	s0 =	simm.s32 @p0 $0x1  }
0x13: {  	[smem:$0x3FAE] =	sst s0;
	s0 =	simm.s32 @!p1 $0x0  }
0x14: {  	s2 =	sld [smem:$0x3F92];
	s0 =	simm.s32 @p1 $0x1  }
0x15: {  	[smem:$0x3FAF] =	sst s0;
	s0 =	simm.s32 @!p2 $0x0  }
0x16: {  	s3 =	sld [smem:$0x3FDB];
	s0 =	simm.s32 @p2 $0x1  }
0x17: {  	s4 =	simm.s32 $0x1BF5;
	[smem:$0x3FB1] =	sst s0  }
0x18: {  	s0 =	sld [smem:$0x3F94];
	_ =	swait.ge [sflag:s4], $0x0  }
0x19: {  	s7 =	sld [smem:$0x3F95]  }
0x1a: {  	s8 =	sadd.s32 $0xFFFFE003, lr  }
0x1b: {  	s9 =	sadd.s32 $0xFFFFFEF7, lr;
	s5 =	simm.s32 $0xFFFFFFFF;
	p2 =	slt.u32 s8, $0xFFFFF086  }
0x1c: {  	p1 =	slt.u32 s9, $0xF7A;
	s5 =	simm.s32 @!p2 $0x0  }
0x1d: {  	s5 =	simm.s32 @p1 $0x1;
	p0 =	seq.s32 s7, s2  }
0x1e: {  	s7 =	smul.u32 @!p0 $0xF7A, s2;
	p2 =	seq.s32 @!p0 s5, $0x0  }
0x1f: {  	s9 =	smul.u32 $0xF7A, s1;
	s8 =	simm.s32 @!p0 $0x1BF5;
	p2 =	por !p2, p0  }
0x20: {  	[sflag:s8] =	ssyncset.s32 @!p0 $0xFFFFF086;
	s6 =	sadd.s32 @!p0 s3, s7;
	s7 =	simm.s32 @!p0 $0x108  }
0x21: {  	s3 =	sadd.s32 s3, s9;
	s6 =	sadd.s32 @!p0 $0x88, s6;
	s7 =	simm.s32 @p2 $0x1082  }
0x22: {  	[simem:s7], [sflag:s8] =	dma.local @!p0 [hbm:s6], $0xF7A  }
0x23: {  	s9 =	sor.u32 $0xD0000000, s2;
	s6 =	simm.s32 $0x108;
	_ =	swait.ge @!p0 [sflag:s8], $0x0  }
0x24: {  	s3 =	sadd.s32 $0x88, s3;
	s6 =	simm.s32 @!p1 $0x1082;
	[sflag:s4] =	ssyncset.s32 $0xFFFFF086  }
0x25: {  	[simem:s6], [sflag:s4] =	dma.local [hbm:s3], $0xF7A  }
0x26: {  	[smem:$0x3F95] =	sst s1;
	(tag) =	ssettag s2;
	_ =	strace s9  }
0x27: {  	s1 =	sld [smem:$0x3FA5]  }
0x28: {  	s2 =	sld [smem:$0x3FA6]  }
0x29: {  	s4 =	sld [smem:$0x3FA8]  }
0x2a: {  	p0 =	seq.s32 s5, $0x0;
	s5 =	sld [smem:$0x3FA9]  }
0x2b: {  	s6 =	sld [smem:$0x3FAA]  }
0x2c: {  	s7 =	sld [smem:$0x3FAB]  }
0x2d: {  	s3 =	simm.s32 $0x108;
	s8 =	sld [smem:$0x3FAC]  }
0x2e: {  	s3 =	simm.s32 @!p0 $0x1082;
	s9 =	sld [smem:$0x3FAD]  }
0x2f: {  	lr =	sadd.s32 s0, s3;
	s0 =	sld [smem:$0x3FA4]  }
0x30: {  	s3 =	sld [smem:$0x3FA7]  }
0x31: {  	[smem:$0x3FB0] =	sst s10  }
0x32: {  	s10 =	sld [smem:$0x3FAE];
	_ =	sdelay $0x3  }
0x33: {  	p0 =	seq.s32 s10, $0x1;
	s10 =	sld [smem:$0x3FB0];
	_ =	sdelay $0x3  }
0x34: {  	[smem:$0x3FB0] =	sst s10  }
0x35: {  	s10 =	sld [smem:$0x3FAF];
	_ =	sdelay $0x3  }
0x36: {  	p1 =	seq.s32 s10, $0x1;
	s10 =	sld [smem:$0x3FB0];
	_ =	sdelay $0x3  }
0x37: {  	[smem:$0x3FB0] =	sst s10  }
0x38: {  	s10 =	sld [smem:$0x3FB1]  }
0x39: {  	_ = 	snop;
	(pc) =	sbr.ind lr, $3  }
0x3a: {  	_ = 	snop  }
0x3b: {  	_ = 	snop  }
0x3c: {  	p2 =	seq.s32 s10, $0x1;
	s10 =	sld [smem:$0x3FB0]  }
0x3d: {  	_ =	shalt  }
0x3e: {  	_ =	shalt  }
0x3f: {  	_ =	shalt  }
0x40: {  	_ =	shalt  }
0x41: {  	_ =	shalt  }
0x42: {  	_ =	shalt  }
0x43: {  	_ =	shalt  }
0x44: {  	_ =	shalt  }
0x45: {  	_ =	shalt  }
0x46: {  	_ =	shalt  }
0x47: {  	_ =	shalt  }
0x48: {  	_ =	shalt  }
0x49: {  	_ =	shalt  }
0x4a: {  	_ =	shalt  }
0x4b: {  	_ =	shalt  }
0x4c: {  	_ =	shalt  }
0x4d: {  	_ =	shalt  }
0x4e: {  	_ =	shalt  }
0x4f: {  	_ =	shalt  }
0x50: {  	_ =	shalt  }
0x51: {  	_ =	shalt  }
0x52: {  	_ =	shalt  }
0x53: {  	_ =	shalt  }
0x54: {  	_ =	shalt  }
0x55: {  	_ =	shalt  }
0x56: {  	_ =	shalt  }
0x57: {  	_ =	shalt  }
0x58: {  	_ =	shalt  }
0x59: {  	_ =	shalt  }
0x5a: {  	_ =	shalt  }
0x5b: {  	_ =	shalt  }
0x5c: {  	_ =	shalt  }
0x5d: {  	_ =	shalt  }
0x5e: {  	_ =	shalt  }
0x5f: {  	_ =	shalt  }
0x60: {  	_ =	shalt  }
0x61: {  	_ =	shalt  }
0x62: {  	_ =	shalt  }
0x63: {  	_ =	shalt  }
0x64: {  	_ =	shalt  }
0x65: {  	_ =	shalt  }
0x66: {  	_ =	shalt  }
0x67: {  	_ =	shalt  }
0x68: {  	_ =	shalt  }
0x69: {  	_ =	shalt  }
0x6a: {  	_ =	shalt  }
0x6b: {  	_ =	shalt  }
0x6c: {  	_ =	shalt  }
0x6d: {  	_ =	shalt  }
0x6e: {  	_ =	shalt  }
0x6f: {  	_ =	shalt  }
0x70: {  	_ =	shalt  }
0x71: {  	_ =	shalt  }
0x72: {  	_ =	shalt  }
0x73: {  	_ =	shalt  }
0x74: {  	_ =	shalt  }
0x75: {  	_ =	shalt  }
0x76: {  	_ =	shalt  }
0x77: {  	_ =	shalt  }
0x78: {  	_ =	shalt  }
0x79: {  	_ =	shalt  }
0x7a: {  	_ =	shalt  }
0x7b: {  	_ =	shalt  }
0x7c: {  	_ =	shalt  }
0x7d: {  	_ =	shalt  }
0x7e: {  	_ =	shalt  }
0x7f: {  	_ =	shalt  }
0x80: {  	_ =	shalt  }
0x81: {  	_ =	shalt  }
0x82: {  	_ =	shalt  }
0x83: {  	_ =	shalt  }
0x84: {  	_ =	shalt  }
0x85: {  	_ =	shalt  }
0x86: {  	_ =	shalt  }
0x87: {  	_ =	shalt  }
.Lfunc_end0:
.L_simem_size_0:
called_computation.7_lowered:
.L_overlay_start_0:
0x88: {  	s2 =	sld [smem:$0x3FD9]  }
0x89: {  	s3 =	sld [smem:$0x3FFE];
	_ =	sdelay $0x1  }
0x8a: {  	s1 =	srdreg.scid  }
0x8b: {  	s0 =	sand.u32 $0x1, s1  }
0x8c: {  	s17 =	sshll.u32 s0, $0xA;
	s2 =	sadd.s32 s3, s2  }
0x8d: {  	s2 =	sadd.s32 s2, s17  }
0x8e: {  	[smem:$0x3FBC] =	sst s2  }
0x8f: {  	_ = 	snop  }
0x90: {  	(tm) =	ssettm $0x1  }
0x91: {  	s18 =	sld [smem:$0x3FFB];
	_ =	sdelay $0x3  }
0x92: {  	_ =	strace s18  }
0x93: {  	s2 =	sld [smem:$0x3FFC];
	_ =	sdelay $0x3  }
0x94: {  	_ =	strace s2  }
0x95: {  	s2 =	sld [smem:$0x3FFD];
	_ =	sdelay $0x3  }
0x96: {  	_ =	strace s2  }
0x97: {  	_ =	strace $0x8FFFFFFF  }
0x98: {  	s19 =	sld [smem:$0x3FDB];
	_ =	sdelay $0x1  }
0x99: {  	s20 =	simm.s32 $_scs_section_size  }
0x9a: {  	s4 =	simm.s32 $_size__tile_overlayer_lowered;
	s5 =	simm.s32 $_tile_overlayer_lowered  }
0x9b: {  	s6 =	simm.s32 $0x1BFF;
	s21 =	sshll.u32 s5, $0x1;
	s3 =	sadd.s32 s20, s19  }
0x9c: {  	s22 =	simm.s32 $0x0;
	s4 =	sshll.u32 s4, $0x1;
	s5 =	sadd.s32 s21, s3  }
0x9d: {  	[timem:s22], [sflag:s6] =	dma.local [hbm:s5], s4  }
0x9e: {  	_ =	swait.ge [sflag:s6], s4  }
0x9f: {  	s4 =	ssub.s32 $0x0, s4;
	[sflag:s6] =	ssyncset.done $0x0  }
0xa0: {  	[sflag:s6] =	ssyncadd.s32 s4;
	_ =	sdelay $0x1  }
0xa1: {  	s23 =	simm.s32 $0x1B8B  }
0xa2: {  	_ =	swait.ge [sflag:s23], $0x1  }
0xa3: {  	[sflag:s23] =	ssyncset.done $0x0  }
0xa4: {  	[sflag:s23] =	ssyncadd.s32 $0xFFFFFFFF  }
0xa5: {  	s4 =	sld [smem:$0x0]  }
0xa6: {  	s5 =	sand.u32 $0xFFFFFFFE, s1  }
0xa7: {  	p0 =	sne.s32 s1, s5  }
0xa8: {  	s5 =	sshll.u32 @p0 s5, $0xE  }
0xa9: {  	s5 =	sadd.s32 @p0 $0x11B8D, s5;
	s6 =	sshll.u32 @p0 s4, $0x11  }
0xaa: {  	s5 =	sor.u32 @p0 s6, s5  }
0xab: {  	[sflag:s5] =	ssyncadd.remote.s32 @p0 $0x1;
	_ =	sdelay $0x1  }
0xac: {  	s5 =	simm.s32 @p0 $0x1B8D  }
0xad: {  	_ =	swait.eq @p0 [sflag:s5], $0x1  }
0xae: {  	[sflag:s5] =	ssyncadd.s32 @p0 $0xFFFFFFFF  }
0xaf: {  	s6 =	sshll.u32 @!p0 s1, $0xE  }
0xb0: {  	s6 =	sor.u32 @!p0 $0x4000, s6;
	s5 =	simm.s32 @!p0 $0x1B8D  }
0xb1: {  	s4 =	sshll.u32 @!p0 s4, $0x11;
	s6 =	sadd.s32 @!p0 $0x11B8D, s6;
	_ =	swait.eq @!p0 [sflag:s5], $0x1  }
0xb2: {  	s4 =	sor.u32 @!p0 s4, s6;
	[sflag:s5] =	ssyncadd.s32 @!p0 $0xFFFFFFFF  }
0xb3: {  	s25 =	simm.s32 $0x1B8E;
	s24 =	sld [smem:$0x3FFE];
	[sflag:s4] =	ssyncadd.remote.s32 @!p0 $0x1  }
0xb4: {  	s26 =	simm.s32 $execute0_lowered;
	[smem:$0x3FD2] =	sst s25  }
0xb5: {  	s5 =	sshll.u32 s26, $0x1;
	_ =	strace $0x8000005B;
	[dreg:$0x1] =	wrdreg $0xFFFFFFFF  }
0xb6: {  	s28 =	simm.s32 $_size_execute0_lowered;
	s3 =	sadd.s32 s3, s5;
	[dreg:$0x0] =	wrdreg $0x0  }
0xb7: {  	s5 =	sshll.u32 s28, $0x1;
	[dreg:$0x2] =	wrdreg s3  }
0xb8: {  	[dreg:$0x3] =	wrdreg s5  }
0xb9: {  	[dreg:$0x4] =	wrdreg $0xC0  }
0xba: {  	_ =	task [dreg:s22], $0x5FFFF  }
0xbb: {  	[dreg:$0x1] =	wrdreg $0xFFFFFFFF  }
0xbc: {  	[dreg:$0x0] =	wrdreg $0x60  }
0xbd: {  	[dreg:$0x2] =	wrdreg s24  }
0xbe: {  	[dreg:$0x3] =	wrdreg $0x84D00  }
0xbf: {  	[dreg:$0x4] =	wrdreg $0x9  }
0xc0: {  	_ =	task.clear_ibuf [dreg:s22], $0x5FFFF;
	_ =	strace $0x9000005B  }
0xc1: {  	s29 =	simm.s32 $0x9;
	_ =	strace $0x8000005D  }
0xc2: {  	_ =	swait.ge [sflag:s29], $0x1  }
0xc3: {  	[sflag:s29] =	ssyncadd.s32 $0xFFFFFFFF  }
0xc4: {  	_ =	strace $0x9000005D  }
0xc5: {  	_ =	sfence  }
0xc6: {  	s30 =	sld [smem:$0x0];
	_ =	sdelay $0x2  }
0xc7: {  	s31 =	sshll.u32 s1, $0xD;
	s1 =	sshrl.u32 s1, $0x2  }
0xc8: {  	s4 =	sand.u32 $0x4000, s31;
	s1 =	sadd.s32 s1, s30  }
0xc9: {  	s0 =	sor.u32 s4, s0;
	s1 =	sshll.u32 s1, $0x11  }
0xca: {  	s0 =	sor.u32 s1, s0  }
0xcb: {  	s0 =	sadd.s32 $0x8F2B, s0  }
0xcc: {  	[sflag:s0] =	ssyncadd.remote.s32 $0x1  }
0xcd: {  	_ =	sfence.sel $0xFFFF  }
0xce: {  	[dreg:$0x0] =	wrdreg $0xFFFFFFFF;
	(pc) =	sbr.abs _section_cstart, $3  }
0xcf: {  	[dreg:$0x1] =	wrdreg $0xFFFFFFFF  }
0xd0: {  	_ =	task.clear_ibuf [dreg:s22], $0x2FFFF;
	_ =	strace $0x9FFFFFFF  }
0xd1: {  	(tm) =	ssettm $0x7FFFFFFF  }
tec
execute0_lowered:
.L_overlay_start_1:
0x0: {  	(tag) =	ssettag $0x1  }
0x1: {  	s3 =	rddreg [dreg:$0x0]  }
0x2: {  	s1 =	rddreg [dreg:$0x1]  }
0x3: {  	s0 =	rddreg [dreg:$0x2];
	s2 =	simm.s32 $0x0  }
0x4: {  	s4 =	srdreg.scid;
	s7 =	stileid.u32;
	p2 =	por $0x0, $0x0  }
0x5: {  	[smem:$0x7FF] =	sst s2;
	s4 =	sand.u32 $0x1, s4;
	s10 =	smul.u32 $0x2710, s7  }
0x6: {  	s6 =	sadd.s32 $0x6C200, s3;
	s12 =	sadd.s32 $0x14200, s3;
	s13 =	smul.u32 $0x7D0, s7  }
0x7: {  	s9 =	sadd.s32 $0xBA400, s3;
	s21 =	sor.u32 $0x20, s7;
	s5 =	smul.u32 $0x4E20, s4  }
0x8: {  	p0 =	sne.s32 s7, $0x0;
	_ =	strace $0x8000005C;
	s8 =	smul.u32 $0x13880, s4  }
0x9: {  	s4 =	ssub.s32 $0x2, s4;
	s23 =	smul.u32 $0x7D0, s21;
	p1 =	sgt.u32 s21, $0x27  }
0xa: {  	s11 =	sshrl.u32 s4, $0x1;
	s17 =	sshrl.u32 s10, $0x3;
	s18 =	sadd.s32 s10, s1  }
0xb: {  	s5 =	sadd.s32 s5, s3;
	s30 =	ssub.s32 s4, s11;
	s16 =	sadd.s32 s8, s13  }
0xc: {  	s28 =	sadd.s32 s8, s23;
	s13 =	simm.s32 $0x7D0;
	s31 =	sadd.s32 $0x5400, s5  }
0xd: {  	s19 =	smax.u32 s30, $0x1;
	s20 =	sshrl.u32 s16, $0x3;
	s22 =	sadd.s32 $0x7D00, s16  }
0xe: {  	s24 =	sshll.u32 s16, $0x1;
	s8 =	sshrl.u32 s28, $0x3;
	s5 =	sshll.u32 s28, $0x1  }
0xf: {  	s16 =	sshrl.u32 @!p0 s1, $0x3;
	s3 =	sadd.s32 s12, s20;
	s23 =	sadd.s32 $0xFFFFFFFF, s19  }
0x10: {  	s25 =	sshrl.u32 s22, $0x3;
	s14 =	sadd.s32 s6, s24;
	p3 =	sne.s32 s23, $0x0  }
.Ltmp0:
0x11: {  	s29 =	sshll.u32 s22, $0x1;
	s30 =	sadd.s32 s12, s8;
	(pc) =	sbr.rel @!p3 .LBB2_3-.Ltmp0, $4  }
0x12: {  	s5 =	sadd.s32 s6, s5;
	s4 =	sadd.s32 s17, s31;
	s31 =	sshll.u32 s7, $0x6  }
0x13: {  	s7 =	sshrl.u32 s18, $0x3;
	s15 =	sadd.s32 $0x4E20, s3;
	s26 =	sadd.s32 s12, s25  }
0x14: {  	s10 =	sadd.s32 s6, s29;
	s8 =	sadd.s32 $0x4E20, s30;
	s12 =	simm.s32 $0x2  }
0x15: {  	s3 =	simm.s32 $0x1;
	s6 =	sor.u32 $0x1C01, s31;
	s11 =	sadd.s32 $0x4E20, s26  }
0x16: {  	s17 =	simm.s32 @!p0 $0x1C01;
	s18 =	simm.s32 @!p0 $0x1  }
0x17: {  	[spmem:s16], [sflag:s17] =	dma.local @!p0 [hbm:s9], $0x4E20  }
0x18: {  	_ =	swait.ge @!p0 [sflag:s18], $0x4E20  }
0x19: {  	[sflag:s18] =	ssyncset.done @!p0 $0x0  }
0x1a: {  	[sflag:s18] =	ssyncadd.s32 @!p0 $0xFFFFB1E0  }
0x1b: {  	[bflag:$0x0] =	sbarrier.arrive $0xFFFF  }
0x1c: {  	[tilespmem:s2], [sflag:$0x2] =	stream.linear.gather [hbm4b:s15+s2], $0x7D0, $0x38;
	[tilespmem:$0xABE0] =	vst v63  }
0x1d: {  	_ =	swait.ge [sflag:s12], $0x7D0  }
0x1e: {  	[sflag:s12] =	ssyncset.done $0x0  }
0x1f: {  	[sflag:s12] =	ssyncadd.s32 $0xFFFFF830  }
0x20: {  	[tilespmem:s13], [sflag:$0x2] =	stream.linear.gather [hbm4b:s14+s2], $0x7D00, $0x38;
	[tilespmem:$0xABE0] =	vst v63  }
0x21: {  	_ =	swait.ge [sflag:s12], $0x7D00  }
0x22: {  	[sflag:s12] =	ssyncset.done $0x0  }
0x23: {  	[sflag:s12] =	ssyncadd.s32 $0xFFFF8300  }
0x24: {  	[spmem:s1] =	stream.indirect.scatter.add.f32 [tilespmem:s13], [sflag:$0x1], $0x10, s2, s13, $0xb8;
	[tilespmem:$0xABE0] =	vst v63  }
0x25: {  	_ =	swait.ge [sflag:s3], $0x7D00  }
0x26: {  	[sflag:s3] =	ssyncset.done $0x0  }
0x27: {  	[sflag:s3] =	ssyncadd.s32 $0xFFFF8300  }
0x28: {  	[tilespmem:s2], [sflag:$0x2] =	stream.linear.gather [hbm4b:s11+s2], $0x7D0, $0x38;
	[tilespmem:$0xABE0] =	vst v63  }
0x29: {  	_ =	swait.ge [sflag:s12], $0x7D0  }
0x2a: {  	[sflag:s12] =	ssyncset.done $0x0  }
0x2b: {  	[sflag:s12] =	ssyncadd.s32 $0xFFFFF830  }
0x2c: {  	[tilespmem:s13], [sflag:$0x2] =	stream.linear.gather [hbm4b:s10+s2], $0x7D00, $0x38;
	[tilespmem:$0xABE0] =	vst v63  }
0x2d: {  	_ =	swait.ge [sflag:s12], $0x7D00  }
0x2e: {  	[sflag:s12] =	ssyncset.done $0x0  }
0x2f: {  	[sflag:s12] =	ssyncadd.s32 $0xFFFF8300  }
0x30: {  	[spmem:s1] =	stream.indirect.scatter.add.f32 [tilespmem:s13], [sflag:$0x1], $0x10, s2, s13, $0xb8;
	[tilespmem:$0xABE0] =	vst v63  }
0x31: {  	_ =	swait.ge [sflag:s3], $0x7D00  }
0x32: {  	[sflag:s3] =	ssyncset.done $0x0  }
0x33: {  	s19 =	simm.s32 @!p1 $0x0;
	s20 =	simm.s32 @!p1 $0x2;
	[sflag:s3] =	ssyncadd.s32 $0xFFFF8300  }
0x34: {  	[tilespmem:s19], [sflag:$0x2] =	stream.linear.gather @!p1 [hbm4b:s8+s19], $0x7D0, $0x38;
	[tilespmem:$0xABE0] =	vst v63  }
0x35: {  	_ =	swait.ge @!p1 [sflag:s20], $0x7D0  }
0x36: {  	[sflag:s20] =	ssyncset.done @!p1 $0x0  }
0x37: {  	s21 =	simm.s32 @!p1 $0x7D0;
	[sflag:s20] =	ssyncadd.s32 @!p1 $0xFFFFF830  }
0x38: {  	[tilespmem:s21], [sflag:$0x2] =	stream.linear.gather @!p1 [hbm4b:s5+s19], $0x7D00, $0x38;
	[tilespmem:$0xABE0] =	vst v63  }
0x39: {  	_ =	swait.ge @!p1 [sflag:s20], $0x7D00  }
0x3a: {  	[sflag:s20] =	ssyncset.done @!p1 $0x0  }
0x3b: {  	s22 =	simm.s32 @!p1 $0x1;
	[sflag:s20] =	ssyncadd.s32 @!p1 $0xFFFF8300  }
0x3c: {  	[spmem:s1] =	stream.indirect.scatter.add.f32 @!p1 [tilespmem:s21], [sflag:$0x1], $0x10, s19, s21, $0xb8;
	[tilespmem:$0xABE0] =	vst v63  }
0x3d: {  	s23 =	sadd.s32 $0xFFFFFFFF, s23;
	_ =	swait.ge @!p1 [sflag:s22], $0x7D00  }
0x3e: {  	p3 =	sne.s32 s23, $0x0;
	[sflag:s22] =	ssyncset.done @!p1 $0x0  }
.Ltmp1:
0x3f: {  	[sflag:s22] =	ssyncadd.s32 @!p1 $0xFFFF8300;
	(pc) =	sbr.rel @!p3 .LBB2_3-.Ltmp1, $4  }
0x40: {  	[bflag:$0x0] =	sbarrier.arrive $0xFFFF  }
0x41: {  	[hbm:s4], [sflag:s6] =	dma.local [spmem:s7], $0x4E2  }
0x42: {  	_ =	swait.ge [sflag:s3], $0x4E2  }
0x43: {  	p2 =	por $0x1, $0x1;
	[sflag:s3] =	ssyncset.done $0x0  }
.LBB2_2:
0x44: {  	[sflag:s3] =	ssyncadd.s32 $0xFFFFFB1E  }
0x45: {  	[spmem:s16], [sflag:s17] =	dma.local @!p0 [hbm:s9], $0x4E20  }
0x46: {  	s23 =	sadd.s32 $0xFFFFFFFF, s23;
	_ =	swait.ge @!p0 [sflag:s18], $0x4E20  }
0x47: {  	p3 =	sne.s32 s23, $0x0;
	[sflag:s18] =	ssyncset.done @!p0 $0x0  }
0x48: {  	[sflag:s18] =	ssyncadd.s32 @!p0 $0xFFFFB1E0  }
0x49: {  	[bflag:$0x0] =	sbarrier.arrive $0xFFFF  }
0x4a: {  	[tilespmem:s2], [sflag:$0x2] =	stream.linear.gather [hbm4b:s15+s2], $0x7D0, $0x38;
	[tilespmem:$0xABE0] =	vst v63  }
0x4b: {  	_ =	swait.ge [sflag:s12], $0x7D0  }
0x4c: {  	[sflag:s12] =	ssyncset.done $0x0  }
0x4d: {  	[sflag:s12] =	ssyncadd.s32 $0xFFFFF830  }
0x4e: {  	[tilespmem:s13], [sflag:$0x2] =	stream.linear.gather [hbm4b:s14+s2], $0x7D00, $0x38;
	[tilespmem:$0xABE0] =	vst v63  }
0x4f: {  	_ =	swait.ge [sflag:s12], $0x7D00  }
0x50: {  	[sflag:s12] =	ssyncset.done $0x0  }
0x51: {  	[sflag:s12] =	ssyncadd.s32 $0xFFFF8300  }
0x52: {  	[spmem:s1] =	stream.indirect.scatter.add.f32 [tilespmem:s13], [sflag:$0x1], $0x10, s2, s13, $0xb8;
	[tilespmem:$0xABE0] =	vst v63  }
0x53: {  	_ =	swait.ge [sflag:s3], $0x7D00  }
0x54: {  	[sflag:s3] =	ssyncset.done $0x0  }
0x55: {  	[sflag:s3] =	ssyncadd.s32 $0xFFFF8300  }
0x56: {  	[tilespmem:s2], [sflag:$0x2] =	stream.linear.gather [hbm4b:s11+s2], $0x7D0, $0x38;
	[tilespmem:$0xABE0] =	vst v63  }
0x57: {  	_ =	swait.ge [sflag:s12], $0x7D0  }
0x58: {  	[sflag:s12] =	ssyncset.done $0x0  }
0x59: {  	[sflag:s12] =	ssyncadd.s32 $0xFFFFF830  }
0x5a: {  	[tilespmem:s13], [sflag:$0x2] =	stream.linear.gather [hbm4b:s10+s2], $0x7D00, $0x38;
	[tilespmem:$0xABE0] =	vst v63  }
0x5b: {  	_ =	swait.ge [sflag:s12], $0x7D00  }
0x5c: {  	[sflag:s12] =	ssyncset.done $0x0  }
0x5d: {  	[sflag:s12] =	ssyncadd.s32 $0xFFFF8300  }
0x5e: {  	[spmem:s1] =	stream.indirect.scatter.add.f32 [tilespmem:s13], [sflag:$0x1], $0x10, s2, s13, $0xb8;
	[tilespmem:$0xABE0] =	vst v63  }
0x5f: {  	_ =	swait.ge [sflag:s3], $0x7D00  }
0x60: {  	[sflag:s3] =	ssyncset.done $0x0  }
0x61: {  	[sflag:s3] =	ssyncadd.s32 $0xFFFF8300  }
0x62: {  	[tilespmem:s19], [sflag:$0x2] =	stream.linear.gather @!p1 [hbm4b:s8+s19], $0x7D0, $0x38;
	[tilespmem:$0xABE0] =	vst v63  }
0x63: {  	_ =	swait.ge @!p1 [sflag:s20], $0x7D0  }
0x64: {  	[sflag:s20] =	ssyncset.done @!p1 $0x0  }
0x65: {  	[sflag:s20] =	ssyncadd.s32 @!p1 $0xFFFFF830  }
0x66: {  	[tilespmem:s21], [sflag:$0x2] =	stream.linear.gather @!p1 [hbm4b:s5+s19], $0x7D00, $0x38;
	[tilespmem:$0xABE0] =	vst v63  }
0x67: {  	_ =	swait.ge @!p1 [sflag:s20], $0x7D00  }
0x68: {  	[sflag:s20] =	ssyncset.done @!p1 $0x0  }
0x69: {  	[sflag:s20] =	ssyncadd.s32 @!p1 $0xFFFF8300  }
0x6a: {  	[spmem:s1] =	stream.indirect.scatter.add.f32 @!p1 [tilespmem:s21], [sflag:$0x1], $0x10, s19, s21, $0xb8;
	[tilespmem:$0xABE0] =	vst v63  }
0x6b: {  	_ =	swait.ge @!p1 [sflag:s22], $0x7D00  }
0x6c: {  	[sflag:s22] =	ssyncset.done @!p1 $0x0  }
.Ltmp2:
0x6d: {  	[sflag:s22] =	ssyncadd.s32 @!p1 $0xFFFF8300;
	(pc) =	sbr.rel @p3 .LBB2_2-.Ltmp2, $4  }
0x6e: {  	[bflag:$0x0] =	sbarrier.arrive $0xFFFF  }
0x6f: {  	[hbm:s4], [sflag:s6] =	dma.local [spmem:s7], $0x4E2  }
0x70: {  	_ =	swait.ge [sflag:s3], $0x4E2  }
0x71: {  	[sflag:s3] =	ssyncset.done $0x0  }
.LBB2_3:
0x72: {  	s17 =	simm.s32 @!p0 $0x1C01;
	s18 =	simm.s32 @!p0 $0x1;
	[sflag:s3] =	ssyncadd.s32 @p2 $0xFFFFFB1E  }
0x73: {  	[spmem:s16], [sflag:s17] =	dma.local @!p0 [hbm:s9], $0x4E20  }
0x74: {  	_ =	swait.ge @!p0 [sflag:s18], $0x4E20  }
0x75: {  	[sflag:s18] =	ssyncset.done @!p0 $0x0  }
0x76: {  	[sflag:s18] =	ssyncadd.s32 @!p0 $0xFFFFB1E0  }
0x77: {  	[bflag:$0x0] =	sbarrier.arrive $0xFFFF  }
0x78: {  	[tilespmem:s2], [sflag:$0x2] =	stream.linear.gather [hbm4b:s15+s2], $0x7D0, $0x38;
	[tilespmem:$0xABE0] =	vst v63  }
0x79: {  	_ =	swait.ge [sflag:s12], $0x7D0  }
0x7a: {  	[sflag:s12] =	ssyncset.done $0x0  }
0x7b: {  	[sflag:s12] =	ssyncadd.s32 $0xFFFFF830  }
0x7c: {  	[tilespmem:s13], [sflag:$0x2] =	stream.linear.gather [hbm4b:s14+s2], $0x7D00, $0x38;
	[tilespmem:$0xABE0] =	vst v63  }
0x7d: {  	_ =	swait.ge [sflag:s12], $0x7D00  }
0x7e: {  	[sflag:s12] =	ssyncset.done $0x0  }
0x7f: {  	[sflag:s12] =	ssyncadd.s32 $0xFFFF8300  }
0x80: {  	[spmem:s1] =	stream.indirect.scatter.add.f32 [tilespmem:s13], [sflag:$0x1], $0x10, s2, s13, $0xb8;
	[tilespmem:$0xABE0] =	vst v63  }
0x81: {  	_ =	swait.ge [sflag:s3], $0x7D00  }
0x82: {  	[sflag:s3] =	ssyncset.done $0x0  }
0x83: {  	[sflag:s3] =	ssyncadd.s32 $0xFFFF8300  }
0x84: {  	[tilespmem:s2], [sflag:$0x2] =	stream.linear.gather [hbm4b:s11+s2], $0x7D0, $0x38;
	[tilespmem:$0xABE0] =	vst v63  }
0x85: {  	_ =	swait.ge [sflag:s12], $0x7D0  }
0x86: {  	[sflag:s12] =	ssyncset.done $0x0  }
0x87: {  	[sflag:s12] =	ssyncadd.s32 $0xFFFFF830  }
0x88: {  	[tilespmem:s13], [sflag:$0x2] =	stream.linear.gather [hbm4b:s10+s2], $0x7D00, $0x38;
	[tilespmem:$0xABE0] =	vst v63  }
0x89: {  	_ =	swait.ge [sflag:s12], $0x7D00  }
0x8a: {  	[sflag:s12] =	ssyncset.done $0x0  }
0x8b: {  	[sflag:s12] =	ssyncadd.s32 $0xFFFF8300  }
0x8c: {  	[spmem:s1] =	stream.indirect.scatter.add.f32 [tilespmem:s13], [sflag:$0x1], $0x10, s2, s13, $0xb8;
	[tilespmem:$0xABE0] =	vst v63  }
0x8d: {  	_ =	swait.ge [sflag:s3], $0x7D00  }
0x8e: {  	[sflag:s3] =	ssyncset.done $0x0  }
0x8f: {  	s9 =	simm.s32 @!p1 $0x2;
	s2 =	simm.s32 @!p1 $0x0;
	[sflag:s3] =	ssyncadd.s32 $0xFFFF8300  }
0x90: {  	[tilespmem:s2], [sflag:$0x2] =	stream.linear.gather @!p1 [hbm4b:s8+s2], $0x7D0, $0x38;
	[tilespmem:$0xABE0] =	vst v63  }
0x91: {  	_ =	swait.ge @!p1 [sflag:s9], $0x7D0  }
0x92: {  	[sflag:s9] =	ssyncset.done @!p1 $0x0  }
0x93: {  	s8 =	simm.s32 @!p1 $0x7D0;
	[sflag:s9] =	ssyncadd.s32 @!p1 $0xFFFFF830  }
0x94: {  	[tilespmem:s8], [sflag:$0x2] =	stream.linear.gather @!p1 [hbm4b:s5+s2], $0x7D00, $0x38;
	[tilespmem:$0xABE0] =	vst v63  }
0x95: {  	_ =	swait.ge @!p1 [sflag:s9], $0x7D00  }
0x96: {  	[sflag:s9] =	ssyncset.done @!p1 $0x0  }
0x97: {  	s5 =	simm.s32 @!p1 $0x1;
	[sflag:s9] =	ssyncadd.s32 @!p1 $0xFFFF8300  }
0x98: {  	[spmem:s1] =	stream.indirect.scatter.add.f32 @!p1 [tilespmem:s8], [sflag:$0x1], $0x10, s2, s8, $0xb8;
	[tilespmem:$0xABE0] =	vst v63  }
0x99: {  	_ =	swait.ge @!p1 [sflag:s5], $0x7D00  }
0x9a: {  	[sflag:s5] =	ssyncset.done @!p1 $0x0  }
0x9b: {  	[sflag:s5] =	ssyncadd.s32 @!p1 $0xFFFF8300  }
0x9c: {  	[bflag:$0x0] =	sbarrier.arrive $0xFFFF  }
0x9d: {  	[hbm:s4], [sflag:s6] =	dma.local [spmem:s7], $0x4E2  }
0x9e: {  	_ =	swait.ge [sflag:s3], $0x4E2  }
0x9f: {  	[sflag:s3] =	ssyncset.done $0x0  }
0xa0: {  	[sflag:s3] =	ssyncadd.s32 $0xFFFFFB1E  }
0xa1: {  	_ =	sfence.sel $0x180000  }
0xa2: {  	[bflag:$0x0] =	sbarrier.arrive $0xFFFF  }
0xa3: {  	_ =	strace $0x9000005C  }
0xa4: {  	s0 =	sadd.s32 @!p0 $0x100000, s0;
	[bflag:$0x2] =	sbarrier.arrive $0xFFFF  }
0xa5: {  	[sflag:s0] =	ssyncadd.tile.s32 @!p0 $0x1;
	_ =	shalt  }
.Lfunc_end2:
_tile_overlayer_lowered:
.L_overlay_start_2:
0xa6: {  	(tag) =	ssettag $0x2  }
0xa7: {  	s0 =	rddreg [dreg:$0x0];
	s2 =	stileid.u32  }
0xa8: {  	s1 =	rddreg [dreg:$0x1];
	p0 =	sne.s32 s2, $0x0  }
0xa9: {  	s3 =	rddreg [dreg:$0x2];
	[bflag:$0x3] =	sbarrier.arrive $0xFFFF;
	s2 =	simm.s32 @!p0 $0x1C01  }
0xaa: {  	[timem:s3], [sflag:s2] =	dma.local @!p0 [hbm:s0], s1  }
0xab: {  	s0 =	simm.s32 @!p0 $0x1  }
0xac: {  	_ =	swait.ge @!p0 [sflag:s0], s1  }
0xad: {  	s1 =	ssub.s32 @!p0 $0x0, s1;
	[sflag:s0] =	ssyncset.done @!p0 $0x0  }
0xae: {  	[sflag:s0] =	ssyncadd.s32 @!p0 s1  }
0xaf: {  	[bflag:$0x3] =	sbarrier.arrive $0xFFFF  }
0xb0: {  	_ =	shalt  }

</sc_bundles>
